<compile_context>
chip_gen: v7x
topology: tpu7x:2x2x1
jax: 0.10.2.dev20260603
libtpu: 0.0.44.dev20260713+nightly
codegen_flags: <defaults>
</compile_context>

<pallas_src>
import functools

import jax
import jax.numpy as jnp
from jax import lax
from jax.experimental import pallas as pl
from jax.experimental.pallas import tpu as pltpu
from jax.experimental.pallas import tpu_sc as plsc

N = 10000
NP = 10240
PR = NP * 32 // 128
E = 320000
D = 128

NC = 2
NS = 16
NW = NC * NS
EPW = E // NW
CHUNK = 80
NCHUNK = EPW // CHUNK
STRIPE = 624

_SC_PARAMS = pltpu.CompilerParams(use_tc_tiling_on_sc=False)


def _edge_prolog(edge_hbm, src_idx, dst_idx, wid):
  sl = pl.ds(wid * EPW, EPW)
  pltpu.sync_copy(edge_hbm.at[0, sl], src_idx)
  pltpu.sync_copy(edge_hbm.at[1, sl], dst_idx)


def _zero_acc(zeros_hbm, acc, s):
  stripe = pl.ds(s * STRIPE, STRIPE)
  tail = pl.ds(NS * STRIPE, N - NS * STRIPE)
  pltpu.sync_copy(zeros_hbm.at[stripe], acc.at[stripe])

  @pl.when(s == NS - 1)
  def _():
    pltpu.sync_copy(zeros_hbm.at[tail], acc.at[tail])


def _writeout(acc, out_hbm, c, s):
  stripe = pl.ds(s * STRIPE, STRIPE)
  tail = pl.ds(NS * STRIPE, N - NS * STRIPE)
  pltpu.sync_copy(acc.at[stripe], out_hbm.at[c, stripe])

  @pl.when(s == NS - 1)
  def _():
    pltpu.sync_copy(acc.at[tail], out_hbm.at[c, tail])


def _make_sc_spmm(width: int, nb: int):
  mesh = plsc.VectorSubcoreMesh(core_axis_name="c", subcore_axis_name="s")

  @functools.partial(
      pl.kernel,
      out_type=jax.ShapeDtypeStruct((NC, NP, width), jnp.float32),
      mesh=mesh,
      scratch_types=[
          pltpu.VMEM((EPW,), jnp.int32),
          pltpu.VMEM((EPW,), jnp.int32),
          pltpu.VMEM((nb, CHUNK, width), jnp.float32),
          pltpu.VMEM_SHARED((N, width), jnp.float32),
          pltpu.SemaphoreType.DMA((nb,)),
          pltpu.SemaphoreType.DMA((nb,)),
      ],
      compiler_params=_SC_PARAMS,
  )
  def spmm(table_hbm, edge_hbm, zeros_hbm, out_hbm, src_idx, dst_idx,
           rows, acc, gsem, ssem):
    c = lax.axis_index("c")
    s = lax.axis_index("s")
    wid = s * NC + c
    _edge_prolog(edge_hbm, src_idx, dst_idx, wid)

    def sidx(j):
      return src_idx.at[pl.ds(j * CHUNK, CHUNK)]

    def didx(j):
      return dst_idx.at[pl.ds(j * CHUNK, CHUNK)]

    for b in range(nb):
      pltpu.async_copy(table_hbm.at[sidx(b)], rows.at[b], gsem.at[b])
    _zero_acc(zeros_hbm, acc, s)
    plsc.subcore_barrier()

    def body(g, carry):
      for b in range(nb):
        j = g * nb + b
        pltpu.make_async_copy(table_hbm.at[sidx(j)], rows.at[b],
                              gsem.at[b]).wait()
        pltpu.async_copy(rows.at[b], acc.at[didx(j)], ssem.at[b], add=True)
      for b in range(nb):
        j = g * nb + b
        pltpu.make_async_copy(rows.at[b], acc.at[didx(j)], ssem.at[b]).wait()

        @pl.when(j + nb < NCHUNK)
        def _():
          pltpu.async_copy(table_hbm.at[sidx(j + nb)], rows.at[b], gsem.at[b])

      return carry

    lax.fori_loop(0, NCHUNK // nb, body, 0)
    plsc.subcore_barrier()
    _writeout(acc, out_hbm, c, s)

  return spmm


_sc_spmm32 = _make_sc_spmm(32, 5)


def _make_sc_spmm_dual(wa: int, wb: int, nb: int):
  mesh = plsc.VectorSubcoreMesh(core_axis_name="c", subcore_axis_name="s")

  @functools.partial(
      pl.kernel,
      out_type=[
          jax.ShapeDtypeStruct((NC, NP, wa), jnp.float32),
          jax.ShapeDtypeStruct((NC, NP, wb), jnp.float32),
      ],
      mesh=mesh,
      scratch_types=[
          pltpu.VMEM((EPW,), jnp.int32),
          pltpu.VMEM((EPW,), jnp.int32),
          pltpu.VMEM((nb, CHUNK, wa), jnp.float32),
          pltpu.VMEM((nb, CHUNK, wb), jnp.float32),
          pltpu.VMEM_SHARED((N, wa), jnp.float32),
          pltpu.VMEM_SHARED((N, wb), jnp.float32),
          pltpu.SemaphoreType.DMA((nb,)),
          pltpu.SemaphoreType.DMA((nb,)),
          pltpu.SemaphoreType.DMA((nb,)),
          pltpu.SemaphoreType.DMA((nb,)),
      ],
      compiler_params=_SC_PARAMS,
  )
  def spmm2(ta_hbm, tb_hbm, edge_hbm, za_hbm, zb_hbm, outa_hbm, outb_hbm,
            src_idx, dst_idx, rows_a, rows_b, acc_a, acc_b,
            gsa, gsb, ssa, ssb):
    c = lax.axis_index("c")
    s = lax.axis_index("s")
    wid = s * NC + c
    _edge_prolog(edge_hbm, src_idx, dst_idx, wid)

    def sidx(j):
      return src_idx.at[pl.ds(j * CHUNK, CHUNK)]

    def didx(j):
      return dst_idx.at[pl.ds(j * CHUNK, CHUNK)]

    for b in range(nb):
      pltpu.async_copy(ta_hbm.at[sidx(b)], rows_a.at[b], gsa.at[b])
      pltpu.async_copy(tb_hbm.at[sidx(b)], rows_b.at[b], gsb.at[b])
    _zero_acc(za_hbm, acc_a, s)
    _zero_acc(zb_hbm, acc_b, s)
    plsc.subcore_barrier()

    def body(g, carry):
      for b in range(nb):
        j = g * nb + b
        pltpu.make_async_copy(ta_hbm.at[sidx(j)], rows_a.at[b],
                              gsa.at[b]).wait()
        pltpu.async_copy(rows_a.at[b], acc_a.at[didx(j)], ssa.at[b], add=True)
        pltpu.make_async_copy(tb_hbm.at[sidx(j)], rows_b.at[b],
                              gsb.at[b]).wait()
        pltpu.async_copy(rows_b.at[b], acc_b.at[didx(j)], ssb.at[b], add=True)
      for b in range(nb):
        j = g * nb + b
        pltpu.make_async_copy(rows_a.at[b], acc_a.at[didx(j)],
                              ssa.at[b]).wait()
        pltpu.make_async_copy(rows_b.at[b], acc_b.at[didx(j)],
                              ssb.at[b]).wait()

        @pl.when(j + nb < NCHUNK)
        def _():
          pltpu.async_copy(ta_hbm.at[sidx(j + nb)], rows_a.at[b], gsa.at[b])
          pltpu.async_copy(tb_hbm.at[sidx(j + nb)], rows_b.at[b], gsb.at[b])

      return carry

    lax.fori_loop(0, NCHUNK // nb, body, 0)
    plsc.subcore_barrier()
    _writeout(acc_a, outa_hbm, c, s)
    _writeout(acc_b, outb_hbm, c, s)

  return spmm2


_sc_spmm_dual = _make_sc_spmm_dual(32, 32, 5)



_BN = 1024
_BP = 256


def _mm1_body(x_ref, w_ref, o_ref):
  o_ref[...] = jnp.dot(x_ref[...], w_ref[...],
                       preferred_element_type=jnp.float32)


def _tc_mm1(x, w1):
  return pl.pallas_call(
      _mm1_body,
      grid=(NP // _BN,),
      in_specs=[
          pl.BlockSpec((_BN, D), lambda i: (i, 0)),
          pl.BlockSpec((D, 32), lambda i: (0, 0)),
      ],
      out_specs=pl.BlockSpec((_BN, 32), lambda i: (i, 0)),
      out_shape=jax.ShapeDtypeStruct((NP, 32), jnp.float32),
  )(x, w1)


def _stage_b_body(p0_ref, p1_ref, w2_ref, w3_ref, t2_ref, t3_ref):
  h = jnp.maximum(p0_ref[0] + p1_ref[0], 0.0)
  t2_ref[...] = jnp.dot(h, w2_ref[...], preferred_element_type=jnp.float32)
  t3_ref[...] = jnp.dot(h, w3_ref[...], preferred_element_type=jnp.float32)


def _tc_stage_b(p, w2bd, w3bd):
  return pl.pallas_call(
      _stage_b_body,
      grid=(PR // _BP,),
      in_specs=[
          pl.BlockSpec((1, _BP, 128), lambda i: (0, i, 0)),
          pl.BlockSpec((1, _BP, 128), lambda i: (1, i, 0)),
          pl.BlockSpec((128, 128), lambda i: (0, 0)),
          pl.BlockSpec((128, 128), lambda i: (0, 0)),
      ],
      out_specs=[
          pl.BlockSpec((_BP, 128), lambda i: (i, 0)),
          pl.BlockSpec((_BP, 128), lambda i: (i, 0)),
      ],
      out_shape=[
          jax.ShapeDtypeStruct((PR, 128), jnp.float32),
          jax.ShapeDtypeStruct((PR, 128), jnp.float32),
      ],
  )(p, p, w2bd, w3bd)


def _stage_c_body(q0_ref, q1_ref, wd_ref, mu_ref, mub_ref, d_ref):
  mu = q0_ref[0] + q1_ref[0]
  mu_ref[...] = mu
  mub_ref[...] = mu.astype(jnp.bfloat16)
  d_ref[...] = jnp.dot(mu, wd_ref[...], preferred_element_type=jnp.float32)


def _tc_stage_c(q, wdbd):
  return pl.pallas_call(
      _stage_c_body,
      grid=(PR // _BP,),
      in_specs=[
          pl.BlockSpec((1, _BP, 128), lambda i: (0, i, 0)),
          pl.BlockSpec((1, _BP, 128), lambda i: (1, i, 0)),
          pl.BlockSpec((128, 128), lambda i: (0, 0)),
      ],
      out_specs=[
          pl.BlockSpec((_BP, 128), lambda i: (i, 0)),
          pl.BlockSpec((_BP, 128), lambda i: (i, 0)),
          pl.BlockSpec((_BP, 128), lambda i: (i, 0)),
      ],
      out_shape=[
          jax.ShapeDtypeStruct((PR, 128), jnp.float32),
          jax.ShapeDtypeStruct((PR, 128), jnp.bfloat16),
          jax.ShapeDtypeStruct((PR, 128), jnp.float32),
      ],
  )(q, q, wdbd)


_BDI = 512
_BDJ = 4096


def _dc_body(mu_i_ref, mu_j_ref, dc_ref):
  dc_ref[...] = lax.dot_general(
      mu_i_ref[...], mu_j_ref[...],
      dimension_numbers=(((1,), (1,)), ((), ())),
      preferred_element_type=jnp.float32)


def _tc_dc(mu_b):
  return pl.pallas_call(
      _dc_body,
      grid=(pl.cdiv(N, _BDI), pl.cdiv(N, _BDJ)),
      in_specs=[
          pl.BlockSpec((_BDI, 32), lambda i, j: (i, 0)),
          pl.BlockSpec((_BDJ, 32), lambda i, j: (j, 0)),
      ],
      out_specs=pl.BlockSpec((_BDI, _BDJ), lambda i, j: (i, j)),
      out_shape=jax.ShapeDtypeStruct((N, N), jnp.float32),
  )(mu_b, mu_b)


def _final_body(lv0_ref, lv1_ref, r0_ref, r1_ref, lv_ref, dec_ref):
  lv_ref[...] = lv0_ref[0] + lv1_ref[0]
  dec_ref[...] = r0_ref[0] + r1_ref[0]


def _tc_final(lv, r):
  return pl.pallas_call(
      _final_body,
      grid=(PR // _BP,),
      in_specs=[
          pl.BlockSpec((1, _BP, 128), lambda i: (0, i, 0)),
          pl.BlockSpec((1, _BP, 128), lambda i: (1, i, 0)),
          pl.BlockSpec((1, _BP, 128), lambda i: (0, i, 0)),
          pl.BlockSpec((1, _BP, 128), lambda i: (1, i, 0)),
      ],
      out_specs=[
          pl.BlockSpec((_BP, 128), lambda i: (i, 0)),
          pl.BlockSpec((_BP, 128), lambda i: (i, 0)),
      ],
      out_shape=[
          jax.ShapeDtypeStruct((PR, 128), jnp.float32),
          jax.ShapeDtypeStruct((PR, 128), jnp.float32),
      ],
  )(lv, lv, r, r)


def kernel(x, edge_index, W1, W2, W3, Wd):
  f32 = jnp.float32
  zeros32 = jnp.zeros((N, 32), f32)
  eye4 = jnp.eye(4, dtype=f32)
  w2bd = jnp.kron(eye4, W2)
  w3bd = jnp.kron(eye4, W3)
  wdbd = jnp.kron(eye4, jnp.tile(Wd, (1, 32)))

  t1 = _tc_mm1(x, W1)
  p = _sc_spmm32(t1, edge_index, zeros32)
  pp = p.reshape(NC, PR, 128)
  t2p, t3p = _tc_stage_b(pp, w2bd, w3bd)
  q = _sc_spmm32(t2p.reshape(NP, 32), edge_index, zeros32)
  qp = q.reshape(NC, PR, 128)
  mu_p, mub_p, d_p = _tc_stage_c(qp, wdbd)
  lv, r = _sc_spmm_dual(t3p.reshape(NP, 32), d_p.reshape(NP, 32),
                        edge_index, zeros32, zeros32)
  mu_b = mub_p.reshape(NP, 32)[:N]
  dc = _tc_dc(mu_b)
  lv_s, dec_s = _tc_final(lv.reshape(NC, PR, 128), r.reshape(NC, PR, 128))
  mu = mu_p.reshape(NP, 32)[:N]
  logvar = lv_s.reshape(NP, 32)[:N]
  dec = dec_s.reshape(NP, 32)[:N, :1]
  return (dec, dc, mu, logvar)

# --- scband reference (transcript-rebuilt; emitter-appended) ---
"""Pipeline reference for scband-gae-regression-2877628088421 (READ-ONLY COPY).

The authoritative reference and input builder live on the scoring server;
editing this copy changes nothing except your own understanding.
"""

import jax, jax.numpy as jnp
import numpy as np

N = 10000
E = 320000
D = 128
H1 = 32
H2 = 32


def setup_inputs(seed: int = 0) -> dict:
    key = jax.random.key(seed)
    ks = jax.random.split(key, 7)
    x = jax.random.normal(ks[0], (N, D), dtype=jnp.float32)
    edge_index = jax.random.randint(ks[1], (2, E), 0, N, dtype=jnp.int32)
    # Glorot-style init for GCN weights (GraphConvolution layers have no bias, as in Kipf GAE)
    W1 = jax.random.normal(ks[2], (D, H1), dtype=jnp.float32) * (1.0 / np.sqrt(D))
    W2 = jax.random.normal(ks[3], (H1, H2), dtype=jnp.float32) * (1.0 / np.sqrt(H1))
    W3 = jax.random.normal(ks[4], (H1, H2), dtype=jnp.float32) * (1.0 / np.sqrt(H1))
    Wd = jax.random.normal(ks[5], (H2, 1), dtype=jnp.float32) * (1.0 / np.sqrt(H2))
    return {"x": x, "edge_index": edge_index, "W1": W1, "W2": W2, "W3": W3, "Wd": Wd}


def reference(x, edge_index, W1, W2, W3, Wd):
    # Eval-mode GAE regression: dropout=0.0, reparameterize returns mu.
    src = edge_index[0]
    dst = edge_index[1]

    def spmm(h):
        # adj @ h as gather over src + scatter-add over dst (SparseCore-friendly)
        return jax.ops.segment_sum(jnp.take(h, src, axis=0), dst, num_segments=N)

    # encode
    h1 = jax.nn.relu(spmm(x @ W1))          # gc1
    mu = spmm(h1 @ W2)                       # gc2, act = identity
    logvar = spmm(h1 @ W3)                   # gc3, act = identity
    z = mu                                   # eval-mode reparameterize
    # decoders
    dec = spmm(z @ Wd)                       # graph-conv regression decoder -> [N, 1]
    dc = z @ z.T                             # inner-product decoder, act = identity -> [N, N]
    return (dec, dc, mu, logvar)

if __name__ == "__main__":
    import jax
    _d = setup_inputs()
    print(jax.jit(kernel)(*tuple(_d.values())))

</pallas_src>

<mosaic_0001>
#map = affine_map<(d0, d1) -> (0, 0)>
#map1 = affine_map<(d0, d1) -> (0, 0, 0)>
module attributes {stable_mosaic.version = 14 : i64} {
  func.func @spmm(%arg0: i32, %arg1: i32, %arg2: memref<10240x32xf32, #tpu.memory_space<hbm>>, %arg3: memref<2x320000xi32, #tpu.memory_space<hbm>>, %arg4: memref<10000x32xf32, #tpu.memory_space<hbm>>, %arg5: memref<2x10240x32xf32, #tpu.memory_space<hbm>>, %arg6: memref<10000xi32, #tpu.memory_space<vmem>>, %arg7: memref<10000xi32, #tpu.memory_space<vmem>>, %arg8: memref<5x80x32xf32, #tpu.memory_space<vmem>>, %arg9: memref<10000x32xf32, #tpu.memory_space<vmem_shared>>, %arg10: memref<5x!tpu.dma_semaphore, #tpu.memory_space<semaphore_mem>>, %arg11: memref<5x!tpu.dma_semaphore, #tpu.memory_space<semaphore_mem>>) attributes {dimension_semantics = [#tpu.dimension_semantics<core_parallel>, #tpu.dimension_semantics<subcore_parallel>], iteration_bounds = array<i64: 2, 16>, scalar_prefetch = 0 : i64, scratch_operands = 6 : i64, tpu.core_type = #tpu.core_type<sc_vector_subcore>, window_params = [{transform_indices = #map}, {transform_indices = #map}, {transform_indices = #map}, {transform_indices = #map1}]} {
    %mul3A = arith.constant 2 : i32
    %mul3A_0 = arith.muli %arg1, %mul3A : i32
    %add3A = arith.addi %mul3A_0, %arg0 : i32
    %mul3A_1 = arith.constant 10000 : i32
    %mul3A_2 = arith.muli %add3A, %mul3A_1 : i32
    %run_scoped3A = arith.constant 0 : i32
    "tpu.region"() ({
      %run_scoped3A_85 = tpu.sem_alloc : memref<!tpu.dma_semaphore, #tpu.memory_space<semaphore_mem>>
      %dma_start3A_86 = tpu.memref_slice %arg3[%run_scoped3A, %mul3A_2] : memref<2x320000xi32, #tpu.memory_space<hbm>> -> memref<1x10000xi32, #tpu.memory_space<hbm>>
      %dma_start3A_87 = tpu.memref_squeeze %dma_start3A_86 : memref<1x10000xi32, #tpu.memory_space<hbm>> -> memref<10000xi32, #tpu.memory_space<hbm>>
      %dma_start3A_88 = tpu.memref_slice %arg3[%run_scoped3A, %mul3A_2] : memref<2x320000xi32, #tpu.memory_space<hbm>> -> memref<1x10000xi32, #tpu.memory_space<hbm>>
      %dma_start3A_89 = tpu.memref_squeeze %dma_start3A_88 : memref<1x10000xi32, #tpu.memory_space<hbm>> -> memref<10000xi32, #tpu.memory_space<hbm>>
      tpu.enqueue_dma source(%dma_start3A_89 : memref<10000xi32, #tpu.memory_space<hbm>>) target(%arg6 : memref<10000xi32, #tpu.memory_space<vmem>>) target_semaphore(%run_scoped3A_85 : memref<!tpu.dma_semaphore, #tpu.memory_space<semaphore_mem>>)
      %dma_wait3A = tpu.memref_slice %arg3[%run_scoped3A, %mul3A_2] : memref<2x320000xi32, #tpu.memory_space<hbm>> -> memref<1x10000xi32, #tpu.memory_space<hbm>>
      %dma_wait3A_90 = tpu.memref_squeeze %dma_wait3A : memref<1x10000xi32, #tpu.memory_space<hbm>> -> memref<10000xi32, #tpu.memory_space<hbm>>
      %dma_wait3A_91 = tpu.memref_slice %arg3[%run_scoped3A, %mul3A_2] : memref<2x320000xi32, #tpu.memory_space<hbm>> -> memref<1x10000xi32, #tpu.memory_space<hbm>>
      %dma_wait3A_92 = tpu.memref_squeeze %dma_wait3A_91 : memref<1x10000xi32, #tpu.memory_space<hbm>> -> memref<10000xi32, #tpu.memory_space<hbm>>
      tpu.wait_dma2 semaphore(%run_scoped3A_85 : memref<!tpu.dma_semaphore, #tpu.memory_space<semaphore_mem>>) src(%dma_wait3A_92 : memref<10000xi32, #tpu.memory_space<hbm>>) dst(%arg6 : memref<10000xi32, #tpu.memory_space<vmem>>)
      tpu.yield
    }) : () -> ()
    %run_scoped3A_3 = arith.constant 1 : i32
    "tpu.region"() ({
      %run_scoped3A_85 = tpu.sem_alloc : memref<!tpu.dma_semaphore, #tpu.memory_space<semaphore_mem>>
      %dma_start3A_86 = tpu.memref_slice %arg3[%run_scoped3A_3, %mul3A_2] : memref<2x320000xi32, #tpu.memory_space<hbm>> -> memref<1x10000xi32, #tpu.memory_space<hbm>>
      %dma_start3A_87 = tpu.memref_squeeze %dma_start3A_86 : memref<1x10000xi32, #tpu.memory_space<hbm>> -> memref<10000xi32, #tpu.memory_space<hbm>>
      %dma_start3A_88 = tpu.memref_slice %arg3[%run_scoped3A_3, %mul3A_2] : memref<2x320000xi32, #tpu.memory_space<hbm>> -> memref<1x10000xi32, #tpu.memory_space<hbm>>
      %dma_start3A_89 = tpu.memref_squeeze %dma_start3A_88 : memref<1x10000xi32, #tpu.memory_space<hbm>> -> memref<10000xi32, #tpu.memory_space<hbm>>
      tpu.enqueue_dma source(%dma_start3A_89 : memref<10000xi32, #tpu.memory_space<hbm>>) target(%arg7 : memref<10000xi32, #tpu.memory_space<vmem>>) target_semaphore(%run_scoped3A_85 : memref<!tpu.dma_semaphore, #tpu.memory_space<semaphore_mem>>)
      %dma_wait3A = tpu.memref_slice %arg3[%run_scoped3A_3, %mul3A_2] : memref<2x320000xi32, #tpu.memory_space<hbm>> -> memref<1x10000xi32, #tpu.memory_space<hbm>>
      %dma_wait3A_90 = tpu.memref_squeeze %dma_wait3A : memref<1x10000xi32, #tpu.memory_space<hbm>> -> memref<10000xi32, #tpu.memory_space<hbm>>
      %dma_wait3A_91 = tpu.memref_slice %arg3[%run_scoped3A_3, %mul3A_2] : memref<2x320000xi32, #tpu.memory_space<hbm>> -> memref<1x10000xi32, #tpu.memory_space<hbm>>
      %dma_wait3A_92 = tpu.memref_squeeze %dma_wait3A_91 : memref<1x10000xi32, #tpu.memory_space<hbm>> -> memref<10000xi32, #tpu.memory_space<hbm>>
      tpu.wait_dma2 semaphore(%run_scoped3A_85 : memref<!tpu.dma_semaphore, #tpu.memory_space<semaphore_mem>>) src(%dma_wait3A_92 : memref<10000xi32, #tpu.memory_space<hbm>>) dst(%arg7 : memref<10000xi32, #tpu.memory_space<vmem>>)
      tpu.yield
    }) : () -> ()
    %dma_start3A = arith.constant 0 : i32
    %dma_start3A_4 = arith.constant 0 : i32
    %dma_start3A_5 = arith.constant 0 : i32
    %dma_start3A_6 = arith.constant 0 : i32
    %dma_start3A_7 = tpu.memref_slice %arg8[%dma_start3A, %dma_start3A_5, %dma_start3A_6] : memref<5x80x32xf32, #tpu.memory_space<vmem>> -> memref<1x80x32xf32, #tpu.memory_space<vmem>>
    %dma_start3A_8 = tpu.memref_squeeze %dma_start3A_7 : memref<1x80x32xf32, #tpu.memory_space<vmem>> -> memref<80x32xf32, #tpu.memory_space<vmem>>
    %dma_start3A_9 = arith.constant 0 : i32
    %dma_start3A_10 = tpu.memref_slice %arg6[%dma_start3A_9] : memref<10000xi32, #tpu.memory_space<vmem>> -> memref<80xi32, #tpu.memory_space<vmem>>
    %dma_start3A_11 = arith.constant 0 : i32
    %dma_start3A_12 = arith.constant 0 : i32
    %dma_start3A_13 = tpu.memref_slice %arg2[%dma_start3A_11, %dma_start3A_12] : memref<10240x32xf32, #tpu.memory_space<hbm>> -> memref<10240x32xf32, #tpu.memory_space<hbm>>
    %dma_start3A_14 = tpu.memref_slice %arg10[%dma_start3A_4] : memref<5x!tpu.dma_semaphore, #tpu.memory_space<semaphore_mem>> -> memref<1x!tpu.dma_semaphore, #tpu.memory_space<semaphore_mem>>
    %dma_start3A_15 = tpu.memref_squeeze %dma_start3A_14 : memref<1x!tpu.dma_semaphore, #tpu.memory_space<semaphore_mem>> -> memref<!tpu.dma_semaphore, #tpu.memory_space<semaphore_mem>>
    tpu.enqueue_indirect_dma source(%dma_start3A_13 : memref<10240x32xf32, #tpu.memory_space<hbm>>) target(%dma_start3A_8 : memref<80x32xf32, #tpu.memory_space<vmem>>) offsets(%dma_start3A_10 : memref<80xi32, #tpu.memory_space<vmem>>) semaphore(%dma_start3A_15 : memref<!tpu.dma_semaphore, #tpu.memory_space<semaphore_mem>>)
    %dma_start3A_16 = arith.constant 1 : i32
    %dma_start3A_17 = arith.constant 1 : i32
    %dma_start3A_18 = arith.constant 0 : i32
    %dma_start3A_19 = arith.constant 0 : i32
    %dma_start3A_20 = tpu.memref_slice %arg8[%dma_start3A_16, %dma_start3A_18, %dma_start3A_19] : memref<5x80x32xf32, #tpu.memory_space<vmem>> -> memref<1x80x32xf32, #tpu.memory_space<vmem>>
    %dma_start3A_21 = tpu.memref_squeeze %dma_start3A_20 : memref<1x80x32xf32, #tpu.memory_space<vmem>> -> memref<80x32xf32, #tpu.memory_space<vmem>>
    %dma_start3A_22 = arith.constant 80 : i32
    %dma_start3A_23 = tpu.memref_slice %arg6[%dma_start3A_22] : memref<10000xi32, #tpu.memory_space<vmem>> -> memref<80xi32, #tpu.memory_space<vmem>>
    %dma_start3A_24 = arith.constant 0 : i32
    %dma_start3A_25 = arith.constant 0 : i32
    %dma_start3A_26 = tpu.memref_slice %arg2[%dma_start3A_24, %dma_start3A_25] : memref<10240x32xf32, #tpu.memory_space<hbm>> -> memref<10240x32xf32, #tpu.memory_space<hbm>>
    %dma_start3A_27 = tpu.memref_slice %arg10[%dma_start3A_17] : memref<5x!tpu.dma_semaphore, #tpu.memory_space<semaphore_mem>> -> memref<1x!tpu.dma_semaphore, #tpu.memory_space<semaphore_mem>>
    %dma_start3A_28 = tpu.memref_squeeze %dma_start3A_27 : memref<1x!tpu.dma_semaphore, #tpu.memory_space<semaphore_mem>> -> memref<!tpu.dma_semaphore, #tpu.memory_space<semaphore_mem>>
    tpu.enqueue_indirect_dma source(%dma_start3A_26 : memref<10240x32xf32, #tpu.memory_space<hbm>>) target(%dma_start3A_21 : memref<80x32xf32, #tpu.memory_space<vmem>>) offsets(%dma_start3A_23 : memref<80xi32, #tpu.memory_space<vmem>>) semaphore(%dma_start3A_28 : memref<!tpu.dma_semaphore, #tpu.memory_space<semaphore_mem>>)
    %dma_start3A_29 = arith.constant 2 : i32
    %dma_start3A_30 = arith.constant 2 : i32
    %dma_start3A_31 = arith.constant 0 : i32
    %dma_start3A_32 = arith.constant 0 : i32
    %dma_start3A_33 = tpu.memref_slice %arg8[%dma_start3A_29, %dma_start3A_31, %dma_start3A_32] : memref<5x80x32xf32, #tpu.memory_space<vmem>> -> memref<1x80x32xf32, #tpu.memory_space<vmem>>
    %dma_start3A_34 = tpu.memref_squeeze %dma_start3A_33 : memref<1x80x32xf32, #tpu.memory_space<vmem>> -> memref<80x32xf32, #tpu.memory_space<vmem>>
    %dma_start3A_35 = arith.constant 160 : i32
    %dma_start3A_36 = tpu.memref_slice %arg6[%dma_start3A_35] : memref<10000xi32, #tpu.memory_space<vmem>> -> memref<80xi32, #tpu.memory_space<vmem>>
    %dma_start3A_37 = arith.constant 0 : i32
    %dma_start3A_38 = arith.constant 0 : i32
    %dma_start3A_39 = tpu.memref_slice %arg2[%dma_start3A_37, %dma_start3A_38] : memref<10240x32xf32, #tpu.memory_space<hbm>> -> memref<10240x32xf32, #tpu.memory_space<hbm>>
    %dma_start3A_40 = tpu.memref_slice %arg10[%dma_start3A_30] : memref<5x!tpu.dma_semaphore, #tpu.memory_space<semaphore_mem>> -> memref<1x!tpu.dma_semaphore, #tpu.memory_space<semaphore_mem>>
    %dma_start3A_41 = tpu.memref_squeeze %dma_start3A_40 : memref<1x!tpu.dma_semaphore, #tpu.memory_space<semaphore_mem>> -> memref<!tpu.dma_semaphore, #tpu.memory_space<semaphore_mem>>
    tpu.enqueue_indirect_dma source(%dma_start3A_39 : memref<10240x32xf32, #tpu.memory_space<hbm>>) target(%dma_start3A_34 : memref<80x32xf32, #tpu.memory_space<vmem>>) offsets(%dma_start3A_36 : memref<80xi32, #tpu.memory_space<vmem>>) semaphore(%dma_start3A_41 : memref<!tpu.dma_semaphore, #tpu.memory_space<semaphore_mem>>)
    %dma_start3A_42 = arith.constant 3 : i32
    %dma_start3A_43 = arith.constant 3 : i32
    %dma_start3A_44 = arith.constant 0 : i32
    %dma_start3A_45 = arith.constant 0 : i32
    %dma_start3A_46 = tpu.memref_slice %arg8[%dma_start3A_42, %dma_start3A_44, %dma_start3A_45] : memref<5x80x32xf32, #tpu.memory_space<vmem>> -> memref<1x80x32xf32, #tpu.memory_space<vmem>>
    %dma_start3A_47 = tpu.memref_squeeze %dma_start3A_46 : memref<1x80x32xf32, #tpu.memory_space<vmem>> -> memref<80x32xf32, #tpu.memory_space<vmem>>
    %dma_start3A_48 = arith.constant 240 : i32
    %dma_start3A_49 = tpu.memref_slice %arg6[%dma_start3A_48] : memref<10000xi32, #tpu.memory_space<vmem>> -> memref<80xi32, #tpu.memory_space<vmem>>
    %dma_start3A_50 = arith.constant 0 : i32
    %dma_start3A_51 = arith.constant 0 : i32
    %dma_start3A_52 = tpu.memref_slice %arg2[%dma_start3A_50, %dma_start3A_51] : memref<10240x32xf32, #tpu.memory_space<hbm>> -> memref<10240x32xf32, #tpu.memory_space<hbm>>
    %dma_start3A_53 = tpu.memref_slice %arg10[%dma_start3A_43] : memref<5x!tpu.dma_semaphore, #tpu.memory_space<semaphore_mem>> -> memref<1x!tpu.dma_semaphore, #tpu.memory_space<semaphore_mem>>
    %dma_start3A_54 = tpu.memref_squeeze %dma_start3A_53 : memref<1x!tpu.dma_semaphore, #tpu.memory_space<semaphore_mem>> -> memref<!tpu.dma_semaphore, #tpu.memory_space<semaphore_mem>>
    tpu.enqueue_indirect_dma source(%dma_start3A_52 : memref<10240x32xf32, #tpu.memory_space<hbm>>) target(%dma_start3A_47 : memref<80x32xf32, #tpu.memory_space<vmem>>) offsets(%dma_start3A_49 : memref<80xi32, #tpu.memory_space<vmem>>) semaphore(%dma_start3A_54 : memref<!tpu.dma_semaphore, #tpu.memory_space<semaphore_mem>>)
    %dma_start3A_55 = arith.constant 4 : i32
    %dma_start3A_56 = arith.constant 4 : i32
    %dma_start3A_57 = arith.constant 0 : i32
    %dma_start3A_58 = arith.constant 0 : i32
    %dma_start3A_59 = tpu.memref_slice %arg8[%dma_start3A_55, %dma_start3A_57, %dma_start3A_58] : memref<5x80x32xf32, #tpu.memory_space<vmem>> -> memref<1x80x32xf32, #tpu.memory_space<vmem>>
    %dma_start3A_60 = tpu.memref_squeeze %dma_start3A_59 : memref<1x80x32xf32, #tpu.memory_space<vmem>> -> memref<80x32xf32, #tpu.memory_space<vmem>>
    %dma_start3A_61 = arith.constant 320 : i32
    %dma_start3A_62 = tpu.memref_slice %arg6[%dma_start3A_61] : memref<10000xi32, #tpu.memory_space<vmem>> -> memref<80xi32, #tpu.memory_space<vmem>>
    %dma_start3A_63 = arith.constant 0 : i32
    %dma_start3A_64 = arith.constant 0 : i32
    %dma_start3A_65 = tpu.memref_slice %arg2[%dma_start3A_63, %dma_start3A_64] : memref<10240x32xf32, #tpu.memory_space<hbm>> -> memref<10240x32xf32, #tpu.memory_space<hbm>>
    %dma_start3A_66 = tpu.memref_slice %arg10[%dma_start3A_56] : memref<5x!tpu.dma_semaphore, #tpu.memory_space<semaphore_mem>> -> memref<1x!tpu.dma_semaphore, #tpu.memory_space<semaphore_mem>>
    %dma_start3A_67 = tpu.memref_squeeze %dma_start3A_66 : memref<1x!tpu.dma_semaphore, #tpu.memory_space<semaphore_mem>> -> memref<!tpu.dma_semaphore, #tpu.memory_space<semaphore_mem>>
    tpu.enqueue_indirect_dma source(%dma_start3A_65 : memref<10240x32xf32, #tpu.memory_space<hbm>>) target(%dma_start3A_60 : memref<80x32xf32, #tpu.memory_space<vmem>>) offsets(%dma_start3A_62 : memref<80xi32, #tpu.memory_space<vmem>>) semaphore(%dma_start3A_67 : memref<!tpu.dma_semaphore, #tpu.memory_space<semaphore_mem>>)
    %mul3A_68 = arith.constant 624 : i32
    %mul3A_69 = arith.muli %arg1, %mul3A_68 : i32
    "tpu.region"() ({
      %run_scoped3A_85 = tpu.sem_alloc : memref<!tpu.dma_semaphore, #tpu.memory_space<semaphore_mem>>
      %dma_start3A_86 = arith.constant 0 : i32
      %dma_start3A_87 = tpu.memref_slice %arg9[%mul3A_69, %dma_start3A_86] : memref<10000x32xf32, #tpu.memory_space<vmem_shared>> -> memref<624x32xf32, #tpu.memory_space<vmem_shared>>
      %dma_start3A_88 = arith.constant 0 : i32
      %dma_start3A_89 = tpu.memref_slice %arg4[%mul3A_69, %dma_start3A_88] : memref<10000x32xf32, #tpu.memory_space<hbm>> -> memref<624x32xf32, #tpu.memory_space<hbm>>
      tpu.enqueue_dma source(%dma_start3A_89 : memref<624x32xf32, #tpu.memory_space<hbm>>) target(%dma_start3A_87 : memref<624x32xf32, #tpu.memory_space<vmem_shared>>) target_semaphore(%run_scoped3A_85 : memref<!tpu.dma_semaphore, #tpu.memory_space<semaphore_mem>>)
      %dma_wait3A = arith.constant 0 : i32
      %dma_wait3A_90 = tpu.memref_slice %arg9[%mul3A_69, %dma_wait3A] : memref<10000x32xf32, #tpu.memory_space<vmem_shared>> -> memref<624x32xf32, #tpu.memory_space<vmem_shared>>
      %dma_wait3A_91 = arith.constant 0 : i32
      %dma_wait3A_92 = tpu.memref_slice %arg4[%mul3A_69, %dma_wait3A_91] : memref<10000x32xf32, #tpu.memory_space<hbm>> -> memref<624x32xf32, #tpu.memory_space<hbm>>
      tpu.wait_dma2 semaphore(%run_scoped3A_85 : memref<!tpu.dma_semaphore, #tpu.memory_space<semaphore_mem>>) src(%dma_wait3A_92 : memref<624x32xf32, #tpu.memory_space<hbm>>) dst(%dma_wait3A_90 : memref<624x32xf32, #tpu.memory_space<vmem_shared>>)
      tpu.yield
    }) : () -> ()
    %eq3A = arith.constant 15 : i32
    %eq3A_70 = arith.cmpi eq, %arg1, %eq3A : i32
    %convert_element_type3A = arith.extui %eq3A_70 : i1 to i32
    %cond3A = arith.constant 0 : i32
    %cond3A_71 = arith.cmpi ne, %convert_element_type3A, %cond3A : i32
    scf.if %cond3A_71 {
      "tpu.region"() ({
        %run_scoped3A_85 = tpu.sem_alloc : memref<!tpu.dma_semaphore, #tpu.memory_space<semaphore_mem>>
        %dma_start3A_86 = arith.constant 9984 : i32
        %dma_start3A_87 = arith.constant 0 : i32
        %dma_start3A_88 = tpu.memref_slice %arg9[%dma_start3A_86, %dma_start3A_87] : memref<10000x32xf32, #tpu.memory_space<vmem_shared>> -> memref<16x32xf32, #tpu.memory_space<vmem_shared>>
        %dma_start3A_89 = arith.constant 9984 : i32
        %dma_start3A_90 = arith.constant 0 : i32
        %dma_start3A_91 = tpu.memref_slice %arg4[%dma_start3A_89, %dma_start3A_90] : memref<10000x32xf32, #tpu.memory_space<hbm>> -> memref<16x32xf32, #tpu.memory_space<hbm>>
        tpu.enqueue_dma source(%dma_start3A_91 : memref<16x32xf32, #tpu.memory_space<hbm>>) target(%dma_start3A_88 : memref<16x32xf32, #tpu.memory_space<vmem_shared>>) target_semaphore(%run_scoped3A_85 : memref<!tpu.dma_semaphore, #tpu.memory_space<semaphore_mem>>)
        %dma_wait3A = arith.constant 9984 : i32
        %dma_wait3A_92 = arith.constant 0 : i32
        %dma_wait3A_93 = tpu.memref_slice %arg9[%dma_wait3A, %dma_wait3A_92] : memref<10000x32xf32, #tpu.memory_space<vmem_shared>> -> memref<16x32xf32, #tpu.memory_space<vmem_shared>>
        %dma_wait3A_94 = arith.constant 9984 : i32
        %dma_wait3A_95 = arith.constant 0 : i32
        %dma_wait3A_96 = tpu.memref_slice %arg4[%dma_wait3A_94, %dma_wait3A_95] : memref<10000x32xf32, #tpu.memory_space<hbm>> -> memref<16x32xf32, #tpu.memory_space<hbm>>
        tpu.wait_dma2 semaphore(%run_scoped3A_85 : memref<!tpu.dma_semaphore, #tpu.memory_space<semaphore_mem>>) src(%dma_wait3A_96 : memref<16x32xf32, #tpu.memory_space<hbm>>) dst(%dma_wait3A_93 : memref<16x32xf32, #tpu.memory_space<vmem_shared>>)
        tpu.yield
      }) : () -> ()
    } else {
    }
    %barrier3A = arith.constant 0 : index
    tpu.barrier barrier_id(%barrier3A)
    %scan3A = arith.constant 0 : i32
    %scan3A_72 = arith.constant 0 : i32
    %scan3A_73 = arith.constant 25 : i32
    %scan3A_74 = arith.addi %scan3A_72, %scan3A_73 : i32
    %scan3A_75 = arith.constant 1 : i32
    scf.for %scan3A_85 = %scan3A_72 to %scan3A_74 step %scan3A_75  : i32 {
      %mul3A_86 = arith.constant 5 : i32
      %mul3A_87 = arith.muli %scan3A_85, %mul3A_86 : i32
      %add3A_88 = arith.constant 0 : i32
      %add3A_89 = arith.addi %mul3A_87, %add3A_88 : i32
      %mul3A_90 = arith.constant 80 : i32
      %mul3A_91 = arith.muli %add3A_89, %mul3A_90 : i32
      %dma_wait3A = arith.constant 0 : i32
      %dma_wait3A_92 = arith.constant 0 : i32
      %dma_wait3A_93 = arith.constant 0 : i32
      %dma_wait3A_94 = arith.constant 0 : i32
      %dma_wait3A_95 = tpu.memref_slice %arg8[%dma_wait3A, %dma_wait3A_93, %dma_wait3A_94] : memref<5x80x32xf32, #tpu.memory_space<vmem>> -> memref<1x80x32xf32, #tpu.memory_space<vmem>>
      %dma_wait3A_96 = tpu.memref_squeeze %dma_wait3A_95 : memref<1x80x32xf32, #tpu.memory_space<vmem>> -> memref<80x32xf32, #tpu.memory_space<vmem>>
      %dma_wait3A_97 = tpu.memref_slice %arg6[%mul3A_91] : memref<10000xi32, #tpu.memory_space<vmem>> -> memref<80xi32, #tpu.memory_space<vmem>>
      %dma_wait3A_98 = arith.constant 0 : i32
      %dma_wait3A_99 = arith.constant 0 : i32
      %dma_wait3A_100 = tpu.memref_slice %arg2[%dma_wait3A_98, %dma_wait3A_99] : memref<10240x32xf32, #tpu.memory_space<hbm>> -> memref<10240x32xf32, #tpu.memory_space<hbm>>
      %dma_wait3A_101 = tpu.memref_slice %arg10[%dma_wait3A_92] : memref<5x!tpu.dma_semaphore, #tpu.memory_space<semaphore_mem>> -> memref<1x!tpu.dma_semaphore, #tpu.memory_space<semaphore_mem>>
      %dma_wait3A_102 = tpu.memref_squeeze %dma_wait3A_101 : memref<1x!tpu.dma_semaphore, #tpu.memory_space<semaphore_mem>> -> memref<!tpu.dma_semaphore, #tpu.memory_space<semaphore_mem>>
      tpu.wait_indirect_dma semaphore(%dma_wait3A_102 : memref<!tpu.dma_semaphore, #tpu.memory_space<semaphore_mem>>) src(%dma_wait3A_100 : memref<10240x32xf32, #tpu.memory_space<hbm>>) dst(%dma_wait3A_96 : memref<80x32xf32, #tpu.memory_space<vmem>>)
      %mul3A_103 = arith.constant 80 : i32
      %mul3A_104 = arith.muli %add3A_89, %mul3A_103 : i32
      %dma_start3A_105 = arith.constant 0 : i32
      %dma_start3A_106 = arith.constant 0 : i32
      %dma_start3A_107 = arith.constant 0 : i32
      %dma_start3A_108 = arith.constant 0 : i32
      %dma_start3A_109 = tpu.memref_slice %arg8[%dma_start3A_105, %dma_start3A_107, %dma_start3A_108] : memref<5x80x32xf32, #tpu.memory_space<vmem>> -> memref<1x80x32xf32, #tpu.memory_space<vmem>>
      %dma_start3A_110 = tpu.memref_squeeze %dma_start3A_109 : memref<1x80x32xf32, #tpu.memory_space<vmem>> -> memref<80x32xf32, #tpu.memory_space<vmem>>
      %dma_start3A_111 = tpu.memref_slice %arg7[%mul3A_104] : memref<10000xi32, #tpu.memory_space<vmem>> -> memref<80xi32, #tpu.memory_space<vmem>>
      %dma_start3A_112 = arith.constant 0 : i32
      %dma_start3A_113 = arith.constant 0 : i32
      %dma_start3A_114 = tpu.memref_slice %arg9[%dma_start3A_112, %dma_start3A_113] : memref<10000x32xf32, #tpu.memory_space<vmem_shared>> -> memref<10000x32xf32, #tpu.memory_space<vmem_shared>>
      %dma_start3A_115 = tpu.memref_slice %arg11[%dma_start3A_106] : memref<5x!tpu.dma_semaphore, #tpu.memory_space<semaphore_mem>> -> memref<1x!tpu.dma_semaphore, #tpu.memory_space<semaphore_mem>>
      %dma_start3A_116 = tpu.memref_squeeze %dma_start3A_115 : memref<1x!tpu.dma_semaphore, #tpu.memory_space<semaphore_mem>> -> memref<!tpu.dma_semaphore, #tpu.memory_space<semaphore_mem>>
      tpu.enqueue_indirect_dma source(%dma_start3A_110 : memref<80x32xf32, #tpu.memory_space<vmem>>) target(%dma_start3A_114 : memref<10000x32xf32, #tpu.memory_space<vmem_shared>>) offsets(%dma_start3A_111 : memref<80xi32, #tpu.memory_space<vmem>>) semaphore(%dma_start3A_116 : memref<!tpu.dma_semaphore, #tpu.memory_space<semaphore_mem>>) {add = true}
      %mul3A_117 = arith.constant 5 : i32
      %mul3A_118 = arith.muli %scan3A_85, %mul3A_117 : i32
      %add3A_119 = arith.constant 1 : i32
      %add3A_120 = arith.addi %mul3A_118, %add3A_119 : i32
      %mul3A_121 = arith.constant 80 : i32
      %mul3A_122 = arith.muli %add3A_120, %mul3A_121 : i32
      %dma_wait3A_123 = arith.constant 1 : i32
      %dma_wait3A_124 = arith.constant 1 : i32
      %dma_wait3A_125 = arith.constant 0 : i32
      %dma_wait3A_126 = arith.constant 0 : i32
      %dma_wait3A_127 = tpu.memref_slice %arg8[%dma_wait3A_123, %dma_wait3A_125, %dma_wait3A_126] : memref<5x80x32xf32, #tpu.memory_space<vmem>> -> memref<1x80x32xf32, #tpu.memory_space<vmem>>
      %dma_wait3A_128 = tpu.memref_squeeze %dma_wait3A_127 : memref<1x80x32xf32, #tpu.memory_space<vmem>> -> memref<80x32xf32, #tpu.memory_space<vmem>>
      %dma_wait3A_129 = tpu.memref_slice %arg6[%mul3A_122] : memref<10000xi32, #tpu.memory_space<vmem>> -> memref<80xi32, #tpu.memory_space<vmem>>
      %dma_wait3A_130 = arith.constant 0 : i32
      %dma_wait3A_131 = arith.constant 0 : i32
      %dma_wait3A_132 = tpu.memref_slice %arg2[%dma_wait3A_130, %dma_wait3A_131] : memref<10240x32xf32, #tpu.memory_space<hbm>> -> memref<10240x32xf32, #tpu.memory_space<hbm>>
      %dma_wait3A_133 = tpu.memref_slice %arg10[%dma_wait3A_124] : memref<5x!tpu.dma_semaphore, #tpu.memory_space<semaphore_mem>> -> memref<1x!tpu.dma_semaphore, #tpu.memory_space<semaphore_mem>>
      %dma_wait3A_134 = tpu.memref_squeeze %dma_wait3A_133 : memref<1x!tpu.dma_semaphore, #tpu.memory_space<semaphore_mem>> -> memref<!tpu.dma_semaphore, #tpu.memory_space<semaphore_mem>>
      tpu.wait_indirect_dma semaphore(%dma_wait3A_134 : memref<!tpu.dma_semaphore, #tpu.memory_space<semaphore_mem>>) src(%dma_wait3A_132 : memref<10240x32xf32, #tpu.memory_space<hbm>>) dst(%dma_wait3A_128 : memref<80x32xf32, #tpu.memory_space<vmem>>)
      %mul3A_135 = arith.constant 80 : i32
      %mul3A_136 = arith.muli %add3A_120, %mul3A_135 : i32
      %dma_start3A_137 = arith.constant 1 : i32
      %dma_start3A_138 = arith.constant 1 : i32
      %dma_start3A_139 = arith.constant 0 : i32
      %dma_start3A_140 = arith.constant 0 : i32
      %dma_start3A_141 = tpu.memref_slice %arg8[%dma_start3A_137, %dma_start3A_139, %dma_start3A_140] : memref<5x80x32xf32, #tpu.memory_space<vmem>> -> memref<1x80x32xf32, #tpu.memory_space<vmem>>
      %dma_start3A_142 = tpu.memref_squeeze %dma_start3A_141 : memref<1x80x32xf32, #tpu.memory_space<vmem>> -> memref<80x32xf32, #tpu.memory_space<vmem>>
      %dma_start3A_143 = tpu.memref_slice %arg7[%mul3A_136] : memref<10000xi32, #tpu.memory_space<vmem>> -> memref<80xi32, #tpu.memory_space<vmem>>
      %dma_start3A_144 = arith.constant 0 : i32
      %dma_start3A_145 = arith.constant 0 : i32
      %dma_start3A_146 = tpu.memref_slice %arg9[%dma_start3A_144, %dma_start3A_145] : memref<10000x32xf32, #tpu.memory_space<vmem_shared>> -> memref<10000x32xf32, #tpu.memory_space<vmem_shared>>
      %dma_start3A_147 = tpu.memref_slice %arg11[%dma_start3A_138] : memref<5x!tpu.dma_semaphore, #tpu.memory_space<semaphore_mem>> -> memref<1x!tpu.dma_semaphore, #tpu.memory_space<semaphore_mem>>
      %dma_start3A_148 = tpu.memref_squeeze %dma_start3A_147 : memref<1x!tpu.dma_semaphore, #tpu.memory_space<semaphore_mem>> -> memref<!tpu.dma_semaphore, #tpu.memory_space<semaphore_mem>>
      tpu.enqueue_indirect_dma source(%dma_start3A_142 : memref<80x32xf32, #tpu.memory_space<vmem>>) target(%dma_start3A_146 : memref<10000x32xf32, #tpu.memory_space<vmem_shared>>) offsets(%dma_start3A_143 : memref<80xi32, #tpu.memory_space<vmem>>) semaphore(%dma_start3A_148 : memref<!tpu.dma_semaphore, #tpu.memory_space<semaphore_mem>>) {add = true}
      %mul3A_149 = arith.constant 5 : i32
      %mul3A_150 = arith.muli %scan3A_85, %mul3A_149 : i32
      %add3A_151 = arith.constant 2 : i32
      %add3A_152 = arith.addi %mul3A_150, %add3A_151 : i32
      %mul3A_153 = arith.constant 80 : i32
      %mul3A_154 = arith.muli %add3A_152, %mul3A_153 : i32
      %dma_wait3A_155 = arith.constant 2 : i32
      %dma_wait3A_156 = arith.constant 2 : i32
      %dma_wait3A_157 = arith.constant 0 : i32
      %dma_wait3A_158 = arith.constant 0 : i32
      %dma_wait3A_159 = tpu.memref_slice %arg8[%dma_wait3A_155, %dma_wait3A_157, %dma_wait3A_158] : memref<5x80x32xf32, #tpu.memory_space<vmem>> -> memref<1x80x32xf32, #tpu.memory_space<vmem>>
      %dma_wait3A_160 = tpu.memref_squeeze %dma_wait3A_159 : memref<1x80x32xf32, #tpu.memory_space<vmem>> -> memref<80x32xf32, #tpu.memory_space<vmem>>
      %dma_wait3A_161 = tpu.memref_slice %arg6[%mul3A_154] : memref<10000xi32, #tpu.memory_space<vmem>> -> memref<80xi32, #tpu.memory_space<vmem>>
      %dma_wait3A_162 = arith.constant 0 : i32
      %dma_wait3A_163 = arith.constant 0 : i32
      %dma_wait3A_164 = tpu.memref_slice %arg2[%dma_wait3A_162, %dma_wait3A_163] : memref<10240x32xf32, #tpu.memory_space<hbm>> -> memref<10240x32xf32, #tpu.memory_space<hbm>>
      %dma_wait3A_165 = tpu.memref_slice %arg10[%dma_wait3A_156] : memref<5x!tpu.dma_semaphore, #tpu.memory_space<semaphore_mem>> -> memref<1x!tpu.dma_semaphore, #tpu.memory_space<semaphore_mem>>
      %dma_wait3A_166 = tpu.memref_squeeze %dma_wait3A_165 : memref<1x!tpu.dma_semaphore, #tpu.memory_space<semaphore_mem>> -> memref<!tpu.dma_semaphore, #tpu.memory_space<semaphore_mem>>
      tpu.wait_indirect_dma semaphore(%dma_wait3A_166 : memref<!tpu.dma_semaphore, #tpu.memory_space<semaphore_mem>>) src(%dma_wait3A_164 : memref<10240x32xf32, #tpu.memory_space<hbm>>) dst(%dma_wait3A_160 : memref<80x32xf32, #tpu.memory_space<vmem>>)
      %mul3A_167 = arith.constant 80 : i32
      %mul3A_168 = arith.muli %add3A_152, %mul3A_167 : i32
      %dma_start3A_169 = arith.constant 2 : i32
      %dma_start3A_170 = arith.constant 2 : i32
      %dma_start3A_171 = arith.constant 0 : i32
      %dma_start3A_172 = arith.constant 0 : i32
      %dma_start3A_173 = tpu.memref_slice %arg8[%dma_start3A_169, %dma_start3A_171, %dma_start3A_172] : memref<5x80x32xf32, #tpu.memory_space<vmem>> -> memref<1x80x32xf32, #tpu.memory_space<vmem>>
      %dma_start3A_174 = tpu.memref_squeeze %dma_start3A_173 : memref<1x80x32xf32, #tpu.memory_space<vmem>> -> memref<80x32xf32, #tpu.memory_space<vmem>>
      %dma_start3A_175 = tpu.memref_slice %arg7[%mul3A_168] : memref<10000xi32, #tpu.memory_space<vmem>> -> memref<80xi32, #tpu.memory_space<vmem>>
      %dma_start3A_176 = arith.constant 0 : i32
      %dma_start3A_177 = arith.constant 0 : i32
      %dma_start3A_178 = tpu.memref_slice %arg9[%dma_start3A_176, %dma_start3A_177] : memref<10000x32xf32, #tpu.memory_space<vmem_shared>> -> memref<10000x32xf32, #tpu.memory_space<vmem_shared>>
      %dma_start3A_179 = tpu.memref_slice %arg11[%dma_start3A_170] : memref<5x!tpu.dma_semaphore, #tpu.memory_space<semaphore_mem>> -> memref<1x!tpu.dma_semaphore, #tpu.memory_space<semaphore_mem>>
      %dma_start3A_180 = tpu.memref_squeeze %dma_start3A_179 : memref<1x!tpu.dma_semaphore, #tpu.memory_space<semaphore_mem>> -> memref<!tpu.dma_semaphore, #tpu.memory_space<semaphore_mem>>
      tpu.enqueue_indirect_dma source(%dma_start3A_174 : memref<80x32xf32, #tpu.memory_space<vmem>>) target(%dma_start3A_178 : memref<10000x32xf32, #tpu.memory_space<vmem_shared>>) offsets(%dma_start3A_175 : memref<80xi32, #tpu.memory_space<vmem>>) semaphore(%dma_start3A_180 : memref<!tpu.dma_semaphore, #tpu.memory_space<semaphore_mem>>) {add = true}
      %mul3A_181 = arith.constant 5 : i32
      %mul3A_182 = arith.muli %scan3A_85, %mul3A_181 : i32
      %add3A_183 = arith.constant 3 : i32
      %add3A_184 = arith.addi %mul3A_182, %add3A_183 : i32
      %mul3A_185 = arith.constant 80 : i32
      %mul3A_186 = arith.muli %add3A_184, %mul3A_185 : i32
      %dma_wait3A_187 = arith.constant 3 : i32
      %dma_wait3A_188 = arith.constant 3 : i32
      %dma_wait3A_189 = arith.constant 0 : i32
      %dma_wait3A_190 = arith.constant 0 : i32
      %dma_wait3A_191 = tpu.memref_slice %arg8[%dma_wait3A_187, %dma_wait3A_189, %dma_wait3A_190] : memref<5x80x32xf32, #tpu.memory_space<vmem>> -> memref<1x80x32xf32, #tpu.memory_space<vmem>>
      %dma_wait3A_192 = tpu.memref_squeeze %dma_wait3A_191 : memref<1x80x32xf32, #tpu.memory_space<vmem>> -> memref<80x32xf32, #tpu.memory_space<vmem>>
      %dma_wait3A_193 = tpu.memref_slice %arg6[%mul3A_186] : memref<10000xi32, #tpu.memory_space<vmem>> -> memref<80xi32, #tpu.memory_space<vmem>>
      %dma_wait3A_194 = arith.constant 0 : i32
      %dma_wait3A_195 = arith.constant 0 : i32
      %dma_wait3A_196 = tpu.memref_slice %arg2[%dma_wait3A_194, %dma_wait3A_195] : memref<10240x32xf32, #tpu.memory_space<hbm>> -> memref<10240x32xf32, #tpu.memory_space<hbm>>
      %dma_wait3A_197 = tpu.memref_slice %arg10[%dma_wait3A_188] : memref<5x!tpu.dma_semaphore, #tpu.memory_space<semaphore_mem>> -> memref<1x!tpu.dma_semaphore, #tpu.memory_space<semaphore_mem>>
      %dma_wait3A_198 = tpu.memref_squeeze %dma_wait3A_197 : memref<1x!tpu.dma_semaphore, #tpu.memory_space<semaphore_mem>> -> memref<!tpu.dma_semaphore, #tpu.memory_space<semaphore_mem>>
      tpu.wait_indirect_dma semaphore(%dma_wait3A_198 : memref<!tpu.dma_semaphore, #tpu.memory_space<semaphore_mem>>) src(%dma_wait3A_196 : memref<10240x32xf32, #tpu.memory_space<hbm>>) dst(%dma_wait3A_192 : memref<80x32xf32, #tpu.memory_space<vmem>>)
      %mul3A_199 = arith.constant 80 : i32
      %mul3A_200 = arith.muli %add3A_184, %mul3A_199 : i32
      %dma_start3A_201 = arith.constant 3 : i32
      %dma_start3A_202 = arith.constant 3 : i32
      %dma_start3A_203 = arith.constant 0 : i32
      %dma_start3A_204 = arith.constant 0 : i32
      %dma_start3A_205 = tpu.memref_slice %arg8[%dma_start3A_201, %dma_start3A_203, %dma_start3A_204] : memref<5x80x32xf32, #tpu.memory_space<vmem>> -> memref<1x80x32xf32, #tpu.memory_space<vmem>>
      %dma_start3A_206 = tpu.memref_squeeze %dma_start3A_205 : memref<1x80x32xf32, #tpu.memory_space<vmem>> -> memref<80x32xf32, #tpu.memory_space<vmem>>
      %dma_start3A_207 = tpu.memref_slice %arg7[%mul3A_200] : memref<10000xi32, #tpu.memory_space<vmem>> -> memref<80xi32, #tpu.memory_space<vmem>>
      %dma_start3A_208 = arith.constant 0 : i32
      %dma_start3A_209 = arith.constant 0 : i32
      %dma_start3A_210 = tpu.memref_slice %arg9[%dma_start3A_208, %dma_start3A_209] : memref<10000x32xf32, #tpu.memory_space<vmem_shared>> -> memref<10000x32xf32, #tpu.memory_space<vmem_shared>>
      %dma_start3A_211 = tpu.memref_slice %arg11[%dma_start3A_202] : memref<5x!tpu.dma_semaphore, #tpu.memory_space<semaphore_mem>> -> memref<1x!tpu.dma_semaphore, #tpu.memory_space<semaphore_mem>>
      %dma_start3A_212 = tpu.memref_squeeze %dma_start3A_211 : memref<1x!tpu.dma_semaphore, #tpu.memory_space<semaphore_mem>> -> memref<!tpu.dma_semaphore, #tpu.memory_space<semaphore_mem>>
      tpu.enqueue_indirect_dma source(%dma_start3A_206 : memref<80x32xf32, #tpu.memory_space<vmem>>) target(%dma_start3A_210 : memref<10000x32xf32, #tpu.memory_space<vmem_shared>>) offsets(%dma_start3A_207 : memref<80xi32, #tpu.memory_space<vmem>>) semaphore(%dma_start3A_212 : memref<!tpu.dma_semaphore, #tpu.memory_space<semaphore_mem>>) {add = true}
      %mul3A_213 = arith.constant 5 : i32
      %mul3A_214 = arith.muli %scan3A_85, %mul3A_213 : i32
      %add3A_215 = arith.constant 4 : i32
      %add3A_216 = arith.addi %mul3A_214, %add3A_215 : i32
      %mul3A_217 = arith.constant 80 : i32
      %mul3A_218 = arith.muli %add3A_216, %mul3A_217 : i32
      %dma_wait3A_219 = arith.constant 4 : i32
      %dma_wait3A_220 = arith.constant 4 : i32
      %dma_wait3A_221 = arith.constant 0 : i32
      %dma_wait3A_222 = arith.constant 0 : i32
      %dma_wait3A_223 = tpu.memref_slice %arg8[%dma_wait3A_219, %dma_wait3A_221, %dma_wait3A_222] : memref<5x80x32xf32, #tpu.memory_space<vmem>> -> memref<1x80x32xf32, #tpu.memory_space<vmem>>
      %dma_wait3A_224 = tpu.memref_squeeze %dma_wait3A_223 : memref<1x80x32xf32, #tpu.memory_space<vmem>> -> memref<80x32xf32, #tpu.memory_space<vmem>>
      %dma_wait3A_225 = tpu.memref_slice %arg6[%mul3A_218] : memref<10000xi32, #tpu.memory_space<vmem>> -> memref<80xi32, #tpu.memory_space<vmem>>
      %dma_wait3A_226 = arith.constant 0 : i32
      %dma_wait3A_227 = arith.constant 0 : i32
      %dma_wait3A_228 = tpu.memref_slice %arg2[%dma_wait3A_226, %dma_wait3A_227] : memref<10240x32xf32, #tpu.memory_space<hbm>> -> memref<10240x32xf32, #tpu.memory_space<hbm>>
      %dma_wait3A_229 = tpu.memref_slice %arg10[%dma_wait3A_220] : memref<5x!tpu.dma_semaphore, #tpu.memory_space<semaphore_mem>> -> memref<1x!tpu.dma_semaphore, #tpu.memory_space<semaphore_mem>>
      %dma_wait3A_230 = tpu.memref_squeeze %dma_wait3A_229 : memref<1x!tpu.dma_semaphore, #tpu.memory_space<semaphore_mem>> -> memref<!tpu.dma_semaphore, #tpu.memory_space<semaphore_mem>>
      tpu.wait_indirect_dma semaphore(%dma_wait3A_230 : memref<!tpu.dma_semaphore, #tpu.memory_space<semaphore_mem>>) src(%dma_wait3A_228 : memref<10240x32xf32, #tpu.memory_space<hbm>>) dst(%dma_wait3A_224 : memref<80x32xf32, #tpu.memory_space<vmem>>)
      %mul3A_231 = arith.constant 80 : i32
      %mul3A_232 = arith.muli %add3A_216, %mul3A_231 : i32
      %dma_start3A_233 = arith.constant 4 : i32
      %dma_start3A_234 = arith.constant 4 : i32
      %dma_start3A_235 = arith.constant 0 : i32
      %dma_start3A_236 = arith.constant 0 : i32
      %dma_start3A_237 = tpu.memref_slice %arg8[%dma_start3A_233, %dma_start3A_235, %dma_start3A_236] : memref<5x80x32xf32, #tpu.memory_space<vmem>> -> memref<1x80x32xf32, #tpu.memory_space<vmem>>
      %dma_start3A_238 = tpu.memref_squeeze %dma_start3A_237 : memref<1x80x32xf32, #tpu.memory_space<vmem>> -> memref<80x32xf32, #tpu.memory_space<vmem>>
      %dma_start3A_239 = tpu.memref_slice %arg7[%mul3A_232] : memref<10000xi32, #tpu.memory_space<vmem>> -> memref<80xi32, #tpu.memory_space<vmem>>
      %dma_start3A_240 = arith.constant 0 : i32
      %dma_start3A_241 = arith.constant 0 : i32
      %dma_start3A_242 = tpu.memref_slice %arg9[%dma_start3A_240, %dma_start3A_241] : memref<10000x32xf32, #tpu.memory_space<vmem_shared>> -> memref<10000x32xf32, #tpu.memory_space<vmem_shared>>
      %dma_start3A_243 = tpu.memref_slice %arg11[%dma_start3A_234] : memref<5x!tpu.dma_semaphore, #tpu.memory_space<semaphore_mem>> -> memref<1x!tpu.dma_semaphore, #tpu.memory_space<semaphore_mem>>
      %dma_start3A_244 = tpu.memref_squeeze %dma_start3A_243 : memref<1x!tpu.dma_semaphore, #tpu.memory_space<semaphore_mem>> -> memref<!tpu.dma_semaphore, #tpu.memory_space<semaphore_mem>>
      tpu.enqueue_indirect_dma source(%dma_start3A_238 : memref<80x32xf32, #tpu.memory_space<vmem>>) target(%dma_start3A_242 : memref<10000x32xf32, #tpu.memory_space<vmem_shared>>) offsets(%dma_start3A_239 : memref<80xi32, #tpu.memory_space<vmem>>) semaphore(%dma_start3A_244 : memref<!tpu.dma_semaphore, #tpu.memory_space<semaphore_mem>>) {add = true}
      %mul3A_245 = arith.constant 5 : i32
      %mul3A_246 = arith.muli %scan3A_85, %mul3A_245 : i32
      %add3A_247 = arith.constant 0 : i32
      %add3A_248 = arith.addi %mul3A_246, %add3A_247 : i32
      %mul3A_249 = arith.constant 80 : i32
      %mul3A_250 = arith.muli %add3A_248, %mul3A_249 : i32
      %dma_wait3A_251 = arith.constant 0 : i32
      %dma_wait3A_252 = arith.constant 0 : i32
      %dma_wait3A_253 = arith.constant 0 : i32
      %dma_wait3A_254 = arith.constant 0 : i32
      %dma_wait3A_255 = tpu.memref_slice %arg8[%dma_wait3A_251, %dma_wait3A_253, %dma_wait3A_254] : memref<5x80x32xf32, #tpu.memory_space<vmem>> -> memref<1x80x32xf32, #tpu.memory_space<vmem>>
      %dma_wait3A_256 = tpu.memref_squeeze %dma_wait3A_255 : memref<1x80x32xf32, #tpu.memory_space<vmem>> -> memref<80x32xf32, #tpu.memory_space<vmem>>
      %dma_wait3A_257 = tpu.memref_slice %arg7[%mul3A_250] : memref<10000xi32, #tpu.memory_space<vmem>> -> memref<80xi32, #tpu.memory_space<vmem>>
      %dma_wait3A_258 = arith.constant 0 : i32
      %dma_wait3A_259 = arith.constant 0 : i32
      %dma_wait3A_260 = tpu.memref_slice %arg9[%dma_wait3A_258, %dma_wait3A_259] : memref<10000x32xf32, #tpu.memory_space<vmem_shared>> -> memref<10000x32xf32, #tpu.memory_space<vmem_shared>>
      %dma_wait3A_261 = tpu.memref_slice %arg11[%dma_wait3A_252] : memref<5x!tpu.dma_semaphore, #tpu.memory_space<semaphore_mem>> -> memref<1x!tpu.dma_semaphore, #tpu.memory_space<semaphore_mem>>
      %dma_wait3A_262 = tpu.memref_squeeze %dma_wait3A_261 : memref<1x!tpu.dma_semaphore, #tpu.memory_space<semaphore_mem>> -> memref<!tpu.dma_semaphore, #tpu.memory_space<semaphore_mem>>
      tpu.wait_indirect_dma semaphore(%dma_wait3A_262 : memref<!tpu.dma_semaphore, #tpu.memory_space<semaphore_mem>>) src(%dma_wait3A_256 : memref<80x32xf32, #tpu.memory_space<vmem>>) dst(%dma_wait3A_260 : memref<10000x32xf32, #tpu.memory_space<vmem_shared>>)
      %add3A_263 = arith.constant 5 : i32
      %add3A_264 = arith.addi %add3A_248, %add3A_263 : i32
      %lt3A = arith.constant 125 : i32
      %lt3A_265 = arith.cmpi slt, %add3A_264, %lt3A : i32
      %convert_element_type3A_266 = arith.extui %lt3A_265 : i1 to i32
      %cond3A_267 = arith.constant 0 : i32
      %cond3A_268 = arith.cmpi ne, %convert_element_type3A_266, %cond3A_267 : i32
      scf.if %cond3A_268 {
        %add3A_369 = arith.constant 5 : i32
        %add3A_370 = arith.addi %add3A_248, %add3A_369 : i32
        %mul3A_371 = arith.constant 80 : i32
        %mul3A_372 = arith.muli %add3A_370, %mul3A_371 : i32
        %dma_start3A_373 = arith.constant 0 : i32
        %dma_start3A_374 = arith.constant 0 : i32
        %dma_start3A_375 = arith.constant 0 : i32
        %dma_start3A_376 = arith.constant 0 : i32
        %dma_start3A_377 = tpu.memref_slice %arg8[%dma_start3A_373, %dma_start3A_375, %dma_start3A_376] : memref<5x80x32xf32, #tpu.memory_space<vmem>> -> memref<1x80x32xf32, #tpu.memory_space<vmem>>
        %dma_start3A_378 = tpu.memref_squeeze %dma_start3A_377 : memref<1x80x32xf32, #tpu.memory_space<vmem>> -> memref<80x32xf32, #tpu.memory_space<vmem>>
        %dma_start3A_379 = tpu.memref_slice %arg6[%mul3A_372] : memref<10000xi32, #tpu.memory_space<vmem>> -> memref<80xi32, #tpu.memory_space<vmem>>
        %dma_start3A_380 = arith.constant 0 : i32
        %dma_start3A_381 = arith.constant 0 : i32
        %dma_start3A_382 = tpu.memref_slice %arg2[%dma_start3A_380, %dma_start3A_381] : memref<10240x32xf32, #tpu.memory_space<hbm>> -> memref<10240x32xf32, #tpu.memory_space<hbm>>
        %dma_start3A_383 = tpu.memref_slice %arg10[%dma_start3A_374] : memref<5x!tpu.dma_semaphore, #tpu.memory_space<semaphore_mem>> -> memref<1x!tpu.dma_semaphore, #tpu.memory_space<semaphore_mem>>
        %dma_start3A_384 = tpu.memref_squeeze %dma_start3A_383 : memref<1x!tpu.dma_semaphore, #tpu.memory_space<semaphore_mem>> -> memref<!tpu.dma_semaphore, #tpu.memory_space<semaphore_mem>>
        tpu.enqueue_indirect_dma source(%dma_start3A_382 : memref<10240x32xf32, #tpu.memory_space<hbm>>) target(%dma_start3A_378 : memref<80x32xf32, #tpu.memory_space<vmem>>) offsets(%dma_start3A_379 : memref<80xi32, #tpu.memory_space<vmem>>) semaphore(%dma_start3A_384 : memref<!tpu.dma_semaphore, #tpu.memory_space<semaphore_mem>>)
      } else {
      }
      %mul3A_269 = arith.constant 5 : i32
      %mul3A_270 = arith.muli %scan3A_85, %mul3A_269 : i32
      %add3A_271 = arith.constant 1 : i32
      %add3A_272 = arith.addi %mul3A_270, %add3A_271 : i32
      %mul3A_273 = arith.constant 80 : i32
      %mul3A_274 = arith.muli %add3A_272, %mul3A_273 : i32
      %dma_wait3A_275 = arith.constant 1 : i32
      %dma_wait3A_276 = arith.constant 1 : i32
      %dma_wait3A_277 = arith.constant 0 : i32
      %dma_wait3A_278 = arith.constant 0 : i32
      %dma_wait3A_279 = tpu.memref_slice %arg8[%dma_wait3A_275, %dma_wait3A_277, %dma_wait3A_278] : memref<5x80x32xf32, #tpu.memory_space<vmem>> -> memref<1x80x32xf32, #tpu.memory_space<vmem>>
      %dma_wait3A_280 = tpu.memref_squeeze %dma_wait3A_279 : memref<1x80x32xf32, #tpu.memory_space<vmem>> -> memref<80x32xf32, #tpu.memory_space<vmem>>
      %dma_wait3A_281 = tpu.memref_slice %arg7[%mul3A_274] : memref<10000xi32, #tpu.memory_space<vmem>> -> memref<80xi32, #tpu.memory_space<vmem>>
      %dma_wait3A_282 = arith.constant 0 : i32
      %dma_wait3A_283 = arith.constant 0 : i32
      %dma_wait3A_284 = tpu.memref_slice %arg9[%dma_wait3A_282, %dma_wait3A_283] : memref<10000x32xf32, #tpu.memory_space<vmem_shared>> -> memref<10000x32xf32, #tpu.memory_space<vmem_shared>>
      %dma_wait3A_285 = tpu.memref_slice %arg11[%dma_wait3A_276] : memref<5x!tpu.dma_semaphore, #tpu.memory_space<semaphore_mem>> -> memref<1x!tpu.dma_semaphore, #tpu.memory_space<semaphore_mem>>
      %dma_wait3A_286 = tpu.memref_squeeze %dma_wait3A_285 : memref<1x!tpu.dma_semaphore, #tpu.memory_space<semaphore_mem>> -> memref<!tpu.dma_semaphore, #tpu.memory_space<semaphore_mem>>
      tpu.wait_indirect_dma semaphore(%dma_wait3A_286 : memref<!tpu.dma_semaphore, #tpu.memory_space<semaphore_mem>>) src(%dma_wait3A_280 : memref<80x32xf32, #tpu.memory_space<vmem>>) dst(%dma_wait3A_284 : memref<10000x32xf32, #tpu.memory_space<vmem_shared>>)
      %add3A_287 = arith.constant 5 : i32
      %add3A_288 = arith.addi %add3A_272, %add3A_287 : i32
      %lt3A_289 = arith.constant 125 : i32
      %lt3A_290 = arith.cmpi slt, %add3A_288, %lt3A_289 : i32
      %convert_element_type3A_291 = arith.extui %lt3A_290 : i1 to i32
      %cond3A_292 = arith.constant 0 : i32
      %cond3A_293 = arith.cmpi ne, %convert_element_type3A_291, %cond3A_292 : i32
      scf.if %cond3A_293 {
        %add3A_369 = arith.constant 5 : i32
        %add3A_370 = arith.addi %add3A_272, %add3A_369 : i32
        %mul3A_371 = arith.constant 80 : i32
        %mul3A_372 = arith.muli %add3A_370, %mul3A_371 : i32
        %dma_start3A_373 = arith.constant 1 : i32
        %dma_start3A_374 = arith.constant 1 : i32
        %dma_start3A_375 = arith.constant 0 : i32
        %dma_start3A_376 = arith.constant 0 : i32
        %dma_start3A_377 = tpu.memref_slice %arg8[%dma_start3A_373, %dma_start3A_375, %dma_start3A_376] : memref<5x80x32xf32, #tpu.memory_space<vmem>> -> memref<1x80x32xf32, #tpu.memory_space<vmem>>
        %dma_start3A_378 = tpu.memref_squeeze %dma_start3A_377 : memref<1x80x32xf32, #tpu.memory_space<vmem>> -> memref<80x32xf32, #tpu.memory_space<vmem>>
        %dma_start3A_379 = tpu.memref_slice %arg6[%mul3A_372] : memref<10000xi32, #tpu.memory_space<vmem>> -> memref<80xi32, #tpu.memory_space<vmem>>
        %dma_start3A_380 = arith.constant 0 : i32
        %dma_start3A_381 = arith.constant 0 : i32
        %dma_start3A_382 = tpu.memref_slice %arg2[%dma_start3A_380, %dma_start3A_381] : memref<10240x32xf32, #tpu.memory_space<hbm>> -> memref<10240x32xf32, #tpu.memory_space<hbm>>
        %dma_start3A_383 = tpu.memref_slice %arg10[%dma_start3A_374] : memref<5x!tpu.dma_semaphore, #tpu.memory_space<semaphore_mem>> -> memref<1x!tpu.dma_semaphore, #tpu.memory_space<semaphore_mem>>
        %dma_start3A_384 = tpu.memref_squeeze %dma_start3A_383 : memref<1x!tpu.dma_semaphore, #tpu.memory_space<semaphore_mem>> -> memref<!tpu.dma_semaphore, #tpu.memory_space<semaphore_mem>>
        tpu.enqueue_indirect_dma source(%dma_start3A_382 : memref<10240x32xf32, #tpu.memory_space<hbm>>) target(%dma_start3A_378 : memref<80x32xf32, #tpu.memory_space<vmem>>) offsets(%dma_start3A_379 : memref<80xi32, #tpu.memory_space<vmem>>) semaphore(%dma_start3A_384 : memref<!tpu.dma_semaphore, #tpu.memory_space<semaphore_mem>>)
      } else {
      }
      %mul3A_294 = arith.constant 5 : i32
      %mul3A_295 = arith.muli %scan3A_85, %mul3A_294 : i32
      %add3A_296 = arith.constant 2 : i32
      %add3A_297 = arith.addi %mul3A_295, %add3A_296 : i32
      %mul3A_298 = arith.constant 80 : i32
      %mul3A_299 = arith.muli %add3A_297, %mul3A_298 : i32
      %dma_wait3A_300 = arith.constant 2 : i32
      %dma_wait3A_301 = arith.constant 2 : i32
      %dma_wait3A_302 = arith.constant 0 : i32
      %dma_wait3A_303 = arith.constant 0 : i32
      %dma_wait3A_304 = tpu.memref_slice %arg8[%dma_wait3A_300, %dma_wait3A_302, %dma_wait3A_303] : memref<5x80x32xf32, #tpu.memory_space<vmem>> -> memref<1x80x32xf32, #tpu.memory_space<vmem>>
      %dma_wait3A_305 = tpu.memref_squeeze %dma_wait3A_304 : memref<1x80x32xf32, #tpu.memory_space<vmem>> -> memref<80x32xf32, #tpu.memory_space<vmem>>
      %dma_wait3A_306 = tpu.memref_slice %arg7[%mul3A_299] : memref<10000xi32, #tpu.memory_space<vmem>> -> memref<80xi32, #tpu.memory_space<vmem>>
      %dma_wait3A_307 = arith.constant 0 : i32
      %dma_wait3A_308 = arith.constant 0 : i32
      %dma_wait3A_309 = tpu.memref_slice %arg9[%dma_wait3A_307, %dma_wait3A_308] : memref<10000x32xf32, #tpu.memory_space<vmem_shared>> -> memref<10000x32xf32, #tpu.memory_space<vmem_shared>>
      %dma_wait3A_310 = tpu.memref_slice %arg11[%dma_wait3A_301] : memref<5x!tpu.dma_semaphore, #tpu.memory_space<semaphore_mem>> -> memref<1x!tpu.dma_semaphore, #tpu.memory_space<semaphore_mem>>
      %dma_wait3A_311 = tpu.memref_squeeze %dma_wait3A_310 : memref<1x!tpu.dma_semaphore, #tpu.memory_space<semaphore_mem>> -> memref<!tpu.dma_semaphore, #tpu.memory_space<semaphore_mem>>
      tpu.wait_indirect_dma semaphore(%dma_wait3A_311 : memref<!tpu.dma_semaphore, #tpu.memory_space<semaphore_mem>>) src(%dma_wait3A_305 : memref<80x32xf32, #tpu.memory_space<vmem>>) dst(%dma_wait3A_309 : memref<10000x32xf32, #tpu.memory_space<vmem_shared>>)
      %add3A_312 = arith.constant 5 : i32
      %add3A_313 = arith.addi %add3A_297, %add3A_312 : i32
      %lt3A_314 = arith.constant 125 : i32
      %lt3A_315 = arith.cmpi slt, %add3A_313, %lt3A_314 : i32
      %convert_element_type3A_316 = arith.extui %lt3A_315 : i1 to i32
      %cond3A_317 = arith.constant 0 : i32
      %cond3A_318 = arith.cmpi ne, %convert_element_type3A_316, %cond3A_317 : i32
      scf.if %cond3A_318 {
        %add3A_369 = arith.constant 5 : i32
        %add3A_370 = arith.addi %add3A_297, %add3A_369 : i32
        %mul3A_371 = arith.constant 80 : i32
        %mul3A_372 = arith.muli %add3A_370, %mul3A_371 : i32
        %dma_start3A_373 = arith.constant 2 : i32
        %dma_start3A_374 = arith.constant 2 : i32
        %dma_start3A_375 = arith.constant 0 : i32
        %dma_start3A_376 = arith.constant 0 : i32
        %dma_start3A_377 = tpu.memref_slice %arg8[%dma_start3A_373, %dma_start3A_375, %dma_start3A_376] : memref<5x80x32xf32, #tpu.memory_space<vmem>> -> memref<1x80x32xf32, #tpu.memory_space<vmem>>
        %dma_start3A_378 = tpu.memref_squeeze %dma_start3A_377 : memref<1x80x32xf32, #tpu.memory_space<vmem>> -> memref<80x32xf32, #tpu.memory_space<vmem>>
        %dma_start3A_379 = tpu.memref_slice %arg6[%mul3A_372] : memref<10000xi32, #tpu.memory_space<vmem>> -> memref<80xi32, #tpu.memory_space<vmem>>
        %dma_start3A_380 = arith.constant 0 : i32
        %dma_start3A_381 = arith.constant 0 : i32
        %dma_start3A_382 = tpu.memref_slice %arg2[%dma_start3A_380, %dma_start3A_381] : memref<10240x32xf32, #tpu.memory_space<hbm>> -> memref<10240x32xf32, #tpu.memory_space<hbm>>
        %dma_start3A_383 = tpu.memref_slice %arg10[%dma_start3A_374] : memref<5x!tpu.dma_semaphore, #tpu.memory_space<semaphore_mem>> -> memref<1x!tpu.dma_semaphore, #tpu.memory_space<semaphore_mem>>
        %dma_start3A_384 = tpu.memref_squeeze %dma_start3A_383 : memref<1x!tpu.dma_semaphore, #tpu.memory_space<semaphore_mem>> -> memref<!tpu.dma_semaphore, #tpu.memory_space<semaphore_mem>>
        tpu.enqueue_indirect_dma source(%dma_start3A_382 : memref<10240x32xf32, #tpu.memory_space<hbm>>) target(%dma_start3A_378 : memref<80x32xf32, #tpu.memory_space<vmem>>) offsets(%dma_start3A_379 : memref<80xi32, #tpu.memory_space<vmem>>) semaphore(%dma_start3A_384 : memref<!tpu.dma_semaphore, #tpu.memory_space<semaphore_mem>>)
      } else {
      }
      %mul3A_319 = arith.constant 5 : i32
      %mul3A_320 = arith.muli %scan3A_85, %mul3A_319 : i32
      %add3A_321 = arith.constant 3 : i32
      %add3A_322 = arith.addi %mul3A_320, %add3A_321 : i32
      %mul3A_323 = arith.constant 80 : i32
      %mul3A_324 = arith.muli %add3A_322, %mul3A_323 : i32
      %dma_wait3A_325 = arith.constant 3 : i32
      %dma_wait3A_326 = arith.constant 3 : i32
      %dma_wait3A_327 = arith.constant 0 : i32
      %dma_wait3A_328 = arith.constant 0 : i32
      %dma_wait3A_329 = tpu.memref_slice %arg8[%dma_wait3A_325, %dma_wait3A_327, %dma_wait3A_328] : memref<5x80x32xf32, #tpu.memory_space<vmem>> -> memref<1x80x32xf32, #tpu.memory_space<vmem>>
      %dma_wait3A_330 = tpu.memref_squeeze %dma_wait3A_329 : memref<1x80x32xf32, #tpu.memory_space<vmem>> -> memref<80x32xf32, #tpu.memory_space<vmem>>
      %dma_wait3A_331 = tpu.memref_slice %arg7[%mul3A_324] : memref<10000xi32, #tpu.memory_space<vmem>> -> memref<80xi32, #tpu.memory_space<vmem>>
      %dma_wait3A_332 = arith.constant 0 : i32
      %dma_wait3A_333 = arith.constant 0 : i32
      %dma_wait3A_334 = tpu.memref_slice %arg9[%dma_wait3A_332, %dma_wait3A_333] : memref<10000x32xf32, #tpu.memory_space<vmem_shared>> -> memref<10000x32xf32, #tpu.memory_space<vmem_shared>>
      %dma_wait3A_335 = tpu.memref_slice %arg11[%dma_wait3A_326] : memref<5x!tpu.dma_semaphore, #tpu.memory_space<semaphore_mem>> -> memref<1x!tpu.dma_semaphore, #tpu.memory_space<semaphore_mem>>
      %dma_wait3A_336 = tpu.memref_squeeze %dma_wait3A_335 : memref<1x!tpu.dma_semaphore, #tpu.memory_space<semaphore_mem>> -> memref<!tpu.dma_semaphore, #tpu.memory_space<semaphore_mem>>
      tpu.wait_indirect_dma semaphore(%dma_wait3A_336 : memref<!tpu.dma_semaphore, #tpu.memory_space<semaphore_mem>>) src(%dma_wait3A_330 : memref<80x32xf32, #tpu.memory_space<vmem>>) dst(%dma_wait3A_334 : memref<10000x32xf32, #tpu.memory_space<vmem_shared>>)
      %add3A_337 = arith.constant 5 : i32
      %add3A_338 = arith.addi %add3A_322, %add3A_337 : i32
      %lt3A_339 = arith.constant 125 : i32
      %lt3A_340 = arith.cmpi slt, %add3A_338, %lt3A_339 : i32
      %convert_element_type3A_341 = arith.extui %lt3A_340 : i1 to i32
      %cond3A_342 = arith.constant 0 : i32
      %cond3A_343 = arith.cmpi ne, %convert_element_type3A_341, %cond3A_342 : i32
      scf.if %cond3A_343 {
        %add3A_369 = arith.constant 5 : i32
        %add3A_370 = arith.addi %add3A_322, %add3A_369 : i32
        %mul3A_371 = arith.constant 80 : i32
        %mul3A_372 = arith.muli %add3A_370, %mul3A_371 : i32
        %dma_start3A_373 = arith.constant 3 : i32
        %dma_start3A_374 = arith.constant 3 : i32
        %dma_start3A_375 = arith.constant 0 : i32
        %dma_start3A_376 = arith.constant 0 : i32
        %dma_start3A_377 = tpu.memref_slice %arg8[%dma_start3A_373, %dma_start3A_375, %dma_start3A_376] : memref<5x80x32xf32, #tpu.memory_space<vmem>> -> memref<1x80x32xf32, #tpu.memory_space<vmem>>
        %dma_start3A_378 = tpu.memref_squeeze %dma_start3A_377 : memref<1x80x32xf32, #tpu.memory_space<vmem>> -> memref<80x32xf32, #tpu.memory_space<vmem>>
        %dma_start3A_379 = tpu.memref_slice %arg6[%mul3A_372] : memref<10000xi32, #tpu.memory_space<vmem>> -> memref<80xi32, #tpu.memory_space<vmem>>
        %dma_start3A_380 = arith.constant 0 : i32
        %dma_start3A_381 = arith.constant 0 : i32
        %dma_start3A_382 = tpu.memref_slice %arg2[%dma_start3A_380, %dma_start3A_381] : memref<10240x32xf32, #tpu.memory_space<hbm>> -> memref<10240x32xf32, #tpu.memory_space<hbm>>
        %dma_start3A_383 = tpu.memref_slice %arg10[%dma_start3A_374] : memref<5x!tpu.dma_semaphore, #tpu.memory_space<semaphore_mem>> -> memref<1x!tpu.dma_semaphore, #tpu.memory_space<semaphore_mem>>
        %dma_start3A_384 = tpu.memref_squeeze %dma_start3A_383 : memref<1x!tpu.dma_semaphore, #tpu.memory_space<semaphore_mem>> -> memref<!tpu.dma_semaphore, #tpu.memory_space<semaphore_mem>>
        tpu.enqueue_indirect_dma source(%dma_start3A_382 : memref<10240x32xf32, #tpu.memory_space<hbm>>) target(%dma_start3A_378 : memref<80x32xf32, #tpu.memory_space<vmem>>) offsets(%dma_start3A_379 : memref<80xi32, #tpu.memory_space<vmem>>) semaphore(%dma_start3A_384 : memref<!tpu.dma_semaphore, #tpu.memory_space<semaphore_mem>>)
      } else {
      }
      %mul3A_344 = arith.constant 5 : i32
      %mul3A_345 = arith.muli %scan3A_85, %mul3A_344 : i32
      %add3A_346 = arith.constant 4 : i32
      %add3A_347 = arith.addi %mul3A_345, %add3A_346 : i32
      %mul3A_348 = arith.constant 80 : i32
      %mul3A_349 = arith.muli %add3A_347, %mul3A_348 : i32
      %dma_wait3A_350 = arith.constant 4 : i32
      %dma_wait3A_351 = arith.constant 4 : i32
      %dma_wait3A_352 = arith.constant 0 : i32
      %dma_wait3A_353 = arith.constant 0 : i32
      %dma_wait3A_354 = tpu.memref_slice %arg8[%dma_wait3A_350, %dma_wait3A_352, %dma_wait3A_353] : memref<5x80x32xf32, #tpu.memory_space<vmem>> -> memref<1x80x32xf32, #tpu.memory_space<vmem>>
      %dma_wait3A_355 = tpu.memref_squeeze %dma_wait3A_354 : memref<1x80x32xf32, #tpu.memory_space<vmem>> -> memref<80x32xf32, #tpu.memory_space<vmem>>
      %dma_wait3A_356 = tpu.memref_slice %arg7[%mul3A_349] : memref<10000xi32, #tpu.memory_space<vmem>> -> memref<80xi32, #tpu.memory_space<vmem>>
      %dma_wait3A_357 = arith.constant 0 : i32
      %dma_wait3A_358 = arith.constant 0 : i32
      %dma_wait3A_359 = tpu.memref_slice %arg9[%dma_wait3A_357, %dma_wait3A_358] : memref<10000x32xf32, #tpu.memory_space<vmem_shared>> -> memref<10000x32xf32, #tpu.memory_space<vmem_shared>>
      %dma_wait3A_360 = tpu.memref_slice %arg11[%dma_wait3A_351] : memref<5x!tpu.dma_semaphore, #tpu.memory_space<semaphore_mem>> -> memref<1x!tpu.dma_semaphore, #tpu.memory_space<semaphore_mem>>
      %dma_wait3A_361 = tpu.memref_squeeze %dma_wait3A_360 : memref<1x!tpu.dma_semaphore, #tpu.memory_space<semaphore_mem>> -> memref<!tpu.dma_semaphore, #tpu.memory_space<semaphore_mem>>
      tpu.wait_indirect_dma semaphore(%dma_wait3A_361 : memref<!tpu.dma_semaphore, #tpu.memory_space<semaphore_mem>>) src(%dma_wait3A_355 : memref<80x32xf32, #tpu.memory_space<vmem>>) dst(%dma_wait3A_359 : memref<10000x32xf32, #tpu.memory_space<vmem_shared>>)
      %add3A_362 = arith.constant 5 : i32
      %add3A_363 = arith.addi %add3A_347, %add3A_362 : i32
      %lt3A_364 = arith.constant 125 : i32
      %lt3A_365 = arith.cmpi slt, %add3A_363, %lt3A_364 : i32
      %convert_element_type3A_366 = arith.extui %lt3A_365 : i1 to i32
      %cond3A_367 = arith.constant 0 : i32
      %cond3A_368 = arith.cmpi ne, %convert_element_type3A_366, %cond3A_367 : i32
      scf.if %cond3A_368 {
        %add3A_369 = arith.constant 5 : i32
        %add3A_370 = arith.addi %add3A_347, %add3A_369 : i32
        %mul3A_371 = arith.constant 80 : i32
        %mul3A_372 = arith.muli %add3A_370, %mul3A_371 : i32
        %dma_start3A_373 = arith.constant 4 : i32
        %dma_start3A_374 = arith.constant 4 : i32
        %dma_start3A_375 = arith.constant 0 : i32
        %dma_start3A_376 = arith.constant 0 : i32
        %dma_start3A_377 = tpu.memref_slice %arg8[%dma_start3A_373, %dma_start3A_375, %dma_start3A_376] : memref<5x80x32xf32, #tpu.memory_space<vmem>> -> memref<1x80x32xf32, #tpu.memory_space<vmem>>
        %dma_start3A_378 = tpu.memref_squeeze %dma_start3A_377 : memref<1x80x32xf32, #tpu.memory_space<vmem>> -> memref<80x32xf32, #tpu.memory_space<vmem>>
        %dma_start3A_379 = tpu.memref_slice %arg6[%mul3A_372] : memref<10000xi32, #tpu.memory_space<vmem>> -> memref<80xi32, #tpu.memory_space<vmem>>
        %dma_start3A_380 = arith.constant 0 : i32
        %dma_start3A_381 = arith.constant 0 : i32
        %dma_start3A_382 = tpu.memref_slice %arg2[%dma_start3A_380, %dma_start3A_381] : memref<10240x32xf32, #tpu.memory_space<hbm>> -> memref<10240x32xf32, #tpu.memory_space<hbm>>
        %dma_start3A_383 = tpu.memref_slice %arg10[%dma_start3A_374] : memref<5x!tpu.dma_semaphore, #tpu.memory_space<semaphore_mem>> -> memref<1x!tpu.dma_semaphore, #tpu.memory_space<semaphore_mem>>
        %dma_start3A_384 = tpu.memref_squeeze %dma_start3A_383 : memref<1x!tpu.dma_semaphore, #tpu.memory_space<semaphore_mem>> -> memref<!tpu.dma_semaphore, #tpu.memory_space<semaphore_mem>>
        tpu.enqueue_indirect_dma source(%dma_start3A_382 : memref<10240x32xf32, #tpu.memory_space<hbm>>) target(%dma_start3A_378 : memref<80x32xf32, #tpu.memory_space<vmem>>) offsets(%dma_start3A_379 : memref<80xi32, #tpu.memory_space<vmem>>) semaphore(%dma_start3A_384 : memref<!tpu.dma_semaphore, #tpu.memory_space<semaphore_mem>>)
      } else {
      }
    }
    %scan3A_76 = arith.constant 25 : i32
    %barrier3A_77 = arith.constant 0 : index
    tpu.barrier barrier_id(%barrier3A_77)
    %mul3A_78 = arith.constant 624 : i32
    %mul3A_79 = arith.muli %arg1, %mul3A_78 : i32
    "tpu.region"() ({
      %run_scoped3A_85 = tpu.sem_alloc : memref<!tpu.dma_semaphore, #tpu.memory_space<semaphore_mem>>
      %dma_start3A_86 = arith.constant 0 : i32
      %dma_start3A_87 = tpu.memref_slice %arg5[%arg0, %mul3A_79, %dma_start3A_86] : memref<2x10240x32xf32, #tpu.memory_space<hbm>> -> memref<1x624x32xf32, #tpu.memory_space<hbm>>
      %dma_start3A_88 = tpu.memref_squeeze %dma_start3A_87 : memref<1x624x32xf32, #tpu.memory_space<hbm>> -> memref<624x32xf32, #tpu.memory_space<hbm>>
      %dma_start3A_89 = arith.constant 0 : i32
      %dma_start3A_90 = tpu.memref_slice %arg9[%mul3A_79, %dma_start3A_89] : memref<10000x32xf32, #tpu.memory_space<vmem_shared>> -> memref<624x32xf32, #tpu.memory_space<vmem_shared>>
      tpu.enqueue_dma source(%dma_start3A_90 : memref<624x32xf32, #tpu.memory_space<vmem_shared>>) target(%dma_start3A_88 : memref<624x32xf32, #tpu.memory_space<hbm>>) target_semaphore(%run_scoped3A_85 : memref<!tpu.dma_semaphore, #tpu.memory_space<semaphore_mem>>)
      %dma_wait3A = arith.constant 0 : i32
      %dma_wait3A_91 = tpu.memref_slice %arg5[%arg0, %mul3A_79, %dma_wait3A] : memref<2x10240x32xf32, #tpu.memory_space<hbm>> -> memref<1x624x32xf32, #tpu.memory_space<hbm>>
      %dma_wait3A_92 = tpu.memref_squeeze %dma_wait3A_91 : memref<1x624x32xf32, #tpu.memory_space<hbm>> -> memref<624x32xf32, #tpu.memory_space<hbm>>
      %dma_wait3A_93 = arith.constant 0 : i32
      %dma_wait3A_94 = tpu.memref_slice %arg9[%mul3A_79, %dma_wait3A_93] : memref<10000x32xf32, #tpu.memory_space<vmem_shared>> -> memref<624x32xf32, #tpu.memory_space<vmem_shared>>
      tpu.wait_dma2 semaphore(%run_scoped3A_85 : memref<!tpu.dma_semaphore, #tpu.memory_space<semaphore_mem>>) src(%dma_wait3A_94 : memref<624x32xf32, #tpu.memory_space<vmem_shared>>) dst(%dma_wait3A_92 : memref<624x32xf32, #tpu.memory_space<hbm>>)
      tpu.yield
    }) : () -> ()
    %eq3A_80 = arith.constant 15 : i32
    %eq3A_81 = arith.cmpi eq, %arg1, %eq3A_80 : i32
    %convert_element_type3A_82 = arith.extui %eq3A_81 : i1 to i32
    %cond3A_83 = arith.constant 0 : i32
    %cond3A_84 = arith.cmpi ne, %convert_element_type3A_82, %cond3A_83 : i32
    scf.if %cond3A_84 {
      "tpu.region"() ({
        %run_scoped3A_85 = tpu.sem_alloc : memref<!tpu.dma_semaphore, #tpu.memory_space<semaphore_mem>>
        %dma_start3A_86 = arith.constant 9984 : i32
        %dma_start3A_87 = arith.constant 0 : i32
        %dma_start3A_88 = tpu.memref_slice %arg5[%arg0, %dma_start3A_86, %dma_start3A_87] : memref<2x10240x32xf32, #tpu.memory_space<hbm>> -> memref<1x16x32xf32, #tpu.memory_space<hbm>>
        %dma_start3A_89 = tpu.memref_squeeze %dma_start3A_88 : memref<1x16x32xf32, #tpu.memory_space<hbm>> -> memref<16x32xf32, #tpu.memory_space<hbm>>
        %dma_start3A_90 = arith.constant 9984 : i32
        %dma_start3A_91 = arith.constant 0 : i32
        %dma_start3A_92 = tpu.memref_slice %arg9[%dma_start3A_90, %dma_start3A_91] : memref<10000x32xf32, #tpu.memory_space<vmem_shared>> -> memref<16x32xf32, #tpu.memory_space<vmem_shared>>
        tpu.enqueue_dma source(%dma_start3A_92 : memref<16x32xf32, #tpu.memory_space<vmem_shared>>) target(%dma_start3A_89 : memref<16x32xf32, #tpu.memory_space<hbm>>) target_semaphore(%run_scoped3A_85 : memref<!tpu.dma_semaphore, #tpu.memory_space<semaphore_mem>>)
        %dma_wait3A = arith.constant 9984 : i32
        %dma_wait3A_93 = arith.constant 0 : i32
        %dma_wait3A_94 = tpu.memref_slice %arg5[%arg0, %dma_wait3A, %dma_wait3A_93] : memref<2x10240x32xf32, #tpu.memory_space<hbm>> -> memref<1x16x32xf32, #tpu.memory_space<hbm>>
        %dma_wait3A_95 = tpu.memref_squeeze %dma_wait3A_94 : memref<1x16x32xf32, #tpu.memory_space<hbm>> -> memref<16x32xf32, #tpu.memory_space<hbm>>
        %dma_wait3A_96 = arith.constant 9984 : i32
        %dma_wait3A_97 = arith.constant 0 : i32
        %dma_wait3A_98 = tpu.memref_slice %arg9[%dma_wait3A_96, %dma_wait3A_97] : memref<10000x32xf32, #tpu.memory_space<vmem_shared>> -> memref<16x32xf32, #tpu.memory_space<vmem_shared>>
        tpu.wait_dma2 semaphore(%run_scoped3A_85 : memref<!tpu.dma_semaphore, #tpu.memory_space<semaphore_mem>>) src(%dma_wait3A_98 : memref<16x32xf32, #tpu.memory_space<vmem_shared>>) dst(%dma_wait3A_95 : memref<16x32xf32, #tpu.memory_space<hbm>>)
        tpu.yield
      }) : () -> ()
    } else {
    }
    return
  }
}

#map = affine_map<(d0, d1) -> (0, 0)>
#map1 = affine_map<(d0, d1) -> (0, 0, 0)>
module attributes {stable_mosaic.version = 14 : i64} {
  func.func @spmm2(%arg0: i32, %arg1: i32, %arg2: memref<10240x32xf32, #tpu.memory_space<hbm>>, %arg3: memref<10240x32xf32, #tpu.memory_space<hbm>>, %arg4: memref<2x320000xi32, #tpu.memory_space<hbm>>, %arg5: memref<10000x32xf32, #tpu.memory_space<hbm>>, %arg6: memref<10000x32xf32, #tpu.memory_space<hbm>>, %arg7: memref<2x10240x32xf32, #tpu.memory_space<hbm>>, %arg8: memref<2x10240x32xf32, #tpu.memory_space<hbm>>, %arg9: memref<10000xi32, #tpu.memory_space<vmem>>, %arg10: memref<10000xi32, #tpu.memory_space<vmem>>, %arg11: memref<5x80x32xf32, #tpu.memory_space<vmem>>, %arg12: memref<5x80x32xf32, #tpu.memory_space<vmem>>, %arg13: memref<10000x32xf32, #tpu.memory_space<vmem_shared>>, %arg14: memref<10000x32xf32, #tpu.memory_space<vmem_shared>>, %arg15: memref<5x!tpu.dma_semaphore, #tpu.memory_space<semaphore_mem>>, %arg16: memref<5x!tpu.dma_semaphore, #tpu.memory_space<semaphore_mem>>, %arg17: memref<5x!tpu.dma_semaphore, #tpu.memory_space<semaphore_mem>>, %arg18: memref<5x!tpu.dma_semaphore, #tpu.memory_space<semaphore_mem>>) attributes {dimension_semantics = [#tpu.dimension_semantics<core_parallel>, #tpu.dimension_semantics<subcore_parallel>], iteration_bounds = array<i64: 2, 16>, scalar_prefetch = 0 : i64, scratch_operands = 10 : i64, tpu.core_type = #tpu.core_type<sc_vector_subcore>, window_params = [{transform_indices = #map}, {transform_indices = #map}, {transform_indices = #map}, {transform_indices = #map}, {transform_indices = #map}, {transform_indices = #map1}, {transform_indices = #map1}]} {
    %mul3A = arith.constant 2 : i32
    %mul3A_0 = arith.muli %arg1, %mul3A : i32
    %add3A = arith.addi %mul3A_0, %arg0 : i32
    %mul3A_1 = arith.constant 10000 : i32
    %mul3A_2 = arith.muli %add3A, %mul3A_1 : i32
    %run_scoped3A = arith.constant 0 : i32
    "tpu.region"() ({
      %run_scoped3A_164 = tpu.sem_alloc : memref<!tpu.dma_semaphore, #tpu.memory_space<semaphore_mem>>
      %dma_start3A_165 = tpu.memref_slice %arg4[%run_scoped3A, %mul3A_2] : memref<2x320000xi32, #tpu.memory_space<hbm>> -> memref<1x10000xi32, #tpu.memory_space<hbm>>
      %dma_start3A_166 = tpu.memref_squeeze %dma_start3A_165 : memref<1x10000xi32, #tpu.memory_space<hbm>> -> memref<10000xi32, #tpu.memory_space<hbm>>
      %dma_start3A_167 = tpu.memref_slice %arg4[%run_scoped3A, %mul3A_2] : memref<2x320000xi32, #tpu.memory_space<hbm>> -> memref<1x10000xi32, #tpu.memory_space<hbm>>
      %dma_start3A_168 = tpu.memref_squeeze %dma_start3A_167 : memref<1x10000xi32, #tpu.memory_space<hbm>> -> memref<10000xi32, #tpu.memory_space<hbm>>
      tpu.enqueue_dma source(%dma_start3A_168 : memref<10000xi32, #tpu.memory_space<hbm>>) target(%arg9 : memref<10000xi32, #tpu.memory_space<vmem>>) target_semaphore(%run_scoped3A_164 : memref<!tpu.dma_semaphore, #tpu.memory_space<semaphore_mem>>)
      %dma_wait3A = tpu.memref_slice %arg4[%run_scoped3A, %mul3A_2] : memref<2x320000xi32, #tpu.memory_space<hbm>> -> memref<1x10000xi32, #tpu.memory_space<hbm>>
      %dma_wait3A_169 = tpu.memref_squeeze %dma_wait3A : memref<1x10000xi32, #tpu.memory_space<hbm>> -> memref<10000xi32, #tpu.memory_space<hbm>>
      %dma_wait3A_170 = tpu.memref_slice %arg4[%run_scoped3A, %mul3A_2] : memref<2x320000xi32, #tpu.memory_space<hbm>> -> memref<1x10000xi32, #tpu.memory_space<hbm>>
      %dma_wait3A_171 = tpu.memref_squeeze %dma_wait3A_170 : memref<1x10000xi32, #tpu.memory_space<hbm>> -> memref<10000xi32, #tpu.memory_space<hbm>>
      tpu.wait_dma2 semaphore(%run_scoped3A_164 : memref<!tpu.dma_semaphore, #tpu.memory_space<semaphore_mem>>) src(%dma_wait3A_171 : memref<10000xi32, #tpu.memory_space<hbm>>) dst(%arg9 : memref<10000xi32, #tpu.memory_space<vmem>>)
      tpu.yield
    }) : () -> ()
    %run_scoped3A_3 = arith.constant 1 : i32
    "tpu.region"() ({
      %run_scoped3A_164 = tpu.sem_alloc : memref<!tpu.dma_semaphore, #tpu.memory_space<semaphore_mem>>
      %dma_start3A_165 = tpu.memref_slice %arg4[%run_scoped3A_3, %mul3A_2] : memref<2x320000xi32, #tpu.memory_space<hbm>> -> memref<1x10000xi32, #tpu.memory_space<hbm>>
      %dma_start3A_166 = tpu.memref_squeeze %dma_start3A_165 : memref<1x10000xi32, #tpu.memory_space<hbm>> -> memref<10000xi32, #tpu.memory_space<hbm>>
      %dma_start3A_167 = tpu.memref_slice %arg4[%run_scoped3A_3, %mul3A_2] : memref<2x320000xi32, #tpu.memory_space<hbm>> -> memref<1x10000xi32, #tpu.memory_space<hbm>>
      %dma_start3A_168 = tpu.memref_squeeze %dma_start3A_167 : memref<1x10000xi32, #tpu.memory_space<hbm>> -> memref<10000xi32, #tpu.memory_space<hbm>>
      tpu.enqueue_dma source(%dma_start3A_168 : memref<10000xi32, #tpu.memory_space<hbm>>) target(%arg10 : memref<10000xi32, #tpu.memory_space<vmem>>) target_semaphore(%run_scoped3A_164 : memref<!tpu.dma_semaphore, #tpu.memory_space<semaphore_mem>>)
      %dma_wait3A = tpu.memref_slice %arg4[%run_scoped3A_3, %mul3A_2] : memref<2x320000xi32, #tpu.memory_space<hbm>> -> memref<1x10000xi32, #tpu.memory_space<hbm>>
      %dma_wait3A_169 = tpu.memref_squeeze %dma_wait3A : memref<1x10000xi32, #tpu.memory_space<hbm>> -> memref<10000xi32, #tpu.memory_space<hbm>>
      %dma_wait3A_170 = tpu.memref_slice %arg4[%run_scoped3A_3, %mul3A_2] : memref<2x320000xi32, #tpu.memory_space<hbm>> -> memref<1x10000xi32, #tpu.memory_space<hbm>>
      %dma_wait3A_171 = tpu.memref_squeeze %dma_wait3A_170 : memref<1x10000xi32, #tpu.memory_space<hbm>> -> memref<10000xi32, #tpu.memory_space<hbm>>
      tpu.wait_dma2 semaphore(%run_scoped3A_164 : memref<!tpu.dma_semaphore, #tpu.memory_space<semaphore_mem>>) src(%dma_wait3A_171 : memref<10000xi32, #tpu.memory_space<hbm>>) dst(%arg10 : memref<10000xi32, #tpu.memory_space<vmem>>)
      tpu.yield
    }) : () -> ()
    %dma_start3A = arith.constant 0 : i32
    %dma_start3A_4 = arith.constant 0 : i32
    %dma_start3A_5 = arith.constant 0 : i32
    %dma_start3A_6 = arith.constant 0 : i32
    %dma_start3A_7 = tpu.memref_slice %arg11[%dma_start3A, %dma_start3A_5, %dma_start3A_6] : memref<5x80x32xf32, #tpu.memory_space<vmem>> -> memref<1x80x32xf32, #tpu.memory_space<vmem>>
    %dma_start3A_8 = tpu.memref_squeeze %dma_start3A_7 : memref<1x80x32xf32, #tpu.memory_space<vmem>> -> memref<80x32xf32, #tpu.memory_space<vmem>>
    %dma_start3A_9 = arith.constant 0 : i32
    %dma_start3A_10 = tpu.memref_slice %arg9[%dma_start3A_9] : memref<10000xi32, #tpu.memory_space<vmem>> -> memref<80xi32, #tpu.memory_space<vmem>>
    %dma_start3A_11 = arith.constant 0 : i32
    %dma_start3A_12 = arith.constant 0 : i32
    %dma_start3A_13 = tpu.memref_slice %arg2[%dma_start3A_11, %dma_start3A_12] : memref<10240x32xf32, #tpu.memory_space<hbm>> -> memref<10240x32xf32, #tpu.memory_space<hbm>>
    %dma_start3A_14 = tpu.memref_slice %arg15[%dma_start3A_4] : memref<5x!tpu.dma_semaphore, #tpu.memory_space<semaphore_mem>> -> memref<1x!tpu.dma_semaphore, #tpu.memory_space<semaphore_mem>>
    %dma_start3A_15 = tpu.memref_squeeze %dma_start3A_14 : memref<1x!tpu.dma_semaphore, #tpu.memory_space<semaphore_mem>> -> memref<!tpu.dma_semaphore, #tpu.memory_space<semaphore_mem>>
    tpu.enqueue_indirect_dma source(%dma_start3A_13 : memref<10240x32xf32, #tpu.memory_space<hbm>>) target(%dma_start3A_8 : memref<80x32xf32, #tpu.memory_space<vmem>>) offsets(%dma_start3A_10 : memref<80xi32, #tpu.memory_space<vmem>>) semaphore(%dma_start3A_15 : memref<!tpu.dma_semaphore, #tpu.memory_space<semaphore_mem>>)
    %dma_start3A_16 = arith.constant 0 : i32
    %dma_start3A_17 = arith.constant 0 : i32
    %dma_start3A_18 = arith.constant 0 : i32
    %dma_start3A_19 = arith.constant 0 : i32
    %dma_start3A_20 = tpu.memref_slice %arg12[%dma_start3A_16, %dma_start3A_18, %dma_start3A_19] : memref<5x80x32xf32, #tpu.memory_space<vmem>> -> memref<1x80x32xf32, #tpu.memory_space<vmem>>
    %dma_start3A_21 = tpu.memref_squeeze %dma_start3A_20 : memref<1x80x32xf32, #tpu.memory_space<vmem>> -> memref<80x32xf32, #tpu.memory_space<vmem>>
    %dma_start3A_22 = arith.constant 0 : i32
    %dma_start3A_23 = tpu.memref_slice %arg9[%dma_start3A_22] : memref<10000xi32, #tpu.memory_space<vmem>> -> memref<80xi32, #tpu.memory_space<vmem>>
    %dma_start3A_24 = arith.constant 0 : i32
    %dma_start3A_25 = arith.constant 0 : i32
    %dma_start3A_26 = tpu.memref_slice %arg3[%dma_start3A_24, %dma_start3A_25] : memref<10240x32xf32, #tpu.memory_space<hbm>> -> memref<10240x32xf32, #tpu.memory_space<hbm>>
    %dma_start3A_27 = tpu.memref_slice %arg16[%dma_start3A_17] : memref<5x!tpu.dma_semaphore, #tpu.memory_space<semaphore_mem>> -> memref<1x!tpu.dma_semaphore, #tpu.memory_space<semaphore_mem>>
    %dma_start3A_28 = tpu.memref_squeeze %dma_start3A_27 : memref<1x!tpu.dma_semaphore, #tpu.memory_space<semaphore_mem>> -> memref<!tpu.dma_semaphore, #tpu.memory_space<semaphore_mem>>
    tpu.enqueue_indirect_dma source(%dma_start3A_26 : memref<10240x32xf32, #tpu.memory_space<hbm>>) target(%dma_start3A_21 : memref<80x32xf32, #tpu.memory_space<vmem>>) offsets(%dma_start3A_23 : memref<80xi32, #tpu.memory_space<vmem>>) semaphore(%dma_start3A_28 : memref<!tpu.dma_semaphore, #tpu.memory_space<semaphore_mem>>)
    %dma_start3A_29 = arith.constant 1 : i32
    %dma_start3A_30 = arith.constant 1 : i32
    %dma_start3A_31 = arith.constant 0 : i32
    %dma_start3A_32 = arith.constant 0 : i32
    %dma_start3A_33 = tpu.memref_slice %arg11[%dma_start3A_29, %dma_start3A_31, %dma_start3A_32] : memref<5x80x32xf32, #tpu.memory_space<vmem>> -> memref<1x80x32xf32, #tpu.memory_space<vmem>>
    %dma_start3A_34 = tpu.memref_squeeze %dma_start3A_33 : memref<1x80x32xf32, #tpu.memory_space<vmem>> -> memref<80x32xf32, #tpu.memory_space<vmem>>
    %dma_start3A_35 = arith.constant 80 : i32
    %dma_start3A_36 = tpu.memref_slice %arg9[%dma_start3A_35] : memref<10000xi32, #tpu.memory_space<vmem>> -> memref<80xi32, #tpu.memory_space<vmem>>
    %dma_start3A_37 = arith.constant 0 : i32
    %dma_start3A_38 = arith.constant 0 : i32
    %dma_start3A_39 = tpu.memref_slice %arg2[%dma_start3A_37, %dma_start3A_38] : memref<10240x32xf32, #tpu.memory_space<hbm>> -> memref<10240x32xf32, #tpu.memory_space<hbm>>
    %dma_start3A_40 = tpu.memref_slice %arg15[%dma_start3A_30] : memref<5x!tpu.dma_semaphore, #tpu.memory_space<semaphore_mem>> -> memref<1x!tpu.dma_semaphore, #tpu.memory_space<semaphore_mem>>
    %dma_start3A_41 = tpu.memref_squeeze %dma_start3A_40 : memref<1x!tpu.dma_semaphore, #tpu.memory_space<semaphore_mem>> -> memref<!tpu.dma_semaphore, #tpu.memory_space<semaphore_mem>>
    tpu.enqueue_indirect_dma source(%dma_start3A_39 : memref<10240x32xf32, #tpu.memory_space<hbm>>) target(%dma_start3A_34 : memref<80x32xf32, #tpu.memory_space<vmem>>) offsets(%dma_start3A_36 : memref<80xi32, #tpu.memory_space<vmem>>) semaphore(%dma_start3A_41 : memref<!tpu.dma_semaphore, #tpu.memory_space<semaphore_mem>>)
    %dma_start3A_42 = arith.constant 1 : i32
    %dma_start3A_43 = arith.constant 1 : i32
    %dma_start3A_44 = arith.constant 0 : i32
    %dma_start3A_45 = arith.constant 0 : i32
    %dma_start3A_46 = tpu.memref_slice %arg12[%dma_start3A_42, %dma_start3A_44, %dma_start3A_45] : memref<5x80x32xf32, #tpu.memory_space<vmem>> -> memref<1x80x32xf32, #tpu.memory_space<vmem>>
    %dma_start3A_47 = tpu.memref_squeeze %dma_start3A_46 : memref<1x80x32xf32, #tpu.memory_space<vmem>> -> memref<80x32xf32, #tpu.memory_space<vmem>>
    %dma_start3A_48 = arith.constant 80 : i32
    %dma_start3A_49 = tpu.memref_slice %arg9[%dma_start3A_48] : memref<10000xi32, #tpu.memory_space<vmem>> -> memref<80xi32, #tpu.memory_space<vmem>>
    %dma_start3A_50 = arith.constant 0 : i32
    %dma_start3A_51 = arith.constant 0 : i32
    %dma_start3A_52 = tpu.memref_slice %arg3[%dma_start3A_50, %dma_start3A_51] : memref<10240x32xf32, #tpu.memory_space<hbm>> -> memref<10240x32xf32, #tpu.memory_space<hbm>>
    %dma_start3A_53 = tpu.memref_slice %arg16[%dma_start3A_43] : memref<5x!tpu.dma_semaphore, #tpu.memory_space<semaphore_mem>> -> memref<1x!tpu.dma_semaphore, #tpu.memory_space<semaphore_mem>>
    %dma_start3A_54 = tpu.memref_squeeze %dma_start3A_53 : memref<1x!tpu.dma_semaphore, #tpu.memory_space<semaphore_mem>> -> memref<!tpu.dma_semaphore, #tpu.memory_space<semaphore_mem>>
    tpu.enqueue_indirect_dma source(%dma_start3A_52 : memref<10240x32xf32, #tpu.memory_space<hbm>>) target(%dma_start3A_47 : memref<80x32xf32, #tpu.memory_space<vmem>>) offsets(%dma_start3A_49 : memref<80xi32, #tpu.memory_space<vmem>>) semaphore(%dma_start3A_54 : memref<!tpu.dma_semaphore, #tpu.memory_space<semaphore_mem>>)
    %dma_start3A_55 = arith.constant 2 : i32
    %dma_start3A_56 = arith.constant 2 : i32
    %dma_start3A_57 = arith.constant 0 : i32
    %dma_start3A_58 = arith.constant 0 : i32
    %dma_start3A_59 = tpu.memref_slice %arg11[%dma_start3A_55, %dma_start3A_57, %dma_start3A_58] : memref<5x80x32xf32, #tpu.memory_space<vmem>> -> memref<1x80x32xf32, #tpu.memory_space<vmem>>
    %dma_start3A_60 = tpu.memref_squeeze %dma_start3A_59 : memref<1x80x32xf32, #tpu.memory_space<vmem>> -> memref<80x32xf32, #tpu.memory_space<vmem>>
    %dma_start3A_61 = arith.constant 160 : i32
    %dma_start3A_62 = tpu.memref_slice %arg9[%dma_start3A_61] : memref<10000xi32, #tpu.memory_space<vmem>> -> memref<80xi32, #tpu.memory_space<vmem>>
    %dma_start3A_63 = arith.constant 0 : i32
    %dma_start3A_64 = arith.constant 0 : i32
    %dma_start3A_65 = tpu.memref_slice %arg2[%dma_start3A_63, %dma_start3A_64] : memref<10240x32xf32, #tpu.memory_space<hbm>> -> memref<10240x32xf32, #tpu.memory_space<hbm>>
    %dma_start3A_66 = tpu.memref_slice %arg15[%dma_start3A_56] : memref<5x!tpu.dma_semaphore, #tpu.memory_space<semaphore_mem>> -> memref<1x!tpu.dma_semaphore, #tpu.memory_space<semaphore_mem>>
    %dma_start3A_67 = tpu.memref_squeeze %dma_start3A_66 : memref<1x!tpu.dma_semaphore, #tpu.memory_space<semaphore_mem>> -> memref<!tpu.dma_semaphore, #tpu.memory_space<semaphore_mem>>
    tpu.enqueue_indirect_dma source(%dma_start3A_65 : memref<10240x32xf32, #tpu.memory_space<hbm>>) target(%dma_start3A_60 : memref<80x32xf32, #tpu.memory_space<vmem>>) offsets(%dma_start3A_62 : memref<80xi32, #tpu.memory_space<vmem>>) semaphore(%dma_start3A_67 : memref<!tpu.dma_semaphore, #tpu.memory_space<semaphore_mem>>)
    %dma_start3A_68 = arith.constant 2 : i32
    %dma_start3A_69 = arith.constant 2 : i32
    %dma_start3A_70 = arith.constant 0 : i32
    %dma_start3A_71 = arith.constant 0 : i32
    %dma_start3A_72 = tpu.memref_slice %arg12[%dma_start3A_68, %dma_start3A_70, %dma_start3A_71] : memref<5x80x32xf32, #tpu.memory_space<vmem>> -> memref<1x80x32xf32, #tpu.memory_space<vmem>>
    %dma_start3A_73 = tpu.memref_squeeze %dma_start3A_72 : memref<1x80x32xf32, #tpu.memory_space<vmem>> -> memref<80x32xf32, #tpu.memory_space<vmem>>
    %dma_start3A_74 = arith.constant 160 : i32
    %dma_start3A_75 = tpu.memref_slice %arg9[%dma_start3A_74] : memref<10000xi32, #tpu.memory_space<vmem>> -> memref<80xi32, #tpu.memory_space<vmem>>
    %dma_start3A_76 = arith.constant 0 : i32
    %dma_start3A_77 = arith.constant 0 : i32
    %dma_start3A_78 = tpu.memref_slice %arg3[%dma_start3A_76, %dma_start3A_77] : memref<10240x32xf32, #tpu.memory_space<hbm>> -> memref<10240x32xf32, #tpu.memory_space<hbm>>
    %dma_start3A_79 = tpu.memref_slice %arg16[%dma_start3A_69] : memref<5x!tpu.dma_semaphore, #tpu.memory_space<semaphore_mem>> -> memref<1x!tpu.dma_semaphore, #tpu.memory_space<semaphore_mem>>
    %dma_start3A_80 = tpu.memref_squeeze %dma_start3A_79 : memref<1x!tpu.dma_semaphore, #tpu.memory_space<semaphore_mem>> -> memref<!tpu.dma_semaphore, #tpu.memory_space<semaphore_mem>>
    tpu.enqueue_indirect_dma source(%dma_start3A_78 : memref<10240x32xf32, #tpu.memory_space<hbm>>) target(%dma_start3A_73 : memref<80x32xf32, #tpu.memory_space<vmem>>) offsets(%dma_start3A_75 : memref<80xi32, #tpu.memory_space<vmem>>) semaphore(%dma_start3A_80 : memref<!tpu.dma_semaphore, #tpu.memory_space<semaphore_mem>>)
    %dma_start3A_81 = arith.constant 3 : i32
    %dma_start3A_82 = arith.constant 3 : i32
    %dma_start3A_83 = arith.constant 0 : i32
    %dma_start3A_84 = arith.constant 0 : i32
    %dma_start3A_85 = tpu.memref_slice %arg11[%dma_start3A_81, %dma_start3A_83, %dma_start3A_84] : memref<5x80x32xf32, #tpu.memory_space<vmem>> -> memref<1x80x32xf32, #tpu.memory_space<vmem>>
    %dma_start3A_86 = tpu.memref_squeeze %dma_start3A_85 : memref<1x80x32xf32, #tpu.memory_space<vmem>> -> memref<80x32xf32, #tpu.memory_space<vmem>>
    %dma_start3A_87 = arith.constant 240 : i32
    %dma_start3A_88 = tpu.memref_slice %arg9[%dma_start3A_87] : memref<10000xi32, #tpu.memory_space<vmem>> -> memref<80xi32, #tpu.memory_space<vmem>>
    %dma_start3A_89 = arith.constant 0 : i32
    %dma_start3A_90 = arith.constant 0 : i32
    %dma_start3A_91 = tpu.memref_slice %arg2[%dma_start3A_89, %dma_start3A_90] : memref<10240x32xf32, #tpu.memory_space<hbm>> -> memref<10240x32xf32, #tpu.memory_space<hbm>>
    %dma_start3A_92 = tpu.memref_slice %arg15[%dma_start3A_82] : memref<5x!tpu.dma_semaphore, #tpu.memory_space<semaphore_mem>> -> memref<1x!tpu.dma_semaphore, #tpu.memory_space<semaphore_mem>>
    %dma_start3A_93 = tpu.memref_squeeze %dma_start3A_92 : memref<1x!tpu.dma_semaphore, #tpu.memory_space<semaphore_mem>> -> memref<!tpu.dma_semaphore, #tpu.memory_space<semaphore_mem>>
    tpu.enqueue_indirect_dma source(%dma_start3A_91 : memref<10240x32xf32, #tpu.memory_space<hbm>>) target(%dma_start3A_86 : memref<80x32xf32, #tpu.memory_space<vmem>>) offsets(%dma_start3A_88 : memref<80xi32, #tpu.memory_space<vmem>>) semaphore(%dma_start3A_93 : memref<!tpu.dma_semaphore, #tpu.memory_space<semaphore_mem>>)
    %dma_start3A_94 = arith.constant 3 : i32
    %dma_start3A_95 = arith.constant 3 : i32
    %dma_start3A_96 = arith.constant 0 : i32
    %dma_start3A_97 = arith.constant 0 : i32
    %dma_start3A_98 = tpu.memref_slice %arg12[%dma_start3A_94, %dma_start3A_96, %dma_start3A_97] : memref<5x80x32xf32, #tpu.memory_space<vmem>> -> memref<1x80x32xf32, #tpu.memory_space<vmem>>
    %dma_start3A_99 = tpu.memref_squeeze %dma_start3A_98 : memref<1x80x32xf32, #tpu.memory_space<vmem>> -> memref<80x32xf32, #tpu.memory_space<vmem>>
    %dma_start3A_100 = arith.constant 240 : i32
    %dma_start3A_101 = tpu.memref_slice %arg9[%dma_start3A_100] : memref<10000xi32, #tpu.memory_space<vmem>> -> memref<80xi32, #tpu.memory_space<vmem>>
    %dma_start3A_102 = arith.constant 0 : i32
    %dma_start3A_103 = arith.constant 0 : i32
    %dma_start3A_104 = tpu.memref_slice %arg3[%dma_start3A_102, %dma_start3A_103] : memref<10240x32xf32, #tpu.memory_space<hbm>> -> memref<10240x32xf32, #tpu.memory_space<hbm>>
    %dma_start3A_105 = tpu.memref_slice %arg16[%dma_start3A_95] : memref<5x!tpu.dma_semaphore, #tpu.memory_space<semaphore_mem>> -> memref<1x!tpu.dma_semaphore, #tpu.memory_space<semaphore_mem>>
    %dma_start3A_106 = tpu.memref_squeeze %dma_start3A_105 : memref<1x!tpu.dma_semaphore, #tpu.memory_space<semaphore_mem>> -> memref<!tpu.dma_semaphore, #tpu.memory_space<semaphore_mem>>
    tpu.enqueue_indirect_dma source(%dma_start3A_104 : memref<10240x32xf32, #tpu.memory_space<hbm>>) target(%dma_start3A_99 : memref<80x32xf32, #tpu.memory_space<vmem>>) offsets(%dma_start3A_101 : memref<80xi32, #tpu.memory_space<vmem>>) semaphore(%dma_start3A_106 : memref<!tpu.dma_semaphore, #tpu.memory_space<semaphore_mem>>)
    %dma_start3A_107 = arith.constant 4 : i32
    %dma_start3A_108 = arith.constant 4 : i32
    %dma_start3A_109 = arith.constant 0 : i32
    %dma_start3A_110 = arith.constant 0 : i32
    %dma_start3A_111 = tpu.memref_slice %arg11[%dma_start3A_107, %dma_start3A_109, %dma_start3A_110] : memref<5x80x32xf32, #tpu.memory_space<vmem>> -> memref<1x80x32xf32, #tpu.memory_space<vmem>>
    %dma_start3A_112 = tpu.memref_squeeze %dma_start3A_111 : memref<1x80x32xf32, #tpu.memory_space<vmem>> -> memref<80x32xf32, #tpu.memory_space<vmem>>
    %dma_start3A_113 = arith.constant 320 : i32
    %dma_start3A_114 = tpu.memref_slice %arg9[%dma_start3A_113] : memref<10000xi32, #tpu.memory_space<vmem>> -> memref<80xi32, #tpu.memory_space<vmem>>
    %dma_start3A_115 = arith.constant 0 : i32
    %dma_start3A_116 = arith.constant 0 : i32
    %dma_start3A_117 = tpu.memref_slice %arg2[%dma_start3A_115, %dma_start3A_116] : memref<10240x32xf32, #tpu.memory_space<hbm>> -> memref<10240x32xf32, #tpu.memory_space<hbm>>
    %dma_start3A_118 = tpu.memref_slice %arg15[%dma_start3A_108] : memref<5x!tpu.dma_semaphore, #tpu.memory_space<semaphore_mem>> -> memref<1x!tpu.dma_semaphore, #tpu.memory_space<semaphore_mem>>
    %dma_start3A_119 = tpu.memref_squeeze %dma_start3A_118 : memref<1x!tpu.dma_semaphore, #tpu.memory_space<semaphore_mem>> -> memref<!tpu.dma_semaphore, #tpu.memory_space<semaphore_mem>>
    tpu.enqueue_indirect_dma source(%dma_start3A_117 : memref<10240x32xf32, #tpu.memory_space<hbm>>) target(%dma_start3A_112 : memref<80x32xf32, #tpu.memory_space<vmem>>) offsets(%dma_start3A_114 : memref<80xi32, #tpu.memory_space<vmem>>) semaphore(%dma_start3A_119 : memref<!tpu.dma_semaphore, #tpu.memory_space<semaphore_mem>>)
    %dma_start3A_120 = arith.constant 4 : i32
    %dma_start3A_121 = arith.constant 4 : i32
    %dma_start3A_122 = arith.constant 0 : i32
    %dma_start3A_123 = arith.constant 0 : i32
    %dma_start3A_124 = tpu.memref_slice %arg12[%dma_start3A_120, %dma_start3A_122, %dma_start3A_123] : memref<5x80x32xf32, #tpu.memory_space<vmem>> -> memref<1x80x32xf32, #tpu.memory_space<vmem>>
    %dma_start3A_125 = tpu.memref_squeeze %dma_start3A_124 : memref<1x80x32xf32, #tpu.memory_space<vmem>> -> memref<80x32xf32, #tpu.memory_space<vmem>>
    %dma_start3A_126 = arith.constant 320 : i32
    %dma_start3A_127 = tpu.memref_slice %arg9[%dma_start3A_126] : memref<10000xi32, #tpu.memory_space<vmem>> -> memref<80xi32, #tpu.memory_space<vmem>>
    %dma_start3A_128 = arith.constant 0 : i32
    %dma_start3A_129 = arith.constant 0 : i32
    %dma_start3A_130 = tpu.memref_slice %arg3[%dma_start3A_128, %dma_start3A_129] : memref<10240x32xf32, #tpu.memory_space<hbm>> -> memref<10240x32xf32, #tpu.memory_space<hbm>>
    %dma_start3A_131 = tpu.memref_slice %arg16[%dma_start3A_121] : memref<5x!tpu.dma_semaphore, #tpu.memory_space<semaphore_mem>> -> memref<1x!tpu.dma_semaphore, #tpu.memory_space<semaphore_mem>>
    %dma_start3A_132 = tpu.memref_squeeze %dma_start3A_131 : memref<1x!tpu.dma_semaphore, #tpu.memory_space<semaphore_mem>> -> memref<!tpu.dma_semaphore, #tpu.memory_space<semaphore_mem>>
    tpu.enqueue_indirect_dma source(%dma_start3A_130 : memref<10240x32xf32, #tpu.memory_space<hbm>>) target(%dma_start3A_125 : memref<80x32xf32, #tpu.memory_space<vmem>>) offsets(%dma_start3A_127 : memref<80xi32, #tpu.memory_space<vmem>>) semaphore(%dma_start3A_132 : memref<!tpu.dma_semaphore, #tpu.memory_space<semaphore_mem>>)
    %mul3A_133 = arith.constant 624 : i32
    %mul3A_134 = arith.muli %arg1, %mul3A_133 : i32
    "tpu.region"() ({
      %run_scoped3A_164 = tpu.sem_alloc : memref<!tpu.dma_semaphore, #tpu.memory_space<semaphore_mem>>
      %dma_start3A_165 = arith.constant 0 : i32
      %dma_start3A_166 = tpu.memref_slice %arg13[%mul3A_134, %dma_start3A_165] : memref<10000x32xf32, #tpu.memory_space<vmem_shared>> -> memref<624x32xf32, #tpu.memory_space<vmem_shared>>
      %dma_start3A_167 = arith.constant 0 : i32
      %dma_start3A_168 = tpu.memref_slice %arg5[%mul3A_134, %dma_start3A_167] : memref<10000x32xf32, #tpu.memory_space<hbm>> -> memref<624x32xf32, #tpu.memory_space<hbm>>
      tpu.enqueue_dma source(%dma_start3A_168 : memref<624x32xf32, #tpu.memory_space<hbm>>) target(%dma_start3A_166 : memref<624x32xf32, #tpu.memory_space<vmem_shared>>) target_semaphore(%run_scoped3A_164 : memref<!tpu.dma_semaphore, #tpu.memory_space<semaphore_mem>>)
      %dma_wait3A = arith.constant 0 : i32
      %dma_wait3A_169 = tpu.memref_slice %arg13[%mul3A_134, %dma_wait3A] : memref<10000x32xf32, #tpu.memory_space<vmem_shared>> -> memref<624x32xf32, #tpu.memory_space<vmem_shared>>
      %dma_wait3A_170 = arith.constant 0 : i32
      %dma_wait3A_171 = tpu.memref_slice %arg5[%mul3A_134, %dma_wait3A_170] : memref<10000x32xf32, #tpu.memory_space<hbm>> -> memref<624x32xf32, #tpu.memory_space<hbm>>
      tpu.wait_dma2 semaphore(%run_scoped3A_164 : memref<!tpu.dma_semaphore, #tpu.memory_space<semaphore_mem>>) src(%dma_wait3A_171 : memref<624x32xf32, #tpu.memory_space<hbm>>) dst(%dma_wait3A_169 : memref<624x32xf32, #tpu.memory_space<vmem_shared>>)
      tpu.yield
    }) : () -> ()
    %eq3A = arith.constant 15 : i32
    %eq3A_135 = arith.cmpi eq, %arg1, %eq3A : i32
    %convert_element_type3A = arith.extui %eq3A_135 : i1 to i32
    %cond3A = arith.constant 0 : i32
    %cond3A_136 = arith.cmpi ne, %convert_element_type3A, %cond3A : i32
    scf.if %cond3A_136 {
      "tpu.region"() ({
        %run_scoped3A_164 = tpu.sem_alloc : memref<!tpu.dma_semaphore, #tpu.memory_space<semaphore_mem>>
        %dma_start3A_165 = arith.constant 9984 : i32
        %dma_start3A_166 = arith.constant 0 : i32
        %dma_start3A_167 = tpu.memref_slice %arg13[%dma_start3A_165, %dma_start3A_166] : memref<10000x32xf32, #tpu.memory_space<vmem_shared>> -> memref<16x32xf32, #tpu.memory_space<vmem_shared>>
        %dma_start3A_168 = arith.constant 9984 : i32
        %dma_start3A_169 = arith.constant 0 : i32
        %dma_start3A_170 = tpu.memref_slice %arg5[%dma_start3A_168, %dma_start3A_169] : memref<10000x32xf32, #tpu.memory_space<hbm>> -> memref<16x32xf32, #tpu.memory_space<hbm>>
        tpu.enqueue_dma source(%dma_start3A_170 : memref<16x32xf32, #tpu.memory_space<hbm>>) target(%dma_start3A_167 : memref<16x32xf32, #tpu.memory_space<vmem_shared>>) target_semaphore(%run_scoped3A_164 : memref<!tpu.dma_semaphore, #tpu.memory_space<semaphore_mem>>)
        %dma_wait3A = arith.constant 9984 : i32
        %dma_wait3A_171 = arith.constant 0 : i32
        %dma_wait3A_172 = tpu.memref_slice %arg13[%dma_wait3A, %dma_wait3A_171] : memref<10000x32xf32, #tpu.memory_space<vmem_shared>> -> memref<16x32xf32, #tpu.memory_space<vmem_shared>>
        %dma_wait3A_173 = arith.constant 9984 : i32
        %dma_wait3A_174 = arith.constant 0 : i32
        %dma_wait3A_175 = tpu.memref_slice %arg5[%dma_wait3A_173, %dma_wait3A_174] : memref<10000x32xf32, #tpu.memory_space<hbm>> -> memref<16x32xf32, #tpu.memory_space<hbm>>
        tpu.wait_dma2 semaphore(%run_scoped3A_164 : memref<!tpu.dma_semaphore, #tpu.memory_space<semaphore_mem>>) src(%dma_wait3A_175 : memref<16x32xf32, #tpu.memory_space<hbm>>) dst(%dma_wait3A_172 : memref<16x32xf32, #tpu.memory_space<vmem_shared>>)
        tpu.yield
      }) : () -> ()
    } else {
    }
    %mul3A_137 = arith.constant 624 : i32
    %mul3A_138 = arith.muli %arg1, %mul3A_137 : i32
    "tpu.region"() ({
      %run_scoped3A_164 = tpu.sem_alloc : memref<!tpu.dma_semaphore, #tpu.memory_space<semaphore_mem>>
      %dma_start3A_165 = arith.constant 0 : i32
      %dma_start3A_166 = tpu.memref_slice %arg14[%mul3A_138, %dma_start3A_165] : memref<10000x32xf32, #tpu.memory_space<vmem_shared>> -> memref<624x32xf32, #tpu.memory_space<vmem_shared>>
      %dma_start3A_167 = arith.constant 0 : i32
      %dma_start3A_168 = tpu.memref_slice %arg6[%mul3A_138, %dma_start3A_167] : memref<10000x32xf32, #tpu.memory_space<hbm>> -> memref<624x32xf32, #tpu.memory_space<hbm>>
      tpu.enqueue_dma source(%dma_start3A_168 : memref<624x32xf32, #tpu.memory_space<hbm>>) target(%dma_start3A_166 : memref<624x32xf32, #tpu.memory_space<vmem_shared>>) target_semaphore(%run_scoped3A_164 : memref<!tpu.dma_semaphore, #tpu.memory_space<semaphore_mem>>)
      %dma_wait3A = arith.constant 0 : i32
      %dma_wait3A_169 = tpu.memref_slice %arg14[%mul3A_138, %dma_wait3A] : memref<10000x32xf32, #tpu.memory_space<vmem_shared>> -> memref<624x32xf32, #tpu.memory_space<vmem_shared>>
      %dma_wait3A_170 = arith.constant 0 : i32
      %dma_wait3A_171 = tpu.memref_slice %arg6[%mul3A_138, %dma_wait3A_170] : memref<10000x32xf32, #tpu.memory_space<hbm>> -> memref<624x32xf32, #tpu.memory_space<hbm>>
      tpu.wait_dma2 semaphore(%run_scoped3A_164 : memref<!tpu.dma_semaphore, #tpu.memory_space<semaphore_mem>>) src(%dma_wait3A_171 : memref<624x32xf32, #tpu.memory_space<hbm>>) dst(%dma_wait3A_169 : memref<624x32xf32, #tpu.memory_space<vmem_shared>>)
      tpu.yield
    }) : () -> ()
    %eq3A_139 = arith.constant 15 : i32
    %eq3A_140 = arith.cmpi eq, %arg1, %eq3A_139 : i32
    %convert_element_type3A_141 = arith.extui %eq3A_140 : i1 to i32
    %cond3A_142 = arith.constant 0 : i32
    %cond3A_143 = arith.cmpi ne, %convert_element_type3A_141, %cond3A_142 : i32
    scf.if %cond3A_143 {
      "tpu.region"() ({
        %run_scoped3A_164 = tpu.sem_alloc : memref<!tpu.dma_semaphore, #tpu.memory_space<semaphore_mem>>
        %dma_start3A_165 = arith.constant 9984 : i32
        %dma_start3A_166 = arith.constant 0 : i32
        %dma_start3A_167 = tpu.memref_slice %arg14[%dma_start3A_165, %dma_start3A_166] : memref<10000x32xf32, #tpu.memory_space<vmem_shared>> -> memref<16x32xf32, #tpu.memory_space<vmem_shared>>
        %dma_start3A_168 = arith.constant 9984 : i32
        %dma_start3A_169 = arith.constant 0 : i32
        %dma_start3A_170 = tpu.memref_slice %arg6[%dma_start3A_168, %dma_start3A_169] : memref<10000x32xf32, #tpu.memory_space<hbm>> -> memref<16x32xf32, #tpu.memory_space<hbm>>
        tpu.enqueue_dma source(%dma_start3A_170 : memref<16x32xf32, #tpu.memory_space<hbm>>) target(%dma_start3A_167 : memref<16x32xf32, #tpu.memory_space<vmem_shared>>) target_semaphore(%run_scoped3A_164 : memref<!tpu.dma_semaphore, #tpu.memory_space<semaphore_mem>>)
        %dma_wait3A = arith.constant 9984 : i32
        %dma_wait3A_171 = arith.constant 0 : i32
        %dma_wait3A_172 = tpu.memref_slice %arg14[%dma_wait3A, %dma_wait3A_171] : memref<10000x32xf32, #tpu.memory_space<vmem_shared>> -> memref<16x32xf32, #tpu.memory_space<vmem_shared>>
        %dma_wait3A_173 = arith.constant 9984 : i32
        %dma_wait3A_174 = arith.constant 0 : i32
        %dma_wait3A_175 = tpu.memref_slice %arg6[%dma_wait3A_173, %dma_wait3A_174] : memref<10000x32xf32, #tpu.memory_space<hbm>> -> memref<16x32xf32, #tpu.memory_space<hbm>>
        tpu.wait_dma2 semaphore(%run_scoped3A_164 : memref<!tpu.dma_semaphore, #tpu.memory_space<semaphore_mem>>) src(%dma_wait3A_175 : memref<16x32xf32, #tpu.memory_space<hbm>>) dst(%dma_wait3A_172 : memref<16x32xf32, #tpu.memory_space<vmem_shared>>)
        tpu.yield
      }) : () -> ()
    } else {
    }
    %barrier3A = arith.constant 0 : index
    tpu.barrier barrier_id(%barrier3A)
    %scan3A = arith.constant 0 : i32
    %scan3A_144 = arith.constant 0 : i32
    %scan3A_145 = arith.constant 25 : i32
    %scan3A_146 = arith.addi %scan3A_144, %scan3A_145 : i32
    %scan3A_147 = arith.constant 1 : i32
    scf.for %scan3A_164 = %scan3A_144 to %scan3A_146 step %scan3A_147  : i32 {
      %mul3A_165 = arith.constant 5 : i32
      %mul3A_166 = arith.muli %scan3A_164, %mul3A_165 : i32
      %add3A_167 = arith.constant 0 : i32
      %add3A_168 = arith.addi %mul3A_166, %add3A_167 : i32
      %mul3A_169 = arith.constant 80 : i32
      %mul3A_170 = arith.muli %add3A_168, %mul3A_169 : i32
      %dma_wait3A = arith.constant 0 : i32
      %dma_wait3A_171 = arith.constant 0 : i32
      %dma_wait3A_172 = arith.constant 0 : i32
      %dma_wait3A_173 = arith.constant 0 : i32
      %dma_wait3A_174 = tpu.memref_slice %arg11[%dma_wait3A, %dma_wait3A_172, %dma_wait3A_173] : memref<5x80x32xf32, #tpu.memory_space<vmem>> -> memref<1x80x32xf32, #tpu.memory_space<vmem>>
      %dma_wait3A_175 = tpu.memref_squeeze %dma_wait3A_174 : memref<1x80x32xf32, #tpu.memory_space<vmem>> -> memref<80x32xf32, #tpu.memory_space<vmem>>
      %dma_wait3A_176 = tpu.memref_slice %arg9[%mul3A_170] : memref<10000xi32, #tpu.memory_space<vmem>> -> memref<80xi32, #tpu.memory_space<vmem>>
      %dma_wait3A_177 = arith.constant 0 : i32
      %dma_wait3A_178 = arith.constant 0 : i32
      %dma_wait3A_179 = tpu.memref_slice %arg2[%dma_wait3A_177, %dma_wait3A_178] : memref<10240x32xf32, #tpu.memory_space<hbm>> -> memref<10240x32xf32, #tpu.memory_space<hbm>>
      %dma_wait3A_180 = tpu.memref_slice %arg15[%dma_wait3A_171] : memref<5x!tpu.dma_semaphore, #tpu.memory_space<semaphore_mem>> -> memref<1x!tpu.dma_semaphore, #tpu.memory_space<semaphore_mem>>
      %dma_wait3A_181 = tpu.memref_squeeze %dma_wait3A_180 : memref<1x!tpu.dma_semaphore, #tpu.memory_space<semaphore_mem>> -> memref<!tpu.dma_semaphore, #tpu.memory_space<semaphore_mem>>
      tpu.wait_indirect_dma semaphore(%dma_wait3A_181 : memref<!tpu.dma_semaphore, #tpu.memory_space<semaphore_mem>>) src(%dma_wait3A_179 : memref<10240x32xf32, #tpu.memory_space<hbm>>) dst(%dma_wait3A_175 : memref<80x32xf32, #tpu.memory_space<vmem>>)
      %mul3A_182 = arith.constant 80 : i32
      %mul3A_183 = arith.muli %add3A_168, %mul3A_182 : i32
      %dma_start3A_184 = arith.constant 0 : i32
      %dma_start3A_185 = arith.constant 0 : i32
      %dma_start3A_186 = arith.constant 0 : i32
      %dma_start3A_187 = arith.constant 0 : i32
      %dma_start3A_188 = tpu.memref_slice %arg11[%dma_start3A_184, %dma_start3A_186, %dma_start3A_187] : memref<5x80x32xf32, #tpu.memory_space<vmem>> -> memref<1x80x32xf32, #tpu.memory_space<vmem>>
      %dma_start3A_189 = tpu.memref_squeeze %dma_start3A_188 : memref<1x80x32xf32, #tpu.memory_space<vmem>> -> memref<80x32xf32, #tpu.memory_space<vmem>>
      %dma_start3A_190 = tpu.memref_slice %arg10[%mul3A_183] : memref<10000xi32, #tpu.memory_space<vmem>> -> memref<80xi32, #tpu.memory_space<vmem>>
      %dma_start3A_191 = arith.constant 0 : i32
      %dma_start3A_192 = arith.constant 0 : i32
      %dma_start3A_193 = tpu.memref_slice %arg13[%dma_start3A_191, %dma_start3A_192] : memref<10000x32xf32, #tpu.memory_space<vmem_shared>> -> memref<10000x32xf32, #tpu.memory_space<vmem_shared>>
      %dma_start3A_194 = tpu.memref_slice %arg17[%dma_start3A_185] : memref<5x!tpu.dma_semaphore, #tpu.memory_space<semaphore_mem>> -> memref<1x!tpu.dma_semaphore, #tpu.memory_space<semaphore_mem>>
      %dma_start3A_195 = tpu.memref_squeeze %dma_start3A_194 : memref<1x!tpu.dma_semaphore, #tpu.memory_space<semaphore_mem>> -> memref<!tpu.dma_semaphore, #tpu.memory_space<semaphore_mem>>
      tpu.enqueue_indirect_dma source(%dma_start3A_189 : memref<80x32xf32, #tpu.memory_space<vmem>>) target(%dma_start3A_193 : memref<10000x32xf32, #tpu.memory_space<vmem_shared>>) offsets(%dma_start3A_190 : memref<80xi32, #tpu.memory_space<vmem>>) semaphore(%dma_start3A_195 : memref<!tpu.dma_semaphore, #tpu.memory_space<semaphore_mem>>) {add = true}
      %mul3A_196 = arith.constant 80 : i32
      %mul3A_197 = arith.muli %add3A_168, %mul3A_196 : i32
      %dma_wait3A_198 = arith.constant 0 : i32
      %dma_wait3A_199 = arith.constant 0 : i32
      %dma_wait3A_200 = arith.constant 0 : i32
      %dma_wait3A_201 = arith.constant 0 : i32
      %dma_wait3A_202 = tpu.memref_slice %arg12[%dma_wait3A_198, %dma_wait3A_200, %dma_wait3A_201] : memref<5x80x32xf32, #tpu.memory_space<vmem>> -> memref<1x80x32xf32, #tpu.memory_space<vmem>>
      %dma_wait3A_203 = tpu.memref_squeeze %dma_wait3A_202 : memref<1x80x32xf32, #tpu.memory_space<vmem>> -> memref<80x32xf32, #tpu.memory_space<vmem>>
      %dma_wait3A_204 = tpu.memref_slice %arg9[%mul3A_197] : memref<10000xi32, #tpu.memory_space<vmem>> -> memref<80xi32, #tpu.memory_space<vmem>>
      %dma_wait3A_205 = arith.constant 0 : i32
      %dma_wait3A_206 = arith.constant 0 : i32
      %dma_wait3A_207 = tpu.memref_slice %arg3[%dma_wait3A_205, %dma_wait3A_206] : memref<10240x32xf32, #tpu.memory_space<hbm>> -> memref<10240x32xf32, #tpu.memory_space<hbm>>
      %dma_wait3A_208 = tpu.memref_slice %arg16[%dma_wait3A_199] : memref<5x!tpu.dma_semaphore, #tpu.memory_space<semaphore_mem>> -> memref<1x!tpu.dma_semaphore, #tpu.memory_space<semaphore_mem>>
      %dma_wait3A_209 = tpu.memref_squeeze %dma_wait3A_208 : memref<1x!tpu.dma_semaphore, #tpu.memory_space<semaphore_mem>> -> memref<!tpu.dma_semaphore, #tpu.memory_space<semaphore_mem>>
      tpu.wait_indirect_dma semaphore(%dma_wait3A_209 : memref<!tpu.dma_semaphore, #tpu.memory_space<semaphore_mem>>) src(%dma_wait3A_207 : memref<10240x32xf32, #tpu.memory_space<hbm>>) dst(%dma_wait3A_203 : memref<80x32xf32, #tpu.memory_space<vmem>>)
      %mul3A_210 = arith.constant 80 : i32
      %mul3A_211 = arith.muli %add3A_168, %mul3A_210 : i32
      %dma_start3A_212 = arith.constant 0 : i32
      %dma_start3A_213 = arith.constant 0 : i32
      %dma_start3A_214 = arith.constant 0 : i32
      %dma_start3A_215 = arith.constant 0 : i32
      %dma_start3A_216 = tpu.memref_slice %arg12[%dma_start3A_212, %dma_start3A_214, %dma_start3A_215] : memref<5x80x32xf32, #tpu.memory_space<vmem>> -> memref<1x80x32xf32, #tpu.memory_space<vmem>>
      %dma_start3A_217 = tpu.memref_squeeze %dma_start3A_216 : memref<1x80x32xf32, #tpu.memory_space<vmem>> -> memref<80x32xf32, #tpu.memory_space<vmem>>
      %dma_start3A_218 = tpu.memref_slice %arg10[%mul3A_211] : memref<10000xi32, #tpu.memory_space<vmem>> -> memref<80xi32, #tpu.memory_space<vmem>>
      %dma_start3A_219 = arith.constant 0 : i32
      %dma_start3A_220 = arith.constant 0 : i32
      %dma_start3A_221 = tpu.memref_slice %arg14[%dma_start3A_219, %dma_start3A_220] : memref<10000x32xf32, #tpu.memory_space<vmem_shared>> -> memref<10000x32xf32, #tpu.memory_space<vmem_shared>>
      %dma_start3A_222 = tpu.memref_slice %arg18[%dma_start3A_213] : memref<5x!tpu.dma_semaphore, #tpu.memory_space<semaphore_mem>> -> memref<1x!tpu.dma_semaphore, #tpu.memory_space<semaphore_mem>>
      %dma_start3A_223 = tpu.memref_squeeze %dma_start3A_222 : memref<1x!tpu.dma_semaphore, #tpu.memory_space<semaphore_mem>> -> memref<!tpu.dma_semaphore, #tpu.memory_space<semaphore_mem>>
      tpu.enqueue_indirect_dma source(%dma_start3A_217 : memref<80x32xf32, #tpu.memory_space<vmem>>) target(%dma_start3A_221 : memref<10000x32xf32, #tpu.memory_space<vmem_shared>>) offsets(%dma_start3A_218 : memref<80xi32, #tpu.memory_space<vmem>>) semaphore(%dma_start3A_223 : memref<!tpu.dma_semaphore, #tpu.memory_space<semaphore_mem>>) {add = true}
      %mul3A_224 = arith.constant 5 : i32
      %mul3A_225 = arith.muli %scan3A_164, %mul3A_224 : i32
      %add3A_226 = arith.constant 1 : i32
      %add3A_227 = arith.addi %mul3A_225, %add3A_226 : i32
      %mul3A_228 = arith.constant 80 : i32
      %mul3A_229 = arith.muli %add3A_227, %mul3A_228 : i32
      %dma_wait3A_230 = arith.constant 1 : i32
      %dma_wait3A_231 = arith.constant 1 : i32
      %dma_wait3A_232 = arith.constant 0 : i32
      %dma_wait3A_233 = arith.constant 0 : i32
      %dma_wait3A_234 = tpu.memref_slice %arg11[%dma_wait3A_230, %dma_wait3A_232, %dma_wait3A_233] : memref<5x80x32xf32, #tpu.memory_space<vmem>> -> memref<1x80x32xf32, #tpu.memory_space<vmem>>
      %dma_wait3A_235 = tpu.memref_squeeze %dma_wait3A_234 : memref<1x80x32xf32, #tpu.memory_space<vmem>> -> memref<80x32xf32, #tpu.memory_space<vmem>>
      %dma_wait3A_236 = tpu.memref_slice %arg9[%mul3A_229] : memref<10000xi32, #tpu.memory_space<vmem>> -> memref<80xi32, #tpu.memory_space<vmem>>
      %dma_wait3A_237 = arith.constant 0 : i32
      %dma_wait3A_238 = arith.constant 0 : i32
      %dma_wait3A_239 = tpu.memref_slice %arg2[%dma_wait3A_237, %dma_wait3A_238] : memref<10240x32xf32, #tpu.memory_space<hbm>> -> memref<10240x32xf32, #tpu.memory_space<hbm>>
      %dma_wait3A_240 = tpu.memref_slice %arg15[%dma_wait3A_231] : memref<5x!tpu.dma_semaphore, #tpu.memory_space<semaphore_mem>> -> memref<1x!tpu.dma_semaphore, #tpu.memory_space<semaphore_mem>>
      %dma_wait3A_241 = tpu.memref_squeeze %dma_wait3A_240 : memref<1x!tpu.dma_semaphore, #tpu.memory_space<semaphore_mem>> -> memref<!tpu.dma_semaphore, #tpu.memory_space<semaphore_mem>>
      tpu.wait_indirect_dma semaphore(%dma_wait3A_241 : memref<!tpu.dma_semaphore, #tpu.memory_space<semaphore_mem>>) src(%dma_wait3A_239 : memref<10240x32xf32, #tpu.memory_space<hbm>>) dst(%dma_wait3A_235 : memref<80x32xf32, #tpu.memory_space<vmem>>)
      %mul3A_242 = arith.constant 80 : i32
      %mul3A_243 = arith.muli %add3A_227, %mul3A_242 : i32
      %dma_start3A_244 = arith.constant 1 : i32
      %dma_start3A_245 = arith.constant 1 : i32
      %dma_start3A_246 = arith.constant 0 : i32
      %dma_start3A_247 = arith.constant 0 : i32
      %dma_start3A_248 = tpu.memref_slice %arg11[%dma_start3A_244, %dma_start3A_246, %dma_start3A_247] : memref<5x80x32xf32, #tpu.memory_space<vmem>> -> memref<1x80x32xf32, #tpu.memory_space<vmem>>
      %dma_start3A_249 = tpu.memref_squeeze %dma_start3A_248 : memref<1x80x32xf32, #tpu.memory_space<vmem>> -> memref<80x32xf32, #tpu.memory_space<vmem>>
      %dma_start3A_250 = tpu.memref_slice %arg10[%mul3A_243] : memref<10000xi32, #tpu.memory_space<vmem>> -> memref<80xi32, #tpu.memory_space<vmem>>
      %dma_start3A_251 = arith.constant 0 : i32
      %dma_start3A_252 = arith.constant 0 : i32
      %dma_start3A_253 = tpu.memref_slice %arg13[%dma_start3A_251, %dma_start3A_252] : memref<10000x32xf32, #tpu.memory_space<vmem_shared>> -> memref<10000x32xf32, #tpu.memory_space<vmem_shared>>
      %dma_start3A_254 = tpu.memref_slice %arg17[%dma_start3A_245] : memref<5x!tpu.dma_semaphore, #tpu.memory_space<semaphore_mem>> -> memref<1x!tpu.dma_semaphore, #tpu.memory_space<semaphore_mem>>
      %dma_start3A_255 = tpu.memref_squeeze %dma_start3A_254 : memref<1x!tpu.dma_semaphore, #tpu.memory_space<semaphore_mem>> -> memref<!tpu.dma_semaphore, #tpu.memory_space<semaphore_mem>>
      tpu.enqueue_indirect_dma source(%dma_start3A_249 : memref<80x32xf32, #tpu.memory_space<vmem>>) target(%dma_start3A_253 : memref<10000x32xf32, #tpu.memory_space<vmem_shared>>) offsets(%dma_start3A_250 : memref<80xi32, #tpu.memory_space<vmem>>) semaphore(%dma_start3A_255 : memref<!tpu.dma_semaphore, #tpu.memory_space<semaphore_mem>>) {add = true}
      %mul3A_256 = arith.constant 80 : i32
      %mul3A_257 = arith.muli %add3A_227, %mul3A_256 : i32
      %dma_wait3A_258 = arith.constant 1 : i32
      %dma_wait3A_259 = arith.constant 1 : i32
      %dma_wait3A_260 = arith.constant 0 : i32
      %dma_wait3A_261 = arith.constant 0 : i32
      %dma_wait3A_262 = tpu.memref_slice %arg12[%dma_wait3A_258, %dma_wait3A_260, %dma_wait3A_261] : memref<5x80x32xf32, #tpu.memory_space<vmem>> -> memref<1x80x32xf32, #tpu.memory_space<vmem>>
      %dma_wait3A_263 = tpu.memref_squeeze %dma_wait3A_262 : memref<1x80x32xf32, #tpu.memory_space<vmem>> -> memref<80x32xf32, #tpu.memory_space<vmem>>
      %dma_wait3A_264 = tpu.memref_slice %arg9[%mul3A_257] : memref<10000xi32, #tpu.memory_space<vmem>> -> memref<80xi32, #tpu.memory_space<vmem>>
      %dma_wait3A_265 = arith.constant 0 : i32
      %dma_wait3A_266 = arith.constant 0 : i32
      %dma_wait3A_267 = tpu.memref_slice %arg3[%dma_wait3A_265, %dma_wait3A_266] : memref<10240x32xf32, #tpu.memory_space<hbm>> -> memref<10240x32xf32, #tpu.memory_space<hbm>>
      %dma_wait3A_268 = tpu.memref_slice %arg16[%dma_wait3A_259] : memref<5x!tpu.dma_semaphore, #tpu.memory_space<semaphore_mem>> -> memref<1x!tpu.dma_semaphore, #tpu.memory_space<semaphore_mem>>
      %dma_wait3A_269 = tpu.memref_squeeze %dma_wait3A_268 : memref<1x!tpu.dma_semaphore, #tpu.memory_space<semaphore_mem>> -> memref<!tpu.dma_semaphore, #tpu.memory_space<semaphore_mem>>
      tpu.wait_indirect_dma semaphore(%dma_wait3A_269 : memref<!tpu.dma_semaphore, #tpu.memory_space<semaphore_mem>>) src(%dma_wait3A_267 : memref<10240x32xf32, #tpu.memory_space<hbm>>) dst(%dma_wait3A_263 : memref<80x32xf32, #tpu.memory_space<vmem>>)
      %mul3A_270 = arith.constant 80 : i32
      %mul3A_271 = arith.muli %add3A_227, %mul3A_270 : i32
      %dma_start3A_272 = arith.constant 1 : i32
      %dma_start3A_273 = arith.constant 1 : i32
      %dma_start3A_274 = arith.constant 0 : i32
      %dma_start3A_275 = arith.constant 0 : i32
      %dma_start3A_276 = tpu.memref_slice %arg12[%dma_start3A_272, %dma_start3A_274, %dma_start3A_275] : memref<5x80x32xf32, #tpu.memory_space<vmem>> -> memref<1x80x32xf32, #tpu.memory_space<vmem>>
      %dma_start3A_277 = tpu.memref_squeeze %dma_start3A_276 : memref<1x80x32xf32, #tpu.memory_space<vmem>> -> memref<80x32xf32, #tpu.memory_space<vmem>>
      %dma_start3A_278 = tpu.memref_slice %arg10[%mul3A_271] : memref<10000xi32, #tpu.memory_space<vmem>> -> memref<80xi32, #tpu.memory_space<vmem>>
      %dma_start3A_279 = arith.constant 0 : i32
      %dma_start3A_280 = arith.constant 0 : i32
      %dma_start3A_281 = tpu.memref_slice %arg14[%dma_start3A_279, %dma_start3A_280] : memref<10000x32xf32, #tpu.memory_space<vmem_shared>> -> memref<10000x32xf32, #tpu.memory_space<vmem_shared>>
      %dma_start3A_282 = tpu.memref_slice %arg18[%dma_start3A_273] : memref<5x!tpu.dma_semaphore, #tpu.memory_space<semaphore_mem>> -> memref<1x!tpu.dma_semaphore, #tpu.memory_space<semaphore_mem>>
      %dma_start3A_283 = tpu.memref_squeeze %dma_start3A_282 : memref<1x!tpu.dma_semaphore, #tpu.memory_space<semaphore_mem>> -> memref<!tpu.dma_semaphore, #tpu.memory_space<semaphore_mem>>
      tpu.enqueue_indirect_dma source(%dma_start3A_277 : memref<80x32xf32, #tpu.memory_space<vmem>>) target(%dma_start3A_281 : memref<10000x32xf32, #tpu.memory_space<vmem_shared>>) offsets(%dma_start3A_278 : memref<80xi32, #tpu.memory_space<vmem>>) semaphore(%dma_start3A_283 : memref<!tpu.dma_semaphore, #tpu.memory_space<semaphore_mem>>) {add = true}
      %mul3A_284 = arith.constant 5 : i32
      %mul3A_285 = arith.muli %scan3A_164, %mul3A_284 : i32
      %add3A_286 = arith.constant 2 : i32
      %add3A_287 = arith.addi %mul3A_285, %add3A_286 : i32
      %mul3A_288 = arith.constant 80 : i32
      %mul3A_289 = arith.muli %add3A_287, %mul3A_288 : i32
      %dma_wait3A_290 = arith.constant 2 : i32
      %dma_wait3A_291 = arith.constant 2 : i32
      %dma_wait3A_292 = arith.constant 0 : i32
      %dma_wait3A_293 = arith.constant 0 : i32
      %dma_wait3A_294 = tpu.memref_slice %arg11[%dma_wait3A_290, %dma_wait3A_292, %dma_wait3A_293] : memref<5x80x32xf32, #tpu.memory_space<vmem>> -> memref<1x80x32xf32, #tpu.memory_space<vmem>>
      %dma_wait3A_295 = tpu.memref_squeeze %dma_wait3A_294 : memref<1x80x32xf32, #tpu.memory_space<vmem>> -> memref<80x32xf32, #tpu.memory_space<vmem>>
      %dma_wait3A_296 = tpu.memref_slice %arg9[%mul3A_289] : memref<10000xi32, #tpu.memory_space<vmem>> -> memref<80xi32, #tpu.memory_space<vmem>>
      %dma_wait3A_297 = arith.constant 0 : i32
      %dma_wait3A_298 = arith.constant 0 : i32
      %dma_wait3A_299 = tpu.memref_slice %arg2[%dma_wait3A_297, %dma_wait3A_298] : memref<10240x32xf32, #tpu.memory_space<hbm>> -> memref<10240x32xf32, #tpu.memory_space<hbm>>
      %dma_wait3A_300 = tpu.memref_slice %arg15[%dma_wait3A_291] : memref<5x!tpu.dma_semaphore, #tpu.memory_space<semaphore_mem>> -> memref<1x!tpu.dma_semaphore, #tpu.memory_space<semaphore_mem>>
      %dma_wait3A_301 = tpu.memref_squeeze %dma_wait3A_300 : memref<1x!tpu.dma_semaphore, #tpu.memory_space<semaphore_mem>> -> memref<!tpu.dma_semaphore, #tpu.memory_space<semaphore_mem>>
      tpu.wait_indirect_dma semaphore(%dma_wait3A_301 : memref<!tpu.dma_semaphore, #tpu.memory_space<semaphore_mem>>) src(%dma_wait3A_299 : memref<10240x32xf32, #tpu.memory_space<hbm>>) dst(%dma_wait3A_295 : memref<80x32xf32, #tpu.memory_space<vmem>>)
      %mul3A_302 = arith.constant 80 : i32
      %mul3A_303 = arith.muli %add3A_287, %mul3A_302 : i32
      %dma_start3A_304 = arith.constant 2 : i32
      %dma_start3A_305 = arith.constant 2 : i32
      %dma_start3A_306 = arith.constant 0 : i32
      %dma_start3A_307 = arith.constant 0 : i32
      %dma_start3A_308 = tpu.memref_slice %arg11[%dma_start3A_304, %dma_start3A_306, %dma_start3A_307] : memref<5x80x32xf32, #tpu.memory_space<vmem>> -> memref<1x80x32xf32, #tpu.memory_space<vmem>>
      %dma_start3A_309 = tpu.memref_squeeze %dma_start3A_308 : memref<1x80x32xf32, #tpu.memory_space<vmem>> -> memref<80x32xf32, #tpu.memory_space<vmem>>
      %dma_start3A_310 = tpu.memref_slice %arg10[%mul3A_303] : memref<10000xi32, #tpu.memory_space<vmem>> -> memref<80xi32, #tpu.memory_space<vmem>>
      %dma_start3A_311 = arith.constant 0 : i32
      %dma_start3A_312 = arith.constant 0 : i32
      %dma_start3A_313 = tpu.memref_slice %arg13[%dma_start3A_311, %dma_start3A_312] : memref<10000x32xf32, #tpu.memory_space<vmem_shared>> -> memref<10000x32xf32, #tpu.memory_space<vmem_shared>>
      %dma_start3A_314 = tpu.memref_slice %arg17[%dma_start3A_305] : memref<5x!tpu.dma_semaphore, #tpu.memory_space<semaphore_mem>> -> memref<1x!tpu.dma_semaphore, #tpu.memory_space<semaphore_mem>>
      %dma_start3A_315 = tpu.memref_squeeze %dma_start3A_314 : memref<1x!tpu.dma_semaphore, #tpu.memory_space<semaphore_mem>> -> memref<!tpu.dma_semaphore, #tpu.memory_space<semaphore_mem>>
      tpu.enqueue_indirect_dma source(%dma_start3A_309 : memref<80x32xf32, #tpu.memory_space<vmem>>) target(%dma_start3A_313 : memref<10000x32xf32, #tpu.memory_space<vmem_shared>>) offsets(%dma_start3A_310 : memref<80xi32, #tpu.memory_space<vmem>>) semaphore(%dma_start3A_315 : memref<!tpu.dma_semaphore, #tpu.memory_space<semaphore_mem>>) {add = true}
      %mul3A_316 = arith.constant 80 : i32
      %mul3A_317 = arith.muli %add3A_287, %mul3A_316 : i32
      %dma_wait3A_318 = arith.constant 2 : i32
      %dma_wait3A_319 = arith.constant 2 : i32
      %dma_wait3A_320 = arith.constant 0 : i32
      %dma_wait3A_321 = arith.constant 0 : i32
      %dma_wait3A_322 = tpu.memref_slice %arg12[%dma_wait3A_318, %dma_wait3A_320, %dma_wait3A_321] : memref<5x80x32xf32, #tpu.memory_space<vmem>> -> memref<1x80x32xf32, #tpu.memory_space<vmem>>
      %dma_wait3A_323 = tpu.memref_squeeze %dma_wait3A_322 : memref<1x80x32xf32, #tpu.memory_space<vmem>> -> memref<80x32xf32, #tpu.memory_space<vmem>>
      %dma_wait3A_324 = tpu.memref_slice %arg9[%mul3A_317] : memref<10000xi32, #tpu.memory_space<vmem>> -> memref<80xi32, #tpu.memory_space<vmem>>
      %dma_wait3A_325 = arith.constant 0 : i32
      %dma_wait3A_326 = arith.constant 0 : i32
      %dma_wait3A_327 = tpu.memref_slice %arg3[%dma_wait3A_325, %dma_wait3A_326] : memref<10240x32xf32, #tpu.memory_space<hbm>> -> memref<10240x32xf32, #tpu.memory_space<hbm>>
      %dma_wait3A_328 = tpu.memref_slice %arg16[%dma_wait3A_319] : memref<5x!tpu.dma_semaphore, #tpu.memory_space<semaphore_mem>> -> memref<1x!tpu.dma_semaphore, #tpu.memory_space<semaphore_mem>>
      %dma_wait3A_329 = tpu.memref_squeeze %dma_wait3A_328 : memref<1x!tpu.dma_semaphore, #tpu.memory_space<semaphore_mem>> -> memref<!tpu.dma_semaphore, #tpu.memory_space<semaphore_mem>>
      tpu.wait_indirect_dma semaphore(%dma_wait3A_329 : memref<!tpu.dma_semaphore, #tpu.memory_space<semaphore_mem>>) src(%dma_wait3A_327 : memref<10240x32xf32, #tpu.memory_space<hbm>>) dst(%dma_wait3A_323 : memref<80x32xf32, #tpu.memory_space<vmem>>)
      %mul3A_330 = arith.constant 80 : i32
      %mul3A_331 = arith.muli %add3A_287, %mul3A_330 : i32
      %dma_start3A_332 = arith.constant 2 : i32
      %dma_start3A_333 = arith.constant 2 : i32
      %dma_start3A_334 = arith.constant 0 : i32
      %dma_start3A_335 = arith.constant 0 : i32
      %dma_start3A_336 = tpu.memref_slice %arg12[%dma_start3A_332, %dma_start3A_334, %dma_start3A_335] : memref<5x80x32xf32, #tpu.memory_space<vmem>> -> memref<1x80x32xf32, #tpu.memory_space<vmem>>
      %dma_start3A_337 = tpu.memref_squeeze %dma_start3A_336 : memref<1x80x32xf32, #tpu.memory_space<vmem>> -> memref<80x32xf32, #tpu.memory_space<vmem>>
      %dma_start3A_338 = tpu.memref_slice %arg10[%mul3A_331] : memref<10000xi32, #tpu.memory_space<vmem>> -> memref<80xi32, #tpu.memory_space<vmem>>
      %dma_start3A_339 = arith.constant 0 : i32
      %dma_start3A_340 = arith.constant 0 : i32
      %dma_start3A_341 = tpu.memref_slice %arg14[%dma_start3A_339, %dma_start3A_340] : memref<10000x32xf32, #tpu.memory_space<vmem_shared>> -> memref<10000x32xf32, #tpu.memory_space<vmem_shared>>
      %dma_start3A_342 = tpu.memref_slice %arg18[%dma_start3A_333] : memref<5x!tpu.dma_semaphore, #tpu.memory_space<semaphore_mem>> -> memref<1x!tpu.dma_semaphore, #tpu.memory_space<semaphore_mem>>
      %dma_start3A_343 = tpu.memref_squeeze %dma_start3A_342 : memref<1x!tpu.dma_semaphore, #tpu.memory_space<semaphore_mem>> -> memref<!tpu.dma_semaphore, #tpu.memory_space<semaphore_mem>>
      tpu.enqueue_indirect_dma source(%dma_start3A_337 : memref<80x32xf32, #tpu.memory_space<vmem>>) target(%dma_start3A_341 : memref<10000x32xf32, #tpu.memory_space<vmem_shared>>) offsets(%dma_start3A_338 : memref<80xi32, #tpu.memory_space<vmem>>) semaphore(%dma_start3A_343 : memref<!tpu.dma_semaphore, #tpu.memory_space<semaphore_mem>>) {add = true}
      %mul3A_344 = arith.constant 5 : i32
      %mul3A_345 = arith.muli %scan3A_164, %mul3A_344 : i32
      %add3A_346 = arith.constant 3 : i32
      %add3A_347 = arith.addi %mul3A_345, %add3A_346 : i32
      %mul3A_348 = arith.constant 80 : i32
      %mul3A_349 = arith.muli %add3A_347, %mul3A_348 : i32
      %dma_wait3A_350 = arith.constant 3 : i32
      %dma_wait3A_351 = arith.constant 3 : i32
      %dma_wait3A_352 = arith.constant 0 : i32
      %dma_wait3A_353 = arith.constant 0 : i32
      %dma_wait3A_354 = tpu.memref_slice %arg11[%dma_wait3A_350, %dma_wait3A_352, %dma_wait3A_353] : memref<5x80x32xf32, #tpu.memory_space<vmem>> -> memref<1x80x32xf32, #tpu.memory_space<vmem>>
      %dma_wait3A_355 = tpu.memref_squeeze %dma_wait3A_354 : memref<1x80x32xf32, #tpu.memory_space<vmem>> -> memref<80x32xf32, #tpu.memory_space<vmem>>
      %dma_wait3A_356 = tpu.memref_slice %arg9[%mul3A_349] : memref<10000xi32, #tpu.memory_space<vmem>> -> memref<80xi32, #tpu.memory_space<vmem>>
      %dma_wait3A_357 = arith.constant 0 : i32
      %dma_wait3A_358 = arith.constant 0 : i32
      %dma_wait3A_359 = tpu.memref_slice %arg2[%dma_wait3A_357, %dma_wait3A_358] : memref<10240x32xf32, #tpu.memory_space<hbm>> -> memref<10240x32xf32, #tpu.memory_space<hbm>>
      %dma_wait3A_360 = tpu.memref_slice %arg15[%dma_wait3A_351] : memref<5x!tpu.dma_semaphore, #tpu.memory_space<semaphore_mem>> -> memref<1x!tpu.dma_semaphore, #tpu.memory_space<semaphore_mem>>
      %dma_wait3A_361 = tpu.memref_squeeze %dma_wait3A_360 : memref<1x!tpu.dma_semaphore, #tpu.memory_space<semaphore_mem>> -> memref<!tpu.dma_semaphore, #tpu.memory_space<semaphore_mem>>
      tpu.wait_indirect_dma semaphore(%dma_wait3A_361 : memref<!tpu.dma_semaphore, #tpu.memory_space<semaphore_mem>>) src(%dma_wait3A_359 : memref<10240x32xf32, #tpu.memory_space<hbm>>) dst(%dma_wait3A_355 : memref<80x32xf32, #tpu.memory_space<vmem>>)
      %mul3A_362 = arith.constant 80 : i32
      %mul3A_363 = arith.muli %add3A_347, %mul3A_362 : i32
      %dma_start3A_364 = arith.constant 3 : i32
      %dma_start3A_365 = arith.constant 3 : i32
      %dma_start3A_366 = arith.constant 0 : i32
      %dma_start3A_367 = arith.constant 0 : i32
      %dma_start3A_368 = tpu.memref_slice %arg11[%dma_start3A_364, %dma_start3A_366, %dma_start3A_367] : memref<5x80x32xf32, #tpu.memory_space<vmem>> -> memref<1x80x32xf32, #tpu.memory_space<vmem>>
      %dma_start3A_369 = tpu.memref_squeeze %dma_start3A_368 : memref<1x80x32xf32, #tpu.memory_space<vmem>> -> memref<80x32xf32, #tpu.memory_space<vmem>>
      %dma_start3A_370 = tpu.memref_slice %arg10[%mul3A_363] : memref<10000xi32, #tpu.memory_space<vmem>> -> memref<80xi32, #tpu.memory_space<vmem>>
      %dma_start3A_371 = arith.constant 0 : i32
      %dma_start3A_372 = arith.constant 0 : i32
      %dma_start3A_373 = tpu.memref_slice %arg13[%dma_start3A_371, %dma_start3A_372] : memref<10000x32xf32, #tpu.memory_space<vmem_shared>> -> memref<10000x32xf32, #tpu.memory_space<vmem_shared>>
      %dma_start3A_374 = tpu.memref_slice %arg17[%dma_start3A_365] : memref<5x!tpu.dma_semaphore, #tpu.memory_space<semaphore_mem>> -> memref<1x!tpu.dma_semaphore, #tpu.memory_space<semaphore_mem>>
      %dma_start3A_375 = tpu.memref_squeeze %dma_start3A_374 : memref<1x!tpu.dma_semaphore, #tpu.memory_space<semaphore_mem>> -> memref<!tpu.dma_semaphore, #tpu.memory_space<semaphore_mem>>
      tpu.enqueue_indirect_dma source(%dma_start3A_369 : memref<80x32xf32, #tpu.memory_space<vmem>>) target(%dma_start3A_373 : memref<10000x32xf32, #tpu.memory_space<vmem_shared>>) offsets(%dma_start3A_370 : memref<80xi32, #tpu.memory_space<vmem>>) semaphore(%dma_start3A_375 : memref<!tpu.dma_semaphore, #tpu.memory_space<semaphore_mem>>) {add = true}
      %mul3A_376 = arith.constant 80 : i32
      %mul3A_377 = arith.muli %add3A_347, %mul3A_376 : i32
      %dma_wait3A_378 = arith.constant 3 : i32
      %dma_wait3A_379 = arith.constant 3 : i32
      %dma_wait3A_380 = arith.constant 0 : i32
      %dma_wait3A_381 = arith.constant 0 : i32
      %dma_wait3A_382 = tpu.memref_slice %arg12[%dma_wait3A_378, %dma_wait3A_380, %dma_wait3A_381] : memref<5x80x32xf32, #tpu.memory_space<vmem>> -> memref<1x80x32xf32, #tpu.memory_space<vmem>>
      %dma_wait3A_383 = tpu.memref_squeeze %dma_wait3A_382 : memref<1x80x32xf32, #tpu.memory_space<vmem>> -> memref<80x32xf32, #tpu.memory_space<vmem>>
      %dma_wait3A_384 = tpu.memref_slice %arg9[%mul3A_377] : memref<10000xi32, #tpu.memory_space<vmem>> -> memref<80xi32, #tpu.memory_space<vmem>>
      %dma_wait3A_385 = arith.constant 0 : i32
      %dma_wait3A_386 = arith.constant 0 : i32
      %dma_wait3A_387 = tpu.memref_slice %arg3[%dma_wait3A_385, %dma_wait3A_386] : memref<10240x32xf32, #tpu.memory_space<hbm>> -> memref<10240x32xf32, #tpu.memory_space<hbm>>
      %dma_wait3A_388 = tpu.memref_slice %arg16[%dma_wait3A_379] : memref<5x!tpu.dma_semaphore, #tpu.memory_space<semaphore_mem>> -> memref<1x!tpu.dma_semaphore, #tpu.memory_space<semaphore_mem>>
      %dma_wait3A_389 = tpu.memref_squeeze %dma_wait3A_388 : memref<1x!tpu.dma_semaphore, #tpu.memory_space<semaphore_mem>> -> memref<!tpu.dma_semaphore, #tpu.memory_space<semaphore_mem>>
      tpu.wait_indirect_dma semaphore(%dma_wait3A_389 : memref<!tpu.dma_semaphore, #tpu.memory_space<semaphore_mem>>) src(%dma_wait3A_387 : memref<10240x32xf32, #tpu.memory_space<hbm>>) dst(%dma_wait3A_383 : memref<80x32xf32, #tpu.memory_space<vmem>>)
      %mul3A_390 = arith.constant 80 : i32
      %mul3A_391 = arith.muli %add3A_347, %mul3A_390 : i32
      %dma_start3A_392 = arith.constant 3 : i32
      %dma_start3A_393 = arith.constant 3 : i32
      %dma_start3A_394 = arith.constant 0 : i32
      %dma_start3A_395 = arith.constant 0 : i32
      %dma_start3A_396 = tpu.memref_slice %arg12[%dma_start3A_392, %dma_start3A_394, %dma_start3A_395] : memref<5x80x32xf32, #tpu.memory_space<vmem>> -> memref<1x80x32xf32, #tpu.memory_space<vmem>>
      %dma_start3A_397 = tpu.memref_squeeze %dma_start3A_396 : memref<1x80x32xf32, #tpu.memory_space<vmem>> -> memref<80x32xf32, #tpu.memory_space<vmem>>
      %dma_start3A_398 = tpu.memref_slice %arg10[%mul3A_391] : memref<10000xi32, #tpu.memory_space<vmem>> -> memref<80xi32, #tpu.memory_space<vmem>>
      %dma_start3A_399 = arith.constant 0 : i32
      %dma_start3A_400 = arith.constant 0 : i32
      %dma_start3A_401 = tpu.memref_slice %arg14[%dma_start3A_399, %dma_start3A_400] : memref<10000x32xf32, #tpu.memory_space<vmem_shared>> -> memref<10000x32xf32, #tpu.memory_space<vmem_shared>>
      %dma_start3A_402 = tpu.memref_slice %arg18[%dma_start3A_393] : memref<5x!tpu.dma_semaphore, #tpu.memory_space<semaphore_mem>> -> memref<1x!tpu.dma_semaphore, #tpu.memory_space<semaphore_mem>>
      %dma_start3A_403 = tpu.memref_squeeze %dma_start3A_402 : memref<1x!tpu.dma_semaphore, #tpu.memory_space<semaphore_mem>> -> memref<!tpu.dma_semaphore, #tpu.memory_space<semaphore_mem>>
      tpu.enqueue_indirect_dma source(%dma_start3A_397 : memref<80x32xf32, #tpu.memory_space<vmem>>) target(%dma_start3A_401 : memref<10000x32xf32, #tpu.memory_space<vmem_shared>>) offsets(%dma_start3A_398 : memref<80xi32, #tpu.memory_space<vmem>>) semaphore(%dma_start3A_403 : memref<!tpu.dma_semaphore, #tpu.memory_space<semaphore_mem>>) {add = true}
      %mul3A_404 = arith.constant 5 : i32
      %mul3A_405 = arith.muli %scan3A_164, %mul3A_404 : i32
      %add3A_406 = arith.constant 4 : i32
      %add3A_407 = arith.addi %mul3A_405, %add3A_406 : i32
      %mul3A_408 = arith.constant 80 : i32
      %mul3A_409 = arith.muli %add3A_407, %mul3A_408 : i32
      %dma_wait3A_410 = arith.constant 4 : i32
      %dma_wait3A_411 = arith.constant 4 : i32
      %dma_wait3A_412 = arith.constant 0 : i32
      %dma_wait3A_413 = arith.constant 0 : i32
      %dma_wait3A_414 = tpu.memref_slice %arg11[%dma_wait3A_410, %dma_wait3A_412, %dma_wait3A_413] : memref<5x80x32xf32, #tpu.memory_space<vmem>> -> memref<1x80x32xf32, #tpu.memory_space<vmem>>
      %dma_wait3A_415 = tpu.memref_squeeze %dma_wait3A_414 : memref<1x80x32xf32, #tpu.memory_space<vmem>> -> memref<80x32xf32, #tpu.memory_space<vmem>>
      %dma_wait3A_416 = tpu.memref_slice %arg9[%mul3A_409] : memref<10000xi32, #tpu.memory_space<vmem>> -> memref<80xi32, #tpu.memory_space<vmem>>
      %dma_wait3A_417 = arith.constant 0 : i32
      %dma_wait3A_418 = arith.constant 0 : i32
      %dma_wait3A_419 = tpu.memref_slice %arg2[%dma_wait3A_417, %dma_wait3A_418] : memref<10240x32xf32, #tpu.memory_space<hbm>> -> memref<10240x32xf32, #tpu.memory_space<hbm>>
      %dma_wait3A_420 = tpu.memref_slice %arg15[%dma_wait3A_411] : memref<5x!tpu.dma_semaphore, #tpu.memory_space<semaphore_mem>> -> memref<1x!tpu.dma_semaphore, #tpu.memory_space<semaphore_mem>>
      %dma_wait3A_421 = tpu.memref_squeeze %dma_wait3A_420 : memref<1x!tpu.dma_semaphore, #tpu.memory_space<semaphore_mem>> -> memref<!tpu.dma_semaphore, #tpu.memory_space<semaphore_mem>>
      tpu.wait_indirect_dma semaphore(%dma_wait3A_421 : memref<!tpu.dma_semaphore, #tpu.memory_space<semaphore_mem>>) src(%dma_wait3A_419 : memref<10240x32xf32, #tpu.memory_space<hbm>>) dst(%dma_wait3A_415 : memref<80x32xf32, #tpu.memory_space<vmem>>)
      %mul3A_422 = arith.constant 80 : i32
      %mul3A_423 = arith.muli %add3A_407, %mul3A_422 : i32
      %dma_start3A_424 = arith.constant 4 : i32
      %dma_start3A_425 = arith.constant 4 : i32
      %dma_start3A_426 = arith.constant 0 : i32
      %dma_start3A_427 = arith.constant 0 : i32
      %dma_start3A_428 = tpu.memref_slice %arg11[%dma_start3A_424, %dma_start3A_426, %dma_start3A_427] : memref<5x80x32xf32, #tpu.memory_space<vmem>> -> memref<1x80x32xf32, #tpu.memory_space<vmem>>
      %dma_start3A_429 = tpu.memref_squeeze %dma_start3A_428 : memref<1x80x32xf32, #tpu.memory_space<vmem>> -> memref<80x32xf32, #tpu.memory_space<vmem>>
      %dma_start3A_430 = tpu.memref_slice %arg10[%mul3A_423] : memref<10000xi32, #tpu.memory_space<vmem>> -> memref<80xi32, #tpu.memory_space<vmem>>
      %dma_start3A_431 = arith.constant 0 : i32
      %dma_start3A_432 = arith.constant 0 : i32
      %dma_start3A_433 = tpu.memref_slice %arg13[%dma_start3A_431, %dma_start3A_432] : memref<10000x32xf32, #tpu.memory_space<vmem_shared>> -> memref<10000x32xf32, #tpu.memory_space<vmem_shared>>
      %dma_start3A_434 = tpu.memref_slice %arg17[%dma_start3A_425] : memref<5x!tpu.dma_semaphore, #tpu.memory_space<semaphore_mem>> -> memref<1x!tpu.dma_semaphore, #tpu.memory_space<semaphore_mem>>
      %dma_start3A_435 = tpu.memref_squeeze %dma_start3A_434 : memref<1x!tpu.dma_semaphore, #tpu.memory_space<semaphore_mem>> -> memref<!tpu.dma_semaphore, #tpu.memory_space<semaphore_mem>>
      tpu.enqueue_indirect_dma source(%dma_start3A_429 : memref<80x32xf32, #tpu.memory_space<vmem>>) target(%dma_start3A_433 : memref<10000x32xf32, #tpu.memory_space<vmem_shared>>) offsets(%dma_start3A_430 : memref<80xi32, #tpu.memory_space<vmem>>) semaphore(%dma_start3A_435 : memref<!tpu.dma_semaphore, #tpu.memory_space<semaphore_mem>>) {add = true}
      %mul3A_436 = arith.constant 80 : i32
      %mul3A_437 = arith.muli %add3A_407, %mul3A_436 : i32
      %dma_wait3A_438 = arith.constant 4 : i32
      %dma_wait3A_439 = arith.constant 4 : i32
      %dma_wait3A_440 = arith.constant 0 : i32
      %dma_wait3A_441 = arith.constant 0 : i32
      %dma_wait3A_442 = tpu.memref_slice %arg12[%dma_wait3A_438, %dma_wait3A_440, %dma_wait3A_441] : memref<5x80x32xf32, #tpu.memory_space<vmem>> -> memref<1x80x32xf32, #tpu.memory_space<vmem>>
      %dma_wait3A_443 = tpu.memref_squeeze %dma_wait3A_442 : memref<1x80x32xf32, #tpu.memory_space<vmem>> -> memref<80x32xf32, #tpu.memory_space<vmem>>
      %dma_wait3A_444 = tpu.memref_slice %arg9[%mul3A_437] : memref<10000xi32, #tpu.memory_space<vmem>> -> memref<80xi32, #tpu.memory_space<vmem>>
      %dma_wait3A_445 = arith.constant 0 : i32
      %dma_wait3A_446 = arith.constant 0 : i32
      %dma_wait3A_447 = tpu.memref_slice %arg3[%dma_wait3A_445, %dma_wait3A_446] : memref<10240x32xf32, #tpu.memory_space<hbm>> -> memref<10240x32xf32, #tpu.memory_space<hbm>>
      %dma_wait3A_448 = tpu.memref_slice %arg16[%dma_wait3A_439] : memref<5x!tpu.dma_semaphore, #tpu.memory_space<semaphore_mem>> -> memref<1x!tpu.dma_semaphore, #tpu.memory_space<semaphore_mem>>
      %dma_wait3A_449 = tpu.memref_squeeze %dma_wait3A_448 : memref<1x!tpu.dma_semaphore, #tpu.memory_space<semaphore_mem>> -> memref<!tpu.dma_semaphore, #tpu.memory_space<semaphore_mem>>
      tpu.wait_indirect_dma semaphore(%dma_wait3A_449 : memref<!tpu.dma_semaphore, #tpu.memory_space<semaphore_mem>>) src(%dma_wait3A_447 : memref<10240x32xf32, #tpu.memory_space<hbm>>) dst(%dma_wait3A_443 : memref<80x32xf32, #tpu.memory_space<vmem>>)
      %mul3A_450 = arith.constant 80 : i32
      %mul3A_451 = arith.muli %add3A_407, %mul3A_450 : i32
      %dma_start3A_452 = arith.constant 4 : i32
      %dma_start3A_453 = arith.constant 4 : i32
      %dma_start3A_454 = arith.constant 0 : i32
      %dma_start3A_455 = arith.constant 0 : i32
      %dma_start3A_456 = tpu.memref_slice %arg12[%dma_start3A_452, %dma_start3A_454, %dma_start3A_455] : memref<5x80x32xf32, #tpu.memory_space<vmem>> -> memref<1x80x32xf32, #tpu.memory_space<vmem>>
      %dma_start3A_457 = tpu.memref_squeeze %dma_start3A_456 : memref<1x80x32xf32, #tpu.memory_space<vmem>> -> memref<80x32xf32, #tpu.memory_space<vmem>>
      %dma_start3A_458 = tpu.memref_slice %arg10[%mul3A_451] : memref<10000xi32, #tpu.memory_space<vmem>> -> memref<80xi32, #tpu.memory_space<vmem>>
      %dma_start3A_459 = arith.constant 0 : i32
      %dma_start3A_460 = arith.constant 0 : i32
      %dma_start3A_461 = tpu.memref_slice %arg14[%dma_start3A_459, %dma_start3A_460] : memref<10000x32xf32, #tpu.memory_space<vmem_shared>> -> memref<10000x32xf32, #tpu.memory_space<vmem_shared>>
      %dma_start3A_462 = tpu.memref_slice %arg18[%dma_start3A_453] : memref<5x!tpu.dma_semaphore, #tpu.memory_space<semaphore_mem>> -> memref<1x!tpu.dma_semaphore, #tpu.memory_space<semaphore_mem>>
      %dma_start3A_463 = tpu.memref_squeeze %dma_start3A_462 : memref<1x!tpu.dma_semaphore, #tpu.memory_space<semaphore_mem>> -> memref<!tpu.dma_semaphore, #tpu.memory_space<semaphore_mem>>
      tpu.enqueue_indirect_dma source(%dma_start3A_457 : memref<80x32xf32, #tpu.memory_space<vmem>>) target(%dma_start3A_461 : memref<10000x32xf32, #tpu.memory_space<vmem_shared>>) offsets(%dma_start3A_458 : memref<80xi32, #tpu.memory_space<vmem>>) semaphore(%dma_start3A_463 : memref<!tpu.dma_semaphore, #tpu.memory_space<semaphore_mem>>) {add = true}
      %mul3A_464 = arith.constant 5 : i32
      %mul3A_465 = arith.muli %scan3A_164, %mul3A_464 : i32
      %add3A_466 = arith.constant 0 : i32
      %add3A_467 = arith.addi %mul3A_465, %add3A_466 : i32
      %mul3A_468 = arith.constant 80 : i32
      %mul3A_469 = arith.muli %add3A_467, %mul3A_468 : i32
      %dma_wait3A_470 = arith.constant 0 : i32
      %dma_wait3A_471 = arith.constant 0 : i32
      %dma_wait3A_472 = arith.constant 0 : i32
      %dma_wait3A_473 = arith.constant 0 : i32
      %dma_wait3A_474 = tpu.memref_slice %arg11[%dma_wait3A_470, %dma_wait3A_472, %dma_wait3A_473] : memref<5x80x32xf32, #tpu.memory_space<vmem>> -> memref<1x80x32xf32, #tpu.memory_space<vmem>>
      %dma_wait3A_475 = tpu.memref_squeeze %dma_wait3A_474 : memref<1x80x32xf32, #tpu.memory_space<vmem>> -> memref<80x32xf32, #tpu.memory_space<vmem>>
      %dma_wait3A_476 = tpu.memref_slice %arg10[%mul3A_469] : memref<10000xi32, #tpu.memory_space<vmem>> -> memref<80xi32, #tpu.memory_space<vmem>>
      %dma_wait3A_477 = arith.constant 0 : i32
      %dma_wait3A_478 = arith.constant 0 : i32
      %dma_wait3A_479 = tpu.memref_slice %arg13[%dma_wait3A_477, %dma_wait3A_478] : memref<10000x32xf32, #tpu.memory_space<vmem_shared>> -> memref<10000x32xf32, #tpu.memory_space<vmem_shared>>
      %dma_wait3A_480 = tpu.memref_slice %arg17[%dma_wait3A_471] : memref<5x!tpu.dma_semaphore, #tpu.memory_space<semaphore_mem>> -> memref<1x!tpu.dma_semaphore, #tpu.memory_space<semaphore_mem>>
      %dma_wait3A_481 = tpu.memref_squeeze %dma_wait3A_480 : memref<1x!tpu.dma_semaphore, #tpu.memory_space<semaphore_mem>> -> memref<!tpu.dma_semaphore, #tpu.memory_space<semaphore_mem>>
      tpu.wait_indirect_dma semaphore(%dma_wait3A_481 : memref<!tpu.dma_semaphore, #tpu.memory_space<semaphore_mem>>) src(%dma_wait3A_475 : memref<80x32xf32, #tpu.memory_space<vmem>>) dst(%dma_wait3A_479 : memref<10000x32xf32, #tpu.memory_space<vmem_shared>>)
      %mul3A_482 = arith.constant 80 : i32
      %mul3A_483 = arith.muli %add3A_467, %mul3A_482 : i32
      %dma_wait3A_484 = arith.constant 0 : i32
      %dma_wait3A_485 = arith.constant 0 : i32
      %dma_wait3A_486 = arith.constant 0 : i32
      %dma_wait3A_487 = arith.constant 0 : i32
      %dma_wait3A_488 = tpu.memref_slice %arg12[%dma_wait3A_484, %dma_wait3A_486, %dma_wait3A_487] : memref<5x80x32xf32, #tpu.memory_space<vmem>> -> memref<1x80x32xf32, #tpu.memory_space<vmem>>
      %dma_wait3A_489 = tpu.memref_squeeze %dma_wait3A_488 : memref<1x80x32xf32, #tpu.memory_space<vmem>> -> memref<80x32xf32, #tpu.memory_space<vmem>>
      %dma_wait3A_490 = tpu.memref_slice %arg10[%mul3A_483] : memref<10000xi32, #tpu.memory_space<vmem>> -> memref<80xi32, #tpu.memory_space<vmem>>
      %dma_wait3A_491 = arith.constant 0 : i32
      %dma_wait3A_492 = arith.constant 0 : i32
      %dma_wait3A_493 = tpu.memref_slice %arg14[%dma_wait3A_491, %dma_wait3A_492] : memref<10000x32xf32, #tpu.memory_space<vmem_shared>> -> memref<10000x32xf32, #tpu.memory_space<vmem_shared>>
      %dma_wait3A_494 = tpu.memref_slice %arg18[%dma_wait3A_485] : memref<5x!tpu.dma_semaphore, #tpu.memory_space<semaphore_mem>> -> memref<1x!tpu.dma_semaphore, #tpu.memory_space<semaphore_mem>>
      %dma_wait3A_495 = tpu.memref_squeeze %dma_wait3A_494 : memref<1x!tpu.dma_semaphore, #tpu.memory_space<semaphore_mem>> -> memref<!tpu.dma_semaphore, #tpu.memory_space<semaphore_mem>>
      tpu.wait_indirect_dma semaphore(%dma_wait3A_495 : memref<!tpu.dma_semaphore, #tpu.memory_space<semaphore_mem>>) src(%dma_wait3A_489 : memref<80x32xf32, #tpu.memory_space<vmem>>) dst(%dma_wait3A_493 : memref<10000x32xf32, #tpu.memory_space<vmem_shared>>)
      %add3A_496 = arith.constant 5 : i32
      %add3A_497 = arith.addi %add3A_467, %add3A_496 : i32
      %lt3A = arith.constant 125 : i32
      %lt3A_498 = arith.cmpi slt, %add3A_497, %lt3A : i32
      %convert_element_type3A_499 = arith.extui %lt3A_498 : i1 to i32
      %cond3A_500 = arith.constant 0 : i32
      %cond3A_501 = arith.cmpi ne, %convert_element_type3A_499, %cond3A_500 : i32
      scf.if %cond3A_501 {
        %add3A_658 = arith.constant 5 : i32
        %add3A_659 = arith.addi %add3A_467, %add3A_658 : i32
        %mul3A_660 = arith.constant 80 : i32
        %mul3A_661 = arith.muli %add3A_659, %mul3A_660 : i32
        %dma_start3A_662 = arith.constant 0 : i32
        %dma_start3A_663 = arith.constant 0 : i32
        %dma_start3A_664 = arith.constant 0 : i32
        %dma_start3A_665 = arith.constant 0 : i32
        %dma_start3A_666 = tpu.memref_slice %arg11[%dma_start3A_662, %dma_start3A_664, %dma_start3A_665] : memref<5x80x32xf32, #tpu.memory_space<vmem>> -> memref<1x80x32xf32, #tpu.memory_space<vmem>>
        %dma_start3A_667 = tpu.memref_squeeze %dma_start3A_666 : memref<1x80x32xf32, #tpu.memory_space<vmem>> -> memref<80x32xf32, #tpu.memory_space<vmem>>
        %dma_start3A_668 = tpu.memref_slice %arg9[%mul3A_661] : memref<10000xi32, #tpu.memory_space<vmem>> -> memref<80xi32, #tpu.memory_space<vmem>>
        %dma_start3A_669 = arith.constant 0 : i32
        %dma_start3A_670 = arith.constant 0 : i32
        %dma_start3A_671 = tpu.memref_slice %arg2[%dma_start3A_669, %dma_start3A_670] : memref<10240x32xf32, #tpu.memory_space<hbm>> -> memref<10240x32xf32, #tpu.memory_space<hbm>>
        %dma_start3A_672 = tpu.memref_slice %arg15[%dma_start3A_663] : memref<5x!tpu.dma_semaphore, #tpu.memory_space<semaphore_mem>> -> memref<1x!tpu.dma_semaphore, #tpu.memory_space<semaphore_mem>>
        %dma_start3A_673 = tpu.memref_squeeze %dma_start3A_672 : memref<1x!tpu.dma_semaphore, #tpu.memory_space<semaphore_mem>> -> memref<!tpu.dma_semaphore, #tpu.memory_space<semaphore_mem>>
        tpu.enqueue_indirect_dma source(%dma_start3A_671 : memref<10240x32xf32, #tpu.memory_space<hbm>>) target(%dma_start3A_667 : memref<80x32xf32, #tpu.memory_space<vmem>>) offsets(%dma_start3A_668 : memref<80xi32, #tpu.memory_space<vmem>>) semaphore(%dma_start3A_673 : memref<!tpu.dma_semaphore, #tpu.memory_space<semaphore_mem>>)
        %add3A_674 = arith.constant 5 : i32
        %add3A_675 = arith.addi %add3A_467, %add3A_674 : i32
        %mul3A_676 = arith.constant 80 : i32
        %mul3A_677 = arith.muli %add3A_675, %mul3A_676 : i32
        %dma_start3A_678 = arith.constant 0 : i32
        %dma_start3A_679 = arith.constant 0 : i32
        %dma_start3A_680 = arith.constant 0 : i32
        %dma_start3A_681 = arith.constant 0 : i32
        %dma_start3A_682 = tpu.memref_slice %arg12[%dma_start3A_678, %dma_start3A_680, %dma_start3A_681] : memref<5x80x32xf32, #tpu.memory_space<vmem>> -> memref<1x80x32xf32, #tpu.memory_space<vmem>>
        %dma_start3A_683 = tpu.memref_squeeze %dma_start3A_682 : memref<1x80x32xf32, #tpu.memory_space<vmem>> -> memref<80x32xf32, #tpu.memory_space<vmem>>
        %dma_start3A_684 = tpu.memref_slice %arg9[%mul3A_677] : memref<10000xi32, #tpu.memory_space<vmem>> -> memref<80xi32, #tpu.memory_space<vmem>>
        %dma_start3A_685 = arith.constant 0 : i32
        %dma_start3A_686 = arith.constant 0 : i32
        %dma_start3A_687 = tpu.memref_slice %arg3[%dma_start3A_685, %dma_start3A_686] : memref<10240x32xf32, #tpu.memory_space<hbm>> -> memref<10240x32xf32, #tpu.memory_space<hbm>>
        %dma_start3A_688 = tpu.memref_slice %arg16[%dma_start3A_679] : memref<5x!tpu.dma_semaphore, #tpu.memory_space<semaphore_mem>> -> memref<1x!tpu.dma_semaphore, #tpu.memory_space<semaphore_mem>>
        %dma_start3A_689 = tpu.memref_squeeze %dma_start3A_688 : memref<1x!tpu.dma_semaphore, #tpu.memory_space<semaphore_mem>> -> memref<!tpu.dma_semaphore, #tpu.memory_space<semaphore_mem>>
        tpu.enqueue_indirect_dma source(%dma_start3A_687 : memref<10240x32xf32, #tpu.memory_space<hbm>>) target(%dma_start3A_683 : memref<80x32xf32, #tpu.memory_space<vmem>>) offsets(%dma_start3A_684 : memref<80xi32, #tpu.memory_space<vmem>>) semaphore(%dma_start3A_689 : memref<!tpu.dma_semaphore, #tpu.memory_space<semaphore_mem>>)
      } else {
      }
      %mul3A_502 = arith.constant 5 : i32
      %mul3A_503 = arith.muli %scan3A_164, %mul3A_502 : i32
      %add3A_504 = arith.constant 1 : i32
      %add3A_505 = arith.addi %mul3A_503, %add3A_504 : i32
      %mul3A_506 = arith.constant 80 : i32
      %mul3A_507 = arith.muli %add3A_505, %mul3A_506 : i32
      %dma_wait3A_508 = arith.constant 1 : i32
      %dma_wait3A_509 = arith.constant 1 : i32
      %dma_wait3A_510 = arith.constant 0 : i32
      %dma_wait3A_511 = arith.constant 0 : i32
      %dma_wait3A_512 = tpu.memref_slice %arg11[%dma_wait3A_508, %dma_wait3A_510, %dma_wait3A_511] : memref<5x80x32xf32, #tpu.memory_space<vmem>> -> memref<1x80x32xf32, #tpu.memory_space<vmem>>
      %dma_wait3A_513 = tpu.memref_squeeze %dma_wait3A_512 : memref<1x80x32xf32, #tpu.memory_space<vmem>> -> memref<80x32xf32, #tpu.memory_space<vmem>>
      %dma_wait3A_514 = tpu.memref_slice %arg10[%mul3A_507] : memref<10000xi32, #tpu.memory_space<vmem>> -> memref<80xi32, #tpu.memory_space<vmem>>
      %dma_wait3A_515 = arith.constant 0 : i32
      %dma_wait3A_516 = arith.constant 0 : i32
      %dma_wait3A_517 = tpu.memref_slice %arg13[%dma_wait3A_515, %dma_wait3A_516] : memref<10000x32xf32, #tpu.memory_space<vmem_shared>> -> memref<10000x32xf32, #tpu.memory_space<vmem_shared>>
      %dma_wait3A_518 = tpu.memref_slice %arg17[%dma_wait3A_509] : memref<5x!tpu.dma_semaphore, #tpu.memory_space<semaphore_mem>> -> memref<1x!tpu.dma_semaphore, #tpu.memory_space<semaphore_mem>>
      %dma_wait3A_519 = tpu.memref_squeeze %dma_wait3A_518 : memref<1x!tpu.dma_semaphore, #tpu.memory_space<semaphore_mem>> -> memref<!tpu.dma_semaphore, #tpu.memory_space<semaphore_mem>>
      tpu.wait_indirect_dma semaphore(%dma_wait3A_519 : memref<!tpu.dma_semaphore, #tpu.memory_space<semaphore_mem>>) src(%dma_wait3A_513 : memref<80x32xf32, #tpu.memory_space<vmem>>) dst(%dma_wait3A_517 : memref<10000x32xf32, #tpu.memory_space<vmem_shared>>)
      %mul3A_520 = arith.constant 80 : i32
      %mul3A_521 = arith.muli %add3A_505, %mul3A_520 : i32
      %dma_wait3A_522 = arith.constant 1 : i32
      %dma_wait3A_523 = arith.constant 1 : i32
      %dma_wait3A_524 = arith.constant 0 : i32
      %dma_wait3A_525 = arith.constant 0 : i32
      %dma_wait3A_526 = tpu.memref_slice %arg12[%dma_wait3A_522, %dma_wait3A_524, %dma_wait3A_525] : memref<5x80x32xf32, #tpu.memory_space<vmem>> -> memref<1x80x32xf32, #tpu.memory_space<vmem>>
      %dma_wait3A_527 = tpu.memref_squeeze %dma_wait3A_526 : memref<1x80x32xf32, #tpu.memory_space<vmem>> -> memref<80x32xf32, #tpu.memory_space<vmem>>
      %dma_wait3A_528 = tpu.memref_slice %arg10[%mul3A_521] : memref<10000xi32, #tpu.memory_space<vmem>> -> memref<80xi32, #tpu.memory_space<vmem>>
      %dma_wait3A_529 = arith.constant 0 : i32
      %dma_wait3A_530 = arith.constant 0 : i32
      %dma_wait3A_531 = tpu.memref_slice %arg14[%dma_wait3A_529, %dma_wait3A_530] : memref<10000x32xf32, #tpu.memory_space<vmem_shared>> -> memref<10000x32xf32, #tpu.memory_space<vmem_shared>>
      %dma_wait3A_532 = tpu.memref_slice %arg18[%dma_wait3A_523] : memref<5x!tpu.dma_semaphore, #tpu.memory_space<semaphore_mem>> -> memref<1x!tpu.dma_semaphore, #tpu.memory_space<semaphore_mem>>
      %dma_wait3A_533 = tpu.memref_squeeze %dma_wait3A_532 : memref<1x!tpu.dma_semaphore, #tpu.memory_space<semaphore_mem>> -> memref<!tpu.dma_semaphore, #tpu.memory_space<semaphore_mem>>
      tpu.wait_indirect_dma semaphore(%dma_wait3A_533 : memref<!tpu.dma_semaphore, #tpu.memory_space<semaphore_mem>>) src(%dma_wait3A_527 : memref<80x32xf32, #tpu.memory_space<vmem>>) dst(%dma_wait3A_531 : memref<10000x32xf32, #tpu.memory_space<vmem_shared>>)
      %add3A_534 = arith.constant 5 : i32
      %add3A_535 = arith.addi %add3A_505, %add3A_534 : i32
      %lt3A_536 = arith.constant 125 : i32
      %lt3A_537 = arith.cmpi slt, %add3A_535, %lt3A_536 : i32
      %convert_element_type3A_538 = arith.extui %lt3A_537 : i1 to i32
      %cond3A_539 = arith.constant 0 : i32
      %cond3A_540 = arith.cmpi ne, %convert_element_type3A_538, %cond3A_539 : i32
      scf.if %cond3A_540 {
        %add3A_658 = arith.constant 5 : i32
        %add3A_659 = arith.addi %add3A_505, %add3A_658 : i32
        %mul3A_660 = arith.constant 80 : i32
        %mul3A_661 = arith.muli %add3A_659, %mul3A_660 : i32
        %dma_start3A_662 = arith.constant 1 : i32
        %dma_start3A_663 = arith.constant 1 : i32
        %dma_start3A_664 = arith.constant 0 : i32
        %dma_start3A_665 = arith.constant 0 : i32
        %dma_start3A_666 = tpu.memref_slice %arg11[%dma_start3A_662, %dma_start3A_664, %dma_start3A_665] : memref<5x80x32xf32, #tpu.memory_space<vmem>> -> memref<1x80x32xf32, #tpu.memory_space<vmem>>
        %dma_start3A_667 = tpu.memref_squeeze %dma_start3A_666 : memref<1x80x32xf32, #tpu.memory_space<vmem>> -> memref<80x32xf32, #tpu.memory_space<vmem>>
        %dma_start3A_668 = tpu.memref_slice %arg9[%mul3A_661] : memref<10000xi32, #tpu.memory_space<vmem>> -> memref<80xi32, #tpu.memory_space<vmem>>
        %dma_start3A_669 = arith.constant 0 : i32
        %dma_start3A_670 = arith.constant 0 : i32
        %dma_start3A_671 = tpu.memref_slice %arg2[%dma_start3A_669, %dma_start3A_670] : memref<10240x32xf32, #tpu.memory_space<hbm>> -> memref<10240x32xf32, #tpu.memory_space<hbm>>
        %dma_start3A_672 = tpu.memref_slice %arg15[%dma_start3A_663] : memref<5x!tpu.dma_semaphore, #tpu.memory_space<semaphore_mem>> -> memref<1x!tpu.dma_semaphore, #tpu.memory_space<semaphore_mem>>
        %dma_start3A_673 = tpu.memref_squeeze %dma_start3A_672 : memref<1x!tpu.dma_semaphore, #tpu.memory_space<semaphore_mem>> -> memref<!tpu.dma_semaphore, #tpu.memory_space<semaphore_mem>>
        tpu.enqueue_indirect_dma source(%dma_start3A_671 : memref<10240x32xf32, #tpu.memory_space<hbm>>) target(%dma_start3A_667 : memref<80x32xf32, #tpu.memory_space<vmem>>) offsets(%dma_start3A_668 : memref<80xi32, #tpu.memory_space<vmem>>) semaphore(%dma_start3A_673 : memref<!tpu.dma_semaphore, #tpu.memory_space<semaphore_mem>>)
        %add3A_674 = arith.constant 5 : i32
        %add3A_675 = arith.addi %add3A_505, %add3A_674 : i32
        %mul3A_676 = arith.constant 80 : i32
        %mul3A_677 = arith.muli %add3A_675, %mul3A_676 : i32
        %dma_start3A_678 = arith.constant 1 : i32
        %dma_start3A_679 = arith.constant 1 : i32
        %dma_start3A_680 = arith.constant 0 : i32
        %dma_start3A_681 = arith.constant 0 : i32
        %dma_start3A_682 = tpu.memref_slice %arg12[%dma_start3A_678, %dma_start3A_680, %dma_start3A_681] : memref<5x80x32xf32, #tpu.memory_space<vmem>> -> memref<1x80x32xf32, #tpu.memory_space<vmem>>
        %dma_start3A_683 = tpu.memref_squeeze %dma_start3A_682 : memref<1x80x32xf32, #tpu.memory_space<vmem>> -> memref<80x32xf32, #tpu.memory_space<vmem>>
        %dma_start3A_684 = tpu.memref_slice %arg9[%mul3A_677] : memref<10000xi32, #tpu.memory_space<vmem>> -> memref<80xi32, #tpu.memory_space<vmem>>
        %dma_start3A_685 = arith.constant 0 : i32
        %dma_start3A_686 = arith.constant 0 : i32
        %dma_start3A_687 = tpu.memref_slice %arg3[%dma_start3A_685, %dma_start3A_686] : memref<10240x32xf32, #tpu.memory_space<hbm>> -> memref<10240x32xf32, #tpu.memory_space<hbm>>
        %dma_start3A_688 = tpu.memref_slice %arg16[%dma_start3A_679] : memref<5x!tpu.dma_semaphore, #tpu.memory_space<semaphore_mem>> -> memref<1x!tpu.dma_semaphore, #tpu.memory_space<semaphore_mem>>
        %dma_start3A_689 = tpu.memref_squeeze %dma_start3A_688 : memref<1x!tpu.dma_semaphore, #tpu.memory_space<semaphore_mem>> -> memref<!tpu.dma_semaphore, #tpu.memory_space<semaphore_mem>>
        tpu.enqueue_indirect_dma source(%dma_start3A_687 : memref<10240x32xf32, #tpu.memory_space<hbm>>) target(%dma_start3A_683 : memref<80x32xf32, #tpu.memory_space<vmem>>) offsets(%dma_start3A_684 : memref<80xi32, #tpu.memory_space<vmem>>) semaphore(%dma_start3A_689 : memref<!tpu.dma_semaphore, #tpu.memory_space<semaphore_mem>>)
      } else {
      }
      %mul3A_541 = arith.constant 5 : i32
      %mul3A_542 = arith.muli %scan3A_164, %mul3A_541 : i32
      %add3A_543 = arith.constant 2 : i32
      %add3A_544 = arith.addi %mul3A_542, %add3A_543 : i32
      %mul3A_545 = arith.constant 80 : i32
      %mul3A_546 = arith.muli %add3A_544, %mul3A_545 : i32
      %dma_wait3A_547 = arith.constant 2 : i32
      %dma_wait3A_548 = arith.constant 2 : i32
      %dma_wait3A_549 = arith.constant 0 : i32
      %dma_wait3A_550 = arith.constant 0 : i32
      %dma_wait3A_551 = tpu.memref_slice %arg11[%dma_wait3A_547, %dma_wait3A_549, %dma_wait3A_550] : memref<5x80x32xf32, #tpu.memory_space<vmem>> -> memref<1x80x32xf32, #tpu.memory_space<vmem>>
      %dma_wait3A_552 = tpu.memref_squeeze %dma_wait3A_551 : memref<1x80x32xf32, #tpu.memory_space<vmem>> -> memref<80x32xf32, #tpu.memory_space<vmem>>
      %dma_wait3A_553 = tpu.memref_slice %arg10[%mul3A_546] : memref<10000xi32, #tpu.memory_space<vmem>> -> memref<80xi32, #tpu.memory_space<vmem>>
      %dma_wait3A_554 = arith.constant 0 : i32
      %dma_wait3A_555 = arith.constant 0 : i32
      %dma_wait3A_556 = tpu.memref_slice %arg13[%dma_wait3A_554, %dma_wait3A_555] : memref<10000x32xf32, #tpu.memory_space<vmem_shared>> -> memref<10000x32xf32, #tpu.memory_space<vmem_shared>>
      %dma_wait3A_557 = tpu.memref_slice %arg17[%dma_wait3A_548] : memref<5x!tpu.dma_semaphore, #tpu.memory_space<semaphore_mem>> -> memref<1x!tpu.dma_semaphore, #tpu.memory_space<semaphore_mem>>
      %dma_wait3A_558 = tpu.memref_squeeze %dma_wait3A_557 : memref<1x!tpu.dma_semaphore, #tpu.memory_space<semaphore_mem>> -> memref<!tpu.dma_semaphore, #tpu.memory_space<semaphore_mem>>
      tpu.wait_indirect_dma semaphore(%dma_wait3A_558 : memref<!tpu.dma_semaphore, #tpu.memory_space<semaphore_mem>>) src(%dma_wait3A_552 : memref<80x32xf32, #tpu.memory_space<vmem>>) dst(%dma_wait3A_556 : memref<10000x32xf32, #tpu.memory_space<vmem_shared>>)
      %mul3A_559 = arith.constant 80 : i32
      %mul3A_560 = arith.muli %add3A_544, %mul3A_559 : i32
      %dma_wait3A_561 = arith.constant 2 : i32
      %dma_wait3A_562 = arith.constant 2 : i32
      %dma_wait3A_563 = arith.constant 0 : i32
      %dma_wait3A_564 = arith.constant 0 : i32
      %dma_wait3A_565 = tpu.memref_slice %arg12[%dma_wait3A_561, %dma_wait3A_563, %dma_wait3A_564] : memref<5x80x32xf32, #tpu.memory_space<vmem>> -> memref<1x80x32xf32, #tpu.memory_space<vmem>>
      %dma_wait3A_566 = tpu.memref_squeeze %dma_wait3A_565 : memref<1x80x32xf32, #tpu.memory_space<vmem>> -> memref<80x32xf32, #tpu.memory_space<vmem>>
      %dma_wait3A_567 = tpu.memref_slice %arg10[%mul3A_560] : memref<10000xi32, #tpu.memory_space<vmem>> -> memref<80xi32, #tpu.memory_space<vmem>>
      %dma_wait3A_568 = arith.constant 0 : i32
      %dma_wait3A_569 = arith.constant 0 : i32
      %dma_wait3A_570 = tpu.memref_slice %arg14[%dma_wait3A_568, %dma_wait3A_569] : memref<10000x32xf32, #tpu.memory_space<vmem_shared>> -> memref<10000x32xf32, #tpu.memory_space<vmem_shared>>
      %dma_wait3A_571 = tpu.memref_slice %arg18[%dma_wait3A_562] : memref<5x!tpu.dma_semaphore, #tpu.memory_space<semaphore_mem>> -> memref<1x!tpu.dma_semaphore, #tpu.memory_space<semaphore_mem>>
      %dma_wait3A_572 = tpu.memref_squeeze %dma_wait3A_571 : memref<1x!tpu.dma_semaphore, #tpu.memory_space<semaphore_mem>> -> memref<!tpu.dma_semaphore, #tpu.memory_space<semaphore_mem>>
      tpu.wait_indirect_dma semaphore(%dma_wait3A_572 : memref<!tpu.dma_semaphore, #tpu.memory_space<semaphore_mem>>) src(%dma_wait3A_566 : memref<80x32xf32, #tpu.memory_space<vmem>>) dst(%dma_wait3A_570 : memref<10000x32xf32, #tpu.memory_space<vmem_shared>>)
      %add3A_573 = arith.constant 5 : i32
      %add3A_574 = arith.addi %add3A_544, %add3A_573 : i32
      %lt3A_575 = arith.constant 125 : i32
      %lt3A_576 = arith.cmpi slt, %add3A_574, %lt3A_575 : i32
      %convert_element_type3A_577 = arith.extui %lt3A_576 : i1 to i32
      %cond3A_578 = arith.constant 0 : i32
      %cond3A_579 = arith.cmpi ne, %convert_element_type3A_577, %cond3A_578 : i32
      scf.if %cond3A_579 {
        %add3A_658 = arith.constant 5 : i32
        %add3A_659 = arith.addi %add3A_544, %add3A_658 : i32
        %mul3A_660 = arith.constant 80 : i32
        %mul3A_661 = arith.muli %add3A_659, %mul3A_660 : i32
        %dma_start3A_662 = arith.constant 2 : i32
        %dma_start3A_663 = arith.constant 2 : i32
        %dma_start3A_664 = arith.constant 0 : i32
        %dma_start3A_665 = arith.constant 0 : i32
        %dma_start3A_666 = tpu.memref_slice %arg11[%dma_start3A_662, %dma_start3A_664, %dma_start3A_665] : memref<5x80x32xf32, #tpu.memory_space<vmem>> -> memref<1x80x32xf32, #tpu.memory_space<vmem>>
        %dma_start3A_667 = tpu.memref_squeeze %dma_start3A_666 : memref<1x80x32xf32, #tpu.memory_space<vmem>> -> memref<80x32xf32, #tpu.memory_space<vmem>>
        %dma_start3A_668 = tpu.memref_slice %arg9[%mul3A_661] : memref<10000xi32, #tpu.memory_space<vmem>> -> memref<80xi32, #tpu.memory_space<vmem>>
        %dma_start3A_669 = arith.constant 0 : i32
        %dma_start3A_670 = arith.constant 0 : i32
        %dma_start3A_671 = tpu.memref_slice %arg2[%dma_start3A_669, %dma_start3A_670] : memref<10240x32xf32, #tpu.memory_space<hbm>> -> memref<10240x32xf32, #tpu.memory_space<hbm>>
        %dma_start3A_672 = tpu.memref_slice %arg15[%dma_start3A_663] : memref<5x!tpu.dma_semaphore, #tpu.memory_space<semaphore_mem>> -> memref<1x!tpu.dma_semaphore, #tpu.memory_space<semaphore_mem>>
        %dma_start3A_673 = tpu.memref_squeeze %dma_start3A_672 : memref<1x!tpu.dma_semaphore, #tpu.memory_space<semaphore_mem>> -> memref<!tpu.dma_semaphore, #tpu.memory_space<semaphore_mem>>
        tpu.enqueue_indirect_dma source(%dma_start3A_671 : memref<10240x32xf32, #tpu.memory_space<hbm>>) target(%dma_start3A_667 : memref<80x32xf32, #tpu.memory_space<vmem>>) offsets(%dma_start3A_668 : memref<80xi32, #tpu.memory_space<vmem>>) semaphore(%dma_start3A_673 : memref<!tpu.dma_semaphore, #tpu.memory_space<semaphore_mem>>)
        %add3A_674 = arith.constant 5 : i32
        %add3A_675 = arith.addi %add3A_544, %add3A_674 : i32
        %mul3A_676 = arith.constant 80 : i32
        %mul3A_677 = arith.muli %add3A_675, %mul3A_676 : i32
        %dma_start3A_678 = arith.constant 2 : i32
        %dma_start3A_679 = arith.constant 2 : i32
        %dma_start3A_680 = arith.constant 0 : i32
        %dma_start3A_681 = arith.constant 0 : i32
        %dma_start3A_682 = tpu.memref_slice %arg12[%dma_start3A_678, %dma_start3A_680, %dma_start3A_681] : memref<5x80x32xf32, #tpu.memory_space<vmem>> -> memref<1x80x32xf32, #tpu.memory_space<vmem>>
        %dma_start3A_683 = tpu.memref_squeeze %dma_start3A_682 : memref<1x80x32xf32, #tpu.memory_space<vmem>> -> memref<80x32xf32, #tpu.memory_space<vmem>>
        %dma_start3A_684 = tpu.memref_slice %arg9[%mul3A_677] : memref<10000xi32, #tpu.memory_space<vmem>> -> memref<80xi32, #tpu.memory_space<vmem>>
        %dma_start3A_685 = arith.constant 0 : i32
        %dma_start3A_686 = arith.constant 0 : i32
        %dma_start3A_687 = tpu.memref_slice %arg3[%dma_start3A_685, %dma_start3A_686] : memref<10240x32xf32, #tpu.memory_space<hbm>> -> memref<10240x32xf32, #tpu.memory_space<hbm>>
        %dma_start3A_688 = tpu.memref_slice %arg16[%dma_start3A_679] : memref<5x!tpu.dma_semaphore, #tpu.memory_space<semaphore_mem>> -> memref<1x!tpu.dma_semaphore, #tpu.memory_space<semaphore_mem>>
        %dma_start3A_689 = tpu.memref_squeeze %dma_start3A_688 : memref<1x!tpu.dma_semaphore, #tpu.memory_space<semaphore_mem>> -> memref<!tpu.dma_semaphore, #tpu.memory_space<semaphore_mem>>
        tpu.enqueue_indirect_dma source(%dma_start3A_687 : memref<10240x32xf32, #tpu.memory_space<hbm>>) target(%dma_start3A_683 : memref<80x32xf32, #tpu.memory_space<vmem>>) offsets(%dma_start3A_684 : memref<80xi32, #tpu.memory_space<vmem>>) semaphore(%dma_start3A_689 : memref<!tpu.dma_semaphore, #tpu.memory_space<semaphore_mem>>)
      } else {
      }
      %mul3A_580 = arith.constant 5 : i32
      %mul3A_581 = arith.muli %scan3A_164, %mul3A_580 : i32
      %add3A_582 = arith.constant 3 : i32
      %add3A_583 = arith.addi %mul3A_581, %add3A_582 : i32
      %mul3A_584 = arith.constant 80 : i32
      %mul3A_585 = arith.muli %add3A_583, %mul3A_584 : i32
      %dma_wait3A_586 = arith.constant 3 : i32
      %dma_wait3A_587 = arith.constant 3 : i32
      %dma_wait3A_588 = arith.constant 0 : i32
      %dma_wait3A_589 = arith.constant 0 : i32
      %dma_wait3A_590 = tpu.memref_slice %arg11[%dma_wait3A_586, %dma_wait3A_588, %dma_wait3A_589] : memref<5x80x32xf32, #tpu.memory_space<vmem>> -> memref<1x80x32xf32, #tpu.memory_space<vmem>>
      %dma_wait3A_591 = tpu.memref_squeeze %dma_wait3A_590 : memref<1x80x32xf32, #tpu.memory_space<vmem>> -> memref<80x32xf32, #tpu.memory_space<vmem>>
      %dma_wait3A_592 = tpu.memref_slice %arg10[%mul3A_585] : memref<10000xi32, #tpu.memory_space<vmem>> -> memref<80xi32, #tpu.memory_space<vmem>>
      %dma_wait3A_593 = arith.constant 0 : i32
      %dma_wait3A_594 = arith.constant 0 : i32
      %dma_wait3A_595 = tpu.memref_slice %arg13[%dma_wait3A_593, %dma_wait3A_594] : memref<10000x32xf32, #tpu.memory_space<vmem_shared>> -> memref<10000x32xf32, #tpu.memory_space<vmem_shared>>
      %dma_wait3A_596 = tpu.memref_slice %arg17[%dma_wait3A_587] : memref<5x!tpu.dma_semaphore, #tpu.memory_space<semaphore_mem>> -> memref<1x!tpu.dma_semaphore, #tpu.memory_space<semaphore_mem>>
      %dma_wait3A_597 = tpu.memref_squeeze %dma_wait3A_596 : memref<1x!tpu.dma_semaphore, #tpu.memory_space<semaphore_mem>> -> memref<!tpu.dma_semaphore, #tpu.memory_space<semaphore_mem>>
      tpu.wait_indirect_dma semaphore(%dma_wait3A_597 : memref<!tpu.dma_semaphore, #tpu.memory_space<semaphore_mem>>) src(%dma_wait3A_591 : memref<80x32xf32, #tpu.memory_space<vmem>>) dst(%dma_wait3A_595 : memref<10000x32xf32, #tpu.memory_space<vmem_shared>>)
      %mul3A_598 = arith.constant 80 : i32
      %mul3A_599 = arith.muli %add3A_583, %mul3A_598 : i32
      %dma_wait3A_600 = arith.constant 3 : i32
      %dma_wait3A_601 = arith.constant 3 : i32
      %dma_wait3A_602 = arith.constant 0 : i32
      %dma_wait3A_603 = arith.constant 0 : i32
      %dma_wait3A_604 = tpu.memref_slice %arg12[%dma_wait3A_600, %dma_wait3A_602, %dma_wait3A_603] : memref<5x80x32xf32, #tpu.memory_space<vmem>> -> memref<1x80x32xf32, #tpu.memory_space<vmem>>
      %dma_wait3A_605 = tpu.memref_squeeze %dma_wait3A_604 : memref<1x80x32xf32, #tpu.memory_space<vmem>> -> memref<80x32xf32, #tpu.memory_space<vmem>>
      %dma_wait3A_606 = tpu.memref_slice %arg10[%mul3A_599] : memref<10000xi32, #tpu.memory_space<vmem>> -> memref<80xi32, #tpu.memory_space<vmem>>
      %dma_wait3A_607 = arith.constant 0 : i32
      %dma_wait3A_608 = arith.constant 0 : i32
      %dma_wait3A_609 = tpu.memref_slice %arg14[%dma_wait3A_607, %dma_wait3A_608] : memref<10000x32xf32, #tpu.memory_space<vmem_shared>> -> memref<10000x32xf32, #tpu.memory_space<vmem_shared>>
      %dma_wait3A_610 = tpu.memref_slice %arg18[%dma_wait3A_601] : memref<5x!tpu.dma_semaphore, #tpu.memory_space<semaphore_mem>> -> memref<1x!tpu.dma_semaphore, #tpu.memory_space<semaphore_mem>>
      %dma_wait3A_611 = tpu.memref_squeeze %dma_wait3A_610 : memref<1x!tpu.dma_semaphore, #tpu.memory_space<semaphore_mem>> -> memref<!tpu.dma_semaphore, #tpu.memory_space<semaphore_mem>>
      tpu.wait_indirect_dma semaphore(%dma_wait3A_611 : memref<!tpu.dma_semaphore, #tpu.memory_space<semaphore_mem>>) src(%dma_wait3A_605 : memref<80x32xf32, #tpu.memory_space<vmem>>) dst(%dma_wait3A_609 : memref<10000x32xf32, #tpu.memory_space<vmem_shared>>)
      %add3A_612 = arith.constant 5 : i32
      %add3A_613 = arith.addi %add3A_583, %add3A_612 : i32
      %lt3A_614 = arith.constant 125 : i32
      %lt3A_615 = arith.cmpi slt, %add3A_613, %lt3A_614 : i32
      %convert_element_type3A_616 = arith.extui %lt3A_615 : i1 to i32
      %cond3A_617 = arith.constant 0 : i32
      %cond3A_618 = arith.cmpi ne, %convert_element_type3A_616, %cond3A_617 : i32
      scf.if %cond3A_618 {
        %add3A_658 = arith.constant 5 : i32
        %add3A_659 = arith.addi %add3A_583, %add3A_658 : i32
        %mul3A_660 = arith.constant 80 : i32
        %mul3A_661 = arith.muli %add3A_659, %mul3A_660 : i32
        %dma_start3A_662 = arith.constant 3 : i32
        %dma_start3A_663 = arith.constant 3 : i32
        %dma_start3A_664 = arith.constant 0 : i32
        %dma_start3A_665 = arith.constant 0 : i32
        %dma_start3A_666 = tpu.memref_slice %arg11[%dma_start3A_662, %dma_start3A_664, %dma_start3A_665] : memref<5x80x32xf32, #tpu.memory_space<vmem>> -> memref<1x80x32xf32, #tpu.memory_space<vmem>>
        %dma_start3A_667 = tpu.memref_squeeze %dma_start3A_666 : memref<1x80x32xf32, #tpu.memory_space<vmem>> -> memref<80x32xf32, #tpu.memory_space<vmem>>
        %dma_start3A_668 = tpu.memref_slice %arg9[%mul3A_661] : memref<10000xi32, #tpu.memory_space<vmem>> -> memref<80xi32, #tpu.memory_space<vmem>>
        %dma_start3A_669 = arith.constant 0 : i32
        %dma_start3A_670 = arith.constant 0 : i32
        %dma_start3A_671 = tpu.memref_slice %arg2[%dma_start3A_669, %dma_start3A_670] : memref<10240x32xf32, #tpu.memory_space<hbm>> -> memref<10240x32xf32, #tpu.memory_space<hbm>>
        %dma_start3A_672 = tpu.memref_slice %arg15[%dma_start3A_663] : memref<5x!tpu.dma_semaphore, #tpu.memory_space<semaphore_mem>> -> memref<1x!tpu.dma_semaphore, #tpu.memory_space<semaphore_mem>>
        %dma_start3A_673 = tpu.memref_squeeze %dma_start3A_672 : memref<1x!tpu.dma_semaphore, #tpu.memory_space<semaphore_mem>> -> memref<!tpu.dma_semaphore, #tpu.memory_space<semaphore_mem>>
        tpu.enqueue_indirect_dma source(%dma_start3A_671 : memref<10240x32xf32, #tpu.memory_space<hbm>>) target(%dma_start3A_667 : memref<80x32xf32, #tpu.memory_space<vmem>>) offsets(%dma_start3A_668 : memref<80xi32, #tpu.memory_space<vmem>>) semaphore(%dma_start3A_673 : memref<!tpu.dma_semaphore, #tpu.memory_space<semaphore_mem>>)
        %add3A_674 = arith.constant 5 : i32
        %add3A_675 = arith.addi %add3A_583, %add3A_674 : i32
        %mul3A_676 = arith.constant 80 : i32
        %mul3A_677 = arith.muli %add3A_675, %mul3A_676 : i32
        %dma_start3A_678 = arith.constant 3 : i32
        %dma_start3A_679 = arith.constant 3 : i32
        %dma_start3A_680 = arith.constant 0 : i32
        %dma_start3A_681 = arith.constant 0 : i32
        %dma_start3A_682 = tpu.memref_slice %arg12[%dma_start3A_678, %dma_start3A_680, %dma_start3A_681] : memref<5x80x32xf32, #tpu.memory_space<vmem>> -> memref<1x80x32xf32, #tpu.memory_space<vmem>>
        %dma_start3A_683 = tpu.memref_squeeze %dma_start3A_682 : memref<1x80x32xf32, #tpu.memory_space<vmem>> -> memref<80x32xf32, #tpu.memory_space<vmem>>
        %dma_start3A_684 = tpu.memref_slice %arg9[%mul3A_677] : memref<10000xi32, #tpu.memory_space<vmem>> -> memref<80xi32, #tpu.memory_space<vmem>>
        %dma_start3A_685 = arith.constant 0 : i32
        %dma_start3A_686 = arith.constant 0 : i32
        %dma_start3A_687 = tpu.memref_slice %arg3[%dma_start3A_685, %dma_start3A_686] : memref<10240x32xf32, #tpu.memory_space<hbm>> -> memref<10240x32xf32, #tpu.memory_space<hbm>>
        %dma_start3A_688 = tpu.memref_slice %arg16[%dma_start3A_679] : memref<5x!tpu.dma_semaphore, #tpu.memory_space<semaphore_mem>> -> memref<1x!tpu.dma_semaphore, #tpu.memory_space<semaphore_mem>>
        %dma_start3A_689 = tpu.memref_squeeze %dma_start3A_688 : memref<1x!tpu.dma_semaphore, #tpu.memory_space<semaphore_mem>> -> memref<!tpu.dma_semaphore, #tpu.memory_space<semaphore_mem>>
        tpu.enqueue_indirect_dma source(%dma_start3A_687 : memref<10240x32xf32, #tpu.memory_space<hbm>>) target(%dma_start3A_683 : memref<80x32xf32, #tpu.memory_space<vmem>>) offsets(%dma_start3A_684 : memref<80xi32, #tpu.memory_space<vmem>>) semaphore(%dma_start3A_689 : memref<!tpu.dma_semaphore, #tpu.memory_space<semaphore_mem>>)
      } else {
      }
      %mul3A_619 = arith.constant 5 : i32
      %mul3A_620 = arith.muli %scan3A_164, %mul3A_619 : i32
      %add3A_621 = arith.constant 4 : i32
      %add3A_622 = arith.addi %mul3A_620, %add3A_621 : i32
      %mul3A_623 = arith.constant 80 : i32
      %mul3A_624 = arith.muli %add3A_622, %mul3A_623 : i32
      %dma_wait3A_625 = arith.constant 4 : i32
      %dma_wait3A_626 = arith.constant 4 : i32
      %dma_wait3A_627 = arith.constant 0 : i32
      %dma_wait3A_628 = arith.constant 0 : i32
      %dma_wait3A_629 = tpu.memref_slice %arg11[%dma_wait3A_625, %dma_wait3A_627, %dma_wait3A_628] : memref<5x80x32xf32, #tpu.memory_space<vmem>> -> memref<1x80x32xf32, #tpu.memory_space<vmem>>
      %dma_wait3A_630 = tpu.memref_squeeze %dma_wait3A_629 : memref<1x80x32xf32, #tpu.memory_space<vmem>> -> memref<80x32xf32, #tpu.memory_space<vmem>>
      %dma_wait3A_631 = tpu.memref_slice %arg10[%mul3A_624] : memref<10000xi32, #tpu.memory_space<vmem>> -> memref<80xi32, #tpu.memory_space<vmem>>
      %dma_wait3A_632 = arith.constant 0 : i32
      %dma_wait3A_633 = arith.constant 0 : i32
      %dma_wait3A_634 = tpu.memref_slice %arg13[%dma_wait3A_632, %dma_wait3A_633] : memref<10000x32xf32, #tpu.memory_space<vmem_shared>> -> memref<10000x32xf32, #tpu.memory_space<vmem_shared>>
      %dma_wait3A_635 = tpu.memref_slice %arg17[%dma_wait3A_626] : memref<5x!tpu.dma_semaphore, #tpu.memory_space<semaphore_mem>> -> memref<1x!tpu.dma_semaphore, #tpu.memory_space<semaphore_mem>>
      %dma_wait3A_636 = tpu.memref_squeeze %dma_wait3A_635 : memref<1x!tpu.dma_semaphore, #tpu.memory_space<semaphore_mem>> -> memref<!tpu.dma_semaphore, #tpu.memory_space<semaphore_mem>>
      tpu.wait_indirect_dma semaphore(%dma_wait3A_636 : memref<!tpu.dma_semaphore, #tpu.memory_space<semaphore_mem>>) src(%dma_wait3A_630 : memref<80x32xf32, #tpu.memory_space<vmem>>) dst(%dma_wait3A_634 : memref<10000x32xf32, #tpu.memory_space<vmem_shared>>)
      %mul3A_637 = arith.constant 80 : i32
      %mul3A_638 = arith.muli %add3A_622, %mul3A_637 : i32
      %dma_wait3A_639 = arith.constant 4 : i32
      %dma_wait3A_640 = arith.constant 4 : i32
      %dma_wait3A_641 = arith.constant 0 : i32
      %dma_wait3A_642 = arith.constant 0 : i32
      %dma_wait3A_643 = tpu.memref_slice %arg12[%dma_wait3A_639, %dma_wait3A_641, %dma_wait3A_642] : memref<5x80x32xf32, #tpu.memory_space<vmem>> -> memref<1x80x32xf32, #tpu.memory_space<vmem>>
      %dma_wait3A_644 = tpu.memref_squeeze %dma_wait3A_643 : memref<1x80x32xf32, #tpu.memory_space<vmem>> -> memref<80x32xf32, #tpu.memory_space<vmem>>
      %dma_wait3A_645 = tpu.memref_slice %arg10[%mul3A_638] : memref<10000xi32, #tpu.memory_space<vmem>> -> memref<80xi32, #tpu.memory_space<vmem>>
      %dma_wait3A_646 = arith.constant 0 : i32
      %dma_wait3A_647 = arith.constant 0 : i32
      %dma_wait3A_648 = tpu.memref_slice %arg14[%dma_wait3A_646, %dma_wait3A_647] : memref<10000x32xf32, #tpu.memory_space<vmem_shared>> -> memref<10000x32xf32, #tpu.memory_space<vmem_shared>>
      %dma_wait3A_649 = tpu.memref_slice %arg18[%dma_wait3A_640] : memref<5x!tpu.dma_semaphore, #tpu.memory_space<semaphore_mem>> -> memref<1x!tpu.dma_semaphore, #tpu.memory_space<semaphore_mem>>
      %dma_wait3A_650 = tpu.memref_squeeze %dma_wait3A_649 : memref<1x!tpu.dma_semaphore, #tpu.memory_space<semaphore_mem>> -> memref<!tpu.dma_semaphore, #tpu.memory_space<semaphore_mem>>
      tpu.wait_indirect_dma semaphore(%dma_wait3A_650 : memref<!tpu.dma_semaphore, #tpu.memory_space<semaphore_mem>>) src(%dma_wait3A_644 : memref<80x32xf32, #tpu.memory_space<vmem>>) dst(%dma_wait3A_648 : memref<10000x32xf32, #tpu.memory_space<vmem_shared>>)
      %add3A_651 = arith.constant 5 : i32
      %add3A_652 = arith.addi %add3A_622, %add3A_651 : i32
      %lt3A_653 = arith.constant 125 : i32
      %lt3A_654 = arith.cmpi slt, %add3A_652, %lt3A_653 : i32
      %convert_element_type3A_655 = arith.extui %lt3A_654 : i1 to i32
      %cond3A_656 = arith.constant 0 : i32
      %cond3A_657 = arith.cmpi ne, %convert_element_type3A_655, %cond3A_656 : i32
      scf.if %cond3A_657 {
        %add3A_658 = arith.constant 5 : i32
        %add3A_659 = arith.addi %add3A_622, %add3A_658 : i32
        %mul3A_660 = arith.constant 80 : i32
        %mul3A_661 = arith.muli %add3A_659, %mul3A_660 : i32
        %dma_start3A_662 = arith.constant 4 : i32
        %dma_start3A_663 = arith.constant 4 : i32
        %dma_start3A_664 = arith.constant 0 : i32
        %dma_start3A_665 = arith.constant 0 : i32
        %dma_start3A_666 = tpu.memref_slice %arg11[%dma_start3A_662, %dma_start3A_664, %dma_start3A_665] : memref<5x80x32xf32, #tpu.memory_space<vmem>> -> memref<1x80x32xf32, #tpu.memory_space<vmem>>
        %dma_start3A_667 = tpu.memref_squeeze %dma_start3A_666 : memref<1x80x32xf32, #tpu.memory_space<vmem>> -> memref<80x32xf32, #tpu.memory_space<vmem>>
        %dma_start3A_668 = tpu.memref_slice %arg9[%mul3A_661] : memref<10000xi32, #tpu.memory_space<vmem>> -> memref<80xi32, #tpu.memory_space<vmem>>
        %dma_start3A_669 = arith.constant 0 : i32
        %dma_start3A_670 = arith.constant 0 : i32
        %dma_start3A_671 = tpu.memref_slice %arg2[%dma_start3A_669, %dma_start3A_670] : memref<10240x32xf32, #tpu.memory_space<hbm>> -> memref<10240x32xf32, #tpu.memory_space<hbm>>
        %dma_start3A_672 = tpu.memref_slice %arg15[%dma_start3A_663] : memref<5x!tpu.dma_semaphore, #tpu.memory_space<semaphore_mem>> -> memref<1x!tpu.dma_semaphore, #tpu.memory_space<semaphore_mem>>
        %dma_start3A_673 = tpu.memref_squeeze %dma_start3A_672 : memref<1x!tpu.dma_semaphore, #tpu.memory_space<semaphore_mem>> -> memref<!tpu.dma_semaphore, #tpu.memory_space<semaphore_mem>>
        tpu.enqueue_indirect_dma source(%dma_start3A_671 : memref<10240x32xf32, #tpu.memory_space<hbm>>) target(%dma_start3A_667 : memref<80x32xf32, #tpu.memory_space<vmem>>) offsets(%dma_start3A_668 : memref<80xi32, #tpu.memory_space<vmem>>) semaphore(%dma_start3A_673 : memref<!tpu.dma_semaphore, #tpu.memory_space<semaphore_mem>>)
        %add3A_674 = arith.constant 5 : i32
        %add3A_675 = arith.addi %add3A_622, %add3A_674 : i32
        %mul3A_676 = arith.constant 80 : i32
        %mul3A_677 = arith.muli %add3A_675, %mul3A_676 : i32
        %dma_start3A_678 = arith.constant 4 : i32
        %dma_start3A_679 = arith.constant 4 : i32
        %dma_start3A_680 = arith.constant 0 : i32
        %dma_start3A_681 = arith.constant 0 : i32
        %dma_start3A_682 = tpu.memref_slice %arg12[%dma_start3A_678, %dma_start3A_680, %dma_start3A_681] : memref<5x80x32xf32, #tpu.memory_space<vmem>> -> memref<1x80x32xf32, #tpu.memory_space<vmem>>
        %dma_start3A_683 = tpu.memref_squeeze %dma_start3A_682 : memref<1x80x32xf32, #tpu.memory_space<vmem>> -> memref<80x32xf32, #tpu.memory_space<vmem>>
        %dma_start3A_684 = tpu.memref_slice %arg9[%mul3A_677] : memref<10000xi32, #tpu.memory_space<vmem>> -> memref<80xi32, #tpu.memory_space<vmem>>
        %dma_start3A_685 = arith.constant 0 : i32
        %dma_start3A_686 = arith.constant 0 : i32
        %dma_start3A_687 = tpu.memref_slice %arg3[%dma_start3A_685, %dma_start3A_686] : memref<10240x32xf32, #tpu.memory_space<hbm>> -> memref<10240x32xf32, #tpu.memory_space<hbm>>
        %dma_start3A_688 = tpu.memref_slice %arg16[%dma_start3A_679] : memref<5x!tpu.dma_semaphore, #tpu.memory_space<semaphore_mem>> -> memref<1x!tpu.dma_semaphore, #tpu.memory_space<semaphore_mem>>
        %dma_start3A_689 = tpu.memref_squeeze %dma_start3A_688 : memref<1x!tpu.dma_semaphore, #tpu.memory_space<semaphore_mem>> -> memref<!tpu.dma_semaphore, #tpu.memory_space<semaphore_mem>>
        tpu.enqueue_indirect_dma source(%dma_start3A_687 : memref<10240x32xf32, #tpu.memory_space<hbm>>) target(%dma_start3A_683 : memref<80x32xf32, #tpu.memory_space<vmem>>) offsets(%dma_start3A_684 : memref<80xi32, #tpu.memory_space<vmem>>) semaphore(%dma_start3A_689 : memref<!tpu.dma_semaphore, #tpu.memory_space<semaphore_mem>>)
      } else {
      }
    }
    %scan3A_148 = arith.constant 25 : i32
    %barrier3A_149 = arith.constant 0 : index
    tpu.barrier barrier_id(%barrier3A_149)
    %mul3A_150 = arith.constant 624 : i32
    %mul3A_151 = arith.muli %arg1, %mul3A_150 : i32
    "tpu.region"() ({
      %run_scoped3A_164 = tpu.sem_alloc : memref<!tpu.dma_semaphore, #tpu.memory_space<semaphore_mem>>
      %dma_start3A_165 = arith.constant 0 : i32
      %dma_start3A_166 = tpu.memref_slice %arg7[%arg0, %mul3A_151, %dma_start3A_165] : memref<2x10240x32xf32, #tpu.memory_space<hbm>> -> memref<1x624x32xf32, #tpu.memory_space<hbm>>
      %dma_start3A_167 = tpu.memref_squeeze %dma_start3A_166 : memref<1x624x32xf32, #tpu.memory_space<hbm>> -> memref<624x32xf32, #tpu.memory_space<hbm>>
      %dma_start3A_168 = arith.constant 0 : i32
      %dma_start3A_169 = tpu.memref_slice %arg13[%mul3A_151, %dma_start3A_168] : memref<10000x32xf32, #tpu.memory_space<vmem_shared>> -> memref<624x32xf32, #tpu.memory_space<vmem_shared>>
      tpu.enqueue_dma source(%dma_start3A_169 : memref<624x32xf32, #tpu.memory_space<vmem_shared>>) target(%dma_start3A_167 : memref<624x32xf32, #tpu.memory_space<hbm>>) target_semaphore(%run_scoped3A_164 : memref<!tpu.dma_semaphore, #tpu.memory_space<semaphore_mem>>)
      %dma_wait3A = arith.constant 0 : i32
      %dma_wait3A_170 = tpu.memref_slice %arg7[%arg0, %mul3A_151, %dma_wait3A] : memref<2x10240x32xf32, #tpu.memory_space<hbm>> -> memref<1x624x32xf32, #tpu.memory_space<hbm>>
      %dma_wait3A_171 = tpu.memref_squeeze %dma_wait3A_170 : memref<1x624x32xf32, #tpu.memory_space<hbm>> -> memref<624x32xf32, #tpu.memory_space<hbm>>
      %dma_wait3A_172 = arith.constant 0 : i32
      %dma_wait3A_173 = tpu.memref_slice %arg13[%mul3A_151, %dma_wait3A_172] : memref<10000x32xf32, #tpu.memory_space<vmem_shared>> -> memref<624x32xf32, #tpu.memory_space<vmem_shared>>
      tpu.wait_dma2 semaphore(%run_scoped3A_164 : memref<!tpu.dma_semaphore, #tpu.memory_space<semaphore_mem>>) src(%dma_wait3A_173 : memref<624x32xf32, #tpu.memory_space<vmem_shared>>) dst(%dma_wait3A_171 : memref<624x32xf32, #tpu.memory_space<hbm>>)
      tpu.yield
    }) : () -> ()
    %eq3A_152 = arith.constant 15 : i32
    %eq3A_153 = arith.cmpi eq, %arg1, %eq3A_152 : i32
    %convert_element_type3A_154 = arith.extui %eq3A_153 : i1 to i32
    %cond3A_155 = arith.constant 0 : i32
    %cond3A_156 = arith.cmpi ne, %convert_element_type3A_154, %cond3A_155 : i32
    scf.if %cond3A_156 {
      "tpu.region"() ({
        %run_scoped3A_164 = tpu.sem_alloc : memref<!tpu.dma_semaphore, #tpu.memory_space<semaphore_mem>>
        %dma_start3A_165 = arith.constant 9984 : i32
        %dma_start3A_166 = arith.constant 0 : i32
        %dma_start3A_167 = tpu.memref_slice %arg7[%arg0, %dma_start3A_165, %dma_start3A_166] : memref<2x10240x32xf32, #tpu.memory_space<hbm>> -> memref<1x16x32xf32, #tpu.memory_space<hbm>>
        %dma_start3A_168 = tpu.memref_squeeze %dma_start3A_167 : memref<1x16x32xf32, #tpu.memory_space<hbm>> -> memref<16x32xf32, #tpu.memory_space<hbm>>
        %dma_start3A_169 = arith.constant 9984 : i32
        %dma_start3A_170 = arith.constant 0 : i32
        %dma_start3A_171 = tpu.memref_slice %arg13[%dma_start3A_169, %dma_start3A_170] : memref<10000x32xf32, #tpu.memory_space<vmem_shared>> -> memref<16x32xf32, #tpu.memory_space<vmem_shared>>
        tpu.enqueue_dma source(%dma_start3A_171 : memref<16x32xf32, #tpu.memory_space<vmem_shared>>) target(%dma_start3A_168 : memref<16x32xf32, #tpu.memory_space<hbm>>) target_semaphore(%run_scoped3A_164 : memref<!tpu.dma_semaphore, #tpu.memory_space<semaphore_mem>>)
        %dma_wait3A = arith.constant 9984 : i32
        %dma_wait3A_172 = arith.constant 0 : i32
        %dma_wait3A_173 = tpu.memref_slice %arg7[%arg0, %dma_wait3A, %dma_wait3A_172] : memref<2x10240x32xf32, #tpu.memory_space<hbm>> -> memref<1x16x32xf32, #tpu.memory_space<hbm>>
        %dma_wait3A_174 = tpu.memref_squeeze %dma_wait3A_173 : memref<1x16x32xf32, #tpu.memory_space<hbm>> -> memref<16x32xf32, #tpu.memory_space<hbm>>
        %dma_wait3A_175 = arith.constant 9984 : i32
        %dma_wait3A_176 = arith.constant 0 : i32
        %dma_wait3A_177 = tpu.memref_slice %arg13[%dma_wait3A_175, %dma_wait3A_176] : memref<10000x32xf32, #tpu.memory_space<vmem_shared>> -> memref<16x32xf32, #tpu.memory_space<vmem_shared>>
        tpu.wait_dma2 semaphore(%run_scoped3A_164 : memref<!tpu.dma_semaphore, #tpu.memory_space<semaphore_mem>>) src(%dma_wait3A_177 : memref<16x32xf32, #tpu.memory_space<vmem_shared>>) dst(%dma_wait3A_174 : memref<16x32xf32, #tpu.memory_space<hbm>>)
        tpu.yield
      }) : () -> ()
    } else {
    }
    %mul3A_157 = arith.constant 624 : i32
    %mul3A_158 = arith.muli %arg1, %mul3A_157 : i32
    "tpu.region"() ({
      %run_scoped3A_164 = tpu.sem_alloc : memref<!tpu.dma_semaphore, #tpu.memory_space<semaphore_mem>>
      %dma_start3A_165 = arith.constant 0 : i32
      %dma_start3A_166 = tpu.memref_slice %arg8[%arg0, %mul3A_158, %dma_start3A_165] : memref<2x10240x32xf32, #tpu.memory_space<hbm>> -> memref<1x624x32xf32, #tpu.memory_space<hbm>>
      %dma_start3A_167 = tpu.memref_squeeze %dma_start3A_166 : memref<1x624x32xf32, #tpu.memory_space<hbm>> -> memref<624x32xf32, #tpu.memory_space<hbm>>
      %dma_start3A_168 = arith.constant 0 : i32
      %dma_start3A_169 = tpu.memref_slice %arg14[%mul3A_158, %dma_start3A_168] : memref<10000x32xf32, #tpu.memory_space<vmem_shared>> -> memref<624x32xf32, #tpu.memory_space<vmem_shared>>
      tpu.enqueue_dma source(%dma_start3A_169 : memref<624x32xf32, #tpu.memory_space<vmem_shared>>) target(%dma_start3A_167 : memref<624x32xf32, #tpu.memory_space<hbm>>) target_semaphore(%run_scoped3A_164 : memref<!tpu.dma_semaphore, #tpu.memory_space<semaphore_mem>>)
      %dma_wait3A = arith.constant 0 : i32
      %dma_wait3A_170 = tpu.memref_slice %arg8[%arg0, %mul3A_158, %dma_wait3A] : memref<2x10240x32xf32, #tpu.memory_space<hbm>> -> memref<1x624x32xf32, #tpu.memory_space<hbm>>
      %dma_wait3A_171 = tpu.memref_squeeze %dma_wait3A_170 : memref<1x624x32xf32, #tpu.memory_space<hbm>> -> memref<624x32xf32, #tpu.memory_space<hbm>>
      %dma_wait3A_172 = arith.constant 0 : i32
      %dma_wait3A_173 = tpu.memref_slice %arg14[%mul3A_158, %dma_wait3A_172] : memref<10000x32xf32, #tpu.memory_space<vmem_shared>> -> memref<624x32xf32, #tpu.memory_space<vmem_shared>>
      tpu.wait_dma2 semaphore(%run_scoped3A_164 : memref<!tpu.dma_semaphore, #tpu.memory_space<semaphore_mem>>) src(%dma_wait3A_173 : memref<624x32xf32, #tpu.memory_space<vmem_shared>>) dst(%dma_wait3A_171 : memref<624x32xf32, #tpu.memory_space<hbm>>)
      tpu.yield
    }) : () -> ()
    %eq3A_159 = arith.constant 15 : i32
    %eq3A_160 = arith.cmpi eq, %arg1, %eq3A_159 : i32
    %convert_element_type3A_161 = arith.extui %eq3A_160 : i1 to i32
    %cond3A_162 = arith.constant 0 : i32
    %cond3A_163 = arith.cmpi ne, %convert_element_type3A_161, %cond3A_162 : i32
    scf.if %cond3A_163 {
      "tpu.region"() ({
        %run_scoped3A_164 = tpu.sem_alloc : memref<!tpu.dma_semaphore, #tpu.memory_space<semaphore_mem>>
        %dma_start3A_165 = arith.constant 9984 : i32
        %dma_start3A_166 = arith.constant 0 : i32
        %dma_start3A_167 = tpu.memref_slice %arg8[%arg0, %dma_start3A_165, %dma_start3A_166] : memref<2x10240x32xf32, #tpu.memory_space<hbm>> -> memref<1x16x32xf32, #tpu.memory_space<hbm>>
        %dma_start3A_168 = tpu.memref_squeeze %dma_start3A_167 : memref<1x16x32xf32, #tpu.memory_space<hbm>> -> memref<16x32xf32, #tpu.memory_space<hbm>>
        %dma_start3A_169 = arith.constant 9984 : i32
        %dma_start3A_170 = arith.constant 0 : i32
        %dma_start3A_171 = tpu.memref_slice %arg14[%dma_start3A_169, %dma_start3A_170] : memref<10000x32xf32, #tpu.memory_space<vmem_shared>> -> memref<16x32xf32, #tpu.memory_space<vmem_shared>>
        tpu.enqueue_dma source(%dma_start3A_171 : memref<16x32xf32, #tpu.memory_space<vmem_shared>>) target(%dma_start3A_168 : memref<16x32xf32, #tpu.memory_space<hbm>>) target_semaphore(%run_scoped3A_164 : memref<!tpu.dma_semaphore, #tpu.memory_space<semaphore_mem>>)
        %dma_wait3A = arith.constant 9984 : i32
        %dma_wait3A_172 = arith.constant 0 : i32
        %dma_wait3A_173 = tpu.memref_slice %arg8[%arg0, %dma_wait3A, %dma_wait3A_172] : memref<2x10240x32xf32, #tpu.memory_space<hbm>> -> memref<1x16x32xf32, #tpu.memory_space<hbm>>
        %dma_wait3A_174 = tpu.memref_squeeze %dma_wait3A_173 : memref<1x16x32xf32, #tpu.memory_space<hbm>> -> memref<16x32xf32, #tpu.memory_space<hbm>>
        %dma_wait3A_175 = arith.constant 9984 : i32
        %dma_wait3A_176 = arith.constant 0 : i32
        %dma_wait3A_177 = tpu.memref_slice %arg14[%dma_wait3A_175, %dma_wait3A_176] : memref<10000x32xf32, #tpu.memory_space<vmem_shared>> -> memref<16x32xf32, #tpu.memory_space<vmem_shared>>
        tpu.wait_dma2 semaphore(%run_scoped3A_164 : memref<!tpu.dma_semaphore, #tpu.memory_space<semaphore_mem>>) src(%dma_wait3A_177 : memref<16x32xf32, #tpu.memory_space<vmem_shared>>) dst(%dma_wait3A_174 : memref<16x32xf32, #tpu.memory_space<hbm>>)
        tpu.yield
      }) : () -> ()
    } else {
    }
    return
  }
}

#map = affine_map<(d0, d1) -> (0, 0)>
#map1 = affine_map<(d0, d1) -> (0, 0, 0)>
module attributes {stable_mosaic.version = 14 : i64} {
  func.func @spmm(%arg0: i32, %arg1: i32, %arg2: memref<10240x32xf32, #tpu.memory_space<hbm>>, %arg3: memref<2x320000xi32, #tpu.memory_space<hbm>>, %arg4: memref<10000x32xf32, #tpu.memory_space<hbm>>, %arg5: memref<2x10240x32xf32, #tpu.memory_space<hbm>>, %arg6: memref<10000xi32, #tpu.memory_space<vmem>>, %arg7: memref<10000xi32, #tpu.memory_space<vmem>>, %arg8: memref<5x80x32xf32, #tpu.memory_space<vmem>>, %arg9: memref<10000x32xf32, #tpu.memory_space<vmem_shared>>, %arg10: memref<5x!tpu.dma_semaphore, #tpu.memory_space<semaphore_mem>>, %arg11: memref<5x!tpu.dma_semaphore, #tpu.memory_space<semaphore_mem>>) attributes {dimension_semantics = [#tpu.dimension_semantics<core_parallel>, #tpu.dimension_semantics<subcore_parallel>], iteration_bounds = array<i64: 2, 16>, scalar_prefetch = 0 : i64, scratch_operands = 6 : i64, tpu.core_type = #tpu.core_type<sc_vector_subcore>, window_params = [{transform_indices = #map}, {transform_indices = #map}, {transform_indices = #map}, {transform_indices = #map1}]} {
    %mul3A = arith.constant 2 : i32
    %mul3A_0 = arith.muli %arg1, %mul3A : i32
    %add3A = arith.addi %mul3A_0, %arg0 : i32
    %mul3A_1 = arith.constant 10000 : i32
    %mul3A_2 = arith.muli %add3A, %mul3A_1 : i32
    %run_scoped3A = arith.constant 0 : i32
    "tpu.region"() ({
      %run_scoped3A_85 = tpu.sem_alloc : memref<!tpu.dma_semaphore, #tpu.memory_space<semaphore_mem>>
      %dma_start3A_86 = tpu.memref_slice %arg3[%run_scoped3A, %mul3A_2] : memref<2x320000xi32, #tpu.memory_space<hbm>> -> memref<1x10000xi32, #tpu.memory_space<hbm>>
      %dma_start3A_87 = tpu.memref_squeeze %dma_start3A_86 : memref<1x10000xi32, #tpu.memory_space<hbm>> -> memref<10000xi32, #tpu.memory_space<hbm>>
      %dma_start3A_88 = tpu.memref_slice %arg3[%run_scoped3A, %mul3A_2] : memref<2x320000xi32, #tpu.memory_space<hbm>> -> memref<1x10000xi32, #tpu.memory_space<hbm>>
      %dma_start3A_89 = tpu.memref_squeeze %dma_start3A_88 : memref<1x10000xi32, #tpu.memory_space<hbm>> -> memref<10000xi32, #tpu.memory_space<hbm>>
      tpu.enqueue_dma source(%dma_start3A_89 : memref<10000xi32, #tpu.memory_space<hbm>>) target(%arg6 : memref<10000xi32, #tpu.memory_space<vmem>>) target_semaphore(%run_scoped3A_85 : memref<!tpu.dma_semaphore, #tpu.memory_space<semaphore_mem>>)
      %dma_wait3A = tpu.memref_slice %arg3[%run_scoped3A, %mul3A_2] : memref<2x320000xi32, #tpu.memory_space<hbm>> -> memref<1x10000xi32, #tpu.memory_space<hbm>>
      %dma_wait3A_90 = tpu.memref_squeeze %dma_wait3A : memref<1x10000xi32, #tpu.memory_space<hbm>> -> memref<10000xi32, #tpu.memory_space<hbm>>
      %dma_wait3A_91 = tpu.memref_slice %arg3[%run_scoped3A, %mul3A_2] : memref<2x320000xi32, #tpu.memory_space<hbm>> -> memref<1x10000xi32, #tpu.memory_space<hbm>>
      %dma_wait3A_92 = tpu.memref_squeeze %dma_wait3A_91 : memref<1x10000xi32, #tpu.memory_space<hbm>> -> memref<10000xi32, #tpu.memory_space<hbm>>
      tpu.wait_dma2 semaphore(%run_scoped3A_85 : memref<!tpu.dma_semaphore, #tpu.memory_space<semaphore_mem>>) src(%dma_wait3A_92 : memref<10000xi32, #tpu.memory_space<hbm>>) dst(%arg6 : memref<10000xi32, #tpu.memory_space<vmem>>)
      tpu.yield
    }) : () -> ()
    %run_scoped3A_3 = arith.constant 1 : i32
    "tpu.region"() ({
      %run_scoped3A_85 = tpu.sem_alloc : memref<!tpu.dma_semaphore, #tpu.memory_space<semaphore_mem>>
      %dma_start3A_86 = tpu.memref_slice %arg3[%run_scoped3A_3, %mul3A_2] : memref<2x320000xi32, #tpu.memory_space<hbm>> -> memref<1x10000xi32, #tpu.memory_space<hbm>>
      %dma_start3A_87 = tpu.memref_squeeze %dma_start3A_86 : memref<1x10000xi32, #tpu.memory_space<hbm>> -> memref<10000xi32, #tpu.memory_space<hbm>>
      %dma_start3A_88 = tpu.memref_slice %arg3[%run_scoped3A_3, %mul3A_2] : memref<2x320000xi32, #tpu.memory_space<hbm>> -> memref<1x10000xi32, #tpu.memory_space<hbm>>
      %dma_start3A_89 = tpu.memref_squeeze %dma_start3A_88 : memref<1x10000xi32, #tpu.memory_space<hbm>> -> memref<10000xi32, #tpu.memory_space<hbm>>
      tpu.enqueue_dma source(%dma_start3A_89 : memref<10000xi32, #tpu.memory_space<hbm>>) target(%arg7 : memref<10000xi32, #tpu.memory_space<vmem>>) target_semaphore(%run_scoped3A_85 : memref<!tpu.dma_semaphore, #tpu.memory_space<semaphore_mem>>)
      %dma_wait3A = tpu.memref_slice %arg3[%run_scoped3A_3, %mul3A_2] : memref<2x320000xi32, #tpu.memory_space<hbm>> -> memref<1x10000xi32, #tpu.memory_space<hbm>>
      %dma_wait3A_90 = tpu.memref_squeeze %dma_wait3A : memref<1x10000xi32, #tpu.memory_space<hbm>> -> memref<10000xi32, #tpu.memory_space<hbm>>
      %dma_wait3A_91 = tpu.memref_slice %arg3[%run_scoped3A_3, %mul3A_2] : memref<2x320000xi32, #tpu.memory_space<hbm>> -> memref<1x10000xi32, #tpu.memory_space<hbm>>
      %dma_wait3A_92 = tpu.memref_squeeze %dma_wait3A_91 : memref<1x10000xi32, #tpu.memory_space<hbm>> -> memref<10000xi32, #tpu.memory_space<hbm>>
      tpu.wait_dma2 semaphore(%run_scoped3A_85 : memref<!tpu.dma_semaphore, #tpu.memory_space<semaphore_mem>>) src(%dma_wait3A_92 : memref<10000xi32, #tpu.memory_space<hbm>>) dst(%arg7 : memref<10000xi32, #tpu.memory_space<vmem>>)
      tpu.yield
    }) : () -> ()
    %dma_start3A = arith.constant 0 : i32
    %dma_start3A_4 = arith.constant 0 : i32
    %dma_start3A_5 = arith.constant 0 : i32
    %dma_start3A_6 = arith.constant 0 : i32
    %dma_start3A_7 = tpu.memref_slice %arg8[%dma_start3A, %dma_start3A_5, %dma_start3A_6] : memref<5x80x32xf32, #tpu.memory_space<vmem>> -> memref<1x80x32xf32, #tpu.memory_space<vmem>>
    %dma_start3A_8 = tpu.memref_squeeze %dma_start3A_7 : memref<1x80x32xf32, #tpu.memory_space<vmem>> -> memref<80x32xf32, #tpu.memory_space<vmem>>
    %dma_start3A_9 = arith.constant 0 : i32
    %dma_start3A_10 = tpu.memref_slice %arg6[%dma_start3A_9] : memref<10000xi32, #tpu.memory_space<vmem>> -> memref<80xi32, #tpu.memory_space<vmem>>
    %dma_start3A_11 = arith.constant 0 : i32
    %dma_start3A_12 = arith.constant 0 : i32
    %dma_start3A_13 = tpu.memref_slice %arg2[%dma_start3A_11, %dma_start3A_12] : memref<10240x32xf32, #tpu.memory_space<hbm>> -> memref<10240x32xf32, #tpu.memory_space<hbm>>
    %dma_start3A_14 = tpu.memref_slice %arg10[%dma_start3A_4] : memref<5x!tpu.dma_semaphore, #tpu.memory_space<semaphore_mem>> -> memref<1x!tpu.dma_semaphore, #tpu.memory_space<semaphore_mem>>
    %dma_start3A_15 = tpu.memref_squeeze %dma_start3A_14 : memref<1x!tpu.dma_semaphore, #tpu.memory_space<semaphore_mem>> -> memref<!tpu.dma_semaphore, #tpu.memory_space<semaphore_mem>>
    tpu.enqueue_indirect_dma source(%dma_start3A_13 : memref<10240x32xf32, #tpu.memory_space<hbm>>) target(%dma_start3A_8 : memref<80x32xf32, #tpu.memory_space<vmem>>) offsets(%dma_start3A_10 : memref<80xi32, #tpu.memory_space<vmem>>) semaphore(%dma_start3A_15 : memref<!tpu.dma_semaphore, #tpu.memory_space<semaphore_mem>>)
    %dma_start3A_16 = arith.constant 1 : i32
    %dma_start3A_17 = arith.constant 1 : i32
    %dma_start3A_18 = arith.constant 0 : i32
    %dma_start3A_19 = arith.constant 0 : i32
    %dma_start3A_20 = tpu.memref_slice %arg8[%dma_start3A_16, %dma_start3A_18, %dma_start3A_19] : memref<5x80x32xf32, #tpu.memory_space<vmem>> -> memref<1x80x32xf32, #tpu.memory_space<vmem>>
    %dma_start3A_21 = tpu.memref_squeeze %dma_start3A_20 : memref<1x80x32xf32, #tpu.memory_space<vmem>> -> memref<80x32xf32, #tpu.memory_space<vmem>>
    %dma_start3A_22 = arith.constant 80 : i32
    %dma_start3A_23 = tpu.memref_slice %arg6[%dma_start3A_22] : memref<10000xi32, #tpu.memory_space<vmem>> -> memref<80xi32, #tpu.memory_space<vmem>>
    %dma_start3A_24 = arith.constant 0 : i32
    %dma_start3A_25 = arith.constant 0 : i32
    %dma_start3A_26 = tpu.memref_slice %arg2[%dma_start3A_24, %dma_start3A_25] : memref<10240x32xf32, #tpu.memory_space<hbm>> -> memref<10240x32xf32, #tpu.memory_space<hbm>>
    %dma_start3A_27 = tpu.memref_slice %arg10[%dma_start3A_17] : memref<5x!tpu.dma_semaphore, #tpu.memory_space<semaphore_mem>> -> memref<1x!tpu.dma_semaphore, #tpu.memory_space<semaphore_mem>>
    %dma_start3A_28 = tpu.memref_squeeze %dma_start3A_27 : memref<1x!tpu.dma_semaphore, #tpu.memory_space<semaphore_mem>> -> memref<!tpu.dma_semaphore, #tpu.memory_space<semaphore_mem>>
    tpu.enqueue_indirect_dma source(%dma_start3A_26 : memref<10240x32xf32, #tpu.memory_space<hbm>>) target(%dma_start3A_21 : memref<80x32xf32, #tpu.memory_space<vmem>>) offsets(%dma_start3A_23 : memref<80xi32, #tpu.memory_space<vmem>>) semaphore(%dma_start3A_28 : memref<!tpu.dma_semaphore, #tpu.memory_space<semaphore_mem>>)
    %dma_start3A_29 = arith.constant 2 : i32
    %dma_start3A_30 = arith.constant 2 : i32
    %dma_start3A_31 = arith.constant 0 : i32
    %dma_start3A_32 = arith.constant 0 : i32
    %dma_start3A_33 = tpu.memref_slice %arg8[%dma_start3A_29, %dma_start3A_31, %dma_start3A_32] : memref<5x80x32xf32, #tpu.memory_space<vmem>> -> memref<1x80x32xf32, #tpu.memory_space<vmem>>
    %dma_start3A_34 = tpu.memref_squeeze %dma_start3A_33 : memref<1x80x32xf32, #tpu.memory_space<vmem>> -> memref<80x32xf32, #tpu.memory_space<vmem>>
    %dma_start3A_35 = arith.constant 160 : i32
    %dma_start3A_36 = tpu.memref_slice %arg6[%dma_start3A_35] : memref<10000xi32, #tpu.memory_space<vmem>> -> memref<80xi32, #tpu.memory_space<vmem>>
    %dma_start3A_37 = arith.constant 0 : i32
    %dma_start3A_38 = arith.constant 0 : i32
    %dma_start3A_39 = tpu.memref_slice %arg2[%dma_start3A_37, %dma_start3A_38] : memref<10240x32xf32, #tpu.memory_space<hbm>> -> memref<10240x32xf32, #tpu.memory_space<hbm>>
    %dma_start3A_40 = tpu.memref_slice %arg10[%dma_start3A_30] : memref<5x!tpu.dma_semaphore, #tpu.memory_space<semaphore_mem>> -> memref<1x!tpu.dma_semaphore, #tpu.memory_space<semaphore_mem>>
    %dma_start3A_41 = tpu.memref_squeeze %dma_start3A_40 : memref<1x!tpu.dma_semaphore, #tpu.memory_space<semaphore_mem>> -> memref<!tpu.dma_semaphore, #tpu.memory_space<semaphore_mem>>
    tpu.enqueue_indirect_dma source(%dma_start3A_39 : memref<10240x32xf32, #tpu.memory_space<hbm>>) target(%dma_start3A_34 : memref<80x32xf32, #tpu.memory_space<vmem>>) offsets(%dma_start3A_36 : memref<80xi32, #tpu.memory_space<vmem>>) semaphore(%dma_start3A_41 : memref<!tpu.dma_semaphore, #tpu.memory_space<semaphore_mem>>)
    %dma_start3A_42 = arith.constant 3 : i32
    %dma_start3A_43 = arith.constant 3 : i32
    %dma_start3A_44 = arith.constant 0 : i32
    %dma_start3A_45 = arith.constant 0 : i32
    %dma_start3A_46 = tpu.memref_slice %arg8[%dma_start3A_42, %dma_start3A_44, %dma_start3A_45] : memref<5x80x32xf32, #tpu.memory_space<vmem>> -> memref<1x80x32xf32, #tpu.memory_space<vmem>>
    %dma_start3A_47 = tpu.memref_squeeze %dma_start3A_46 : memref<1x80x32xf32, #tpu.memory_space<vmem>> -> memref<80x32xf32, #tpu.memory_space<vmem>>
    %dma_start3A_48 = arith.constant 240 : i32
    %dma_start3A_49 = tpu.memref_slice %arg6[%dma_start3A_48] : memref<10000xi32, #tpu.memory_space<vmem>> -> memref<80xi32, #tpu.memory_space<vmem>>
    %dma_start3A_50 = arith.constant 0 : i32
    %dma_start3A_51 = arith.constant 0 : i32
    %dma_start3A_52 = tpu.memref_slice %arg2[%dma_start3A_50, %dma_start3A_51] : memref<10240x32xf32, #tpu.memory_space<hbm>> -> memref<10240x32xf32, #tpu.memory_space<hbm>>
    %dma_start3A_53 = tpu.memref_slice %arg10[%dma_start3A_43] : memref<5x!tpu.dma_semaphore, #tpu.memory_space<semaphore_mem>> -> memref<1x!tpu.dma_semaphore, #tpu.memory_space<semaphore_mem>>
    %dma_start3A_54 = tpu.memref_squeeze %dma_start3A_53 : memref<1x!tpu.dma_semaphore, #tpu.memory_space<semaphore_mem>> -> memref<!tpu.dma_semaphore, #tpu.memory_space<semaphore_mem>>
    tpu.enqueue_indirect_dma source(%dma_start3A_52 : memref<10240x32xf32, #tpu.memory_space<hbm>>) target(%dma_start3A_47 : memref<80x32xf32, #tpu.memory_space<vmem>>) offsets(%dma_start3A_49 : memref<80xi32, #tpu.memory_space<vmem>>) semaphore(%dma_start3A_54 : memref<!tpu.dma_semaphore, #tpu.memory_space<semaphore_mem>>)
    %dma_start3A_55 = arith.constant 4 : i32
    %dma_start3A_56 = arith.constant 4 : i32
    %dma_start3A_57 = arith.constant 0 : i32
    %dma_start3A_58 = arith.constant 0 : i32
    %dma_start3A_59 = tpu.memref_slice %arg8[%dma_start3A_55, %dma_start3A_57, %dma_start3A_58] : memref<5x80x32xf32, #tpu.memory_space<vmem>> -> memref<1x80x32xf32, #tpu.memory_space<vmem>>
    %dma_start3A_60 = tpu.memref_squeeze %dma_start3A_59 : memref<1x80x32xf32, #tpu.memory_space<vmem>> -> memref<80x32xf32, #tpu.memory_space<vmem>>
    %dma_start3A_61 = arith.constant 320 : i32
    %dma_start3A_62 = tpu.memref_slice %arg6[%dma_start3A_61] : memref<10000xi32, #tpu.memory_space<vmem>> -> memref<80xi32, #tpu.memory_space<vmem>>
    %dma_start3A_63 = arith.constant 0 : i32
    %dma_start3A_64 = arith.constant 0 : i32
    %dma_start3A_65 = tpu.memref_slice %arg2[%dma_start3A_63, %dma_start3A_64] : memref<10240x32xf32, #tpu.memory_space<hbm>> -> memref<10240x32xf32, #tpu.memory_space<hbm>>
    %dma_start3A_66 = tpu.memref_slice %arg10[%dma_start3A_56] : memref<5x!tpu.dma_semaphore, #tpu.memory_space<semaphore_mem>> -> memref<1x!tpu.dma_semaphore, #tpu.memory_space<semaphore_mem>>
    %dma_start3A_67 = tpu.memref_squeeze %dma_start3A_66 : memref<1x!tpu.dma_semaphore, #tpu.memory_space<semaphore_mem>> -> memref<!tpu.dma_semaphore, #tpu.memory_space<semaphore_mem>>
    tpu.enqueue_indirect_dma source(%dma_start3A_65 : memref<10240x32xf32, #tpu.memory_space<hbm>>) target(%dma_start3A_60 : memref<80x32xf32, #tpu.memory_space<vmem>>) offsets(%dma_start3A_62 : memref<80xi32, #tpu.memory_space<vmem>>) semaphore(%dma_start3A_67 : memref<!tpu.dma_semaphore, #tpu.memory_space<semaphore_mem>>)
    %mul3A_68 = arith.constant 624 : i32
    %mul3A_69 = arith.muli %arg1, %mul3A_68 : i32
    "tpu.region"() ({
      %run_scoped3A_85 = tpu.sem_alloc : memref<!tpu.dma_semaphore, #tpu.memory_space<semaphore_mem>>
      %dma_start3A_86 = arith.constant 0 : i32
      %dma_start3A_87 = tpu.memref_slice %arg9[%mul3A_69, %dma_start3A_86] : memref<10000x32xf32, #tpu.memory_space<vmem_shared>> -> memref<624x32xf32, #tpu.memory_space<vmem_shared>>
      %dma_start3A_88 = arith.constant 0 : i32
      %dma_start3A_89 = tpu.memref_slice %arg4[%mul3A_69, %dma_start3A_88] : memref<10000x32xf32, #tpu.memory_space<hbm>> -> memref<624x32xf32, #tpu.memory_space<hbm>>
      tpu.enqueue_dma source(%dma_start3A_89 : memref<624x32xf32, #tpu.memory_space<hbm>>) target(%dma_start3A_87 : memref<624x32xf32, #tpu.memory_space<vmem_shared>>) target_semaphore(%run_scoped3A_85 : memref<!tpu.dma_semaphore, #tpu.memory_space<semaphore_mem>>)
      %dma_wait3A = arith.constant 0 : i32
      %dma_wait3A_90 = tpu.memref_slice %arg9[%mul3A_69, %dma_wait3A] : memref<10000x32xf32, #tpu.memory_space<vmem_shared>> -> memref<624x32xf32, #tpu.memory_space<vmem_shared>>
      %dma_wait3A_91 = arith.constant 0 : i32
      %dma_wait3A_92 = tpu.memref_slice %arg4[%mul3A_69, %dma_wait3A_91] : memref<10000x32xf32, #tpu.memory_space<hbm>> -> memref<624x32xf32, #tpu.memory_space<hbm>>
      tpu.wait_dma2 semaphore(%run_scoped3A_85 : memref<!tpu.dma_semaphore, #tpu.memory_space<semaphore_mem>>) src(%dma_wait3A_92 : memref<624x32xf32, #tpu.memory_space<hbm>>) dst(%dma_wait3A_90 : memref<624x32xf32, #tpu.memory_space<vmem_shared>>)
      tpu.yield
    }) : () -> ()
    %eq3A = arith.constant 15 : i32
    %eq3A_70 = arith.cmpi eq, %arg1, %eq3A : i32
    %convert_element_type3A = arith.extui %eq3A_70 : i1 to i32
    %cond3A = arith.constant 0 : i32
    %cond3A_71 = arith.cmpi ne, %convert_element_type3A, %cond3A : i32
    scf.if %cond3A_71 {
      "tpu.region"() ({
        %run_scoped3A_85 = tpu.sem_alloc : memref<!tpu.dma_semaphore, #tpu.memory_space<semaphore_mem>>
        %dma_start3A_86 = arith.constant 9984 : i32
        %dma_start3A_87 = arith.constant 0 : i32
        %dma_start3A_88 = tpu.memref_slice %arg9[%dma_start3A_86, %dma_start3A_87] : memref<10000x32xf32, #tpu.memory_space<vmem_shared>> -> memref<16x32xf32, #tpu.memory_space<vmem_shared>>
        %dma_start3A_89 = arith.constant 9984 : i32
        %dma_start3A_90 = arith.constant 0 : i32
        %dma_start3A_91 = tpu.memref_slice %arg4[%dma_start3A_89, %dma_start3A_90] : memref<10000x32xf32, #tpu.memory_space<hbm>> -> memref<16x32xf32, #tpu.memory_space<hbm>>
        tpu.enqueue_dma source(%dma_start3A_91 : memref<16x32xf32, #tpu.memory_space<hbm>>) target(%dma_start3A_88 : memref<16x32xf32, #tpu.memory_space<vmem_shared>>) target_semaphore(%run_scoped3A_85 : memref<!tpu.dma_semaphore, #tpu.memory_space<semaphore_mem>>)
        %dma_wait3A = arith.constant 9984 : i32
        %dma_wait3A_92 = arith.constant 0 : i32
        %dma_wait3A_93 = tpu.memref_slice %arg9[%dma_wait3A, %dma_wait3A_92] : memref<10000x32xf32, #tpu.memory_space<vmem_shared>> -> memref<16x32xf32, #tpu.memory_space<vmem_shared>>
        %dma_wait3A_94 = arith.constant 9984 : i32
        %dma_wait3A_95 = arith.constant 0 : i32
        %dma_wait3A_96 = tpu.memref_slice %arg4[%dma_wait3A_94, %dma_wait3A_95] : memref<10000x32xf32, #tpu.memory_space<hbm>> -> memref<16x32xf32, #tpu.memory_space<hbm>>
        tpu.wait_dma2 semaphore(%run_scoped3A_85 : memref<!tpu.dma_semaphore, #tpu.memory_space<semaphore_mem>>) src(%dma_wait3A_96 : memref<16x32xf32, #tpu.memory_space<hbm>>) dst(%dma_wait3A_93 : memref<16x32xf32, #tpu.memory_space<vmem_shared>>)
        tpu.yield
      }) : () -> ()
    } else {
    }
    %barrier3A = arith.constant 0 : index
    tpu.barrier barrier_id(%barrier3A)
    %scan3A = arith.constant 0 : i32
    %scan3A_72 = arith.constant 0 : i32
    %scan3A_73 = arith.constant 25 : i32
    %scan3A_74 = arith.addi %scan3A_72, %scan3A_73 : i32
    %scan3A_75 = arith.constant 1 : i32
    scf.for %scan3A_85 = %scan3A_72 to %scan3A_74 step %scan3A_75  : i32 {
      %mul3A_86 = arith.constant 5 : i32
      %mul3A_87 = arith.muli %scan3A_85, %mul3A_86 : i32
      %add3A_88 = arith.constant 0 : i32
      %add3A_89 = arith.addi %mul3A_87, %add3A_88 : i32
      %mul3A_90 = arith.constant 80 : i32
      %mul3A_91 = arith.muli %add3A_89, %mul3A_90 : i32
      %dma_wait3A = arith.constant 0 : i32
      %dma_wait3A_92 = arith.constant 0 : i32
      %dma_wait3A_93 = arith.constant 0 : i32
      %dma_wait3A_94 = arith.constant 0 : i32
      %dma_wait3A_95 = tpu.memref_slice %arg8[%dma_wait3A, %dma_wait3A_93, %dma_wait3A_94] : memref<5x80x32xf32, #tpu.memory_space<vmem>> -> memref<1x80x32xf32, #tpu.memory_space<vmem>>
      %dma_wait3A_96 = tpu.memref_squeeze %dma_wait3A_95 : memref<1x80x32xf32, #tpu.memory_space<vmem>> -> memref<80x32xf32, #tpu.memory_space<vmem>>
      %dma_wait3A_97 = tpu.memref_slice %arg6[%mul3A_91] : memref<10000xi32, #tpu.memory_space<vmem>> -> memref<80xi32, #tpu.memory_space<vmem>>
      %dma_wait3A_98 = arith.constant 0 : i32
      %dma_wait3A_99 = arith.constant 0 : i32
      %dma_wait3A_100 = tpu.memref_slice %arg2[%dma_wait3A_98, %dma_wait3A_99] : memref<10240x32xf32, #tpu.memory_space<hbm>> -> memref<10240x32xf32, #tpu.memory_space<hbm>>
      %dma_wait3A_101 = tpu.memref_slice %arg10[%dma_wait3A_92] : memref<5x!tpu.dma_semaphore, #tpu.memory_space<semaphore_mem>> -> memref<1x!tpu.dma_semaphore, #tpu.memory_space<semaphore_mem>>
      %dma_wait3A_102 = tpu.memref_squeeze %dma_wait3A_101 : memref<1x!tpu.dma_semaphore, #tpu.memory_space<semaphore_mem>> -> memref<!tpu.dma_semaphore, #tpu.memory_space<semaphore_mem>>
      tpu.wait_indirect_dma semaphore(%dma_wait3A_102 : memref<!tpu.dma_semaphore, #tpu.memory_space<semaphore_mem>>) src(%dma_wait3A_100 : memref<10240x32xf32, #tpu.memory_space<hbm>>) dst(%dma_wait3A_96 : memref<80x32xf32, #tpu.memory_space<vmem>>)
      %mul3A_103 = arith.constant 80 : i32
      %mul3A_104 = arith.muli %add3A_89, %mul3A_103 : i32
      %dma_start3A_105 = arith.constant 0 : i32
      %dma_start3A_106 = arith.constant 0 : i32
      %dma_start3A_107 = arith.constant 0 : i32
      %dma_start3A_108 = arith.constant 0 : i32
      %dma_start3A_109 = tpu.memref_slice %arg8[%dma_start3A_105, %dma_start3A_107, %dma_start3A_108] : memref<5x80x32xf32, #tpu.memory_space<vmem>> -> memref<1x80x32xf32, #tpu.memory_space<vmem>>
      %dma_start3A_110 = tpu.memref_squeeze %dma_start3A_109 : memref<1x80x32xf32, #tpu.memory_space<vmem>> -> memref<80x32xf32, #tpu.memory_space<vmem>>
      %dma_start3A_111 = tpu.memref_slice %arg7[%mul3A_104] : memref<10000xi32, #tpu.memory_space<vmem>> -> memref<80xi32, #tpu.memory_space<vmem>>
      %dma_start3A_112 = arith.constant 0 : i32
      %dma_start3A_113 = arith.constant 0 : i32
      %dma_start3A_114 = tpu.memref_slice %arg9[%dma_start3A_112, %dma_start3A_113] : memref<10000x32xf32, #tpu.memory_space<vmem_shared>> -> memref<10000x32xf32, #tpu.memory_space<vmem_shared>>
      %dma_start3A_115 = tpu.memref_slice %arg11[%dma_start3A_106] : memref<5x!tpu.dma_semaphore, #tpu.memory_space<semaphore_mem>> -> memref<1x!tpu.dma_semaphore, #tpu.memory_space<semaphore_mem>>
      %dma_start3A_116 = tpu.memref_squeeze %dma_start3A_115 : memref<1x!tpu.dma_semaphore, #tpu.memory_space<semaphore_mem>> -> memref<!tpu.dma_semaphore, #tpu.memory_space<semaphore_mem>>
      tpu.enqueue_indirect_dma source(%dma_start3A_110 : memref<80x32xf32, #tpu.memory_space<vmem>>) target(%dma_start3A_114 : memref<10000x32xf32, #tpu.memory_space<vmem_shared>>) offsets(%dma_start3A_111 : memref<80xi32, #tpu.memory_space<vmem>>) semaphore(%dma_start3A_116 : memref<!tpu.dma_semaphore, #tpu.memory_space<semaphore_mem>>) {add = true}
      %mul3A_117 = arith.constant 5 : i32
      %mul3A_118 = arith.muli %scan3A_85, %mul3A_117 : i32
      %add3A_119 = arith.constant 1 : i32
      %add3A_120 = arith.addi %mul3A_118, %add3A_119 : i32
      %mul3A_121 = arith.constant 80 : i32
      %mul3A_122 = arith.muli %add3A_120, %mul3A_121 : i32
      %dma_wait3A_123 = arith.constant 1 : i32
      %dma_wait3A_124 = arith.constant 1 : i32
      %dma_wait3A_125 = arith.constant 0 : i32
      %dma_wait3A_126 = arith.constant 0 : i32
      %dma_wait3A_127 = tpu.memref_slice %arg8[%dma_wait3A_123, %dma_wait3A_125, %dma_wait3A_126] : memref<5x80x32xf32, #tpu.memory_space<vmem>> -> memref<1x80x32xf32, #tpu.memory_space<vmem>>
      %dma_wait3A_128 = tpu.memref_squeeze %dma_wait3A_127 : memref<1x80x32xf32, #tpu.memory_space<vmem>> -> memref<80x32xf32, #tpu.memory_space<vmem>>
      %dma_wait3A_129 = tpu.memref_slice %arg6[%mul3A_122] : memref<10000xi32, #tpu.memory_space<vmem>> -> memref<80xi32, #tpu.memory_space<vmem>>
      %dma_wait3A_130 = arith.constant 0 : i32
      %dma_wait3A_131 = arith.constant 0 : i32
      %dma_wait3A_132 = tpu.memref_slice %arg2[%dma_wait3A_130, %dma_wait3A_131] : memref<10240x32xf32, #tpu.memory_space<hbm>> -> memref<10240x32xf32, #tpu.memory_space<hbm>>
      %dma_wait3A_133 = tpu.memref_slice %arg10[%dma_wait3A_124] : memref<5x!tpu.dma_semaphore, #tpu.memory_space<semaphore_mem>> -> memref<1x!tpu.dma_semaphore, #tpu.memory_space<semaphore_mem>>
      %dma_wait3A_134 = tpu.memref_squeeze %dma_wait3A_133 : memref<1x!tpu.dma_semaphore, #tpu.memory_space<semaphore_mem>> -> memref<!tpu.dma_semaphore, #tpu.memory_space<semaphore_mem>>
      tpu.wait_indirect_dma semaphore(%dma_wait3A_134 : memref<!tpu.dma_semaphore, #tpu.memory_space<semaphore_mem>>) src(%dma_wait3A_132 : memref<10240x32xf32, #tpu.memory_space<hbm>>) dst(%dma_wait3A_128 : memref<80x32xf32, #tpu.memory_space<vmem>>)
      %mul3A_135 = arith.constant 80 : i32
      %mul3A_136 = arith.muli %add3A_120, %mul3A_135 : i32
      %dma_start3A_137 = arith.constant 1 : i32
      %dma_start3A_138 = arith.constant 1 : i32
      %dma_start3A_139 = arith.constant 0 : i32
      %dma_start3A_140 = arith.constant 0 : i32
      %dma_start3A_141 = tpu.memref_slice %arg8[%dma_start3A_137, %dma_start3A_139, %dma_start3A_140] : memref<5x80x32xf32, #tpu.memory_space<vmem>> -> memref<1x80x32xf32, #tpu.memory_space<vmem>>
      %dma_start3A_142 = tpu.memref_squeeze %dma_start3A_141 : memref<1x80x32xf32, #tpu.memory_space<vmem>> -> memref<80x32xf32, #tpu.memory_space<vmem>>
      %dma_start3A_143 = tpu.memref_slice %arg7[%mul3A_136] : memref<10000xi32, #tpu.memory_space<vmem>> -> memref<80xi32, #tpu.memory_space<vmem>>
      %dma_start3A_144 = arith.constant 0 : i32
      %dma_start3A_145 = arith.constant 0 : i32
      %dma_start3A_146 = tpu.memref_slice %arg9[%dma_start3A_144, %dma_start3A_145] : memref<10000x32xf32, #tpu.memory_space<vmem_shared>> -> memref<10000x32xf32, #tpu.memory_space<vmem_shared>>
      %dma_start3A_147 = tpu.memref_slice %arg11[%dma_start3A_138] : memref<5x!tpu.dma_semaphore, #tpu.memory_space<semaphore_mem>> -> memref<1x!tpu.dma_semaphore, #tpu.memory_space<semaphore_mem>>
      %dma_start3A_148 = tpu.memref_squeeze %dma_start3A_147 : memref<1x!tpu.dma_semaphore, #tpu.memory_space<semaphore_mem>> -> memref<!tpu.dma_semaphore, #tpu.memory_space<semaphore_mem>>
      tpu.enqueue_indirect_dma source(%dma_start3A_142 : memref<80x32xf32, #tpu.memory_space<vmem>>) target(%dma_start3A_146 : memref<10000x32xf32, #tpu.memory_space<vmem_shared>>) offsets(%dma_start3A_143 : memref<80xi32, #tpu.memory_space<vmem>>) semaphore(%dma_start3A_148 : memref<!tpu.dma_semaphore, #tpu.memory_space<semaphore_mem>>) {add = true}
      %mul3A_149 = arith.constant 5 : i32
      %mul3A_150 = arith.muli %scan3A_85, %mul3A_149 : i32
      %add3A_151 = arith.constant 2 : i32
      %add3A_152 = arith.addi %mul3A_150, %add3A_151 : i32
      %mul3A_153 = arith.constant 80 : i32
      %mul3A_154 = arith.muli %add3A_152, %mul3A_153 : i32
      %dma_wait3A_155 = arith.constant 2 : i32
      %dma_wait3A_156 = arith.constant 2 : i32
      %dma_wait3A_157 = arith.constant 0 : i32
      %dma_wait3A_158 = arith.constant 0 : i32
      %dma_wait3A_159 = tpu.memref_slice %arg8[%dma_wait3A_155, %dma_wait3A_157, %dma_wait3A_158] : memref<5x80x32xf32, #tpu.memory_space<vmem>> -> memref<1x80x32xf32, #tpu.memory_space<vmem>>
      %dma_wait3A_160 = tpu.memref_squeeze %dma_wait3A_159 : memref<1x80x32xf32, #tpu.memory_space<vmem>> -> memref<80x32xf32, #tpu.memory_space<vmem>>
      %dma_wait3A_161 = tpu.memref_slice %arg6[%mul3A_154] : memref<10000xi32, #tpu.memory_space<vmem>> -> memref<80xi32, #tpu.memory_space<vmem>>
      %dma_wait3A_162 = arith.constant 0 : i32
      %dma_wait3A_163 = arith.constant 0 : i32
      %dma_wait3A_164 = tpu.memref_slice %arg2[%dma_wait3A_162, %dma_wait3A_163] : memref<10240x32xf32, #tpu.memory_space<hbm>> -> memref<10240x32xf32, #tpu.memory_space<hbm>>
      %dma_wait3A_165 = tpu.memref_slice %arg10[%dma_wait3A_156] : memref<5x!tpu.dma_semaphore, #tpu.memory_space<semaphore_mem>> -> memref<1x!tpu.dma_semaphore, #tpu.memory_space<semaphore_mem>>
      %dma_wait3A_166 = tpu.memref_squeeze %dma_wait3A_165 : memref<1x!tpu.dma_semaphore, #tpu.memory_space<semaphore_mem>> -> memref<!tpu.dma_semaphore, #tpu.memory_space<semaphore_mem>>
      tpu.wait_indirect_dma semaphore(%dma_wait3A_166 : memref<!tpu.dma_semaphore, #tpu.memory_space<semaphore_mem>>) src(%dma_wait3A_164 : memref<10240x32xf32, #tpu.memory_space<hbm>>) dst(%dma_wait3A_160 : memref<80x32xf32, #tpu.memory_space<vmem>>)
      %mul3A_167 = arith.constant 80 : i32
      %mul3A_168 = arith.muli %add3A_152, %mul3A_167 : i32
      %dma_start3A_169 = arith.constant 2 : i32
      %dma_start3A_170 = arith.constant 2 : i32
      %dma_start3A_171 = arith.constant 0 : i32
      %dma_start3A_172 = arith.constant 0 : i32
      %dma_start3A_173 = tpu.memref_slice %arg8[%dma_start3A_169, %dma_start3A_171, %dma_start3A_172] : memref<5x80x32xf32, #tpu.memory_space<vmem>> -> memref<1x80x32xf32, #tpu.memory_space<vmem>>
      %dma_start3A_174 = tpu.memref_squeeze %dma_start3A_173 : memref<1x80x32xf32, #tpu.memory_space<vmem>> -> memref<80x32xf32, #tpu.memory_space<vmem>>
      %dma_start3A_175 = tpu.memref_slice %arg7[%mul3A_168] : memref<10000xi32, #tpu.memory_space<vmem>> -> memref<80xi32, #tpu.memory_space<vmem>>
      %dma_start3A_176 = arith.constant 0 : i32
      %dma_start3A_177 = arith.constant 0 : i32
      %dma_start3A_178 = tpu.memref_slice %arg9[%dma_start3A_176, %dma_start3A_177] : memref<10000x32xf32, #tpu.memory_space<vmem_shared>> -> memref<10000x32xf32, #tpu.memory_space<vmem_shared>>
      %dma_start3A_179 = tpu.memref_slice %arg11[%dma_start3A_170] : memref<5x!tpu.dma_semaphore, #tpu.memory_space<semaphore_mem>> -> memref<1x!tpu.dma_semaphore, #tpu.memory_space<semaphore_mem>>
      %dma_start3A_180 = tpu.memref_squeeze %dma_start3A_179 : memref<1x!tpu.dma_semaphore, #tpu.memory_space<semaphore_mem>> -> memref<!tpu.dma_semaphore, #tpu.memory_space<semaphore_mem>>
      tpu.enqueue_indirect_dma source(%dma_start3A_174 : memref<80x32xf32, #tpu.memory_space<vmem>>) target(%dma_start3A_178 : memref<10000x32xf32, #tpu.memory_space<vmem_shared>>) offsets(%dma_start3A_175 : memref<80xi32, #tpu.memory_space<vmem>>) semaphore(%dma_start3A_180 : memref<!tpu.dma_semaphore, #tpu.memory_space<semaphore_mem>>) {add = true}
      %mul3A_181 = arith.constant 5 : i32
      %mul3A_182 = arith.muli %scan3A_85, %mul3A_181 : i32
      %add3A_183 = arith.constant 3 : i32
      %add3A_184 = arith.addi %mul3A_182, %add3A_183 : i32
      %mul3A_185 = arith.constant 80 : i32
      %mul3A_186 = arith.muli %add3A_184, %mul3A_185 : i32
      %dma_wait3A_187 = arith.constant 3 : i32
      %dma_wait3A_188 = arith.constant 3 : i32
      %dma_wait3A_189 = arith.constant 0 : i32
      %dma_wait3A_190 = arith.constant 0 : i32
      %dma_wait3A_191 = tpu.memref_slice %arg8[%dma_wait3A_187, %dma_wait3A_189, %dma_wait3A_190] : memref<5x80x32xf32, #tpu.memory_space<vmem>> -> memref<1x80x32xf32, #tpu.memory_space<vmem>>
      %dma_wait3A_192 = tpu.memref_squeeze %dma_wait3A_191 : memref<1x80x32xf32, #tpu.memory_space<vmem>> -> memref<80x32xf32, #tpu.memory_space<vmem>>
      %dma_wait3A_193 = tpu.memref_slice %arg6[%mul3A_186] : memref<10000xi32, #tpu.memory_space<vmem>> -> memref<80xi32, #tpu.memory_space<vmem>>
      %dma_wait3A_194 = arith.constant 0 : i32
      %dma_wait3A_195 = arith.constant 0 : i32
      %dma_wait3A_196 = tpu.memref_slice %arg2[%dma_wait3A_194, %dma_wait3A_195] : memref<10240x32xf32, #tpu.memory_space<hbm>> -> memref<10240x32xf32, #tpu.memory_space<hbm>>
      %dma_wait3A_197 = tpu.memref_slice %arg10[%dma_wait3A_188] : memref<5x!tpu.dma_semaphore, #tpu.memory_space<semaphore_mem>> -> memref<1x!tpu.dma_semaphore, #tpu.memory_space<semaphore_mem>>
      %dma_wait3A_198 = tpu.memref_squeeze %dma_wait3A_197 : memref<1x!tpu.dma_semaphore, #tpu.memory_space<semaphore_mem>> -> memref<!tpu.dma_semaphore, #tpu.memory_space<semaphore_mem>>
      tpu.wait_indirect_dma semaphore(%dma_wait3A_198 : memref<!tpu.dma_semaphore, #tpu.memory_space<semaphore_mem>>) src(%dma_wait3A_196 : memref<10240x32xf32, #tpu.memory_space<hbm>>) dst(%dma_wait3A_192 : memref<80x32xf32, #tpu.memory_space<vmem>>)
      %mul3A_199 = arith.constant 80 : i32
      %mul3A_200 = arith.muli %add3A_184, %mul3A_199 : i32
      %dma_start3A_201 = arith.constant 3 : i32
      %dma_start3A_202 = arith.constant 3 : i32
      %dma_start3A_203 = arith.constant 0 : i32
      %dma_start3A_204 = arith.constant 0 : i32
      %dma_start3A_205 = tpu.memref_slice %arg8[%dma_start3A_201, %dma_start3A_203, %dma_start3A_204] : memref<5x80x32xf32, #tpu.memory_space<vmem>> -> memref<1x80x32xf32, #tpu.memory_space<vmem>>
      %dma_start3A_206 = tpu.memref_squeeze %dma_start3A_205 : memref<1x80x32xf32, #tpu.memory_space<vmem>> -> memref<80x32xf32, #tpu.memory_space<vmem>>
      %dma_start3A_207 = tpu.memref_slice %arg7[%mul3A_200] : memref<10000xi32, #tpu.memory_space<vmem>> -> memref<80xi32, #tpu.memory_space<vmem>>
      %dma_start3A_208 = arith.constant 0 : i32
      %dma_start3A_209 = arith.constant 0 : i32
      %dma_start3A_210 = tpu.memref_slice %arg9[%dma_start3A_208, %dma_start3A_209] : memref<10000x32xf32, #tpu.memory_space<vmem_shared>> -> memref<10000x32xf32, #tpu.memory_space<vmem_shared>>
      %dma_start3A_211 = tpu.memref_slice %arg11[%dma_start3A_202] : memref<5x!tpu.dma_semaphore, #tpu.memory_space<semaphore_mem>> -> memref<1x!tpu.dma_semaphore, #tpu.memory_space<semaphore_mem>>
      %dma_start3A_212 = tpu.memref_squeeze %dma_start3A_211 : memref<1x!tpu.dma_semaphore, #tpu.memory_space<semaphore_mem>> -> memref<!tpu.dma_semaphore, #tpu.memory_space<semaphore_mem>>
      tpu.enqueue_indirect_dma source(%dma_start3A_206 : memref<80x32xf32, #tpu.memory_space<vmem>>) target(%dma_start3A_210 : memref<10000x32xf32, #tpu.memory_space<vmem_shared>>) offsets(%dma_start3A_207 : memref<80xi32, #tpu.memory_space<vmem>>) semaphore(%dma_start3A_212 : memref<!tpu.dma_semaphore, #tpu.memory_space<semaphore_mem>>) {add = true}
      %mul3A_213 = arith.constant 5 : i32
      %mul3A_214 = arith.muli %scan3A_85, %mul3A_213 : i32
      %add3A_215 = arith.constant 4 : i32
      %add3A_216 = arith.addi %mul3A_214, %add3A_215 : i32
      %mul3A_217 = arith.constant 80 : i32
      %mul3A_218 = arith.muli %add3A_216, %mul3A_217 : i32
      %dma_wait3A_219 = arith.constant 4 : i32
      %dma_wait3A_220 = arith.constant 4 : i32
      %dma_wait3A_221 = arith.constant 0 : i32
      %dma_wait3A_222 = arith.constant 0 : i32
      %dma_wait3A_223 = tpu.memref_slice %arg8[%dma_wait3A_219, %dma_wait3A_221, %dma_wait3A_222] : memref<5x80x32xf32, #tpu.memory_space<vmem>> -> memref<1x80x32xf32, #tpu.memory_space<vmem>>
      %dma_wait3A_224 = tpu.memref_squeeze %dma_wait3A_223 : memref<1x80x32xf32, #tpu.memory_space<vmem>> -> memref<80x32xf32, #tpu.memory_space<vmem>>
      %dma_wait3A_225 = tpu.memref_slice %arg6[%mul3A_218] : memref<10000xi32, #tpu.memory_space<vmem>> -> memref<80xi32, #tpu.memory_space<vmem>>
      %dma_wait3A_226 = arith.constant 0 : i32
      %dma_wait3A_227 = arith.constant 0 : i32
      %dma_wait3A_228 = tpu.memref_slice %arg2[%dma_wait3A_226, %dma_wait3A_227] : memref<10240x32xf32, #tpu.memory_space<hbm>> -> memref<10240x32xf32, #tpu.memory_space<hbm>>
      %dma_wait3A_229 = tpu.memref_slice %arg10[%dma_wait3A_220] : memref<5x!tpu.dma_semaphore, #tpu.memory_space<semaphore_mem>> -> memref<1x!tpu.dma_semaphore, #tpu.memory_space<semaphore_mem>>
      %dma_wait3A_230 = tpu.memref_squeeze %dma_wait3A_229 : memref<1x!tpu.dma_semaphore, #tpu.memory_space<semaphore_mem>> -> memref<!tpu.dma_semaphore, #tpu.memory_space<semaphore_mem>>
      tpu.wait_indirect_dma semaphore(%dma_wait3A_230 : memref<!tpu.dma_semaphore, #tpu.memory_space<semaphore_mem>>) src(%dma_wait3A_228 : memref<10240x32xf32, #tpu.memory_space<hbm>>) dst(%dma_wait3A_224 : memref<80x32xf32, #tpu.memory_space<vmem>>)
      %mul3A_231 = arith.constant 80 : i32
      %mul3A_232 = arith.muli %add3A_216, %mul3A_231 : i32
      %dma_start3A_233 = arith.constant 4 : i32
      %dma_start3A_234 = arith.constant 4 : i32
      %dma_start3A_235 = arith.constant 0 : i32
      %dma_start3A_236 = arith.constant 0 : i32
      %dma_start3A_237 = tpu.memref_slice %arg8[%dma_start3A_233, %dma_start3A_235, %dma_start3A_236] : memref<5x80x32xf32, #tpu.memory_space<vmem>> -> memref<1x80x32xf32, #tpu.memory_space<vmem>>
      %dma_start3A_238 = tpu.memref_squeeze %dma_start3A_237 : memref<1x80x32xf32, #tpu.memory_space<vmem>> -> memref<80x32xf32, #tpu.memory_space<vmem>>
      %dma_start3A_239 = tpu.memref_slice %arg7[%mul3A_232] : memref<10000xi32, #tpu.memory_space<vmem>> -> memref<80xi32, #tpu.memory_space<vmem>>
      %dma_start3A_240 = arith.constant 0 : i32
      %dma_start3A_241 = arith.constant 0 : i32
      %dma_start3A_242 = tpu.memref_slice %arg9[%dma_start3A_240, %dma_start3A_241] : memref<10000x32xf32, #tpu.memory_space<vmem_shared>> -> memref<10000x32xf32, #tpu.memory_space<vmem_shared>>
      %dma_start3A_243 = tpu.memref_slice %arg11[%dma_start3A_234] : memref<5x!tpu.dma_semaphore, #tpu.memory_space<semaphore_mem>> -> memref<1x!tpu.dma_semaphore, #tpu.memory_space<semaphore_mem>>
      %dma_start3A_244 = tpu.memref_squeeze %dma_start3A_243 : memref<1x!tpu.dma_semaphore, #tpu.memory_space<semaphore_mem>> -> memref<!tpu.dma_semaphore, #tpu.memory_space<semaphore_mem>>
      tpu.enqueue_indirect_dma source(%dma_start3A_238 : memref<80x32xf32, #tpu.memory_space<vmem>>) target(%dma_start3A_242 : memref<10000x32xf32, #tpu.memory_space<vmem_shared>>) offsets(%dma_start3A_239 : memref<80xi32, #tpu.memory_space<vmem>>) semaphore(%dma_start3A_244 : memref<!tpu.dma_semaphore, #tpu.memory_space<semaphore_mem>>) {add = true}
      %mul3A_245 = arith.constant 5 : i32
      %mul3A_246 = arith.muli %scan3A_85, %mul3A_245 : i32
      %add3A_247 = arith.constant 0 : i32
      %add3A_248 = arith.addi %mul3A_246, %add3A_247 : i32
      %mul3A_249 = arith.constant 80 : i32
      %mul3A_250 = arith.muli %add3A_248, %mul3A_249 : i32
      %dma_wait3A_251 = arith.constant 0 : i32
      %dma_wait3A_252 = arith.constant 0 : i32
      %dma_wait3A_253 = arith.constant 0 : i32
      %dma_wait3A_254 = arith.constant 0 : i32
      %dma_wait3A_255 = tpu.memref_slice %arg8[%dma_wait3A_251, %dma_wait3A_253, %dma_wait3A_254] : memref<5x80x32xf32, #tpu.memory_space<vmem>> -> memref<1x80x32xf32, #tpu.memory_space<vmem>>
      %dma_wait3A_256 = tpu.memref_squeeze %dma_wait3A_255 : memref<1x80x32xf32, #tpu.memory_space<vmem>> -> memref<80x32xf32, #tpu.memory_space<vmem>>
      %dma_wait3A_257 = tpu.memref_slice %arg7[%mul3A_250] : memref<10000xi32, #tpu.memory_space<vmem>> -> memref<80xi32, #tpu.memory_space<vmem>>
      %dma_wait3A_258 = arith.constant 0 : i32
      %dma_wait3A_259 = arith.constant 0 : i32
      %dma_wait3A_260 = tpu.memref_slice %arg9[%dma_wait3A_258, %dma_wait3A_259] : memref<10000x32xf32, #tpu.memory_space<vmem_shared>> -> memref<10000x32xf32, #tpu.memory_space<vmem_shared>>
      %dma_wait3A_261 = tpu.memref_slice %arg11[%dma_wait3A_252] : memref<5x!tpu.dma_semaphore, #tpu.memory_space<semaphore_mem>> -> memref<1x!tpu.dma_semaphore, #tpu.memory_space<semaphore_mem>>
      %dma_wait3A_262 = tpu.memref_squeeze %dma_wait3A_261 : memref<1x!tpu.dma_semaphore, #tpu.memory_space<semaphore_mem>> -> memref<!tpu.dma_semaphore, #tpu.memory_space<semaphore_mem>>
      tpu.wait_indirect_dma semaphore(%dma_wait3A_262 : memref<!tpu.dma_semaphore, #tpu.memory_space<semaphore_mem>>) src(%dma_wait3A_256 : memref<80x32xf32, #tpu.memory_space<vmem>>) dst(%dma_wait3A_260 : memref<10000x32xf32, #tpu.memory_space<vmem_shared>>)
      %add3A_263 = arith.constant 5 : i32
      %add3A_264 = arith.addi %add3A_248, %add3A_263 : i32
      %lt3A = arith.constant 125 : i32
      %lt3A_265 = arith.cmpi slt, %add3A_264, %lt3A : i32
      %convert_element_type3A_266 = arith.extui %lt3A_265 : i1 to i32
      %cond3A_267 = arith.constant 0 : i32
      %cond3A_268 = arith.cmpi ne, %convert_element_type3A_266, %cond3A_267 : i32
      scf.if %cond3A_268 {
        %add3A_369 = arith.constant 5 : i32
        %add3A_370 = arith.addi %add3A_248, %add3A_369 : i32
        %mul3A_371 = arith.constant 80 : i32
        %mul3A_372 = arith.muli %add3A_370, %mul3A_371 : i32
        %dma_start3A_373 = arith.constant 0 : i32
        %dma_start3A_374 = arith.constant 0 : i32
        %dma_start3A_375 = arith.constant 0 : i32
        %dma_start3A_376 = arith.constant 0 : i32
        %dma_start3A_377 = tpu.memref_slice %arg8[%dma_start3A_373, %dma_start3A_375, %dma_start3A_376] : memref<5x80x32xf32, #tpu.memory_space<vmem>> -> memref<1x80x32xf32, #tpu.memory_space<vmem>>
        %dma_start3A_378 = tpu.memref_squeeze %dma_start3A_377 : memref<1x80x32xf32, #tpu.memory_space<vmem>> -> memref<80x32xf32, #tpu.memory_space<vmem>>
        %dma_start3A_379 = tpu.memref_slice %arg6[%mul3A_372] : memref<10000xi32, #tpu.memory_space<vmem>> -> memref<80xi32, #tpu.memory_space<vmem>>
        %dma_start3A_380 = arith.constant 0 : i32
        %dma_start3A_381 = arith.constant 0 : i32
        %dma_start3A_382 = tpu.memref_slice %arg2[%dma_start3A_380, %dma_start3A_381] : memref<10240x32xf32, #tpu.memory_space<hbm>> -> memref<10240x32xf32, #tpu.memory_space<hbm>>
        %dma_start3A_383 = tpu.memref_slice %arg10[%dma_start3A_374] : memref<5x!tpu.dma_semaphore, #tpu.memory_space<semaphore_mem>> -> memref<1x!tpu.dma_semaphore, #tpu.memory_space<semaphore_mem>>
        %dma_start3A_384 = tpu.memref_squeeze %dma_start3A_383 : memref<1x!tpu.dma_semaphore, #tpu.memory_space<semaphore_mem>> -> memref<!tpu.dma_semaphore, #tpu.memory_space<semaphore_mem>>
        tpu.enqueue_indirect_dma source(%dma_start3A_382 : memref<10240x32xf32, #tpu.memory_space<hbm>>) target(%dma_start3A_378 : memref<80x32xf32, #tpu.memory_space<vmem>>) offsets(%dma_start3A_379 : memref<80xi32, #tpu.memory_space<vmem>>) semaphore(%dma_start3A_384 : memref<!tpu.dma_semaphore, #tpu.memory_space<semaphore_mem>>)
      } else {
      }
      %mul3A_269 = arith.constant 5 : i32
      %mul3A_270 = arith.muli %scan3A_85, %mul3A_269 : i32
      %add3A_271 = arith.constant 1 : i32
      %add3A_272 = arith.addi %mul3A_270, %add3A_271 : i32
      %mul3A_273 = arith.constant 80 : i32
      %mul3A_274 = arith.muli %add3A_272, %mul3A_273 : i32
      %dma_wait3A_275 = arith.constant 1 : i32
      %dma_wait3A_276 = arith.constant 1 : i32
      %dma_wait3A_277 = arith.constant 0 : i32
      %dma_wait3A_278 = arith.constant 0 : i32
      %dma_wait3A_279 = tpu.memref_slice %arg8[%dma_wait3A_275, %dma_wait3A_277, %dma_wait3A_278] : memref<5x80x32xf32, #tpu.memory_space<vmem>> -> memref<1x80x32xf32, #tpu.memory_space<vmem>>
      %dma_wait3A_280 = tpu.memref_squeeze %dma_wait3A_279 : memref<1x80x32xf32, #tpu.memory_space<vmem>> -> memref<80x32xf32, #tpu.memory_space<vmem>>
      %dma_wait3A_281 = tpu.memref_slice %arg7[%mul3A_274] : memref<10000xi32, #tpu.memory_space<vmem>> -> memref<80xi32, #tpu.memory_space<vmem>>
      %dma_wait3A_282 = arith.constant 0 : i32
      %dma_wait3A_283 = arith.constant 0 : i32
      %dma_wait3A_284 = tpu.memref_slice %arg9[%dma_wait3A_282, %dma_wait3A_283] : memref<10000x32xf32, #tpu.memory_space<vmem_shared>> -> memref<10000x32xf32, #tpu.memory_space<vmem_shared>>
      %dma_wait3A_285 = tpu.memref_slice %arg11[%dma_wait3A_276] : memref<5x!tpu.dma_semaphore, #tpu.memory_space<semaphore_mem>> -> memref<1x!tpu.dma_semaphore, #tpu.memory_space<semaphore_mem>>
      %dma_wait3A_286 = tpu.memref_squeeze %dma_wait3A_285 : memref<1x!tpu.dma_semaphore, #tpu.memory_space<semaphore_mem>> -> memref<!tpu.dma_semaphore, #tpu.memory_space<semaphore_mem>>
      tpu.wait_indirect_dma semaphore(%dma_wait3A_286 : memref<!tpu.dma_semaphore, #tpu.memory_space<semaphore_mem>>) src(%dma_wait3A_280 : memref<80x32xf32, #tpu.memory_space<vmem>>) dst(%dma_wait3A_284 : memref<10000x32xf32, #tpu.memory_space<vmem_shared>>)
      %add3A_287 = arith.constant 5 : i32
      %add3A_288 = arith.addi %add3A_272, %add3A_287 : i32
      %lt3A_289 = arith.constant 125 : i32
      %lt3A_290 = arith.cmpi slt, %add3A_288, %lt3A_289 : i32
      %convert_element_type3A_291 = arith.extui %lt3A_290 : i1 to i32
      %cond3A_292 = arith.constant 0 : i32
      %cond3A_293 = arith.cmpi ne, %convert_element_type3A_291, %cond3A_292 : i32
      scf.if %cond3A_293 {
        %add3A_369 = arith.constant 5 : i32
        %add3A_370 = arith.addi %add3A_272, %add3A_369 : i32
        %mul3A_371 = arith.constant 80 : i32
        %mul3A_372 = arith.muli %add3A_370, %mul3A_371 : i32
        %dma_start3A_373 = arith.constant 1 : i32
        %dma_start3A_374 = arith.constant 1 : i32
        %dma_start3A_375 = arith.constant 0 : i32
        %dma_start3A_376 = arith.constant 0 : i32
        %dma_start3A_377 = tpu.memref_slice %arg8[%dma_start3A_373, %dma_start3A_375, %dma_start3A_376] : memref<5x80x32xf32, #tpu.memory_space<vmem>> -> memref<1x80x32xf32, #tpu.memory_space<vmem>>
        %dma_start3A_378 = tpu.memref_squeeze %dma_start3A_377 : memref<1x80x32xf32, #tpu.memory_space<vmem>> -> memref<80x32xf32, #tpu.memory_space<vmem>>
        %dma_start3A_379 = tpu.memref_slice %arg6[%mul3A_372] : memref<10000xi32, #tpu.memory_space<vmem>> -> memref<80xi32, #tpu.memory_space<vmem>>
        %dma_start3A_380 = arith.constant 0 : i32
        %dma_start3A_381 = arith.constant 0 : i32
        %dma_start3A_382 = tpu.memref_slice %arg2[%dma_start3A_380, %dma_start3A_381] : memref<10240x32xf32, #tpu.memory_space<hbm>> -> memref<10240x32xf32, #tpu.memory_space<hbm>>
        %dma_start3A_383 = tpu.memref_slice %arg10[%dma_start3A_374] : memref<5x!tpu.dma_semaphore, #tpu.memory_space<semaphore_mem>> -> memref<1x!tpu.dma_semaphore, #tpu.memory_space<semaphore_mem>>
        %dma_start3A_384 = tpu.memref_squeeze %dma_start3A_383 : memref<1x!tpu.dma_semaphore, #tpu.memory_space<semaphore_mem>> -> memref<!tpu.dma_semaphore, #tpu.memory_space<semaphore_mem>>
        tpu.enqueue_indirect_dma source(%dma_start3A_382 : memref<10240x32xf32, #tpu.memory_space<hbm>>) target(%dma_start3A_378 : memref<80x32xf32, #tpu.memory_space<vmem>>) offsets(%dma_start3A_379 : memref<80xi32, #tpu.memory_space<vmem>>) semaphore(%dma_start3A_384 : memref<!tpu.dma_semaphore, #tpu.memory_space<semaphore_mem>>)
      } else {
      }
      %mul3A_294 = arith.constant 5 : i32
      %mul3A_295 = arith.muli %scan3A_85, %mul3A_294 : i32
      %add3A_296 = arith.constant 2 : i32
      %add3A_297 = arith.addi %mul3A_295, %add3A_296 : i32
      %mul3A_298 = arith.constant 80 : i32
      %mul3A_299 = arith.muli %add3A_297, %mul3A_298 : i32
      %dma_wait3A_300 = arith.constant 2 : i32
      %dma_wait3A_301 = arith.constant 2 : i32
      %dma_wait3A_302 = arith.constant 0 : i32
      %dma_wait3A_303 = arith.constant 0 : i32
      %dma_wait3A_304 = tpu.memref_slice %arg8[%dma_wait3A_300, %dma_wait3A_302, %dma_wait3A_303] : memref<5x80x32xf32, #tpu.memory_space<vmem>> -> memref<1x80x32xf32, #tpu.memory_space<vmem>>
      %dma_wait3A_305 = tpu.memref_squeeze %dma_wait3A_304 : memref<1x80x32xf32, #tpu.memory_space<vmem>> -> memref<80x32xf32, #tpu.memory_space<vmem>>
      %dma_wait3A_306 = tpu.memref_slice %arg7[%mul3A_299] : memref<10000xi32, #tpu.memory_space<vmem>> -> memref<80xi32, #tpu.memory_space<vmem>>
      %dma_wait3A_307 = arith.constant 0 : i32
      %dma_wait3A_308 = arith.constant 0 : i32
      %dma_wait3A_309 = tpu.memref_slice %arg9[%dma_wait3A_307, %dma_wait3A_308] : memref<10000x32xf32, #tpu.memory_space<vmem_shared>> -> memref<10000x32xf32, #tpu.memory_space<vmem_shared>>
      %dma_wait3A_310 = tpu.memref_slice %arg11[%dma_wait3A_301] : memref<5x!tpu.dma_semaphore, #tpu.memory_space<semaphore_mem>> -> memref<1x!tpu.dma_semaphore, #tpu.memory_space<semaphore_mem>>
      %dma_wait3A_311 = tpu.memref_squeeze %dma_wait3A_310 : memref<1x!tpu.dma_semaphore, #tpu.memory_space<semaphore_mem>> -> memref<!tpu.dma_semaphore, #tpu.memory_space<semaphore_mem>>
      tpu.wait_indirect_dma semaphore(%dma_wait3A_311 : memref<!tpu.dma_semaphore, #tpu.memory_space<semaphore_mem>>) src(%dma_wait3A_305 : memref<80x32xf32, #tpu.memory_space<vmem>>) dst(%dma_wait3A_309 : memref<10000x32xf32, #tpu.memory_space<vmem_shared>>)
      %add3A_312 = arith.constant 5 : i32
      %add3A_313 = arith.addi %add3A_297, %add3A_312 : i32
      %lt3A_314 = arith.constant 125 : i32
      %lt3A_315 = arith.cmpi slt, %add3A_313, %lt3A_314 : i32
      %convert_element_type3A_316 = arith.extui %lt3A_315 : i1 to i32
      %cond3A_317 = arith.constant 0 : i32
      %cond3A_318 = arith.cmpi ne, %convert_element_type3A_316, %cond3A_317 : i32
      scf.if %cond3A_318 {
        %add3A_369 = arith.constant 5 : i32
        %add3A_370 = arith.addi %add3A_297, %add3A_369 : i32
        %mul3A_371 = arith.constant 80 : i32
        %mul3A_372 = arith.muli %add3A_370, %mul3A_371 : i32
        %dma_start3A_373 = arith.constant 2 : i32
        %dma_start3A_374 = arith.constant 2 : i32
        %dma_start3A_375 = arith.constant 0 : i32
        %dma_start3A_376 = arith.constant 0 : i32
        %dma_start3A_377 = tpu.memref_slice %arg8[%dma_start3A_373, %dma_start3A_375, %dma_start3A_376] : memref<5x80x32xf32, #tpu.memory_space<vmem>> -> memref<1x80x32xf32, #tpu.memory_space<vmem>>
        %dma_start3A_378 = tpu.memref_squeeze %dma_start3A_377 : memref<1x80x32xf32, #tpu.memory_space<vmem>> -> memref<80x32xf32, #tpu.memory_space<vmem>>
        %dma_start3A_379 = tpu.memref_slice %arg6[%mul3A_372] : memref<10000xi32, #tpu.memory_space<vmem>> -> memref<80xi32, #tpu.memory_space<vmem>>
        %dma_start3A_380 = arith.constant 0 : i32
        %dma_start3A_381 = arith.constant 0 : i32
        %dma_start3A_382 = tpu.memref_slice %arg2[%dma_start3A_380, %dma_start3A_381] : memref<10240x32xf32, #tpu.memory_space<hbm>> -> memref<10240x32xf32, #tpu.memory_space<hbm>>
        %dma_start3A_383 = tpu.memref_slice %arg10[%dma_start3A_374] : memref<5x!tpu.dma_semaphore, #tpu.memory_space<semaphore_mem>> -> memref<1x!tpu.dma_semaphore, #tpu.memory_space<semaphore_mem>>
        %dma_start3A_384 = tpu.memref_squeeze %dma_start3A_383 : memref<1x!tpu.dma_semaphore, #tpu.memory_space<semaphore_mem>> -> memref<!tpu.dma_semaphore, #tpu.memory_space<semaphore_mem>>
        tpu.enqueue_indirect_dma source(%dma_start3A_382 : memref<10240x32xf32, #tpu.memory_space<hbm>>) target(%dma_start3A_378 : memref<80x32xf32, #tpu.memory_space<vmem>>) offsets(%dma_start3A_379 : memref<80xi32, #tpu.memory_space<vmem>>) semaphore(%dma_start3A_384 : memref<!tpu.dma_semaphore, #tpu.memory_space<semaphore_mem>>)
      } else {
      }
      %mul3A_319 = arith.constant 5 : i32
      %mul3A_320 = arith.muli %scan3A_85, %mul3A_319 : i32
      %add3A_321 = arith.constant 3 : i32
      %add3A_322 = arith.addi %mul3A_320, %add3A_321 : i32
      %mul3A_323 = arith.constant 80 : i32
      %mul3A_324 = arith.muli %add3A_322, %mul3A_323 : i32
      %dma_wait3A_325 = arith.constant 3 : i32
      %dma_wait3A_326 = arith.constant 3 : i32
      %dma_wait3A_327 = arith.constant 0 : i32
      %dma_wait3A_328 = arith.constant 0 : i32
      %dma_wait3A_329 = tpu.memref_slice %arg8[%dma_wait3A_325, %dma_wait3A_327, %dma_wait3A_328] : memref<5x80x32xf32, #tpu.memory_space<vmem>> -> memref<1x80x32xf32, #tpu.memory_space<vmem>>
      %dma_wait3A_330 = tpu.memref_squeeze %dma_wait3A_329 : memref<1x80x32xf32, #tpu.memory_space<vmem>> -> memref<80x32xf32, #tpu.memory_space<vmem>>
      %dma_wait3A_331 = tpu.memref_slice %arg7[%mul3A_324] : memref<10000xi32, #tpu.memory_space<vmem>> -> memref<80xi32, #tpu.memory_space<vmem>>
      %dma_wait3A_332 = arith.constant 0 : i32
      %dma_wait3A_333 = arith.constant 0 : i32
      %dma_wait3A_334 = tpu.memref_slice %arg9[%dma_wait3A_332, %dma_wait3A_333] : memref<10000x32xf32, #tpu.memory_space<vmem_shared>> -> memref<10000x32xf32, #tpu.memory_space<vmem_shared>>
      %dma_wait3A_335 = tpu.memref_slice %arg11[%dma_wait3A_326] : memref<5x!tpu.dma_semaphore, #tpu.memory_space<semaphore_mem>> -> memref<1x!tpu.dma_semaphore, #tpu.memory_space<semaphore_mem>>
      %dma_wait3A_336 = tpu.memref_squeeze %dma_wait3A_335 : memref<1x!tpu.dma_semaphore, #tpu.memory_space<semaphore_mem>> -> memref<!tpu.dma_semaphore, #tpu.memory_space<semaphore_mem>>
      tpu.wait_indirect_dma semaphore(%dma_wait3A_336 : memref<!tpu.dma_semaphore, #tpu.memory_space<semaphore_mem>>) src(%dma_wait3A_330 : memref<80x32xf32, #tpu.memory_space<vmem>>) dst(%dma_wait3A_334 : memref<10000x32xf32, #tpu.memory_space<vmem_shared>>)
      %add3A_337 = arith.constant 5 : i32
      %add3A_338 = arith.addi %add3A_322, %add3A_337 : i32
      %lt3A_339 = arith.constant 125 : i32
      %lt3A_340 = arith.cmpi slt, %add3A_338, %lt3A_339 : i32
      %convert_element_type3A_341 = arith.extui %lt3A_340 : i1 to i32
      %cond3A_342 = arith.constant 0 : i32
      %cond3A_343 = arith.cmpi ne, %convert_element_type3A_341, %cond3A_342 : i32
      scf.if %cond3A_343 {
        %add3A_369 = arith.constant 5 : i32
        %add3A_370 = arith.addi %add3A_322, %add3A_369 : i32
        %mul3A_371 = arith.constant 80 : i32
        %mul3A_372 = arith.muli %add3A_370, %mul3A_371 : i32
        %dma_start3A_373 = arith.constant 3 : i32
        %dma_start3A_374 = arith.constant 3 : i32
        %dma_start3A_375 = arith.constant 0 : i32
        %dma_start3A_376 = arith.constant 0 : i32
        %dma_start3A_377 = tpu.memref_slice %arg8[%dma_start3A_373, %dma_start3A_375, %dma_start3A_376] : memref<5x80x32xf32, #tpu.memory_space<vmem>> -> memref<1x80x32xf32, #tpu.memory_space<vmem>>
        %dma_start3A_378 = tpu.memref_squeeze %dma_start3A_377 : memref<1x80x32xf32, #tpu.memory_space<vmem>> -> memref<80x32xf32, #tpu.memory_space<vmem>>
        %dma_start3A_379 = tpu.memref_slice %arg6[%mul3A_372] : memref<10000xi32, #tpu.memory_space<vmem>> -> memref<80xi32, #tpu.memory_space<vmem>>
        %dma_start3A_380 = arith.constant 0 : i32
        %dma_start3A_381 = arith.constant 0 : i32
        %dma_start3A_382 = tpu.memref_slice %arg2[%dma_start3A_380, %dma_start3A_381] : memref<10240x32xf32, #tpu.memory_space<hbm>> -> memref<10240x32xf32, #tpu.memory_space<hbm>>
        %dma_start3A_383 = tpu.memref_slice %arg10[%dma_start3A_374] : memref<5x!tpu.dma_semaphore, #tpu.memory_space<semaphore_mem>> -> memref<1x!tpu.dma_semaphore, #tpu.memory_space<semaphore_mem>>
        %dma_start3A_384 = tpu.memref_squeeze %dma_start3A_383 : memref<1x!tpu.dma_semaphore, #tpu.memory_space<semaphore_mem>> -> memref<!tpu.dma_semaphore, #tpu.memory_space<semaphore_mem>>
        tpu.enqueue_indirect_dma source(%dma_start3A_382 : memref<10240x32xf32, #tpu.memory_space<hbm>>) target(%dma_start3A_378 : memref<80x32xf32, #tpu.memory_space<vmem>>) offsets(%dma_start3A_379 : memref<80xi32, #tpu.memory_space<vmem>>) semaphore(%dma_start3A_384 : memref<!tpu.dma_semaphore, #tpu.memory_space<semaphore_mem>>)
      } else {
      }
      %mul3A_344 = arith.constant 5 : i32
      %mul3A_345 = arith.muli %scan3A_85, %mul3A_344 : i32
      %add3A_346 = arith.constant 4 : i32
      %add3A_347 = arith.addi %mul3A_345, %add3A_346 : i32
      %mul3A_348 = arith.constant 80 : i32
      %mul3A_349 = arith.muli %add3A_347, %mul3A_348 : i32
      %dma_wait3A_350 = arith.constant 4 : i32
      %dma_wait3A_351 = arith.constant 4 : i32
      %dma_wait3A_352 = arith.constant 0 : i32
      %dma_wait3A_353 = arith.constant 0 : i32
      %dma_wait3A_354 = tpu.memref_slice %arg8[%dma_wait3A_350, %dma_wait3A_352, %dma_wait3A_353] : memref<5x80x32xf32, #tpu.memory_space<vmem>> -> memref<1x80x32xf32, #tpu.memory_space<vmem>>
      %dma_wait3A_355 = tpu.memref_squeeze %dma_wait3A_354 : memref<1x80x32xf32, #tpu.memory_space<vmem>> -> memref<80x32xf32, #tpu.memory_space<vmem>>
      %dma_wait3A_356 = tpu.memref_slice %arg7[%mul3A_349] : memref<10000xi32, #tpu.memory_space<vmem>> -> memref<80xi32, #tpu.memory_space<vmem>>
      %dma_wait3A_357 = arith.constant 0 : i32
      %dma_wait3A_358 = arith.constant 0 : i32
      %dma_wait3A_359 = tpu.memref_slice %arg9[%dma_wait3A_357, %dma_wait3A_358] : memref<10000x32xf32, #tpu.memory_space<vmem_shared>> -> memref<10000x32xf32, #tpu.memory_space<vmem_shared>>
      %dma_wait3A_360 = tpu.memref_slice %arg11[%dma_wait3A_351] : memref<5x!tpu.dma_semaphore, #tpu.memory_space<semaphore_mem>> -> memref<1x!tpu.dma_semaphore, #tpu.memory_space<semaphore_mem>>
      %dma_wait3A_361 = tpu.memref_squeeze %dma_wait3A_360 : memref<1x!tpu.dma_semaphore, #tpu.memory_space<semaphore_mem>> -> memref<!tpu.dma_semaphore, #tpu.memory_space<semaphore_mem>>
      tpu.wait_indirect_dma semaphore(%dma_wait3A_361 : memref<!tpu.dma_semaphore, #tpu.memory_space<semaphore_mem>>) src(%dma_wait3A_355 : memref<80x32xf32, #tpu.memory_space<vmem>>) dst(%dma_wait3A_359 : memref<10000x32xf32, #tpu.memory_space<vmem_shared>>)
      %add3A_362 = arith.constant 5 : i32
      %add3A_363 = arith.addi %add3A_347, %add3A_362 : i32
      %lt3A_364 = arith.constant 125 : i32
      %lt3A_365 = arith.cmpi slt, %add3A_363, %lt3A_364 : i32
      %convert_element_type3A_366 = arith.extui %lt3A_365 : i1 to i32
      %cond3A_367 = arith.constant 0 : i32
      %cond3A_368 = arith.cmpi ne, %convert_element_type3A_366, %cond3A_367 : i32
      scf.if %cond3A_368 {
        %add3A_369 = arith.constant 5 : i32
        %add3A_370 = arith.addi %add3A_347, %add3A_369 : i32
        %mul3A_371 = arith.constant 80 : i32
        %mul3A_372 = arith.muli %add3A_370, %mul3A_371 : i32
        %dma_start3A_373 = arith.constant 4 : i32
        %dma_start3A_374 = arith.constant 4 : i32
        %dma_start3A_375 = arith.constant 0 : i32
        %dma_start3A_376 = arith.constant 0 : i32
        %dma_start3A_377 = tpu.memref_slice %arg8[%dma_start3A_373, %dma_start3A_375, %dma_start3A_376] : memref<5x80x32xf32, #tpu.memory_space<vmem>> -> memref<1x80x32xf32, #tpu.memory_space<vmem>>
        %dma_start3A_378 = tpu.memref_squeeze %dma_start3A_377 : memref<1x80x32xf32, #tpu.memory_space<vmem>> -> memref<80x32xf32, #tpu.memory_space<vmem>>
        %dma_start3A_379 = tpu.memref_slice %arg6[%mul3A_372] : memref<10000xi32, #tpu.memory_space<vmem>> -> memref<80xi32, #tpu.memory_space<vmem>>
        %dma_start3A_380 = arith.constant 0 : i32
        %dma_start3A_381 = arith.constant 0 : i32
        %dma_start3A_382 = tpu.memref_slice %arg2[%dma_start3A_380, %dma_start3A_381] : memref<10240x32xf32, #tpu.memory_space<hbm>> -> memref<10240x32xf32, #tpu.memory_space<hbm>>
        %dma_start3A_383 = tpu.memref_slice %arg10[%dma_start3A_374] : memref<5x!tpu.dma_semaphore, #tpu.memory_space<semaphore_mem>> -> memref<1x!tpu.dma_semaphore, #tpu.memory_space<semaphore_mem>>
        %dma_start3A_384 = tpu.memref_squeeze %dma_start3A_383 : memref<1x!tpu.dma_semaphore, #tpu.memory_space<semaphore_mem>> -> memref<!tpu.dma_semaphore, #tpu.memory_space<semaphore_mem>>
        tpu.enqueue_indirect_dma source(%dma_start3A_382 : memref<10240x32xf32, #tpu.memory_space<hbm>>) target(%dma_start3A_378 : memref<80x32xf32, #tpu.memory_space<vmem>>) offsets(%dma_start3A_379 : memref<80xi32, #tpu.memory_space<vmem>>) semaphore(%dma_start3A_384 : memref<!tpu.dma_semaphore, #tpu.memory_space<semaphore_mem>>)
      } else {
      }
    }
    %scan3A_76 = arith.constant 25 : i32
    %barrier3A_77 = arith.constant 0 : index
    tpu.barrier barrier_id(%barrier3A_77)
    %mul3A_78 = arith.constant 624 : i32
    %mul3A_79 = arith.muli %arg1, %mul3A_78 : i32
    "tpu.region"() ({
      %run_scoped3A_85 = tpu.sem_alloc : memref<!tpu.dma_semaphore, #tpu.memory_space<semaphore_mem>>
      %dma_start3A_86 = arith.constant 0 : i32
      %dma_start3A_87 = tpu.memref_slice %arg5[%arg0, %mul3A_79, %dma_start3A_86] : memref<2x10240x32xf32, #tpu.memory_space<hbm>> -> memref<1x624x32xf32, #tpu.memory_space<hbm>>
      %dma_start3A_88 = tpu.memref_squeeze %dma_start3A_87 : memref<1x624x32xf32, #tpu.memory_space<hbm>> -> memref<624x32xf32, #tpu.memory_space<hbm>>
      %dma_start3A_89 = arith.constant 0 : i32
      %dma_start3A_90 = tpu.memref_slice %arg9[%mul3A_79, %dma_start3A_89] : memref<10000x32xf32, #tpu.memory_space<vmem_shared>> -> memref<624x32xf32, #tpu.memory_space<vmem_shared>>
      tpu.enqueue_dma source(%dma_start3A_90 : memref<624x32xf32, #tpu.memory_space<vmem_shared>>) target(%dma_start3A_88 : memref<624x32xf32, #tpu.memory_space<hbm>>) target_semaphore(%run_scoped3A_85 : memref<!tpu.dma_semaphore, #tpu.memory_space<semaphore_mem>>)
      %dma_wait3A = arith.constant 0 : i32
      %dma_wait3A_91 = tpu.memref_slice %arg5[%arg0, %mul3A_79, %dma_wait3A] : memref<2x10240x32xf32, #tpu.memory_space<hbm>> -> memref<1x624x32xf32, #tpu.memory_space<hbm>>
      %dma_wait3A_92 = tpu.memref_squeeze %dma_wait3A_91 : memref<1x624x32xf32, #tpu.memory_space<hbm>> -> memref<624x32xf32, #tpu.memory_space<hbm>>
      %dma_wait3A_93 = arith.constant 0 : i32
      %dma_wait3A_94 = tpu.memref_slice %arg9[%mul3A_79, %dma_wait3A_93] : memref<10000x32xf32, #tpu.memory_space<vmem_shared>> -> memref<624x32xf32, #tpu.memory_space<vmem_shared>>
      tpu.wait_dma2 semaphore(%run_scoped3A_85 : memref<!tpu.dma_semaphore, #tpu.memory_space<semaphore_mem>>) src(%dma_wait3A_94 : memref<624x32xf32, #tpu.memory_space<vmem_shared>>) dst(%dma_wait3A_92 : memref<624x32xf32, #tpu.memory_space<hbm>>)
      tpu.yield
    }) : () -> ()
    %eq3A_80 = arith.constant 15 : i32
    %eq3A_81 = arith.cmpi eq, %arg1, %eq3A_80 : i32
    %convert_element_type3A_82 = arith.extui %eq3A_81 : i1 to i32
    %cond3A_83 = arith.constant 0 : i32
    %cond3A_84 = arith.cmpi ne, %convert_element_type3A_82, %cond3A_83 : i32
    scf.if %cond3A_84 {
      "tpu.region"() ({
        %run_scoped3A_85 = tpu.sem_alloc : memref<!tpu.dma_semaphore, #tpu.memory_space<semaphore_mem>>
        %dma_start3A_86 = arith.constant 9984 : i32
        %dma_start3A_87 = arith.constant 0 : i32
        %dma_start3A_88 = tpu.memref_slice %arg5[%arg0, %dma_start3A_86, %dma_start3A_87] : memref<2x10240x32xf32, #tpu.memory_space<hbm>> -> memref<1x16x32xf32, #tpu.memory_space<hbm>>
        %dma_start3A_89 = tpu.memref_squeeze %dma_start3A_88 : memref<1x16x32xf32, #tpu.memory_space<hbm>> -> memref<16x32xf32, #tpu.memory_space<hbm>>
        %dma_start3A_90 = arith.constant 9984 : i32
        %dma_start3A_91 = arith.constant 0 : i32
        %dma_start3A_92 = tpu.memref_slice %arg9[%dma_start3A_90, %dma_start3A_91] : memref<10000x32xf32, #tpu.memory_space<vmem_shared>> -> memref<16x32xf32, #tpu.memory_space<vmem_shared>>
        tpu.enqueue_dma source(%dma_start3A_92 : memref<16x32xf32, #tpu.memory_space<vmem_shared>>) target(%dma_start3A_89 : memref<16x32xf32, #tpu.memory_space<hbm>>) target_semaphore(%run_scoped3A_85 : memref<!tpu.dma_semaphore, #tpu.memory_space<semaphore_mem>>)
        %dma_wait3A = arith.constant 9984 : i32
        %dma_wait3A_93 = arith.constant 0 : i32
        %dma_wait3A_94 = tpu.memref_slice %arg5[%arg0, %dma_wait3A, %dma_wait3A_93] : memref<2x10240x32xf32, #tpu.memory_space<hbm>> -> memref<1x16x32xf32, #tpu.memory_space<hbm>>
        %dma_wait3A_95 = tpu.memref_squeeze %dma_wait3A_94 : memref<1x16x32xf32, #tpu.memory_space<hbm>> -> memref<16x32xf32, #tpu.memory_space<hbm>>
        %dma_wait3A_96 = arith.constant 9984 : i32
        %dma_wait3A_97 = arith.constant 0 : i32
        %dma_wait3A_98 = tpu.memref_slice %arg9[%dma_wait3A_96, %dma_wait3A_97] : memref<10000x32xf32, #tpu.memory_space<vmem_shared>> -> memref<16x32xf32, #tpu.memory_space<vmem_shared>>
        tpu.wait_dma2 semaphore(%run_scoped3A_85 : memref<!tpu.dma_semaphore, #tpu.memory_space<semaphore_mem>>) src(%dma_wait3A_98 : memref<16x32xf32, #tpu.memory_space<vmem_shared>>) dst(%dma_wait3A_95 : memref<16x32xf32, #tpu.memory_space<hbm>>)
        tpu.yield
      }) : () -> ()
    } else {
    }
    return
  }
}

module attributes {stable_mosaic.version = 14 : i64} {
  func.func @_mm1_body(%arg0: i32, %arg1: memref<1024x128xf32, #tpu.memory_space<vmem>>, %arg2: memref<128x32xf32, #tpu.memory_space<vmem>>, %arg3: memref<1024x32xf32, #tpu.memory_space<vmem>>) attributes {dimension_semantics = [#tpu.dimension_semantics<arbitrary>], iteration_bounds = array<i64: 10>, scalar_prefetch = 0 : i64, scratch_operands = 0 : i64, tpu.core_type = #tpu.core_type<tc>, window_params = [{transform_indices = @transform_0, window_bounds = array<i64: 1024, 128>}, {pipeline_mode = #tpu.pipeline_mode<synchronous>, transform_indices = @transform_1, window_bounds = array<i64: 128, 32>}, {transform_indices = @transform_2, window_bounds = array<i64: 1024, 32>}]} {
    %get3A = arith.constant 0 : index
    %get3A_0 = arith.constant 0 : index
    %get3A_1 = vector.load %arg1[%get3A, %get3A_0] : memref<1024x128xf32, #tpu.memory_space<vmem>>, vector<1024x128xf32>
    %get3A_2 = arith.constant 0 : index
    %get3A_3 = arith.constant 0 : index
    %get3A_4 = vector.load %arg2[%get3A_2, %get3A_3] : memref<128x32xf32, #tpu.memory_space<vmem>>, vector<128x32xf32>
    %dot_general3A = arith.constant dense<0.000000e+00> : vector<1024x32xf32>
    %dot_general3A_5 = tpu.matmul %get3A_1, %get3A_4, %dot_general3A {dimension_numbers = #tpu.dot_dimension_numbers<[1], [0], [0], [1], [0, 0, 1, 1], [], []>, transpose_lhs_hint = false} : vector<1024x128xf32>, vector<128x32xf32>, vector<1024x32xf32> -> vector<1024x32xf32>
    %swap3A = arith.constant 0 : index
    %swap3A_6 = arith.constant 0 : index
    %swap3A_7 = vector.load %arg3[%swap3A, %swap3A_6] : memref<1024x32xf32, #tpu.memory_space<vmem>>, vector<1024x32xf32>
    tpu.vector_store %arg3[%swap3A, %swap3A_6], %dot_general3A_5 {strides = array<i32>} : memref<1024x32xf32, #tpu.memory_space<vmem>>, vector<1024x32xf32>,
    return
  }
  func.func @transform_0(%arg0: i32) -> (i32, i32) {
    %c0_i32 = arith.constant 0 : i32
    %c0_i32_0 = arith.constant 0 : i32
    return %arg0, %c0_i32 : i32, i32
  }
  func.func @transform_1(%arg0: i32) -> (i32, i32) {
    %c0_i32 = arith.constant 0 : i32
    %c0_i32_0 = arith.constant 0 : i32
    %c0_i32_1 = arith.constant 0 : i32
    return %c0_i32, %c0_i32_0 : i32, i32
  }
  func.func @transform_2(%arg0: i32) -> (i32, i32) {
    %c0_i32 = arith.constant 0 : i32
    %c0_i32_0 = arith.constant 0 : i32
    return %arg0, %c0_i32 : i32, i32
  }
}

module attributes {stable_mosaic.version = 14 : i64} {
  func.func @_stage_c_body(%arg0: i32, %arg1: memref<1x256x128xf32, #tpu.memory_space<vmem>>, %arg2: memref<1x256x128xf32, #tpu.memory_space<vmem>>, %arg3: memref<128x128xf32, #tpu.memory_space<vmem>>, %arg4: memref<256x128xf32, #tpu.memory_space<vmem>>, %arg5: memref<256x128xbf16, #tpu.memory_space<vmem>>, %arg6: memref<256x128xf32, #tpu.memory_space<vmem>>) attributes {dimension_semantics = [#tpu.dimension_semantics<arbitrary>], iteration_bounds = array<i64: 10>, scalar_prefetch = 0 : i64, scratch_operands = 0 : i64, tpu.core_type = #tpu.core_type<tc>, window_params = [{transform_indices = @transform_0, window_bounds = array<i64: 1, 256, 128>}, {transform_indices = @transform_1, window_bounds = array<i64: 1, 256, 128>}, {pipeline_mode = #tpu.pipeline_mode<synchronous>, transform_indices = @transform_2, window_bounds = array<i64: 128, 128>}, {transform_indices = @transform_3, window_bounds = array<i64: 256, 128>}, {transform_indices = @transform_4, window_bounds = array<i64: 256, 128>}, {transform_indices = @transform_5, window_bounds = array<i64: 256, 128>}]} {
    %get3A = arith.constant 0 : index
    %get3A_0 = arith.constant 0 : index
    %get3A_1 = arith.constant 0 : index
    %get3A_2 = vector.load %arg1[%get3A, %get3A_0, %get3A_1] : memref<1x256x128xf32, #tpu.memory_space<vmem>>, vector<1x256x128xf32>
    %get3A_3 = vector.shape_cast %get3A_2 : vector<1x256x128xf32> to vector<256x128xf32>
    %get3A_4 = arith.constant 0 : index
    %get3A_5 = arith.constant 0 : index
    %get3A_6 = arith.constant 0 : index
    %get3A_7 = vector.load %arg2[%get3A_4, %get3A_5, %get3A_6] : memref<1x256x128xf32, #tpu.memory_space<vmem>>, vector<1x256x128xf32>
    %get3A_8 = vector.shape_cast %get3A_7 : vector<1x256x128xf32> to vector<256x128xf32>
    %add3A = arith.addf %get3A_3, %get3A_8 : vector<256x128xf32>
    %swap3A = arith.constant 0 : index
    %swap3A_9 = arith.constant 0 : index
    %swap3A_10 = vector.load %arg4[%swap3A, %swap3A_9] : memref<256x128xf32, #tpu.memory_space<vmem>>, vector<256x128xf32>
    tpu.vector_store %arg4[%swap3A, %swap3A_9], %add3A {strides = array<i32>} : memref<256x128xf32, #tpu.memory_space<vmem>>, vector<256x128xf32>,
    %convert_element_type3A = arith.truncf %add3A : vector<256x128xf32> to vector<256x128xbf16>
    %swap3A_11 = arith.constant 0 : index
    %swap3A_12 = arith.constant 0 : index
    %swap3A_13 = vector.load %arg5[%swap3A_11, %swap3A_12] : memref<256x128xbf16, #tpu.memory_space<vmem>>, vector<256x128xbf16>
    tpu.vector_store %arg5[%swap3A_11, %swap3A_12], %convert_element_type3A {strides = array<i32>} : memref<256x128xbf16, #tpu.memory_space<vmem>>, vector<256x128xbf16>,
    %get3A_14 = arith.constant 0 : index
    %get3A_15 = arith.constant 0 : index
    %get3A_16 = vector.load %arg3[%get3A_14, %get3A_15] : memref<128x128xf32, #tpu.memory_space<vmem>>, vector<128x128xf32>
    %dot_general3A = arith.constant dense<0.000000e+00> : vector<256x128xf32>
    %dot_general3A_17 = tpu.matmul %add3A, %get3A_16, %dot_general3A {dimension_numbers = #tpu.dot_dimension_numbers<[1], [0], [0], [1], [0, 0, 1, 1], [], []>, transpose_lhs_hint = false} : vector<256x128xf32>, vector<128x128xf32>, vector<256x128xf32> -> vector<256x128xf32>
    %swap3A_18 = arith.constant 0 : index
    %swap3A_19 = arith.constant 0 : index
    %swap3A_20 = vector.load %arg6[%swap3A_18, %swap3A_19] : memref<256x128xf32, #tpu.memory_space<vmem>>, vector<256x128xf32>
    tpu.vector_store %arg6[%swap3A_18, %swap3A_19], %dot_general3A_17 {strides = array<i32>} : memref<256x128xf32, #tpu.memory_space<vmem>>, vector<256x128xf32>,
    return
  }
  func.func @transform_0(%arg0: i32) -> (i32, i32, i32) {
    %c0_i32 = arith.constant 0 : i32
    %c0_i32_0 = arith.constant 0 : i32
    %c0_i32_1 = arith.constant 0 : i32
    return %c0_i32, %arg0, %c0_i32_0 : i32, i32, i32
  }
  func.func @transform_1(%arg0: i32) -> (i32, i32, i32) {
    %c1_i32 = arith.constant 1 : i32
    %c0_i32 = arith.constant 0 : i32
    %c0_i32_0 = arith.constant 0 : i32
    return %c1_i32, %arg0, %c0_i32 : i32, i32, i32
  }
  func.func @transform_2(%arg0: i32) -> (i32, i32) {
    %c0_i32 = arith.constant 0 : i32
    %c0_i32_0 = arith.constant 0 : i32
    %c0_i32_1 = arith.constant 0 : i32
    return %c0_i32, %c0_i32_0 : i32, i32
  }
  func.func @transform_3(%arg0: i32) -> (i32, i32) {
    %c0_i32 = arith.constant 0 : i32
    %c0_i32_0 = arith.constant 0 : i32
    return %arg0, %c0_i32 : i32, i32
  }
  func.func @transform_4(%arg0: i32) -> (i32, i32) {
    %c0_i32 = arith.constant 0 : i32
    %c0_i32_0 = arith.constant 0 : i32
    return %arg0, %c0_i32 : i32, i32
  }
  func.func @transform_5(%arg0: i32) -> (i32, i32) {
    %c0_i32 = arith.constant 0 : i32
    %c0_i32_0 = arith.constant 0 : i32
    return %arg0, %c0_i32 : i32, i32
  }
}

module attributes {stable_mosaic.version = 14 : i64} {
  func.func @_stage_b_body(%arg0: i32, %arg1: memref<1x256x128xf32, #tpu.memory_space<vmem>>, %arg2: memref<1x256x128xf32, #tpu.memory_space<vmem>>, %arg3: memref<128x128xf32, #tpu.memory_space<vmem>>, %arg4: memref<128x128xf32, #tpu.memory_space<vmem>>, %arg5: memref<256x128xf32, #tpu.memory_space<vmem>>, %arg6: memref<256x128xf32, #tpu.memory_space<vmem>>) attributes {dimension_semantics = [#tpu.dimension_semantics<arbitrary>], iteration_bounds = array<i64: 10>, scalar_prefetch = 0 : i64, scratch_operands = 0 : i64, tpu.core_type = #tpu.core_type<tc>, window_params = [{transform_indices = @transform_0, window_bounds = array<i64: 1, 256, 128>}, {transform_indices = @transform_1, window_bounds = array<i64: 1, 256, 128>}, {pipeline_mode = #tpu.pipeline_mode<synchronous>, transform_indices = @transform_2, window_bounds = array<i64: 128, 128>}, {pipeline_mode = #tpu.pipeline_mode<synchronous>, transform_indices = @transform_3, window_bounds = array<i64: 128, 128>}, {transform_indices = @transform_4, window_bounds = array<i64: 256, 128>}, {transform_indices = @transform_5, window_bounds = array<i64: 256, 128>}]} {
    %get3A = arith.constant 0 : index
    %get3A_0 = arith.constant 0 : index
    %get3A_1 = arith.constant 0 : index
    %get3A_2 = vector.load %arg1[%get3A, %get3A_0, %get3A_1] : memref<1x256x128xf32, #tpu.memory_space<vmem>>, vector<1x256x128xf32>
    %get3A_3 = vector.shape_cast %get3A_2 : vector<1x256x128xf32> to vector<256x128xf32>
    %get3A_4 = arith.constant 0 : index
    %get3A_5 = arith.constant 0 : index
    %get3A_6 = arith.constant 0 : index
    %get3A_7 = vector.load %arg2[%get3A_4, %get3A_5, %get3A_6] : memref<1x256x128xf32, #tpu.memory_space<vmem>>, vector<1x256x128xf32>
    %get3A_8 = vector.shape_cast %get3A_7 : vector<1x256x128xf32> to vector<256x128xf32>
    %add3A = arith.addf %get3A_3, %get3A_8 : vector<256x128xf32>
    %max3A = arith.constant 0.000000e+00 : f32
    %max3A_9 = vector.broadcast %max3A : f32 to vector<256x128xf32>
    %max3A_10 = arith.maximumf %add3A, %max3A_9 : vector<256x128xf32>
    %get3A_11 = arith.constant 0 : index
    %get3A_12 = arith.constant 0 : index
    %get3A_13 = vector.load %arg3[%get3A_11, %get3A_12] : memref<128x128xf32, #tpu.memory_space<vmem>>, vector<128x128xf32>
    %dot_general3A = arith.constant dense<0.000000e+00> : vector<256x128xf32>
    %dot_general3A_14 = tpu.matmul %max3A_10, %get3A_13, %dot_general3A {dimension_numbers = #tpu.dot_dimension_numbers<[1], [0], [0], [1], [0, 0, 1, 1], [], []>, transpose_lhs_hint = false} : vector<256x128xf32>, vector<128x128xf32>, vector<256x128xf32> -> vector<256x128xf32>
    %swap3A = arith.constant 0 : index
    %swap3A_15 = arith.constant 0 : index
    %swap3A_16 = vector.load %arg5[%swap3A, %swap3A_15] : memref<256x128xf32, #tpu.memory_space<vmem>>, vector<256x128xf32>
    tpu.vector_store %arg5[%swap3A, %swap3A_15], %dot_general3A_14 {strides = array<i32>} : memref<256x128xf32, #tpu.memory_space<vmem>>, vector<256x128xf32>,
    %get3A_17 = arith.constant 0 : index
    %get3A_18 = arith.constant 0 : index
    %get3A_19 = vector.load %arg4[%get3A_17, %get3A_18] : memref<128x128xf32, #tpu.memory_space<vmem>>, vector<128x128xf32>
    %dot_general3A_20 = arith.constant dense<0.000000e+00> : vector<256x128xf32>
    %dot_general3A_21 = tpu.matmul %max3A_10, %get3A_19, %dot_general3A_20 {dimension_numbers = #tpu.dot_dimension_numbers<[1], [0], [0], [1], [0, 0, 1, 1], [], []>, transpose_lhs_hint = false} : vector<256x128xf32>, vector<128x128xf32>, vector<256x128xf32> -> vector<256x128xf32>
    %swap3A_22 = arith.constant 0 : index
    %swap3A_23 = arith.constant 0 : index
    %swap3A_24 = vector.load %arg6[%swap3A_22, %swap3A_23] : memref<256x128xf32, #tpu.memory_space<vmem>>, vector<256x128xf32>
    tpu.vector_store %arg6[%swap3A_22, %swap3A_23], %dot_general3A_21 {strides = array<i32>} : memref<256x128xf32, #tpu.memory_space<vmem>>, vector<256x128xf32>,
    return
  }
  func.func @transform_0(%arg0: i32) -> (i32, i32, i32) {
    %c0_i32 = arith.constant 0 : i32
    %c0_i32_0 = arith.constant 0 : i32
    %c0_i32_1 = arith.constant 0 : i32
    return %c0_i32, %arg0, %c0_i32_0 : i32, i32, i32
  }
  func.func @transform_1(%arg0: i32) -> (i32, i32, i32) {
    %c1_i32 = arith.constant 1 : i32
    %c0_i32 = arith.constant 0 : i32
    %c0_i32_0 = arith.constant 0 : i32
    return %c1_i32, %arg0, %c0_i32 : i32, i32, i32
  }
  func.func @transform_2(%arg0: i32) -> (i32, i32) {
    %c0_i32 = arith.constant 0 : i32
    %c0_i32_0 = arith.constant 0 : i32
    %c0_i32_1 = arith.constant 0 : i32
    return %c0_i32, %c0_i32_0 : i32, i32
  }
  func.func @transform_3(%arg0: i32) -> (i32, i32) {
    %c0_i32 = arith.constant 0 : i32
    %c0_i32_0 = arith.constant 0 : i32
    %c0_i32_1 = arith.constant 0 : i32
    return %c0_i32, %c0_i32_0 : i32, i32
  }
  func.func @transform_4(%arg0: i32) -> (i32, i32) {
    %c0_i32 = arith.constant 0 : i32
    %c0_i32_0 = arith.constant 0 : i32
    return %arg0, %c0_i32 : i32, i32
  }
  func.func @transform_5(%arg0: i32) -> (i32, i32) {
    %c0_i32 = arith.constant 0 : i32
    %c0_i32_0 = arith.constant 0 : i32
    return %arg0, %c0_i32 : i32, i32
  }
}

module attributes {stable_mosaic.version = 14 : i64} {
  func.func @_dc_body(%arg0: i32, %arg1: i32, %arg2: memref<512x32xbf16, #tpu.memory_space<vmem>>, %arg3: memref<4096x32xbf16, #tpu.memory_space<vmem>>, %arg4: memref<512x4096xf32, #tpu.memory_space<vmem>>) attributes {dimension_semantics = [#tpu.dimension_semantics<arbitrary>, #tpu.dimension_semantics<arbitrary>], iteration_bounds = array<i64: 20, 3>, scalar_prefetch = 0 : i64, scratch_operands = 0 : i64, tpu.core_type = #tpu.core_type<tc>, window_params = [{transform_indices = @transform_0, window_bounds = array<i64: 512, 32>}, {transform_indices = @transform_1, window_bounds = array<i64: 4096, 32>}, {transform_indices = @transform_2, window_bounds = array<i64: 512, 4096>}]} {
    %get3A = arith.constant 0 : index
    %get3A_0 = arith.constant 0 : index
    %get3A_1 = vector.load %arg2[%get3A, %get3A_0] : memref<512x32xbf16, #tpu.memory_space<vmem>>, vector<512x32xbf16>
    %get3A_2 = arith.constant 0 : index
    %get3A_3 = arith.constant 0 : index
    %get3A_4 = vector.load %arg3[%get3A_2, %get3A_3] : memref<4096x32xbf16, #tpu.memory_space<vmem>>, vector<4096x32xbf16>
    %dot_general3A = arith.constant dense<0.000000e+00> : vector<512x4096xf32>
    %dot_general3A_5 = tpu.matmul %get3A_1, %get3A_4, %dot_general3A {dimension_numbers = #tpu.dot_dimension_numbers<[1], [1], [0], [0], [0, 0, 1, 0], [], []>, transpose_lhs_hint = false} : vector<512x32xbf16>, vector<4096x32xbf16>, vector<512x4096xf32> -> vector<512x4096xf32>
    %swap3A = arith.constant 0 : index
    %swap3A_6 = arith.constant 0 : index
    %swap3A_7 = vector.load %arg4[%swap3A, %swap3A_6] : memref<512x4096xf32, #tpu.memory_space<vmem>>, vector<512x4096xf32>
    tpu.vector_store %arg4[%swap3A, %swap3A_6], %dot_general3A_5 {strides = array<i32>} : memref<512x4096xf32, #tpu.memory_space<vmem>>, vector<512x4096xf32>,
    return
  }
  func.func @transform_0(%arg0: i32, %arg1: i32) -> (i32, i32) {
    %c0_i32 = arith.constant 0 : i32
    %c0_i32_0 = arith.constant 0 : i32
    return %arg0, %c0_i32 : i32, i32
  }
  func.func @transform_1(%arg0: i32, %arg1: i32) -> (i32, i32) {
    %c0_i32 = arith.constant 0 : i32
    %c0_i32_0 = arith.constant 0 : i32
    return %arg1, %c0_i32 : i32, i32
  }
  func.func @transform_2(%arg0: i32, %arg1: i32) -> (i32, i32) {
    %c0_i32 = arith.constant 0 : i32
    return %arg0, %arg1 : i32, i32
  }
}

module attributes {stable_mosaic.version = 14 : i64} {
  func.func @_final_body(%arg0: i32, %arg1: memref<1x256x128xf32, #tpu.memory_space<vmem>>, %arg2: memref<1x256x128xf32, #tpu.memory_space<vmem>>, %arg3: memref<1x256x128xf32, #tpu.memory_space<vmem>>, %arg4: memref<1x256x128xf32, #tpu.memory_space<vmem>>, %arg5: memref<256x128xf32, #tpu.memory_space<vmem>>, %arg6: memref<256x128xf32, #tpu.memory_space<vmem>>) attributes {dimension_semantics = [#tpu.dimension_semantics<arbitrary>], iteration_bounds = array<i64: 10>, scalar_prefetch = 0 : i64, scratch_operands = 0 : i64, tpu.core_type = #tpu.core_type<tc>, window_params = [{transform_indices = @transform_0, window_bounds = array<i64: 1, 256, 128>}, {transform_indices = @transform_1, window_bounds = array<i64: 1, 256, 128>}, {transform_indices = @transform_2, window_bounds = array<i64: 1, 256, 128>}, {transform_indices = @transform_3, window_bounds = array<i64: 1, 256, 128>}, {transform_indices = @transform_4, window_bounds = array<i64: 256, 128>}, {transform_indices = @transform_5, window_bounds = array<i64: 256, 128>}]} {
    %get3A = arith.constant 0 : index
    %get3A_0 = arith.constant 0 : index
    %get3A_1 = arith.constant 0 : index
    %get3A_2 = vector.load %arg1[%get3A, %get3A_0, %get3A_1] : memref<1x256x128xf32, #tpu.memory_space<vmem>>, vector<1x256x128xf32>
    %get3A_3 = vector.shape_cast %get3A_2 : vector<1x256x128xf32> to vector<256x128xf32>
    %get3A_4 = arith.constant 0 : index
    %get3A_5 = arith.constant 0 : index
    %get3A_6 = arith.constant 0 : index
    %get3A_7 = vector.load %arg2[%get3A_4, %get3A_5, %get3A_6] : memref<1x256x128xf32, #tpu.memory_space<vmem>>, vector<1x256x128xf32>
    %get3A_8 = vector.shape_cast %get3A_7 : vector<1x256x128xf32> to vector<256x128xf32>
    %add3A = arith.addf %get3A_3, %get3A_8 : vector<256x128xf32>
    %swap3A = arith.constant 0 : index
    %swap3A_9 = arith.constant 0 : index
    %swap3A_10 = vector.load %arg5[%swap3A, %swap3A_9] : memref<256x128xf32, #tpu.memory_space<vmem>>, vector<256x128xf32>
    tpu.vector_store %arg5[%swap3A, %swap3A_9], %add3A {strides = array<i32>} : memref<256x128xf32, #tpu.memory_space<vmem>>, vector<256x128xf32>,
    %get3A_11 = arith.constant 0 : index
    %get3A_12 = arith.constant 0 : index
    %get3A_13 = arith.constant 0 : index
    %get3A_14 = vector.load %arg3[%get3A_11, %get3A_12, %get3A_13] : memref<1x256x128xf32, #tpu.memory_space<vmem>>, vector<1x256x128xf32>
    %get3A_15 = vector.shape_cast %get3A_14 : vector<1x256x128xf32> to vector<256x128xf32>
    %get3A_16 = arith.constant 0 : index
    %get3A_17 = arith.constant 0 : index
    %get3A_18 = arith.constant 0 : index
    %get3A_19 = vector.load %arg4[%get3A_16, %get3A_17, %get3A_18] : memref<1x256x128xf32, #tpu.memory_space<vmem>>, vector<1x256x128xf32>
    %get3A_20 = vector.shape_cast %get3A_19 : vector<1x256x128xf32> to vector<256x128xf32>
    %add3A_21 = arith.addf %get3A_15, %get3A_20 : vector<256x128xf32>
    %swap3A_22 = arith.constant 0 : index
    %swap3A_23 = arith.constant 0 : index
    %swap3A_24 = vector.load %arg6[%swap3A_22, %swap3A_23] : memref<256x128xf32, #tpu.memory_space<vmem>>, vector<256x128xf32>
    tpu.vector_store %arg6[%swap3A_22, %swap3A_23], %add3A_21 {strides = array<i32>} : memref<256x128xf32, #tpu.memory_space<vmem>>, vector<256x128xf32>,
    return
  }
  func.func @transform_0(%arg0: i32) -> (i32, i32, i32) {
    %c0_i32 = arith.constant 0 : i32
    %c0_i32_0 = arith.constant 0 : i32
    %c0_i32_1 = arith.constant 0 : i32
    return %c0_i32, %arg0, %c0_i32_0 : i32, i32, i32
  }
  func.func @transform_1(%arg0: i32) -> (i32, i32, i32) {
    %c1_i32 = arith.constant 1 : i32
    %c0_i32 = arith.constant 0 : i32
    %c0_i32_0 = arith.constant 0 : i32
    return %c1_i32, %arg0, %c0_i32 : i32, i32, i32
  }
  func.func @transform_2(%arg0: i32) -> (i32, i32, i32) {
    %c0_i32 = arith.constant 0 : i32
    %c0_i32_0 = arith.constant 0 : i32
    %c0_i32_1 = arith.constant 0 : i32
    return %c0_i32, %arg0, %c0_i32_0 : i32, i32, i32
  }
  func.func @transform_3(%arg0: i32) -> (i32, i32, i32) {
    %c1_i32 = arith.constant 1 : i32
    %c0_i32 = arith.constant 0 : i32
    %c0_i32_0 = arith.constant 0 : i32
    return %c1_i32, %arg0, %c0_i32 : i32, i32, i32
  }
  func.func @transform_4(%arg0: i32) -> (i32, i32) {
    %c0_i32 = arith.constant 0 : i32
    %c0_i32_0 = arith.constant 0 : i32
    return %arg0, %c0_i32 : i32, i32
  }
  func.func @transform_5(%arg0: i32) -> (i32, i32) {
    %c0_i32 = arith.constant 0 : i32
    %c0_i32_0 = arith.constant 0 : i32
    return %arg0, %c0_i32 : i32, i32
  }
}

</mosaic_0001>

<sc_bundles>
// kernel: kernel.10.cloned.1.call-start
scs
__scs_entry_jumppad:
0x0: {  	(pc) =	sbr.rel $0x88, $3  }
0x1: {  	(tag) =	ssettag $0x0;
	lr =	simm.s32 $0x1  }
0x2: {  	[smem:$0x3F9B] =	sst lr;
	_ =	strace $0xD0000000  }
0x3: {  	_ = 	snop  }
0x4: {  	_ = 	snop  }
0x5: {  	_ = 	snop  }
0x6: {  	_ = 	snop  }
0x7: {  	_ = 	snop  }
__scs_overlays_trampoline_lowered:
0x8: {  	[smem:$0x3FAA] =	sst s0  }
0x9: {  	[smem:$0x3FAB] =	sst s1  }
0xa: {  	[smem:$0x3FAC] =	sst s2  }
0xb: {  	[smem:$0x3FAD] =	sst s3  }
0xc: {  	[smem:$0x3FAE] =	sst s4  }
0xd: {  	[smem:$0x3FAF] =	sst s5  }
0xe: {  	[smem:$0x3FB0] =	sst s6  }
0xf: {  	[smem:$0x3FB1] =	sst s7  }
0x10: {  	[smem:$0x3FB2] =	sst s8  }
0x11: {  	[smem:$0x3FB3] =	sst s9;
	s0 =	simm.s32 @!p0 $0x0  }
0x12: {  	s1 =	sld [smem:$0x3F99];
	s0 =	simm.s32 @p0 $0x1  }
0x13: {  	[smem:$0x3FB4] =	sst s0;
	s0 =	simm.s32 @!p1 $0x0  }
0x14: {  	s2 =	sld [smem:$0x3F98];
	s0 =	simm.s32 @p1 $0x1  }
0x15: {  	[smem:$0x3FB5] =	sst s0;
	s0 =	simm.s32 @!p2 $0x0  }
0x16: {  	s3 =	sld [smem:$0x3FDB];
	s0 =	simm.s32 @p2 $0x1  }
0x17: {  	s4 =	simm.s32 $0x1BF5;
	[smem:$0x3FB7] =	sst s0  }
0x18: {  	s0 =	sld [smem:$0x3F9A];
	_ =	swait.ge [sflag:s4], $0x0  }
0x19: {  	s7 =	sld [smem:$0x3F9B]  }
0x1a: {  	s8 =	sadd.s32 $0xFFFFE003, lr  }
0x1b: {  	s9 =	sadd.s32 $0xFFFFFEF7, lr;
	s5 =	simm.s32 $0xFFFFFFFF;
	p2 =	slt.u32 s8, $0xFFFFF086  }
0x1c: {  	p1 =	slt.u32 s9, $0xF7A;
	s5 =	simm.s32 @!p2 $0x0  }
0x1d: {  	s5 =	simm.s32 @p1 $0x1;
	p0 =	seq.s32 s7, s2  }
0x1e: {  	s7 =	smul.u32 @!p0 $0xF7A, s2;
	p2 =	seq.s32 @!p0 s5, $0x0  }
0x1f: {  	s9 =	smul.u32 $0xF7A, s1;
	s8 =	simm.s32 @!p0 $0x1BF5;
	p2 =	por !p2, p0  }
0x20: {  	[sflag:s8] =	ssyncset.s32 @!p0 $0xFFFFF086;
	s6 =	sadd.s32 @!p0 s3, s7;
	s7 =	simm.s32 @!p0 $0x108  }
0x21: {  	s3 =	sadd.s32 s3, s9;
	s6 =	sadd.s32 @!p0 $0x88, s6;
	s7 =	simm.s32 @p2 $0x1082  }
0x22: {  	[simem:s7], [sflag:s8] =	dma.local @!p0 [hbm:s6], $0xF7A  }
0x23: {  	s9 =	sor.u32 $0xD0000000, s2;
	s6 =	simm.s32 $0x108;
	_ =	swait.ge @!p0 [sflag:s8], $0x0  }
0x24: {  	s3 =	sadd.s32 $0x88, s3;
	s6 =	simm.s32 @!p1 $0x1082;
	[sflag:s4] =	ssyncset.s32 $0xFFFFF086  }
0x25: {  	[simem:s6], [sflag:s4] =	dma.local [hbm:s3], $0xF7A  }
0x26: {  	[smem:$0x3F9B] =	sst s1;
	(tag) =	ssettag s2;
	_ =	strace s9  }
0x27: {  	s1 =	sld [smem:$0x3FAB]  }
0x28: {  	s2 =	sld [smem:$0x3FAC]  }
0x29: {  	s4 =	sld [smem:$0x3FAE]  }
0x2a: {  	p0 =	seq.s32 s5, $0x0;
	s5 =	sld [smem:$0x3FAF]  }
0x2b: {  	s6 =	sld [smem:$0x3FB0]  }
0x2c: {  	s7 =	sld [smem:$0x3FB1]  }
0x2d: {  	s3 =	simm.s32 $0x108;
	s8 =	sld [smem:$0x3FB2]  }
0x2e: {  	s3 =	simm.s32 @!p0 $0x1082;
	s9 =	sld [smem:$0x3FB3]  }
0x2f: {  	lr =	sadd.s32 s0, s3;
	s0 =	sld [smem:$0x3FAA]  }
0x30: {  	s3 =	sld [smem:$0x3FAD]  }
0x31: {  	[smem:$0x3FB6] =	sst s10  }
0x32: {  	s10 =	sld [smem:$0x3FB4];
	_ =	sdelay $0x3  }
0x33: {  	p0 =	seq.s32 s10, $0x1;
	s10 =	sld [smem:$0x3FB6];
	_ =	sdelay $0x3  }
0x34: {  	[smem:$0x3FB6] =	sst s10  }
0x35: {  	s10 =	sld [smem:$0x3FB5];
	_ =	sdelay $0x3  }
0x36: {  	p1 =	seq.s32 s10, $0x1;
	s10 =	sld [smem:$0x3FB6];
	_ =	sdelay $0x3  }
0x37: {  	[smem:$0x3FB6] =	sst s10  }
0x38: {  	s10 =	sld [smem:$0x3FB7]  }
0x39: {  	_ = 	snop;
	(pc) =	sbr.ind lr, $3  }
0x3a: {  	_ = 	snop  }
0x3b: {  	_ = 	snop  }
0x3c: {  	p2 =	seq.s32 s10, $0x1;
	s10 =	sld [smem:$0x3FB6]  }
0x3d: {  	_ =	shalt  }
0x3e: {  	_ =	shalt  }
0x3f: {  	_ =	shalt  }
0x40: {  	_ =	shalt  }
0x41: {  	_ =	shalt  }
0x42: {  	_ =	shalt  }
0x43: {  	_ =	shalt  }
0x44: {  	_ =	shalt  }
0x45: {  	_ =	shalt  }
0x46: {  	_ =	shalt  }
0x47: {  	_ =	shalt  }
0x48: {  	_ =	shalt  }
0x49: {  	_ =	shalt  }
0x4a: {  	_ =	shalt  }
0x4b: {  	_ =	shalt  }
0x4c: {  	_ =	shalt  }
0x4d: {  	_ =	shalt  }
0x4e: {  	_ =	shalt  }
0x4f: {  	_ =	shalt  }
0x50: {  	_ =	shalt  }
0x51: {  	_ =	shalt  }
0x52: {  	_ =	shalt  }
0x53: {  	_ =	shalt  }
0x54: {  	_ =	shalt  }
0x55: {  	_ =	shalt  }
0x56: {  	_ =	shalt  }
0x57: {  	_ =	shalt  }
0x58: {  	_ =	shalt  }
0x59: {  	_ =	shalt  }
0x5a: {  	_ =	shalt  }
0x5b: {  	_ =	shalt  }
0x5c: {  	_ =	shalt  }
0x5d: {  	_ =	shalt  }
0x5e: {  	_ =	shalt  }
0x5f: {  	_ =	shalt  }
0x60: {  	_ =	shalt  }
0x61: {  	_ =	shalt  }
0x62: {  	_ =	shalt  }
0x63: {  	_ =	shalt  }
0x64: {  	_ =	shalt  }
0x65: {  	_ =	shalt  }
0x66: {  	_ =	shalt  }
0x67: {  	_ =	shalt  }
0x68: {  	_ =	shalt  }
0x69: {  	_ =	shalt  }
0x6a: {  	_ =	shalt  }
0x6b: {  	_ =	shalt  }
0x6c: {  	_ =	shalt  }
0x6d: {  	_ =	shalt  }
0x6e: {  	_ =	shalt  }
0x6f: {  	_ =	shalt  }
0x70: {  	_ =	shalt  }
0x71: {  	_ =	shalt  }
0x72: {  	_ =	shalt  }
0x73: {  	_ =	shalt  }
0x74: {  	_ =	shalt  }
0x75: {  	_ =	shalt  }
0x76: {  	_ =	shalt  }
0x77: {  	_ =	shalt  }
0x78: {  	_ =	shalt  }
0x79: {  	_ =	shalt  }
0x7a: {  	_ =	shalt  }
0x7b: {  	_ =	shalt  }
0x7c: {  	_ =	shalt  }
0x7d: {  	_ =	shalt  }
0x7e: {  	_ =	shalt  }
0x7f: {  	_ =	shalt  }
0x80: {  	_ =	shalt  }
0x81: {  	_ =	shalt  }
0x82: {  	_ =	shalt  }
0x83: {  	_ =	shalt  }
0x84: {  	_ =	shalt  }
0x85: {  	_ =	shalt  }
0x86: {  	_ =	shalt  }
0x87: {  	_ =	shalt  }
.Lfunc_end0:
.L_simem_size_0:
called_computation_lowered:
.L_overlay_start_0:
0x88: {  	s2 =	sld [smem:$0x3FD9]  }
0x89: {  	s3 =	sld [smem:$0x3FFE];
	_ =	sdelay $0x1  }
0x8a: {  	s1 =	srdreg.scid  }
0x8b: {  	s0 =	sand.u32 $0x1, s1  }
0x8c: {  	s14 =	sshll.u32 s0, $0xA;
	s2 =	sadd.s32 s3, s2  }
0x8d: {  	s2 =	sadd.s32 s2, s14  }
0x8e: {  	[smem:$0x3FC2] =	sst s2  }
0x8f: {  	_ = 	snop  }
0x90: {  	s2 =	sld [smem:$0x3FD0];
	_ =	sdelay $0x2  }
0x91: {  	s15 =	simm.s32 $0xA;
	s4 =	simm.s32 $0x10  }
0x92: {  	[smem:s4], [sflag:s15] =	dma.local [hbm:s2], $0x1  }
0x93: {  	_ =	swait.eq [sflag:s15], $0x1  }
0x94: {  	[sflag:s15] =	ssyncset.done $0x0  }
0x95: {  	s16 =	sld [smem:$0x11];
	[sflag:s15] =	ssyncadd.s32 $0xFFFFFFFF  }
0x96: {  	s17 =	sld [smem:$0x13];
	(tm) =	ssettm $0x1  }
0x97: {  	s18 =	sld [smem:$0x3FFB];
	_ =	sdelay $0x3  }
0x98: {  	_ =	strace s18  }
0x99: {  	s4 =	sld [smem:$0x3FFC];
	_ =	sdelay $0x3  }
0x9a: {  	_ =	strace s4  }
0x9b: {  	s4 =	sld [smem:$0x3FFD];
	_ =	sdelay $0x3  }
0x9c: {  	_ =	strace s4  }
0x9d: {  	_ =	strace $0x8FFFFFFF  }
0x9e: {  	s19 =	sld [smem:$0x3FDB];
	_ =	sdelay $0x1  }
0x9f: {  	s5 =	simm.s32 $_scs_section_size  }
0xa0: {  	s6 =	simm.s32 $_size__tile_overlayer_lowered;
	s7 =	simm.s32 $_tile_overlayer_lowered  }
0xa1: {  	s22 =	simm.s32 $0x1BFF;
	s21 =	sshll.u32 s7, $0x1;
	s4 =	sadd.s32 s5, s19  }
0xa2: {  	s8 =	simm.s32 $0x0;
	s20 =	sshll.u32 s6, $0x1;
	s6 =	sadd.s32 s21, s4  }
0xa3: {  	[timem:s8], [sflag:s22] =	dma.local [hbm:s6], s20  }
0xa4: {  	_ =	swait.ge [sflag:s22], s20  }
0xa5: {  	s5 =	ssub.s32 $0x0, s20;
	[sflag:s22] =	ssyncset.done $0x0  }
0xa6: {  	[sflag:s22] =	ssyncadd.s32 s5;
	_ =	sdelay $0x1  }
0xa7: {  	s23 =	simm.s32 $0x1B8B  }
0xa8: {  	_ =	swait.ge [sflag:s23], $0x1  }
0xa9: {  	[sflag:s23] =	ssyncset.done $0x0  }
0xaa: {  	s25 =	simm.s32 $0x1B8E;
	s24 =	sld [smem:$0x3FFE];
	[sflag:s23] =	ssyncadd.s32 $0xFFFFFFFF  }
0xab: {  	s26 =	simm.s32 $execute0_lowered;
	[smem:$0x3FD2] =	sst s25  }
0xac: {  	s6 =	sshll.u32 s26, $0x1;
	_ =	strace $0x80000046;
	[dreg:$0x1] =	wrdreg $0xFFFFFFFF  }
0xad: {  	s28 =	simm.s32 $_size_execute0_lowered;
	s4 =	sadd.s32 s4, s6;
	[dreg:$0x0] =	wrdreg $0x0  }
0xae: {  	s6 =	sshll.u32 s28, $0x1;
	[dreg:$0x2] =	wrdreg s4  }
0xaf: {  	[dreg:$0x3] =	wrdreg s6  }
0xb0: {  	[dreg:$0x4] =	wrdreg $0xC0  }
0xb1: {  	_ =	task [dreg:s8], $0x5FFFF  }
0xb2: {  	[dreg:$0x1] =	wrdreg $0xFFFFFFFF  }
0xb3: {  	[dreg:$0x0] =	wrdreg $0x60  }
0xb4: {  	[dreg:$0x2] =	wrdreg s24  }
0xb5: {  	[dreg:$0x3] =	wrdreg s17  }
0xb6: {  	[dreg:$0x4] =	wrdreg s16  }
0xb7: {  	[dreg:$0x5] =	wrdreg $0x80200  }
0xb8: {  	[dreg:$0x6] =	wrdreg $0x9  }
0xb9: {  	_ =	task.clear_ibuf [dreg:s8], $0x7FFFF;
	_ =	strace $0x90000046  }
0xba: {  	s29 =	simm.s32 $0x9;
	_ =	strace $0x80000048  }
0xbb: {  	_ =	swait.ge [sflag:s29], $0x1  }
0xbc: {  	[sflag:s29] =	ssyncadd.s32 $0xFFFFFFFF  }
0xbd: {  	_ =	strace $0x90000048  }
0xbe: {  	_ =	sfence  }
0xbf: {  	s30 =	sld [smem:$0x0];
	_ =	sdelay $0x2  }
0xc0: {  	s31 =	sshll.u32 s1, $0xD;
	s1 =	sshrl.u32 s1, $0x2  }
0xc1: {  	s3 =	sand.u32 $0x4000, s31;
	s1 =	sadd.s32 s1, s30  }
0xc2: {  	s0 =	sor.u32 s3, s0;
	s1 =	sshll.u32 s1, $0x11  }
0xc3: {  	s0 =	sor.u32 s1, s0  }
0xc4: {  	s0 =	sadd.s32 $0x8F2B, s0  }
0xc5: {  	[sflag:s0] =	ssyncadd.remote.s32 $0x1  }
0xc6: {  	_ =	sfence.sel $0xFFFF  }
0xc7: {  	[dreg:$0x0] =	wrdreg $0xFFFFFFFF;
	(pc) =	sbr.abs _section_cstart, $3  }
0xc8: {  	[dreg:$0x1] =	wrdreg $0xFFFFFFFF  }
0xc9: {  	_ =	task.clear_ibuf [dreg:s8], $0x2FFFF;
	_ =	strace $0x9FFFFFFF  }
0xca: {  	(tm) =	ssettm $0x7FFFFFFF  }
0xcb: {  	_ =	shalt  }
tec
execute0_lowered:
.L_overlay_start_1:
0x0: {  	(tag) =	ssettag $0x1  }
0x1: {  	s0 =	rddreg [dreg:$0x0]  }
0x2: {  	s1 =	rddreg [dreg:$0x1]  }
0x3: {  	s5 =	rddreg [dreg:$0x2]  }
0x4: {  	s3 =	srdreg.scid;
	s14 =	stileid.u32  }
0x5: {  	s2 =	rddreg [dreg:$0x3];
	s16 =	simm.s32 $0x50;
	s17 =	simm.s32 $0x4E20  }
0x6: {  	s18 =	simm.s32 $0x5820;
	s28 =	simm.s32 $0x3;
	s29 =	simm.s32 $0x4  }
0x7: {  	s30 =	simm.s32 $0x5;
	s31 =	simm.s32 $0x6;
	s15 =	simm.s32 $0x9  }
0x8: {  	s19 =	simm.s32 $0xA;
	s6 =	sand.u32 $0x1, s3;
	s4 =	sshll.u32 s14, $0x1  }
0x9: {  	s3 =	simm.s32 $0x0;
	s10 =	smul.u32 $0x4E00, s14;
	s25 =	sadd.s32 $0x4E000, s2  }
0xa: {  	p0 =	sne.s32 s14, $0xF;
	s14 =	simm.s32 $0xB;
	s4 =	sor.u32 s6, s4  }
0xb: {  	[smem:$0x7FF] =	sst s3;
	s8 =	ssub.s32 $0x2, s6;
	s6 =	smul.u32 $0x50000, s6  }
0xc: {  	s7 =	smul.u32 $0x2710, s4;
	_ =	strace $0x80000047;
	s4 =	sadd.s32 $0x16800, s0  }
0xd: {  	s9 =	sshrl.u32 s8, $0x1;
	s22 =	sshrl.u32 s10, $0x3;
	s23 =	sadd.s32 s10, s2  }
0xe: {  	[dreg:$0x9] =	wrdreg s25;
	s25 =	simm.s32 $0x1;
	s20 =	ssub.s32 s8, s9  }
0xf: {  	[dreg:$0x7] =	wrdreg s23;
	s24 =	sadd.s32 s10, s6;
	s6 =	sshrl.u32 s6, $0x3  }
0x10: {  	s10 =	sadd.s32 $0x9C00, s1;
	s23 =	simm.s32 $0x0;
	s7 =	sshrl.u32 s7, $0x3  }
0x11: {  	s26 =	sadd.s32 s5, s6;
	s13 =	smax.u32 s20, $0x1;
	s0 =	sadd.s32 s7, s0  }
0x12: {  	s20 =	simm.s32 $0x6220;
	s12 =	sadd.s32 $0x9C00, s26;
	s21 =	sadd.s32 $0x2E00, s0  }
0x13: {  	s26 =	simm.s32 $0x2;
	s0 =	sadd.s32 $0xCA40, s0;
	[dreg:$0x5] =	wrdreg s21  }
0x14: {  	[dreg:$0x6] =	wrdreg s0;
	s0 =	sadd.s32 s1, s22;
	s22 =	simm.s32 $0x6C20  }
0x15: {  	s1 =	simm.s32 $0x7;
	[dreg:$0x8] =	wrdreg s0;
	s0 =	sshrl.u32 s24, $0x3  }
0x16: {  	s24 =	simm.s32 $0x7620;
	s11 =	sadd.s32 s5, s0;
	s0 =	simm.s32 $0x8  }
.LBB2_1:
0x17: {  	s5 =	rddreg [dreg:$0x5]  }
0x18: {  	[tilespmem:s3], [sflag:$0xB] =	stream.linear.gather [hbm4b:s5+s3], $0x2710, $0x38;
	[tilespmem:$0xCE40] =	vst v63  }
0x19: {  	_ =	swait.ge [sflag:s14], $0x2710  }
0x1a: {  	[sflag:s14] =	ssyncset.done $0x0  }
0x1b: {  	s6 =	simm.s32 $0x2710;
	s7 =	rddreg [dreg:$0x6];
	[sflag:s14] =	ssyncadd.s32 $0xFFFFD8F0  }
0x1c: {  	[tilespmem:s6], [sflag:$0xB] =	stream.linear.gather [hbm4b:s7+s3], $0x2710, $0x38;
	[tilespmem:$0xCE40] =	vst v63  }
0x1d: {  	_ =	swait.ge [sflag:s14], $0x2710  }
0x1e: {  	[sflag:s14] =	ssyncset.done $0x0  }
0x1f: {  	[sflag:s14] =	ssyncadd.s32 $0xFFFFD8F0  }
0x20: {  	[tilespmem:s17], [sflag:$0x1] =	stream.indirect.gather [hbm4b:s4+s16], $0x20, s3, s16, $0xb8;
	[tilespmem:$0xCE40] =	vst v63  }
0x21: {  	_ = 	snop  }
0x22: {  	[tilespmem:s18], [sflag:$0x2] =	stream.indirect.gather [hbm4b:s4+s16], $0x20, s16, s16, $0xb8;
	[tilespmem:$0xCE40] =	vst v63  }
0x23: {  	s8 =	simm.s32 $0xA0  }
0x24: {  	[tilespmem:s20], [sflag:$0x3] =	stream.indirect.gather [hbm4b:s4+s16], $0x20, s8, s16, $0xb8;
	[tilespmem:$0xCE40] =	vst v63  }
0x25: {  	s9 =	simm.s32 $0xF0;
	s6 =	stileid.u32  }
0x26: {  	[tilespmem:s22], [sflag:$0x4] =	stream.indirect.gather [hbm4b:s4+s16], $0x20, s9, s16, $0xb8;
	[tilespmem:$0xCE40] =	vst v63  }
0x27: {  	s21 =	simm.s32 $0x140;
	s5 =	sshll.u32 s6, $0x6;
	s7 =	rddreg [dreg:$0x7]  }
0x28: {  	[tilespmem:s24], [sflag:$0x5] =	stream.indirect.gather [hbm4b:s4+s16], $0x20, s21, s16, $0xb8;
	[tilespmem:$0xCE40] =	vst v63  }
0x29: {  	s8 =	rddreg [dreg:$0x8];
	s21 =	sor.u32 $0x1C0B, s5;
	s5 =	sshrl.u32 s7, $0x3  }
0x2a: {  	[spmem:s5], [sflag:s21] =	dma.local [hbm:s8], $0x9C0  }
0x2b: {  	_ =	swait.ge [sflag:s14], $0x9C0  }
0x2c: {  	[sflag:s14] =	ssyncset.done $0x0;
	s6 =	rddreg [dreg:$0x9]  }
0x2d: {  	s7 =	simm.s32 @!p0 $0xB;
	[sflag:s14] =	ssyncadd.s32 $0xFFFFF640;
	s6 =	sshrl.u32 @!p0 s6, $0x3  }
0x2e: {  	[spmem:s6], [sflag:s21] =	dma.local @!p0 [hbm:s10], $0x40  }
0x2f: {  	_ =	swait.ge @!p0 [sflag:s7], $0x40  }
0x30: {  	[sflag:s7] =	ssyncset.done @!p0 $0x0  }
0x31: {  	[sflag:s7] =	ssyncadd.s32 @!p0 $0xFFFFFFC0  }
0x32: {  	[bflag:$0x0] =	sbarrier.arrive $0xFFFF  }
0x33: {  	_ =	swait.ge [sflag:s25], $0xA00  }
0x34: {  	[sflag:s25] =	ssyncset.done $0x0  }
0x35: {  	s9 =	simm.s32 $0x2710;
	[sflag:s25] =	ssyncadd.s32 $0xFFFFF600  }
0x36: {  	[spmem:s2] =	stream.indirect.scatter.add.f32 [tilespmem:s17], [sflag:$0x6], $0x20, s9, s16, $0xb8;
	[tilespmem:$0xCE40] =	vst v63  }
0x37: {  	_ =	swait.ge [sflag:s26], $0xA00  }
0x38: {  	[sflag:s26] =	ssyncset.done $0x0  }
0x39: {  	s8 =	simm.s32 $0x2760;
	[sflag:s26] =	ssyncadd.s32 $0xFFFFF600  }
0x3a: {  	[spmem:s2] =	stream.indirect.scatter.add.f32 [tilespmem:s18], [sflag:$0x7], $0x20, s8, s16, $0xb8;
	[tilespmem:$0xCE40] =	vst v63  }
0x3b: {  	_ =	swait.ge [sflag:s28], $0xA00  }
0x3c: {  	[sflag:s28] =	ssyncset.done $0x0  }
0x3d: {  	s9 =	simm.s32 $0x27B0;
	[sflag:s28] =	ssyncadd.s32 $0xFFFFF600  }
0x3e: {  	[spmem:s2] =	stream.indirect.scatter.add.f32 [tilespmem:s20], [sflag:$0x8], $0x20, s9, s16, $0xb8;
	[tilespmem:$0xCE40] =	vst v63  }
0x3f: {  	_ =	swait.ge [sflag:s29], $0xA00  }
0x40: {  	[sflag:s29] =	ssyncset.done $0x0  }
0x41: {  	s8 =	simm.s32 $0x2800;
	[sflag:s29] =	ssyncadd.s32 $0xFFFFF600  }
0x42: {  	[spmem:s2] =	stream.indirect.scatter.add.f32 [tilespmem:s22], [sflag:$0x9], $0x20, s8, s16, $0xb8;
	[tilespmem:$0xCE40] =	vst v63  }
0x43: {  	_ =	swait.ge [sflag:s30], $0xA00  }
0x44: {  	[sflag:s30] =	ssyncset.done $0x0  }
0x45: {  	s9 =	simm.s32 $0x2850;
	[sflag:s30] =	ssyncadd.s32 $0xFFFFF600  }
0x46: {  	[spmem:s2] =	stream.indirect.scatter.add.f32 [tilespmem:s24], [sflag:$0xA], $0x20, s9, s16, $0xb8;
	[tilespmem:$0xCE40] =	vst v63  }
0x47: {  	_ =	swait.ge [sflag:s31], $0xA00  }
0x48: {  	[sflag:s31] =	ssyncset.done $0x0  }
0x49: {  	s8 =	simm.s32 $0x190;
	[sflag:s31] =	ssyncadd.s32 $0xFFFFF600  }
0x4a: {  	[tilespmem:s17], [sflag:$0x1] =	stream.indirect.gather [hbm4b:s4+s16], $0x20, s8, s16, $0xb8;
	[tilespmem:$0xCE40] =	vst v63  }
0x4b: {  	_ =	swait.ge [sflag:s1], $0xA00  }
0x4c: {  	[sflag:s1] =	ssyncset.done $0x0  }
0x4d: {  	s9 =	simm.s32 $0x1E0;
	[sflag:s1] =	ssyncadd.s32 $0xFFFFF600  }
0x4e: {  	[tilespmem:s18], [sflag:$0x2] =	stream.indirect.gather [hbm4b:s4+s16], $0x20, s9, s16, $0xb8;
	[tilespmem:$0xCE40] =	vst v63  }
0x4f: {  	_ =	swait.ge [sflag:s0], $0xA00  }
0x50: {  	[sflag:s0] =	ssyncset.done $0x0  }
0x51: {  	s8 =	simm.s32 $0x230;
	[sflag:s0] =	ssyncadd.s32 $0xFFFFF600  }
0x52: {  	[tilespmem:s20], [sflag:$0x3] =	stream.indirect.gather [hbm4b:s4+s16], $0x20, s8, s16, $0xb8;
	[tilespmem:$0xCE40] =	vst v63  }
0x53: {  	_ =	swait.ge [sflag:s15], $0xA00  }
0x54: {  	[sflag:s15] =	ssyncset.done $0x0  }
0x55: {  	s9 =	simm.s32 $0x280;
	[sflag:s15] =	ssyncadd.s32 $0xFFFFF600  }
0x56: {  	[tilespmem:s22], [sflag:$0x4] =	stream.indirect.gather [hbm4b:s4+s16], $0x20, s9, s16, $0xb8;
	[tilespmem:$0xCE40] =	vst v63  }
0x57: {  	_ =	swait.ge [sflag:s19], $0xA00  }
0x58: {  	[sflag:s19] =	ssyncset.done $0x0  }
0x59: {  	s7 =	simm.s32 $0x640;
	s8 =	simm.s32 $0x2D0;
	[sflag:s19] =	ssyncadd.s32 $0xFFFFF600  }
.LBB2_2:
0x5a: {  	[tilespmem:s24], [sflag:$0x5] =	stream.indirect.gather [hbm4b:s4+s16], $0x20, s8, s16, $0xb8;
	[tilespmem:$0xCE40] =	vst v63  }
0x5b: {  	s8 =	smov.u32 s7  }
0x5c: {  	p1 =	sne.s32 s7, $0x8FC0;
	s7 =	sadd.s32 $0x640, s7;
	_ =	swait.ge [sflag:s25], $0xA00  }
0x5d: {  	s8 =	sshra.s32 s8, $0x2;
	[sflag:s25] =	ssyncset.done $0x0  }
0x5e: {  	s9 =	sadd.s32 $0x2710, s8;
	[sflag:s25] =	ssyncadd.s32 $0xFFFFF600  }
0x5f: {  	[spmem:s2] =	stream.indirect.scatter.add.f32 [tilespmem:s17], [sflag:$0x6], $0x20, s9, s16, $0xb8;
	[tilespmem:$0xCE40] =	vst v63  }
0x60: {  	_ =	swait.ge [sflag:s26], $0xA00  }
0x61: {  	[sflag:s26] =	ssyncset.done $0x0  }
0x62: {  	s9 =	sadd.s32 $0x2760, s8;
	[sflag:s26] =	ssyncadd.s32 $0xFFFFF600  }
0x63: {  	[spmem:s2] =	stream.indirect.scatter.add.f32 [tilespmem:s18], [sflag:$0x7], $0x20, s9, s16, $0xb8;
	[tilespmem:$0xCE40] =	vst v63  }
0x64: {  	_ =	swait.ge [sflag:s28], $0xA00  }
0x65: {  	[sflag:s28] =	ssyncset.done $0x0  }
0x66: {  	s9 =	sadd.s32 $0x27B0, s8;
	[sflag:s28] =	ssyncadd.s32 $0xFFFFF600  }
0x67: {  	[spmem:s2] =	stream.indirect.scatter.add.f32 [tilespmem:s20], [sflag:$0x8], $0x20, s9, s16, $0xb8;
	[tilespmem:$0xCE40] =	vst v63  }
0x68: {  	_ =	swait.ge [sflag:s29], $0xA00  }
0x69: {  	[sflag:s29] =	ssyncset.done $0x0  }
0x6a: {  	s9 =	sadd.s32 $0x2800, s8;
	[sflag:s29] =	ssyncadd.s32 $0xFFFFF600  }
0x6b: {  	[spmem:s2] =	stream.indirect.scatter.add.f32 [tilespmem:s22], [sflag:$0x9], $0x20, s9, s16, $0xb8;
	[tilespmem:$0xCE40] =	vst v63  }
0x6c: {  	_ =	swait.ge [sflag:s30], $0xA00  }
0x6d: {  	[sflag:s30] =	ssyncset.done $0x0  }
0x6e: {  	s9 =	sadd.s32 $0x2850, s8;
	[sflag:s30] =	ssyncadd.s32 $0xFFFFF600  }
0x6f: {  	[spmem:s2] =	stream.indirect.scatter.add.f32 [tilespmem:s24], [sflag:$0xA], $0x20, s9, s16, $0xb8;
	[tilespmem:$0xCE40] =	vst v63  }
0x70: {  	_ =	swait.ge [sflag:s31], $0xA00  }
0x71: {  	[sflag:s31] =	ssyncset.done $0x0  }
0x72: {  	s9 =	sadd.s32 $0x190, s8;
	[sflag:s31] =	ssyncadd.s32 $0xFFFFF600  }
0x73: {  	[tilespmem:s17], [sflag:$0x1] =	stream.indirect.gather [hbm4b:s4+s16], $0x20, s9, s16, $0xb8;
	[tilespmem:$0xCE40] =	vst v63  }
0x74: {  	_ =	swait.ge [sflag:s1], $0xA00  }
0x75: {  	[sflag:s1] =	ssyncset.done $0x0  }
0x76: {  	s9 =	sadd.s32 $0x1E0, s8;
	[sflag:s1] =	ssyncadd.s32 $0xFFFFF600  }
0x77: {  	[tilespmem:s18], [sflag:$0x2] =	stream.indirect.gather [hbm4b:s4+s16], $0x20, s9, s16, $0xb8;
	[tilespmem:$0xCE40] =	vst v63  }
0x78: {  	_ =	swait.ge [sflag:s0], $0xA00  }
0x79: {  	[sflag:s0] =	ssyncset.done $0x0  }
0x7a: {  	s9 =	sadd.s32 $0x230, s8;
	[sflag:s0] =	ssyncadd.s32 $0xFFFFF600  }
0x7b: {  	[tilespmem:s20], [sflag:$0x3] =	stream.indirect.gather [hbm4b:s4+s16], $0x20, s9, s16, $0xb8;
	[tilespmem:$0xCE40] =	vst v63  }
0x7c: {  	_ =	swait.ge [sflag:s15], $0xA00  }
0x7d: {  	[sflag:s15] =	ssyncset.done $0x0  }
.Ltmp0:
0x7e: {  	s9 =	sadd.s32 $0x280, s8;
	[sflag:s15] =	ssyncadd.s32 $0xFFFFF600;
	(pc) =	sbr.rel @p1 .LBB2_2-.Ltmp0, $4  }
0x7f: {  	[tilespmem:s22], [sflag:$0x4] =	stream.indirect.gather [hbm4b:s4+s16], $0x20, s9, s16, $0xb8;
	[tilespmem:$0xCE40] =	vst v63  }
0x80: {  	_ =	swait.ge [sflag:s19], $0xA00  }
0x81: {  	[sflag:s19] =	ssyncset.done $0x0  }
0x82: {  	s8 =	sadd.s32 $0x2D0, s8;
	[sflag:s19] =	ssyncadd.s32 $0xFFFFF600  }
0x83: {  	[tilespmem:s24], [sflag:$0x5] =	stream.indirect.gather [hbm4b:s4+s16], $0x20, s8, s16, $0xb8;
	[tilespmem:$0xCE40] =	vst v63  }
0x84: {  	_ =	swait.ge [sflag:s25], $0xA00  }
0x85: {  	[sflag:s25] =	ssyncset.done $0x0  }
0x86: {  	s7 =	simm.s32 $0x4C90;
	[sflag:s25] =	ssyncadd.s32 $0xFFFFF600  }
0x87: {  	[spmem:s2] =	stream.indirect.scatter.add.f32 [tilespmem:s17], [sflag:$0x6], $0x20, s7, s16, $0xb8;
	[tilespmem:$0xCE40] =	vst v63  }
0x88: {  	_ =	swait.ge [sflag:s26], $0xA00  }
0x89: {  	[sflag:s26] =	ssyncset.done $0x0  }
0x8a: {  	s8 =	simm.s32 $0x4CE0;
	[sflag:s26] =	ssyncadd.s32 $0xFFFFF600  }
0x8b: {  	[spmem:s2] =	stream.indirect.scatter.add.f32 [tilespmem:s18], [sflag:$0x7], $0x20, s8, s16, $0xb8;
	[tilespmem:$0xCE40] =	vst v63  }
0x8c: {  	_ =	swait.ge [sflag:s28], $0xA00  }
0x8d: {  	[sflag:s28] =	ssyncset.done $0x0  }
0x8e: {  	s9 =	simm.s32 $0x4D30;
	[sflag:s28] =	ssyncadd.s32 $0xFFFFF600  }
0x8f: {  	[spmem:s2] =	stream.indirect.scatter.add.f32 [tilespmem:s20], [sflag:$0x8], $0x20, s9, s16, $0xb8;
	[tilespmem:$0xCE40] =	vst v63  }
0x90: {  	_ =	swait.ge [sflag:s29], $0xA00  }
0x91: {  	[sflag:s29] =	ssyncset.done $0x0  }
0x92: {  	s8 =	simm.s32 $0x4D80;
	[sflag:s29] =	ssyncadd.s32 $0xFFFFF600  }
0x93: {  	[spmem:s2] =	stream.indirect.scatter.add.f32 [tilespmem:s22], [sflag:$0x9], $0x20, s8, s16, $0xb8;
	[tilespmem:$0xCE40] =	vst v63  }
0x94: {  	_ =	swait.ge [sflag:s30], $0xA00  }
0x95: {  	[sflag:s30] =	ssyncset.done $0x0  }
0x96: {  	s9 =	simm.s32 $0x4DD0;
	[sflag:s30] =	ssyncadd.s32 $0xFFFFF600  }
0x97: {  	[spmem:s2] =	stream.indirect.scatter.add.f32 [tilespmem:s24], [sflag:$0xA], $0x20, s9, s16, $0xb8;
	[tilespmem:$0xCE40] =	vst v63  }
0x98: {  	_ =	swait.ge [sflag:s31], $0xA00  }
0x99: {  	[sflag:s31] =	ssyncset.done $0x0  }
0x9a: {  	[sflag:s31] =	ssyncadd.s32 $0xFFFFF600  }
0x9b: {  	_ =	swait.ge [sflag:s1], $0xA00  }
0x9c: {  	[sflag:s1] =	ssyncset.done $0x0  }
0x9d: {  	[sflag:s1] =	ssyncadd.s32 $0xFFFFF600  }
0x9e: {  	_ =	swait.ge [sflag:s0], $0xA00  }
0x9f: {  	[sflag:s0] =	ssyncset.done $0x0  }
0xa0: {  	[sflag:s0] =	ssyncadd.s32 $0xFFFFF600  }
0xa1: {  	_ =	swait.ge [sflag:s15], $0xA00  }
0xa2: {  	[sflag:s15] =	ssyncset.done $0x0  }
0xa3: {  	[sflag:s15] =	ssyncadd.s32 $0xFFFFF600  }
0xa4: {  	_ =	swait.ge [sflag:s19], $0xA00  }
0xa5: {  	[sflag:s19] =	ssyncset.done $0x0  }
0xa6: {  	[sflag:s19] =	ssyncadd.s32 $0xFFFFF600  }
0xa7: {  	[bflag:$0x0] =	sbarrier.arrive $0xFFFF  }
0xa8: {  	[hbm:s11], [sflag:s21] =	dma.local [spmem:s5], $0x9C0  }
0xa9: {  	s23 =	sadd.s32 $0x1, s23;
	_ =	swait.ge [sflag:s14], $0x9C0  }
0xaa: {  	p1 =	sne.s32 s23, s13;
	[sflag:s14] =	ssyncset.done $0x0  }
.Ltmp1:
0xab: {  	s5 =	simm.s32 @!p0 $0xB;
	[sflag:s14] =	ssyncadd.s32 $0xFFFFF640;
	(pc) =	sbr.rel @p1 .LBB2_1-.Ltmp1, $4  }
0xac: {  	[hbm:s12], [sflag:s21] =	dma.local @!p0 [spmem:s6], $0x40  }
0xad: {  	_ =	swait.ge @!p0 [sflag:s5], $0x40  }
0xae: {  	[sflag:s5] =	ssyncset.done @!p0 $0x0  }
0xaf: {  	[sflag:s5] =	ssyncadd.s32 @!p0 $0xFFFFFFC0  }
0xb0: {  	_ =	sfence.sel $0x180000  }
0xb1: {  	[bflag:$0x0] =	sbarrier.arrive $0xFFFF  }
0xb2: {  	_ =	strace $0x90000047  }
0xb3: {  	s0 =	stileid.u32;
	[bflag:$0x2] =	sbarrier.arrive $0xFFFF  }
0xb4: {  	p0 =	sne.s32 s0, $0x0;
	s0 =	rddreg [dreg:$0x4]  }
0xb5: {  	s0 =	sadd.s32 @!p0 $0x100000, s0  }
0xb6: {  	[sflag:s0] =	ssyncadd.tile.s32 @!p0 $0x1;
	_ =	shalt  }
.Lfunc_end2:
_tile_overlayer_lowered:
.L_overlay_start_2:
0xb7: {  	(tag) =	ssettag $0x2  }
0xb8: {  	s0 =	rddreg [dreg:$0x0];
	s2 =	stileid.u32  }
0xb9: {  	s1 =	rddreg [dreg:$0x1];
	p0 =	sne.s32 s2, $0x0  }
0xba: {  	s3 =	rddreg [dreg:$0x2];
	[bflag:$0x3] =	sbarrier.arrive $0xFFFF;
	s2 =	simm.s32 @!p0 $0x1C0B  }
0xbb: {  	[timem:s3], [sflag:s2] =	dma.local @!p0 [hbm:s0], s1  }
0xbc: {  	s0 =	simm.s32 @!p0 $0xB  }
0xbd: {  	_ =	swait.ge @!p0 [sflag:s0], s1  }
0xbe: {  	s1 =	ssub.s32 @!p0 $0x0, s1;
	[sflag:s0] =	ssyncset.done @!p0 $0x0  }
0xbf: {  	[sflag:s0] =	ssyncadd.s32 @!p0 s1  }
0xc0: {  	[bflag:$0x3] =	sbarrier.arrive $0xFFFF  }
0xc1: {  	_ =	shalt  }

// kernel: kernel.13.cloned.1.call-start
scs
__scs_entry_jumppad:
0x0: {  	(pc) =	sbr.rel $0x88, $3  }
0x1: {  	(tag) =	ssettag $0x0;
	lr =	simm.s32 $0x1  }
0x2: {  	[smem:$0x3F9B] =	sst lr;
	_ =	strace $0xD0000000  }
0x3: {  	_ = 	snop  }
0x4: {  	_ = 	snop  }
0x5: {  	_ = 	snop  }
0x6: {  	_ = 	snop  }
0x7: {  	_ = 	snop  }
__scs_overlays_trampoline_lowered:
0x8: {  	[smem:$0x3FAA] =	sst s0  }
0x9: {  	[smem:$0x3FAB] =	sst s1  }
0xa: {  	[smem:$0x3FAC] =	sst s2  }
0xb: {  	[smem:$0x3FAD] =	sst s3  }
0xc: {  	[smem:$0x3FAE] =	sst s4  }
0xd: {  	[smem:$0x3FAF] =	sst s5  }
0xe: {  	[smem:$0x3FB0] =	sst s6  }
0xf: {  	[smem:$0x3FB1] =	sst s7  }
0x10: {  	[smem:$0x3FB2] =	sst s8  }
0x11: {  	[smem:$0x3FB3] =	sst s9;
	s0 =	simm.s32 @!p0 $0x0  }
0x12: {  	s1 =	sld [smem:$0x3F99];
	s0 =	simm.s32 @p0 $0x1  }
0x13: {  	[smem:$0x3FB4] =	sst s0;
	s0 =	simm.s32 @!p1 $0x0  }
0x14: {  	s2 =	sld [smem:$0x3F98];
	s0 =	simm.s32 @p1 $0x1  }
0x15: {  	[smem:$0x3FB5] =	sst s0;
	s0 =	simm.s32 @!p2 $0x0  }
0x16: {  	s3 =	sld [smem:$0x3FDB];
	s0 =	simm.s32 @p2 $0x1  }
0x17: {  	s4 =	simm.s32 $0x1BF5;
	[smem:$0x3FB7] =	sst s0  }
0x18: {  	s0 =	sld [smem:$0x3F9A];
	_ =	swait.ge [sflag:s4], $0x0  }
0x19: {  	s7 =	sld [smem:$0x3F9B]  }
0x1a: {  	s8 =	sadd.s32 $0xFFFFE003, lr  }
0x1b: {  	s9 =	sadd.s32 $0xFFFFFEF7, lr;
	s5 =	simm.s32 $0xFFFFFFFF;
	p2 =	slt.u32 s8, $0xFFFFF086  }
0x1c: {  	p1 =	slt.u32 s9, $0xF7A;
	s5 =	simm.s32 @!p2 $0x0  }
0x1d: {  	s5 =	simm.s32 @p1 $0x1;
	p0 =	seq.s32 s7, s2  }
0x1e: {  	s7 =	smul.u32 @!p0 $0xF7A, s2;
	p2 =	seq.s32 @!p0 s5, $0x0  }
0x1f: {  	s9 =	smul.u32 $0xF7A, s1;
	s8 =	simm.s32 @!p0 $0x1BF5;
	p2 =	por !p2, p0  }
0x20: {  	[sflag:s8] =	ssyncset.s32 @!p0 $0xFFFFF086;
	s6 =	sadd.s32 @!p0 s3, s7;
	s7 =	simm.s32 @!p0 $0x108  }
0x21: {  	s3 =	sadd.s32 s3, s9;
	s6 =	sadd.s32 @!p0 $0x88, s6;
	s7 =	simm.s32 @p2 $0x1082  }
0x22: {  	[simem:s7], [sflag:s8] =	dma.local @!p0 [hbm:s6], $0xF7A  }
0x23: {  	s9 =	sor.u32 $0xD0000000, s2;
	s6 =	simm.s32 $0x108;
	_ =	swait.ge @!p0 [sflag:s8], $0x0  }
0x24: {  	s3 =	sadd.s32 $0x88, s3;
	s6 =	simm.s32 @!p1 $0x1082;
	[sflag:s4] =	ssyncset.s32 $0xFFFFF086  }
0x25: {  	[simem:s6], [sflag:s4] =	dma.local [hbm:s3], $0xF7A  }
0x26: {  	[smem:$0x3F9B] =	sst s1;
	(tag) =	ssettag s2;
	_ =	strace s9  }
0x27: {  	s1 =	sld [smem:$0x3FAB]  }
0x28: {  	s2 =	sld [smem:$0x3FAC]  }
0x29: {  	s4 =	sld [smem:$0x3FAE]  }
0x2a: {  	p0 =	seq.s32 s5, $0x0;
	s5 =	sld [smem:$0x3FAF]  }
0x2b: {  	s6 =	sld [smem:$0x3FB0]  }
0x2c: {  	s7 =	sld [smem:$0x3FB1]  }
0x2d: {  	s3 =	simm.s32 $0x108;
	s8 =	sld [smem:$0x3FB2]  }
0x2e: {  	s3 =	simm.s32 @!p0 $0x1082;
	s9 =	sld [smem:$0x3FB3]  }
0x2f: {  	lr =	sadd.s32 s0, s3;
	s0 =	sld [smem:$0x3FAA]  }
0x30: {  	s3 =	sld [smem:$0x3FAD]  }
0x31: {  	[smem:$0x3FB6] =	sst s10  }
0x32: {  	s10 =	sld [smem:$0x3FB4];
	_ =	sdelay $0x3  }
0x33: {  	p0 =	seq.s32 s10, $0x1;
	s10 =	sld [smem:$0x3FB6];
	_ =	sdelay $0x3  }
0x34: {  	[smem:$0x3FB6] =	sst s10  }
0x35: {  	s10 =	sld [smem:$0x3FB5];
	_ =	sdelay $0x3  }
0x36: {  	p1 =	seq.s32 s10, $0x1;
	s10 =	sld [smem:$0x3FB6];
	_ =	sdelay $0x3  }
0x37: {  	[smem:$0x3FB6] =	sst s10  }
0x38: {  	s10 =	sld [smem:$0x3FB7]  }
0x39: {  	_ = 	snop;
	(pc) =	sbr.ind lr, $3  }
0x3a: {  	_ = 	snop  }
0x3b: {  	_ = 	snop  }
0x3c: {  	p2 =	seq.s32 s10, $0x1;
	s10 =	sld [smem:$0x3FB6]  }
0x3d: {  	_ =	shalt  }
0x3e: {  	_ =	shalt  }
0x3f: {  	_ =	shalt  }
0x40: {  	_ =	shalt  }
0x41: {  	_ =	shalt  }
0x42: {  	_ =	shalt  }
0x43: {  	_ =	shalt  }
0x44: {  	_ =	shalt  }
0x45: {  	_ =	shalt  }
0x46: {  	_ =	shalt  }
0x47: {  	_ =	shalt  }
0x48: {  	_ =	shalt  }
0x49: {  	_ =	shalt  }
0x4a: {  	_ =	shalt  }
0x4b: {  	_ =	shalt  }
0x4c: {  	_ =	shalt  }
0x4d: {  	_ =	shalt  }
0x4e: {  	_ =	shalt  }
0x4f: {  	_ =	shalt  }
0x50: {  	_ =	shalt  }
0x51: {  	_ =	shalt  }
0x52: {  	_ =	shalt  }
0x53: {  	_ =	shalt  }
0x54: {  	_ =	shalt  }
0x55: {  	_ =	shalt  }
0x56: {  	_ =	shalt  }
0x57: {  	_ =	shalt  }
0x58: {  	_ =	shalt  }
0x59: {  	_ =	shalt  }
0x5a: {  	_ =	shalt  }
0x5b: {  	_ =	shalt  }
0x5c: {  	_ =	shalt  }
0x5d: {  	_ =	shalt  }
0x5e: {  	_ =	shalt  }
0x5f: {  	_ =	shalt  }
0x60: {  	_ =	shalt  }
0x61: {  	_ =	shalt  }
0x62: {  	_ =	shalt  }
0x63: {  	_ =	shalt  }
0x64: {  	_ =	shalt  }
0x65: {  	_ =	shalt  }
0x66: {  	_ =	shalt  }
0x67: {  	_ =	shalt  }
0x68: {  	_ =	shalt  }
0x69: {  	_ =	shalt  }
0x6a: {  	_ =	shalt  }
0x6b: {  	_ =	shalt  }
0x6c: {  	_ =	shalt  }
0x6d: {  	_ =	shalt  }
0x6e: {  	_ =	shalt  }
0x6f: {  	_ =	shalt  }
0x70: {  	_ =	shalt  }
0x71: {  	_ =	shalt  }
0x72: {  	_ =	shalt  }
0x73: {  	_ =	shalt  }
0x74: {  	_ =	shalt  }
0x75: {  	_ =	shalt  }
0x76: {  	_ =	shalt  }
0x77: {  	_ =	shalt  }
0x78: {  	_ =	shalt  }
0x79: {  	_ =	shalt  }
0x7a: {  	_ =	shalt  }
0x7b: {  	_ =	shalt  }
0x7c: {  	_ =	shalt  }
0x7d: {  	_ =	shalt  }
0x7e: {  	_ =	shalt  }
0x7f: {  	_ =	shalt  }
0x80: {  	_ =	shalt  }
0x81: {  	_ =	shalt  }
0x82: {  	_ =	shalt  }
0x83: {  	_ =	shalt  }
0x84: {  	_ =	shalt  }
0x85: {  	_ =	shalt  }
0x86: {  	_ =	shalt  }
0x87: {  	_ =	shalt  }
.Lfunc_end0:
.L_simem_size_0:
called_computation.1_lowered:
.L_overlay_start_0:
0x88: {  	s2 =	sld [smem:$0x3FD9]  }
0x89: {  	s3 =	sld [smem:$0x3FFE];
	_ =	sdelay $0x1  }
0x8a: {  	s1 =	srdreg.scid  }
0x8b: {  	s0 =	sand.u32 $0x1, s1  }
0x8c: {  	s14 =	sshll.u32 s0, $0xA;
	s2 =	sadd.s32 s3, s2  }
0x8d: {  	s2 =	sadd.s32 s2, s14  }
0x8e: {  	[smem:$0x3FC2] =	sst s2  }
0x8f: {  	_ = 	snop  }
0x90: {  	s2 =	sld [smem:$0x3FD0];
	_ =	sdelay $0x2  }
0x91: {  	s15 =	simm.s32 $0xA;
	s4 =	simm.s32 $0x10  }
0x92: {  	[smem:s4], [sflag:s15] =	dma.local [hbm:s2], $0x1  }
0x93: {  	_ =	swait.eq [sflag:s15], $0x1  }
0x94: {  	[sflag:s15] =	ssyncset.done $0x0  }
0x95: {  	s16 =	sld [smem:$0x11];
	[sflag:s15] =	ssyncadd.s32 $0xFFFFFFFF  }
0x96: {  	s17 =	sld [smem:$0x13];
	(tm) =	ssettm $0x1  }
0x97: {  	s18 =	sld [smem:$0x3FFB];
	_ =	sdelay $0x3  }
0x98: {  	_ =	strace s18  }
0x99: {  	s4 =	sld [smem:$0x3FFC];
	_ =	sdelay $0x3  }
0x9a: {  	_ =	strace s4  }
0x9b: {  	s4 =	sld [smem:$0x3FFD];
	_ =	sdelay $0x3  }
0x9c: {  	_ =	strace s4  }
0x9d: {  	_ =	strace $0x8FFFFFFF  }
0x9e: {  	s19 =	sld [smem:$0x3FDB];
	_ =	sdelay $0x1  }
0x9f: {  	s5 =	simm.s32 $_scs_section_size  }
0xa0: {  	s6 =	simm.s32 $_size__tile_overlayer_lowered;
	s7 =	simm.s32 $_tile_overlayer_lowered  }
0xa1: {  	s22 =	simm.s32 $0x1BFF;
	s21 =	sshll.u32 s7, $0x1;
	s4 =	sadd.s32 s5, s19  }
0xa2: {  	s8 =	simm.s32 $0x0;
	s20 =	sshll.u32 s6, $0x1;
	s6 =	sadd.s32 s21, s4  }
0xa3: {  	[timem:s8], [sflag:s22] =	dma.local [hbm:s6], s20  }
0xa4: {  	_ =	swait.ge [sflag:s22], s20  }
0xa5: {  	s5 =	ssub.s32 $0x0, s20;
	[sflag:s22] =	ssyncset.done $0x0  }
0xa6: {  	[sflag:s22] =	ssyncadd.s32 s5;
	_ =	sdelay $0x1  }
0xa7: {  	s23 =	simm.s32 $0x1B8B  }
0xa8: {  	_ =	swait.ge [sflag:s23], $0x1  }
0xa9: {  	[sflag:s23] =	ssyncset.done $0x0  }
0xaa: {  	s25 =	simm.s32 $0x1B8E;
	s24 =	sld [smem:$0x3FFE];
	[sflag:s23] =	ssyncadd.s32 $0xFFFFFFFF  }
0xab: {  	s26 =	simm.s32 $execute0_lowered;
	[smem:$0x3FD2] =	sst s25  }
0xac: {  	s6 =	sshll.u32 s26, $0x1;
	_ =	strace $0x80000049;
	[dreg:$0x1] =	wrdreg $0xFFFFFFFF  }
0xad: {  	s28 =	simm.s32 $_size_execute0_lowered;
	s4 =	sadd.s32 s4, s6;
	[dreg:$0x0] =	wrdreg $0x0  }
0xae: {  	s6 =	sshll.u32 s28, $0x1;
	[dreg:$0x2] =	wrdreg s4  }
0xaf: {  	[dreg:$0x3] =	wrdreg s6  }
0xb0: {  	[dreg:$0x4] =	wrdreg $0xC0  }
0xb1: {  	_ =	task [dreg:s8], $0x5FFFF  }
0xb2: {  	[dreg:$0x1] =	wrdreg $0xFFFFFFFF  }
0xb3: {  	[dreg:$0x0] =	wrdreg $0x60  }
0xb4: {  	[dreg:$0x2] =	wrdreg s24  }
0xb5: {  	[dreg:$0x3] =	wrdreg s17  }
0xb6: {  	[dreg:$0x4] =	wrdreg s16  }
0xb7: {  	[dreg:$0x5] =	wrdreg $0x80200  }
0xb8: {  	[dreg:$0x6] =	wrdreg $0x9  }
0xb9: {  	_ =	task.clear_ibuf [dreg:s8], $0x7FFFF;
	_ =	strace $0x90000049  }
0xba: {  	s29 =	simm.s32 $0x9;
	_ =	strace $0x8000004B  }
0xbb: {  	_ =	swait.ge [sflag:s29], $0x1  }
0xbc: {  	[sflag:s29] =	ssyncadd.s32 $0xFFFFFFFF  }
0xbd: {  	_ =	strace $0x9000004B  }
0xbe: {  	_ =	sfence  }
0xbf: {  	s30 =	sld [smem:$0x0];
	_ =	sdelay $0x2  }
0xc0: {  	s31 =	sshll.u32 s1, $0xD;
	s1 =	sshrl.u32 s1, $0x2  }
0xc1: {  	s3 =	sand.u32 $0x4000, s31;
	s1 =	sadd.s32 s1, s30  }
0xc2: {  	s0 =	sor.u32 s3, s0;
	s1 =	sshll.u32 s1, $0x11  }
0xc3: {  	s0 =	sor.u32 s1, s0  }
0xc4: {  	s0 =	sadd.s32 $0x8F2B, s0  }
0xc5: {  	[sflag:s0] =	ssyncadd.remote.s32 $0x1  }
0xc6: {  	_ =	sfence.sel $0xFFFF  }
0xc7: {  	[dreg:$0x0] =	wrdreg $0xFFFFFFFF;
	(pc) =	sbr.abs _section_cstart, $3  }
0xc8: {  	[dreg:$0x1] =	wrdreg $0xFFFFFFFF  }
0xc9: {  	_ =	task.clear_ibuf [dreg:s8], $0x2FFFF;
	_ =	strace $0x9FFFFFFF  }
0xca: {  	(tm) =	ssettm $0x7FFFFFFF  }
0xcb: {  	_ =	shalt  }
tec
execute0_lowered:
.L_overlay_start_1:
0x0: {  	(tag) =	ssettag $0x1  }
0x1: {  	s0 =	rddreg [dreg:$0x0]  }
0x2: {  	s1 =	rddreg [dreg:$0x1]  }
0x3: {  	s5 =	rddreg [dreg:$0x2]  }
0x4: {  	s3 =	srdreg.scid;
	s14 =	stileid.u32  }
0x5: {  	s2 =	rddreg [dreg:$0x3];
	s16 =	simm.s32 $0x50;
	s17 =	simm.s32 $0x4E20  }
0x6: {  	s18 =	simm.s32 $0x5820;
	s28 =	simm.s32 $0x3;
	s29 =	simm.s32 $0x4  }
0x7: {  	s30 =	simm.s32 $0x5;
	s31 =	simm.s32 $0x6;
	s15 =	simm.s32 $0x9  }
0x8: {  	s19 =	simm.s32 $0xA;
	s6 =	sand.u32 $0x1, s3;
	s4 =	sshll.u32 s14, $0x1  }
0x9: {  	s3 =	simm.s32 $0x0;
	s10 =	smul.u32 $0x4E00, s14;
	s25 =	sadd.s32 $0x4E000, s2  }
0xa: {  	p0 =	sne.s32 s14, $0xF;
	s14 =	simm.s32 $0xB;
	s4 =	sor.u32 s6, s4  }
0xb: {  	[smem:$0x7FF] =	sst s3;
	s8 =	ssub.s32 $0x2, s6;
	s6 =	smul.u32 $0x50000, s6  }
0xc: {  	s7 =	smul.u32 $0x2710, s4;
	_ =	strace $0x8000004A;
	s4 =	sadd.s32 $0x16800, s0  }
0xd: {  	s9 =	sshrl.u32 s8, $0x1;
	s22 =	sshrl.u32 s10, $0x3;
	s23 =	sadd.s32 s10, s2  }
0xe: {  	[dreg:$0x9] =	wrdreg s25;
	s25 =	simm.s32 $0x1;
	s20 =	ssub.s32 s8, s9  }
0xf: {  	[dreg:$0x7] =	wrdreg s23;
	s24 =	sadd.s32 s10, s6;
	s6 =	sshrl.u32 s6, $0x3  }
0x10: {  	s10 =	sadd.s32 $0x9C00, s1;
	s23 =	simm.s32 $0x0;
	s7 =	sshrl.u32 s7, $0x3  }
0x11: {  	s26 =	sadd.s32 s5, s6;
	s13 =	smax.u32 s20, $0x1;
	s0 =	sadd.s32 s7, s0  }
0x12: {  	s20 =	simm.s32 $0x6220;
	s12 =	sadd.s32 $0x9C00, s26;
	s21 =	sadd.s32 $0x2E00, s0  }
0x13: {  	s26 =	simm.s32 $0x2;
	s0 =	sadd.s32 $0xCA40, s0;
	[dreg:$0x5] =	wrdreg s21  }
0x14: {  	[dreg:$0x6] =	wrdreg s0;
	s0 =	sadd.s32 s1, s22;
	s22 =	simm.s32 $0x6C20  }
0x15: {  	s1 =	simm.s32 $0x7;
	[dreg:$0x8] =	wrdreg s0;
	s0 =	sshrl.u32 s24, $0x3  }
0x16: {  	s24 =	simm.s32 $0x7620;
	s11 =	sadd.s32 s5, s0;
	s0 =	simm.s32 $0x8  }
.LBB2_1:
0x17: {  	s5 =	rddreg [dreg:$0x5]  }
0x18: {  	[tilespmem:s3], [sflag:$0xB] =	stream.linear.gather [hbm4b:s5+s3], $0x2710, $0x38;
	[tilespmem:$0xCE40] =	vst v63  }
0x19: {  	_ =	swait.ge [sflag:s14], $0x2710  }
0x1a: {  	[sflag:s14] =	ssyncset.done $0x0  }
0x1b: {  	s6 =	simm.s32 $0x2710;
	s7 =	rddreg [dreg:$0x6];
	[sflag:s14] =	ssyncadd.s32 $0xFFFFD8F0  }
0x1c: {  	[tilespmem:s6], [sflag:$0xB] =	stream.linear.gather [hbm4b:s7+s3], $0x2710, $0x38;
	[tilespmem:$0xCE40] =	vst v63  }
0x1d: {  	_ =	swait.ge [sflag:s14], $0x2710  }
0x1e: {  	[sflag:s14] =	ssyncset.done $0x0  }
0x1f: {  	[sflag:s14] =	ssyncadd.s32 $0xFFFFD8F0  }
0x20: {  	[tilespmem:s17], [sflag:$0x1] =	stream.indirect.gather [hbm4b:s4+s16], $0x20, s3, s16, $0xb8;
	[tilespmem:$0xCE40] =	vst v63  }
0x21: {  	_ = 	snop  }
0x22: {  	[tilespmem:s18], [sflag:$0x2] =	stream.indirect.gather [hbm4b:s4+s16], $0x20, s16, s16, $0xb8;
	[tilespmem:$0xCE40] =	vst v63  }
0x23: {  	s8 =	simm.s32 $0xA0  }
0x24: {  	[tilespmem:s20], [sflag:$0x3] =	stream.indirect.gather [hbm4b:s4+s16], $0x20, s8, s16, $0xb8;
	[tilespmem:$0xCE40] =	vst v63  }
0x25: {  	s9 =	simm.s32 $0xF0;
	s6 =	stileid.u32  }
0x26: {  	[tilespmem:s22], [sflag:$0x4] =	stream.indirect.gather [hbm4b:s4+s16], $0x20, s9, s16, $0xb8;
	[tilespmem:$0xCE40] =	vst v63  }
0x27: {  	s21 =	simm.s32 $0x140;
	s5 =	sshll.u32 s6, $0x6;
	s7 =	rddreg [dreg:$0x7]  }
0x28: {  	[tilespmem:s24], [sflag:$0x5] =	stream.indirect.gather [hbm4b:s4+s16], $0x20, s21, s16, $0xb8;
	[tilespmem:$0xCE40] =	vst v63  }
0x29: {  	s8 =	rddreg [dreg:$0x8];
	s21 =	sor.u32 $0x1C0B, s5;
	s5 =	sshrl.u32 s7, $0x3  }
0x2a: {  	[spmem:s5], [sflag:s21] =	dma.local [hbm:s8], $0x9C0  }
0x2b: {  	_ =	swait.ge [sflag:s14], $0x9C0  }
0x2c: {  	[sflag:s14] =	ssyncset.done $0x0;
	s6 =	rddreg [dreg:$0x9]  }
0x2d: {  	s7 =	simm.s32 @!p0 $0xB;
	[sflag:s14] =	ssyncadd.s32 $0xFFFFF640;
	s6 =	sshrl.u32 @!p0 s6, $0x3  }
0x2e: {  	[spmem:s6], [sflag:s21] =	dma.local @!p0 [hbm:s10], $0x40  }
0x2f: {  	_ =	swait.ge @!p0 [sflag:s7], $0x40  }
0x30: {  	[sflag:s7] =	ssyncset.done @!p0 $0x0  }
0x31: {  	[sflag:s7] =	ssyncadd.s32 @!p0 $0xFFFFFFC0  }
0x32: {  	[bflag:$0x0] =	sbarrier.arrive $0xFFFF  }
0x33: {  	_ =	swait.ge [sflag:s25], $0xA00  }
0x34: {  	[sflag:s25] =	ssyncset.done $0x0  }
0x35: {  	s9 =	simm.s32 $0x2710;
	[sflag:s25] =	ssyncadd.s32 $0xFFFFF600  }
0x36: {  	[spmem:s2] =	stream.indirect.scatter.add.f32 [tilespmem:s17], [sflag:$0x6], $0x20, s9, s16, $0xb8;
	[tilespmem:$0xCE40] =	vst v63  }
0x37: {  	_ =	swait.ge [sflag:s26], $0xA00  }
0x38: {  	[sflag:s26] =	ssyncset.done $0x0  }
0x39: {  	s8 =	simm.s32 $0x2760;
	[sflag:s26] =	ssyncadd.s32 $0xFFFFF600  }
0x3a: {  	[spmem:s2] =	stream.indirect.scatter.add.f32 [tilespmem:s18], [sflag:$0x7], $0x20, s8, s16, $0xb8;
	[tilespmem:$0xCE40] =	vst v63  }
0x3b: {  	_ =	swait.ge [sflag:s28], $0xA00  }
0x3c: {  	[sflag:s28] =	ssyncset.done $0x0  }
0x3d: {  	s9 =	simm.s32 $0x27B0;
	[sflag:s28] =	ssyncadd.s32 $0xFFFFF600  }
0x3e: {  	[spmem:s2] =	stream.indirect.scatter.add.f32 [tilespmem:s20], [sflag:$0x8], $0x20, s9, s16, $0xb8;
	[tilespmem:$0xCE40] =	vst v63  }
0x3f: {  	_ =	swait.ge [sflag:s29], $0xA00  }
0x40: {  	[sflag:s29] =	ssyncset.done $0x0  }
0x41: {  	s8 =	simm.s32 $0x2800;
	[sflag:s29] =	ssyncadd.s32 $0xFFFFF600  }
0x42: {  	[spmem:s2] =	stream.indirect.scatter.add.f32 [tilespmem:s22], [sflag:$0x9], $0x20, s8, s16, $0xb8;
	[tilespmem:$0xCE40] =	vst v63  }
0x43: {  	_ =	swait.ge [sflag:s30], $0xA00  }
0x44: {  	[sflag:s30] =	ssyncset.done $0x0  }
0x45: {  	s9 =	simm.s32 $0x2850;
	[sflag:s30] =	ssyncadd.s32 $0xFFFFF600  }
0x46: {  	[spmem:s2] =	stream.indirect.scatter.add.f32 [tilespmem:s24], [sflag:$0xA], $0x20, s9, s16, $0xb8;
	[tilespmem:$0xCE40] =	vst v63  }
0x47: {  	_ =	swait.ge [sflag:s31], $0xA00  }
0x48: {  	[sflag:s31] =	ssyncset.done $0x0  }
0x49: {  	s8 =	simm.s32 $0x190;
	[sflag:s31] =	ssyncadd.s32 $0xFFFFF600  }
0x4a: {  	[tilespmem:s17], [sflag:$0x1] =	stream.indirect.gather [hbm4b:s4+s16], $0x20, s8, s16, $0xb8;
	[tilespmem:$0xCE40] =	vst v63  }
0x4b: {  	_ =	swait.ge [sflag:s1], $0xA00  }
0x4c: {  	[sflag:s1] =	ssyncset.done $0x0  }
0x4d: {  	s9 =	simm.s32 $0x1E0;
	[sflag:s1] =	ssyncadd.s32 $0xFFFFF600  }
0x4e: {  	[tilespmem:s18], [sflag:$0x2] =	stream.indirect.gather [hbm4b:s4+s16], $0x20, s9, s16, $0xb8;
	[tilespmem:$0xCE40] =	vst v63  }
0x4f: {  	_ =	swait.ge [sflag:s0], $0xA00  }
0x50: {  	[sflag:s0] =	ssyncset.done $0x0  }
0x51: {  	s8 =	simm.s32 $0x230;
	[sflag:s0] =	ssyncadd.s32 $0xFFFFF600  }
0x52: {  	[tilespmem:s20], [sflag:$0x3] =	stream.indirect.gather [hbm4b:s4+s16], $0x20, s8, s16, $0xb8;
	[tilespmem:$0xCE40] =	vst v63  }
0x53: {  	_ =	swait.ge [sflag:s15], $0xA00  }
0x54: {  	[sflag:s15] =	ssyncset.done $0x0  }
0x55: {  	s9 =	simm.s32 $0x280;
	[sflag:s15] =	ssyncadd.s32 $0xFFFFF600  }
0x56: {  	[tilespmem:s22], [sflag:$0x4] =	stream.indirect.gather [hbm4b:s4+s16], $0x20, s9, s16, $0xb8;
	[tilespmem:$0xCE40] =	vst v63  }
0x57: {  	_ =	swait.ge [sflag:s19], $0xA00  }
0x58: {  	[sflag:s19] =	ssyncset.done $0x0  }
0x59: {  	s7 =	simm.s32 $0x640;
	s8 =	simm.s32 $0x2D0;
	[sflag:s19] =	ssyncadd.s32 $0xFFFFF600  }
.LBB2_2:
0x5a: {  	[tilespmem:s24], [sflag:$0x5] =	stream.indirect.gather [hbm4b:s4+s16], $0x20, s8, s16, $0xb8;
	[tilespmem:$0xCE40] =	vst v63  }
0x5b: {  	s8 =	smov.u32 s7  }
0x5c: {  	p1 =	sne.s32 s7, $0x8FC0;
	s7 =	sadd.s32 $0x640, s7;
	_ =	swait.ge [sflag:s25], $0xA00  }
0x5d: {  	s8 =	sshra.s32 s8, $0x2;
	[sflag:s25] =	ssyncset.done $0x0  }
0x5e: {  	s9 =	sadd.s32 $0x2710, s8;
	[sflag:s25] =	ssyncadd.s32 $0xFFFFF600  }
0x5f: {  	[spmem:s2] =	stream.indirect.scatter.add.f32 [tilespmem:s17], [sflag:$0x6], $0x20, s9, s16, $0xb8;
	[tilespmem:$0xCE40] =	vst v63  }
0x60: {  	_ =	swait.ge [sflag:s26], $0xA00  }
0x61: {  	[sflag:s26] =	ssyncset.done $0x0  }
0x62: {  	s9 =	sadd.s32 $0x2760, s8;
	[sflag:s26] =	ssyncadd.s32 $0xFFFFF600  }
0x63: {  	[spmem:s2] =	stream.indirect.scatter.add.f32 [tilespmem:s18], [sflag:$0x7], $0x20, s9, s16, $0xb8;
	[tilespmem:$0xCE40] =	vst v63  }
0x64: {  	_ =	swait.ge [sflag:s28], $0xA00  }
0x65: {  	[sflag:s28] =	ssyncset.done $0x0  }
0x66: {  	s9 =	sadd.s32 $0x27B0, s8;
	[sflag:s28] =	ssyncadd.s32 $0xFFFFF600  }
0x67: {  	[spmem:s2] =	stream.indirect.scatter.add.f32 [tilespmem:s20], [sflag:$0x8], $0x20, s9, s16, $0xb8;
	[tilespmem:$0xCE40] =	vst v63  }
0x68: {  	_ =	swait.ge [sflag:s29], $0xA00  }
0x69: {  	[sflag:s29] =	ssyncset.done $0x0  }
0x6a: {  	s9 =	sadd.s32 $0x2800, s8;
	[sflag:s29] =	ssyncadd.s32 $0xFFFFF600  }
0x6b: {  	[spmem:s2] =	stream.indirect.scatter.add.f32 [tilespmem:s22], [sflag:$0x9], $0x20, s9, s16, $0xb8;
	[tilespmem:$0xCE40] =	vst v63  }
0x6c: {  	_ =	swait.ge [sflag:s30], $0xA00  }
0x6d: {  	[sflag:s30] =	ssyncset.done $0x0  }
0x6e: {  	s9 =	sadd.s32 $0x2850, s8;
	[sflag:s30] =	ssyncadd.s32 $0xFFFFF600  }
0x6f: {  	[spmem:s2] =	stream.indirect.scatter.add.f32 [tilespmem:s24], [sflag:$0xA], $0x20, s9, s16, $0xb8;
	[tilespmem:$0xCE40] =	vst v63  }
0x70: {  	_ =	swait.ge [sflag:s31], $0xA00  }
0x71: {  	[sflag:s31] =	ssyncset.done $0x0  }
0x72: {  	s9 =	sadd.s32 $0x190, s8;
	[sflag:s31] =	ssyncadd.s32 $0xFFFFF600  }
0x73: {  	[tilespmem:s17], [sflag:$0x1] =	stream.indirect.gather [hbm4b:s4+s16], $0x20, s9, s16, $0xb8;
	[tilespmem:$0xCE40] =	vst v63  }
0x74: {  	_ =	swait.ge [sflag:s1], $0xA00  }
0x75: {  	[sflag:s1] =	ssyncset.done $0x0  }
0x76: {  	s9 =	sadd.s32 $0x1E0, s8;
	[sflag:s1] =	ssyncadd.s32 $0xFFFFF600  }
0x77: {  	[tilespmem:s18], [sflag:$0x2] =	stream.indirect.gather [hbm4b:s4+s16], $0x20, s9, s16, $0xb8;
	[tilespmem:$0xCE40] =	vst v63  }
0x78: {  	_ =	swait.ge [sflag:s0], $0xA00  }
0x79: {  	[sflag:s0] =	ssyncset.done $0x0  }
0x7a: {  	s9 =	sadd.s32 $0x230, s8;
	[sflag:s0] =	ssyncadd.s32 $0xFFFFF600  }
0x7b: {  	[tilespmem:s20], [sflag:$0x3] =	stream.indirect.gather [hbm4b:s4+s16], $0x20, s9, s16, $0xb8;
	[tilespmem:$0xCE40] =	vst v63  }
0x7c: {  	_ =	swait.ge [sflag:s15], $0xA00  }
0x7d: {  	[sflag:s15] =	ssyncset.done $0x0  }
.Ltmp0:
0x7e: {  	s9 =	sadd.s32 $0x280, s8;
	[sflag:s15] =	ssyncadd.s32 $0xFFFFF600;
	(pc) =	sbr.rel @p1 .LBB2_2-.Ltmp0, $4  }
0x7f: {  	[tilespmem:s22], [sflag:$0x4] =	stream.indirect.gather [hbm4b:s4+s16], $0x20, s9, s16, $0xb8;
	[tilespmem:$0xCE40] =	vst v63  }
0x80: {  	_ =	swait.ge [sflag:s19], $0xA00  }
0x81: {  	[sflag:s19] =	ssyncset.done $0x0  }
0x82: {  	s8 =	sadd.s32 $0x2D0, s8;
	[sflag:s19] =	ssyncadd.s32 $0xFFFFF600  }
0x83: {  	[tilespmem:s24], [sflag:$0x5] =	stream.indirect.gather [hbm4b:s4+s16], $0x20, s8, s16, $0xb8;
	[tilespmem:$0xCE40] =	vst v63  }
0x84: {  	_ =	swait.ge [sflag:s25], $0xA00  }
0x85: {  	[sflag:s25] =	ssyncset.done $0x0  }
0x86: {  	s7 =	simm.s32 $0x4C90;
	[sflag:s25] =	ssyncadd.s32 $0xFFFFF600  }
0x87: {  	[spmem:s2] =	stream.indirect.scatter.add.f32 [tilespmem:s17], [sflag:$0x6], $0x20, s7, s16, $0xb8;
	[tilespmem:$0xCE40] =	vst v63  }
0x88: {  	_ =	swait.ge [sflag:s26], $0xA00  }
0x89: {  	[sflag:s26] =	ssyncset.done $0x0  }
0x8a: {  	s8 =	simm.s32 $0x4CE0;
	[sflag:s26] =	ssyncadd.s32 $0xFFFFF600  }
0x8b: {  	[spmem:s2] =	stream.indirect.scatter.add.f32 [tilespmem:s18], [sflag:$0x7], $0x20, s8, s16, $0xb8;
	[tilespmem:$0xCE40] =	vst v63  }
0x8c: {  	_ =	swait.ge [sflag:s28], $0xA00  }
0x8d: {  	[sflag:s28] =	ssyncset.done $0x0  }
0x8e: {  	s9 =	simm.s32 $0x4D30;
	[sflag:s28] =	ssyncadd.s32 $0xFFFFF600  }
0x8f: {  	[spmem:s2] =	stream.indirect.scatter.add.f32 [tilespmem:s20], [sflag:$0x8], $0x20, s9, s16, $0xb8;
	[tilespmem:$0xCE40] =	vst v63  }
0x90: {  	_ =	swait.ge [sflag:s29], $0xA00  }
0x91: {  	[sflag:s29] =	ssyncset.done $0x0  }
0x92: {  	s8 =	simm.s32 $0x4D80;
	[sflag:s29] =	ssyncadd.s32 $0xFFFFF600  }
0x93: {  	[spmem:s2] =	stream.indirect.scatter.add.f32 [tilespmem:s22], [sflag:$0x9], $0x20, s8, s16, $0xb8;
	[tilespmem:$0xCE40] =	vst v63  }
0x94: {  	_ =	swait.ge [sflag:s30], $0xA00  }
0x95: {  	[sflag:s30] =	ssyncset.done $0x0  }
0x96: {  	s9 =	simm.s32 $0x4DD0;
	[sflag:s30] =	ssyncadd.s32 $0xFFFFF600  }
0x97: {  	[spmem:s2] =	stream.indirect.scatter.add.f32 [tilespmem:s24], [sflag:$0xA], $0x20, s9, s16, $0xb8;
	[tilespmem:$0xCE40] =	vst v63  }
0x98: {  	_ =	swait.ge [sflag:s31], $0xA00  }
0x99: {  	[sflag:s31] =	ssyncset.done $0x0  }
0x9a: {  	[sflag:s31] =	ssyncadd.s32 $0xFFFFF600  }
0x9b: {  	_ =	swait.ge [sflag:s1], $0xA00  }
0x9c: {  	[sflag:s1] =	ssyncset.done $0x0  }
0x9d: {  	[sflag:s1] =	ssyncadd.s32 $0xFFFFF600  }
0x9e: {  	_ =	swait.ge [sflag:s0], $0xA00  }
0x9f: {  	[sflag:s0] =	ssyncset.done $0x0  }
0xa0: {  	[sflag:s0] =	ssyncadd.s32 $0xFFFFF600  }
0xa1: {  	_ =	swait.ge [sflag:s15], $0xA00  }
0xa2: {  	[sflag:s15] =	ssyncset.done $0x0  }
0xa3: {  	[sflag:s15] =	ssyncadd.s32 $0xFFFFF600  }
0xa4: {  	_ =	swait.ge [sflag:s19], $0xA00  }
0xa5: {  	[sflag:s19] =	ssyncset.done $0x0  }
0xa6: {  	[sflag:s19] =	ssyncadd.s32 $0xFFFFF600  }
0xa7: {  	[bflag:$0x0] =	sbarrier.arrive $0xFFFF  }
0xa8: {  	[hbm:s11], [sflag:s21] =	dma.local [spmem:s5], $0x9C0  }
0xa9: {  	s23 =	sadd.s32 $0x1, s23;
	_ =	swait.ge [sflag:s14], $0x9C0  }
0xaa: {  	p1 =	sne.s32 s23, s13;
	[sflag:s14] =	ssyncset.done $0x0  }
.Ltmp1:
0xab: {  	s5 =	simm.s32 @!p0 $0xB;
	[sflag:s14] =	ssyncadd.s32 $0xFFFFF640;
	(pc) =	sbr.rel @p1 .LBB2_1-.Ltmp1, $4  }
0xac: {  	[hbm:s12], [sflag:s21] =	dma.local @!p0 [spmem:s6], $0x40  }
0xad: {  	_ =	swait.ge @!p0 [sflag:s5], $0x40  }
0xae: {  	[sflag:s5] =	ssyncset.done @!p0 $0x0  }
0xaf: {  	[sflag:s5] =	ssyncadd.s32 @!p0 $0xFFFFFFC0  }
0xb0: {  	_ =	sfence.sel $0x180000  }
0xb1: {  	[bflag:$0x0] =	sbarrier.arrive $0xFFFF  }
0xb2: {  	_ =	strace $0x9000004A  }
0xb3: {  	s0 =	stileid.u32;
	[bflag:$0x2] =	sbarrier.arrive $0xFFFF  }
0xb4: {  	p0 =	sne.s32 s0, $0x0;
	s0 =	rddreg [dreg:$0x4]  }
0xb5: {  	s0 =	sadd.s32 @!p0 $0x100000, s0  }
0xb6: {  	[sflag:s0] =	ssyncadd.tile.s32 @!p0 $0x1;
	_ =	shalt  }
.Lfunc_end2:
_tile_overlayer_lowered:
.L_overlay_start_2:
0xb7: {  	(tag) =	ssettag $0x2  }
0xb8: {  	s0 =	rddreg [dreg:$0x0];
	s2 =	stileid.u32  }
0xb9: {  	s1 =	rddreg [dreg:$0x1];
	p0 =	sne.s32 s2, $0x0  }
0xba: {  	s3 =	rddreg [dreg:$0x2];
	[bflag:$0x3] =	sbarrier.arrive $0xFFFF;
	s2 =	simm.s32 @!p0 $0x1C0B  }
0xbb: {  	[timem:s3], [sflag:s2] =	dma.local @!p0 [hbm:s0], s1  }
0xbc: {  	s0 =	simm.s32 @!p0 $0xB  }
0xbd: {  	_ =	swait.ge @!p0 [sflag:s0], s1  }
0xbe: {  	s1 =	ssub.s32 @!p0 $0x0, s1;
	[sflag:s0] =	ssyncset.done @!p0 $0x0  }
0xbf: {  	[sflag:s0] =	ssyncadd.s32 @!p0 s1  }
0xc0: {  	[bflag:$0x3] =	sbarrier.arrive $0xFFFF  }
0xc1: {  	_ =	shalt  }

// kernel: kernel.16.cloned.1.call-start
scs
__scs_entry_jumppad:
0x0: {  	(pc) =	sbr.rel $0x88, $3  }
0x1: {  	(tag) =	ssettag $0x0;
	lr =	simm.s32 $0x1  }
0x2: {  	[smem:$0x3F9B] =	sst lr;
	_ =	strace $0xD0000000  }
0x3: {  	_ = 	snop  }
0x4: {  	_ = 	snop  }
0x5: {  	_ = 	snop  }
0x6: {  	_ = 	snop  }
0x7: {  	_ = 	snop  }
__scs_overlays_trampoline_lowered:
0x8: {  	[smem:$0x3FAA] =	sst s0  }
0x9: {  	[smem:$0x3FAB] =	sst s1  }
0xa: {  	[smem:$0x3FAC] =	sst s2  }
0xb: {  	[smem:$0x3FAD] =	sst s3  }
0xc: {  	[smem:$0x3FAE] =	sst s4  }
0xd: {  	[smem:$0x3FAF] =	sst s5  }
0xe: {  	[smem:$0x3FB0] =	sst s6  }
0xf: {  	[smem:$0x3FB1] =	sst s7  }
0x10: {  	[smem:$0x3FB2] =	sst s8  }
0x11: {  	[smem:$0x3FB3] =	sst s9;
	s0 =	simm.s32 @!p0 $0x0  }
0x12: {  	s1 =	sld [smem:$0x3F99];
	s0 =	simm.s32 @p0 $0x1  }
0x13: {  	[smem:$0x3FB4] =	sst s0;
	s0 =	simm.s32 @!p1 $0x0  }
0x14: {  	s2 =	sld [smem:$0x3F98];
	s0 =	simm.s32 @p1 $0x1  }
0x15: {  	[smem:$0x3FB5] =	sst s0;
	s0 =	simm.s32 @!p2 $0x0  }
0x16: {  	s3 =	sld [smem:$0x3FDB];
	s0 =	simm.s32 @p2 $0x1  }
0x17: {  	s4 =	simm.s32 $0x1BF5;
	[smem:$0x3FB7] =	sst s0  }
0x18: {  	s0 =	sld [smem:$0x3F9A];
	_ =	swait.ge [sflag:s4], $0x0  }
0x19: {  	s7 =	sld [smem:$0x3F9B]  }
0x1a: {  	s8 =	sadd.s32 $0xFFFFE003, lr  }
0x1b: {  	s9 =	sadd.s32 $0xFFFFFEF7, lr;
	s5 =	simm.s32 $0xFFFFFFFF;
	p2 =	slt.u32 s8, $0xFFFFF086  }
0x1c: {  	p1 =	slt.u32 s9, $0xF7A;
	s5 =	simm.s32 @!p2 $0x0  }
0x1d: {  	s5 =	simm.s32 @p1 $0x1;
	p0 =	seq.s32 s7, s2  }
0x1e: {  	s7 =	smul.u32 @!p0 $0xF7A, s2;
	p2 =	seq.s32 @!p0 s5, $0x0  }
0x1f: {  	s9 =	smul.u32 $0xF7A, s1;
	s8 =	simm.s32 @!p0 $0x1BF5;
	p2 =	por !p2, p0  }
0x20: {  	[sflag:s8] =	ssyncset.s32 @!p0 $0xFFFFF086;
	s6 =	sadd.s32 @!p0 s3, s7;
	s7 =	simm.s32 @!p0 $0x108  }
0x21: {  	s3 =	sadd.s32 s3, s9;
	s6 =	sadd.s32 @!p0 $0x88, s6;
	s7 =	simm.s32 @p2 $0x1082  }
0x22: {  	[simem:s7], [sflag:s8] =	dma.local @!p0 [hbm:s6], $0xF7A  }
0x23: {  	s9 =	sor.u32 $0xD0000000, s2;
	s6 =	simm.s32 $0x108;
	_ =	swait.ge @!p0 [sflag:s8], $0x0  }
0x24: {  	s3 =	sadd.s32 $0x88, s3;
	s6 =	simm.s32 @!p1 $0x1082;
	[sflag:s4] =	ssyncset.s32 $0xFFFFF086  }
0x25: {  	[simem:s6], [sflag:s4] =	dma.local [hbm:s3], $0xF7A  }
0x26: {  	[smem:$0x3F9B] =	sst s1;
	(tag) =	ssettag s2;
	_ =	strace s9  }
0x27: {  	s1 =	sld [smem:$0x3FAB]  }
0x28: {  	s2 =	sld [smem:$0x3FAC]  }
0x29: {  	s4 =	sld [smem:$0x3FAE]  }
0x2a: {  	p0 =	seq.s32 s5, $0x0;
	s5 =	sld [smem:$0x3FAF]  }
0x2b: {  	s6 =	sld [smem:$0x3FB0]  }
0x2c: {  	s7 =	sld [smem:$0x3FB1]  }
0x2d: {  	s3 =	simm.s32 $0x108;
	s8 =	sld [smem:$0x3FB2]  }
0x2e: {  	s3 =	simm.s32 @!p0 $0x1082;
	s9 =	sld [smem:$0x3FB3]  }
0x2f: {  	lr =	sadd.s32 s0, s3;
	s0 =	sld [smem:$0x3FAA]  }
0x30: {  	s3 =	sld [smem:$0x3FAD]  }
0x31: {  	[smem:$0x3FB6] =	sst s10  }
0x32: {  	s10 =	sld [smem:$0x3FB4];
	_ =	sdelay $0x3  }
0x33: {  	p0 =	seq.s32 s10, $0x1;
	s10 =	sld [smem:$0x3FB6];
	_ =	sdelay $0x3  }
0x34: {  	[smem:$0x3FB6] =	sst s10  }
0x35: {  	s10 =	sld [smem:$0x3FB5];
	_ =	sdelay $0x3  }
0x36: {  	p1 =	seq.s32 s10, $0x1;
	s10 =	sld [smem:$0x3FB6];
	_ =	sdelay $0x3  }
0x37: {  	[smem:$0x3FB6] =	sst s10  }
0x38: {  	s10 =	sld [smem:$0x3FB7]  }
0x39: {  	_ = 	snop;
	(pc) =	sbr.ind lr, $3  }
0x3a: {  	_ = 	snop  }
0x3b: {  	_ = 	snop  }
0x3c: {  	p2 =	seq.s32 s10, $0x1;
	s10 =	sld [smem:$0x3FB6]  }
0x3d: {  	_ =	shalt  }
0x3e: {  	_ =	shalt  }
0x3f: {  	_ =	shalt  }
0x40: {  	_ =	shalt  }
0x41: {  	_ =	shalt  }
0x42: {  	_ =	shalt  }
0x43: {  	_ =	shalt  }
0x44: {  	_ =	shalt  }
0x45: {  	_ =	shalt  }
0x46: {  	_ =	shalt  }
0x47: {  	_ =	shalt  }
0x48: {  	_ =	shalt  }
0x49: {  	_ =	shalt  }
0x4a: {  	_ =	shalt  }
0x4b: {  	_ =	shalt  }
0x4c: {  	_ =	shalt  }
0x4d: {  	_ =	shalt  }
0x4e: {  	_ =	shalt  }
0x4f: {  	_ =	shalt  }
0x50: {  	_ =	shalt  }
0x51: {  	_ =	shalt  }
0x52: {  	_ =	shalt  }
0x53: {  	_ =	shalt  }
0x54: {  	_ =	shalt  }
0x55: {  	_ =	shalt  }
0x56: {  	_ =	shalt  }
0x57: {  	_ =	shalt  }
0x58: {  	_ =	shalt  }
0x59: {  	_ =	shalt  }
0x5a: {  	_ =	shalt  }
0x5b: {  	_ =	shalt  }
0x5c: {  	_ =	shalt  }
0x5d: {  	_ =	shalt  }
0x5e: {  	_ =	shalt  }
0x5f: {  	_ =	shalt  }
0x60: {  	_ =	shalt  }
0x61: {  	_ =	shalt  }
0x62: {  	_ =	shalt  }
0x63: {  	_ =	shalt  }
0x64: {  	_ =	shalt  }
0x65: {  	_ =	shalt  }
0x66: {  	_ =	shalt  }
0x67: {  	_ =	shalt  }
0x68: {  	_ =	shalt  }
0x69: {  	_ =	shalt  }
0x6a: {  	_ =	shalt  }
0x6b: {  	_ =	shalt  }
0x6c: {  	_ =	shalt  }
0x6d: {  	_ =	shalt  }
0x6e: {  	_ =	shalt  }
0x6f: {  	_ =	shalt  }
0x70: {  	_ =	shalt  }
0x71: {  	_ =	shalt  }
0x72: {  	_ =	shalt  }
0x73: {  	_ =	shalt  }
0x74: {  	_ =	shalt  }
0x75: {  	_ =	shalt  }
0x76: {  	_ =	shalt  }
0x77: {  	_ =	shalt  }
0x78: {  	_ =	shalt  }
0x79: {  	_ =	shalt  }
0x7a: {  	_ =	shalt  }
0x7b: {  	_ =	shalt  }
0x7c: {  	_ =	shalt  }
0x7d: {  	_ =	shalt  }
0x7e: {  	_ =	shalt  }
0x7f: {  	_ =	shalt  }
0x80: {  	_ =	shalt  }
0x81: {  	_ =	shalt  }
0x82: {  	_ =	shalt  }
0x83: {  	_ =	shalt  }
0x84: {  	_ =	shalt  }
0x85: {  	_ =	shalt  }
0x86: {  	_ =	shalt  }
0x87: {  	_ =	shalt  }
.Lfunc_end0:
.L_simem_size_0:
called_computation.2_lowered:
.L_overlay_start_0:
0x88: {  	s2 =	sld [smem:$0x3FD9]  }
0x89: {  	s3 =	sld [smem:$0x3FFE];
	_ =	sdelay $0x1  }
0x8a: {  	s1 =	srdreg.scid  }
0x8b: {  	s0 =	sand.u32 $0x1, s1  }
0x8c: {  	s14 =	sshll.u32 s0, $0xA;
	s2 =	sadd.s32 s3, s2  }
0x8d: {  	s2 =	sadd.s32 s2, s14  }
0x8e: {  	[smem:$0x3FC2] =	sst s2  }
0x8f: {  	_ = 	snop  }
0x90: {  	s2 =	sld [smem:$0x3FD0];
	_ =	sdelay $0x2  }
0x91: {  	s15 =	simm.s32 $0xA;
	s4 =	simm.s32 $0x10  }
0x92: {  	[smem:s4], [sflag:s15] =	dma.local [hbm:s2], $0x1  }
0x93: {  	_ =	swait.eq [sflag:s15], $0x1  }
0x94: {  	[sflag:s15] =	ssyncset.done $0x0  }
0x95: {  	[sflag:s15] =	ssyncadd.s32 $0xFFFFFFFF  }
0x96: {  	s16 =	sld [smem:$0x13];
	(tm) =	ssettm $0x1  }
0x97: {  	s17 =	sld [smem:$0x3FFB];
	_ =	sdelay $0x3  }
0x98: {  	_ =	strace s17  }
0x99: {  	s3 =	sld [smem:$0x3FFC];
	_ =	sdelay $0x3  }
0x9a: {  	_ =	strace s3  }
0x9b: {  	s3 =	sld [smem:$0x3FFD];
	_ =	sdelay $0x3  }
0x9c: {  	_ =	strace s3  }
0x9d: {  	_ =	strace $0x8FFFFFFF  }
0x9e: {  	s18 =	sld [smem:$0x3FDB];
	_ =	sdelay $0x1  }
0x9f: {  	s19 =	simm.s32 $_scs_section_size  }
0xa0: {  	s5 =	simm.s32 $_size__tile_overlayer_lowered;
	s6 =	simm.s32 $_tile_overlayer_lowered  }
0xa1: {  	s22 =	simm.s32 $0x1BFF;
	s21 =	sshll.u32 s6, $0x1;
	s3 =	sadd.s32 s19, s18  }
0xa2: {  	s7 =	simm.s32 $0x0;
	s20 =	sshll.u32 s5, $0x1;
	s5 =	sadd.s32 s21, s3  }
0xa3: {  	[timem:s7], [sflag:s22] =	dma.local [hbm:s5], s20  }
0xa4: {  	_ =	swait.ge [sflag:s22], s20  }
0xa5: {  	s4 =	ssub.s32 $0x0, s20;
	[sflag:s22] =	ssyncset.done $0x0  }
0xa6: {  	[sflag:s22] =	ssyncadd.s32 s4;
	_ =	sdelay $0x1  }
0xa7: {  	s23 =	simm.s32 $0x1B8B  }
0xa8: {  	_ =	swait.ge [sflag:s23], $0x1  }
0xa9: {  	[sflag:s23] =	ssyncset.done $0x0  }
0xaa: {  	s25 =	simm.s32 $0x1B8E;
	s24 =	sld [smem:$0x3FFE];
	[sflag:s23] =	ssyncadd.s32 $0xFFFFFFFF  }
0xab: {  	s26 =	simm.s32 $execute0_lowered;
	[smem:$0x3FD2] =	sst s25  }
0xac: {  	s5 =	sshll.u32 s26, $0x1;
	_ =	strace $0x8000004C;
	[dreg:$0x1] =	wrdreg $0xFFFFFFFF  }
0xad: {  	s28 =	simm.s32 $_size_execute0_lowered;
	s3 =	sadd.s32 s3, s5;
	[dreg:$0x0] =	wrdreg $0x0  }
0xae: {  	s5 =	sshll.u32 s28, $0x1;
	[dreg:$0x2] =	wrdreg s3  }
0xaf: {  	[dreg:$0x3] =	wrdreg s5  }
0xb0: {  	[dreg:$0x4] =	wrdreg $0xC0  }
0xb1: {  	_ =	task [dreg:s7], $0x5FFFF  }
0xb2: {  	[dreg:$0x1] =	wrdreg $0xFFFFFFFF  }
0xb3: {  	[dreg:$0x0] =	wrdreg $0x60  }
0xb4: {  	[dreg:$0x2] =	wrdreg s24  }
0xb5: {  	[dreg:$0x3] =	wrdreg s16  }
0xb6: {  	[dreg:$0x4] =	wrdreg $0xB2200  }
0xb7: {  	[dreg:$0x5] =	wrdreg $0x100400  }
0xb8: {  	[dreg:$0x6] =	wrdreg $0x9  }
0xb9: {  	_ =	task.clear_ibuf [dreg:s7], $0x7FFFF;
	_ =	strace $0x9000004C  }
0xba: {  	s29 =	simm.s32 $0x9;
	_ =	strace $0x8000004E  }
0xbb: {  	_ =	swait.ge [sflag:s29], $0x1  }
0xbc: {  	[sflag:s29] =	ssyncadd.s32 $0xFFFFFFFF  }
0xbd: {  	_ =	strace $0x9000004E  }
0xbe: {  	_ =	sfence  }
0xbf: {  	s30 =	sld [smem:$0x0];
	_ =	sdelay $0x2  }
0xc0: {  	s31 =	sshll.u32 s1, $0xD;
	s1 =	sshrl.u32 s1, $0x2  }
0xc1: {  	s3 =	sand.u32 $0x4000, s31;
	s1 =	sadd.s32 s1, s30  }
0xc2: {  	s0 =	sor.u32 s3, s0;
	s1 =	sshll.u32 s1, $0x11  }
0xc3: {  	s0 =	sor.u32 s1, s0  }
0xc4: {  	s0 =	sadd.s32 $0x8F2B, s0  }
0xc5: {  	[sflag:s0] =	ssyncadd.remote.s32 $0x1  }
0xc6: {  	_ =	sfence.sel $0xFFFF  }
0xc7: {  	[dreg:$0x0] =	wrdreg $0xFFFFFFFF;
	(pc) =	sbr.abs _section_cstart, $3  }
0xc8: {  	[dreg:$0x1] =	wrdreg $0xFFFFFFFF  }
0xc9: {  	_ =	task.clear_ibuf [dreg:s7], $0x2FFFF;
	_ =	strace $0x9FFFFFFF  }
0xca: {  	(tm) =	ssettm $0x7FFFFFFF  }
0xcb: {  	_ =	shalt  }
tec
execute0_lowered:
.L_overlay_start_1:
0x0: {  	(tag) =	ssettag $0x1  }
0x1: {  	s0 =	rddreg [dreg:$0x0]  }
0x2: {  	s1 =	rddreg [dreg:$0x1]  }
0x3: {  	s2 =	rddreg [dreg:$0x2]  }
0x4: {  	s4 =	srdreg.scid;
	s12 =	stileid.u32  }
0x5: {  	s3 =	rddreg [dreg:$0x3];
	s6 =	simm.s32 $0x0;
	s14 =	simm.s32 $0x2  }
0x6: {  	s15 =	simm.s32 $0x7;
	s17 =	simm.s32 $0x3;
	s18 =	simm.s32 $0x8  }
0x7: {  	s28 =	simm.s32 $0x9;
	s31 =	simm.s32 $0x5;
	s13 =	simm.s32 $0xD  }
0x8: {  	s16 =	simm.s32 $0x12;
	s4 =	sand.u32 $0x1, s4;
	s5 =	sshll.u32 s12, $0x1  }
0x9: {  	[smem:$0x7FF] =	sst s6;
	s6 =	sadd.s32 $0x16800, s0;
	s8 =	sadd.s32 $0x2A800, s0  }
0xa: {  	s11 =	smul.u32 $0x4E00, s12;
	s22 =	sadd.s32 $0x4E000, s2;
	s25 =	sadd.s32 $0x4E000, s3  }
0xb: {  	p0 =	sne.s32 s12, $0xF;
	s12 =	simm.s32 $0x10;
	s5 =	sor.u32 s4, s5  }
0xc: {  	_ =	strace $0x8000004D;
	s9 =	ssub.s32 $0x2, s4;
	[dreg:$0x9] =	wrdreg s22  }
0xd: {  	s4 =	smul.u32 $0x50000, s4;
	[dreg:$0xc] =	wrdreg s25;
	s25 =	simm.s32 $0x15  }
0xe: {  	s22 =	simm.s32 $0x50;
	s7 =	smul.u32 $0x2710, s5;
	s5 =	sadd.s32 $0x20800, s0  }
0xf: {  	s10 =	sshrl.u32 s9, $0x1;
	s20 =	sadd.s32 s11, s2;
	s21 =	sshrl.u32 s11, $0x3  }
0x10: {  	s23 =	sadd.s32 s11, s3;
	s9 =	ssub.s32 s9, s10;
	[dreg:$0x7] =	wrdreg s20  }
0x11: {  	[dreg:$0xb] =	wrdreg s23;
	s24 =	sadd.s32 s11, s4;
	s4 =	sshrl.u32 s4, $0x3  }
0x12: {  	s11 =	simm.s32 $0x6;
	s10 =	simm.s32 $0xF;
	s20 =	simm.s32 $0x14  }
0x13: {  	s7 =	sshrl.u32 s7, $0x3;
	s4 =	sadd.s32 $0x9C00, s4;
	s30 =	smax.u32 s9, $0x1  }
0x14: {  	s7 =	sadd.s32 s7, s0;
	s29 =	sadd.s32 s8, s4;
	[dreg:$0x11] =	wrdreg s30  }
0x15: {  	s9 =	simm.s32 $0x1;
	s19 =	sadd.s32 $0x2E00, s7;
	[dreg:$0xf] =	wrdreg s29  }
0x16: {  	s0 =	sadd.s32 $0x3E800, s0;
	s7 =	sadd.s32 $0xCA40, s7;
	[dreg:$0x5] =	wrdreg s19  }
0x17: {  	[dreg:$0x6] =	wrdreg s7;
	s7 =	sadd.s32 s1, s21;
	s1 =	sadd.s32 $0x9C00, s1  }
0x18: {  	s19 =	simm.s32 $0x4;
	[dreg:$0xa] =	wrdreg s1;
	s1 =	sshrl.u32 s24, $0x3  }
.Ltmp0:
0x19: {  	[dreg:$0x8] =	wrdreg s7;
	s26 =	sadd.s32 s8, s1;
	(pc) =	sbr.rel .LBB2_1-.Ltmp0, $4  }
0x1a: {  	s21 =	simm.s32 $0xA;
	s1 =	sadd.s32 s0, s1;
	[dreg:$0xd] =	wrdreg s26  }
0x1b: {  	s7 =	simm.s32 $0x7620;
	s0 =	sadd.s32 s0, s4;
	[dreg:$0xe] =	wrdreg s1  }
0x1c: {  	s8 =	simm.s32 $0xA820;
	s4 =	simm.s32 $0xB;
	[dreg:$0x10] =	wrdreg s0  }
0x1d: {  	s1 =	simm.s32 $0x6C20;
	s0 =	simm.s32 $0x9E20;
	s26 =	simm.s32 $0x0  }
.LBB2_4:
0x1e: {  	[bflag:$0x0] =	sbarrier.arrive $0xFFFF  }
0x1f: {  	s23 =	rddreg [dreg:$0xd]  }
0x20: {  	s26 =	rddreg [dreg:$0x13]  }
0x21: {  	s25 =	simm.s32 $0x15;
	s24 =	rddreg [dreg:$0x14]  }
0x22: {  	[hbm:s23], [sflag:s26] =	dma.local [spmem:s24], $0x9C0  }
0x23: {  	_ =	swait.ge [sflag:s25], $0x9C0  }
0x24: {  	[sflag:s25] =	ssyncset.done $0x0;
	s24 =	rddreg [dreg:$0xe]  }
0x25: {  	s23 =	rddreg [dreg:$0x15];
	[sflag:s25] =	ssyncadd.s32 $0xFFFFF640  }
0x26: {  	[hbm:s24], [sflag:s26] =	dma.local @p0 [spmem:s23], $0x9C0  }
0x27: {  	s23 =	simm.s32 @p0 $0x15  }
0x28: {  	_ =	swait.ge @p0 [sflag:s23], $0x9C0  }
0x29: {  	[sflag:s23] =	ssyncset.done @p0 $0x0;
	s29 =	rddreg [dreg:$0x16]  }
0x2a: {  	[sflag:s23] =	ssyncadd.s32 @p0 $0xFFFFF640;
	s23 =	rddreg [dreg:$0xf]  }
0x2b: {  	[hbm:s23], [sflag:s26] =	dma.local @!p0 [spmem:s29], $0x40  }
0x2c: {  	s23 =	simm.s32 @!p0 $0x15  }
0x2d: {  	_ =	swait.ge @!p0 [sflag:s23], $0x40  }
0x2e: {  	[sflag:s23] =	ssyncset.done @!p0 $0x0  }
0x2f: {  	s29 =	rddreg [dreg:$0x17];
	[sflag:s23] =	ssyncadd.s32 @!p0 $0xFFFFFFC0  }
0x30: {  	[hbm:s24], [sflag:s26] =	dma.local @!p0 [spmem:s29], $0x9C0  }
0x31: {  	_ =	swait.ge @!p0 [sflag:s23], $0x9C0  }
0x32: {  	[sflag:s23] =	ssyncset.done @!p0 $0x0;
	s24 =	rddreg [dreg:$0x10]  }
0x33: {  	s29 =	rddreg [dreg:$0x18];
	[sflag:s23] =	ssyncadd.s32 @!p0 $0xFFFFF640  }
0x34: {  	[hbm:s24], [sflag:s26] =	dma.local @!p0 [spmem:s29], $0x40  }
0x35: {  	_ =	swait.ge @!p0 [sflag:s23], $0x40  }
0x36: {  	s29 =	rddreg [dreg:$0x12]  }
0x37: {  	s30 =	rddreg [dreg:$0x11];
	s26 =	sadd.s32 $0x1, s29  }
0x38: {  	p1 =	sne.s32 s26, s30  }
.Ltmp1:
0x39: {  	_ = 	snop;
	(pc) =	sbr.rel @!p1 .LBB2_5-.Ltmp1, $3  }
0x3a: {  	_ =	sdelay $0x1  }
0x3b: {  	[sflag:s23] =	ssyncset.done @!p0 $0x0  }
0x3c: {  	[sflag:s23] =	ssyncadd.s32 @!p0 $0xFFFFFFC0  }
.LBB2_1:
0x3d: {  	[dreg:$0x12] =	wrdreg s26  }
0x3e: {  	s23 =	simm.s32 $0x0;
	s24 =	rddreg [dreg:$0x5]  }
0x3f: {  	[tilespmem:s23], [sflag:$0x15] =	stream.linear.gather [hbm4b:s24+s23], $0x2710, $0x38;
	[tilespmem:$0x14E60] =	vst v63  }
0x40: {  	_ =	swait.ge [sflag:s25], $0x2710  }
0x41: {  	[sflag:s25] =	ssyncset.done $0x0  }
0x42: {  	s30 =	simm.s32 $0x2710;
	s29 =	rddreg [dreg:$0x6];
	[sflag:s25] =	ssyncadd.s32 $0xFFFFD8F0  }
0x43: {  	[tilespmem:s30], [sflag:$0x15] =	stream.linear.gather [hbm4b:s29+s23], $0x2710, $0x38;
	[tilespmem:$0x14E60] =	vst v63  }
0x44: {  	_ =	swait.ge [sflag:s25], $0x2710  }
0x45: {  	[sflag:s25] =	ssyncset.done $0x0  }
0x46: {  	s26 =	simm.s32 $0x4E20;
	[sflag:s25] =	ssyncadd.s32 $0xFFFFD8F0  }
0x47: {  	[tilespmem:s26], [sflag:$0x1] =	stream.indirect.gather [hbm4b:s5+s22], $0x20, s23, s22, $0xb8;
	[tilespmem:$0x14E60] =	vst v63  }
0x48: {  	s29 =	simm.s32 $0x8020  }
0x49: {  	[tilespmem:s29], [sflag:$0x6] =	stream.indirect.gather [hbm4b:s6+s22], $0x20, s23, s22, $0xb8;
	[tilespmem:$0x14E60] =	vst v63  }
0x4a: {  	s30 =	simm.s32 $0x5820  }
0x4b: {  	[tilespmem:s30], [sflag:$0x2] =	stream.indirect.gather [hbm4b:s5+s22], $0x20, s22, s22, $0xb8;
	[tilespmem:$0x14E60] =	vst v63  }
0x4c: {  	s24 =	simm.s32 $0x8A20  }
0x4d: {  	[tilespmem:s24], [sflag:$0x7] =	stream.indirect.gather [hbm4b:s6+s22], $0x20, s22, s22, $0xb8;
	[tilespmem:$0x14E60] =	vst v63  }
0x4e: {  	s26 =	simm.s32 $0xA0;
	s29 =	simm.s32 $0x6220  }
0x4f: {  	[tilespmem:s29], [sflag:$0x3] =	stream.indirect.gather [hbm4b:s5+s22], $0x20, s26, s22, $0xb8;
	[tilespmem:$0x14E60] =	vst v63  }
0x50: {  	s30 =	simm.s32 $0x9420;
	s29 =	stileid.u32  }
0x51: {  	[tilespmem:s30], [sflag:$0x8] =	stream.indirect.gather [hbm4b:s6+s22], $0x20, s26, s22, $0xb8;
	[tilespmem:$0x14E60] =	vst v63  }
0x52: {  	s24 =	simm.s32 $0xF0;
	s23 =	sshll.u32 s29, $0x6;
	s30 =	rddreg [dreg:$0x7]  }
0x53: {  	[tilespmem:s1], [sflag:$0x4] =	stream.indirect.gather [hbm4b:s5+s22], $0x20, s24, s22, $0xb8;
	[tilespmem:$0x14E60] =	vst v63  }
0x54: {  	s29 =	sor.u32 $0x1C15, s23;
	s23 =	sshrl.u32 s30, $0x3  }
0x55: {  	[tilespmem:s0], [sflag:$0x9] =	stream.indirect.gather [hbm4b:s6+s22], $0x20, s24, s22, $0xb8;
	[tilespmem:$0x14E60] =	vst v63  }
0x56: {  	s26 =	simm.s32 $0x140;
	[dreg:$0x14] =	wrdreg s23  }
0x57: {  	[tilespmem:s7], [sflag:$0x5] =	stream.indirect.gather [hbm4b:s5+s22], $0x20, s26, s22, $0xb8;
	[tilespmem:$0x14E60] =	vst v63  }
0x58: {  	s24 =	rddreg [dreg:$0x8]  }
0x59: {  	[tilespmem:s8], [sflag:$0xA] =	stream.indirect.gather [hbm4b:s6+s22], $0x20, s26, s22, $0xb8;
	[tilespmem:$0x14E60] =	vst v63  }
0x5a: {  	[spmem:s23], [sflag:s29] =	dma.local [hbm:s24], $0x9C0  }
0x5b: {  	_ =	swait.ge [sflag:s25], $0x9C0  }
0x5c: {  	s26 =	rddreg [dreg:$0xb]  }
0x5d: {  	[sflag:s25] =	ssyncset.done $0x0;
	s23 =	sshrl.u32 @p0 s26, $0x3  }
0x5e: {  	[sflag:s25] =	ssyncadd.s32 $0xFFFFF640;
	[dreg:$0x15] =	wrdreg s23  }
0x5f: {  	[spmem:s23], [sflag:s29] =	dma.local @p0 [hbm:s24], $0x9C0  }
0x60: {  	s23 =	simm.s32 @p0 $0x15  }
0x61: {  	_ =	swait.ge @p0 [sflag:s23], $0x9C0  }
0x62: {  	[sflag:s23] =	ssyncset.done @p0 $0x0  }
0x63: {  	[sflag:s23] =	ssyncadd.s32 @p0 $0xFFFFF640;
	s23 =	rddreg [dreg:$0x9]  }
0x64: {  	s25 =	rddreg [dreg:$0xa];
	s23 =	sshrl.u32 @!p0 s23, $0x3  }
0x65: {  	[dreg:$0x16] =	wrdreg s23  }
0x66: {  	[spmem:s23], [sflag:s29] =	dma.local @!p0 [hbm:s25], $0x40  }
0x67: {  	s23 =	simm.s32 @!p0 $0x15  }
0x68: {  	_ =	swait.ge @!p0 [sflag:s23], $0x40  }
0x69: {  	s26 =	sshrl.u32 @!p0 s26, $0x3;
	[sflag:s23] =	ssyncset.done @!p0 $0x0  }
0x6a: {  	[dreg:$0x17] =	wrdreg s26;
	[sflag:s23] =	ssyncadd.s32 @!p0 $0xFFFFFFC0  }
0x6b: {  	[spmem:s26], [sflag:s29] =	dma.local @!p0 [hbm:s24], $0x9C0  }
0x6c: {  	_ =	swait.ge @!p0 [sflag:s23], $0x9C0  }
0x6d: {  	s24 =	rddreg [dreg:$0xc]  }
0x6e: {  	[dreg:$0x13] =	wrdreg s29;
	[sflag:s23] =	ssyncset.done @!p0 $0x0;
	s24 =	sshrl.u32 @!p0 s24, $0x3  }
0x6f: {  	[sflag:s23] =	ssyncadd.s32 @!p0 $0xFFFFF640;
	[dreg:$0x18] =	wrdreg s24  }
0x70: {  	[spmem:s24], [sflag:s29] =	dma.local @!p0 [hbm:s25], $0x40  }
0x71: {  	_ =	swait.ge @!p0 [sflag:s23], $0x40  }
0x72: {  	[sflag:s23] =	ssyncset.done @!p0 $0x0  }
0x73: {  	[sflag:s23] =	ssyncadd.s32 @!p0 $0xFFFFFFC0  }
0x74: {  	s23 =	simm.s32 $0x0;
	[bflag:$0x0] =	sbarrier.arrive $0xFFFF  }
.LBB2_2:
0x75: {  	_ =	swait.ge [sflag:s9], $0xA00  }
0x76: {  	s24 =	sshra.s32 s23, $0x2;
	[sflag:s9] =	ssyncset.done $0x0  }
0x77: {  	s26 =	simm.s32 $0x4E20;
	s25 =	sadd.s32 $0x2710, s24;
	[sflag:s9] =	ssyncadd.s32 $0xFFFFF600  }
0x78: {  	[spmem:s2] =	stream.indirect.scatter.add.f32 [tilespmem:s26], [sflag:$0xB], $0x20, s25, s22, $0xb8;
	[tilespmem:$0x14E60] =	vst v63  }
0x79: {  	_ =	swait.ge [sflag:s11], $0xA00  }
0x7a: {  	[sflag:s11] =	ssyncset.done $0x0  }
0x7b: {  	s30 =	simm.s32 $0x8020;
	[sflag:s11] =	ssyncadd.s32 $0xFFFFF600  }
0x7c: {  	[spmem:s3] =	stream.indirect.scatter.add.f32 [tilespmem:s30], [sflag:$0x10], $0x20, s25, s22, $0xb8;
	[tilespmem:$0x14E60] =	vst v63  }
0x7d: {  	_ =	swait.ge [sflag:s14], $0xA00  }
0x7e: {  	[sflag:s14] =	ssyncset.done $0x0  }
0x7f: {  	s29 =	simm.s32 $0x5820;
	s25 =	sadd.s32 $0x2760, s24;
	[sflag:s14] =	ssyncadd.s32 $0xFFFFF600  }
0x80: {  	[spmem:s2] =	stream.indirect.scatter.add.f32 [tilespmem:s29], [sflag:$0xC], $0x20, s25, s22, $0xb8;
	[tilespmem:$0x14E60] =	vst v63  }
0x81: {  	_ =	swait.ge [sflag:s15], $0xA00  }
0x82: {  	[sflag:s15] =	ssyncset.done $0x0  }
0x83: {  	s30 =	simm.s32 $0x8A20;
	[sflag:s15] =	ssyncadd.s32 $0xFFFFF600  }
0x84: {  	[spmem:s3] =	stream.indirect.scatter.add.f32 [tilespmem:s30], [sflag:$0x11], $0x20, s25, s22, $0xb8;
	[tilespmem:$0x14E60] =	vst v63  }
0x85: {  	_ =	swait.ge [sflag:s17], $0xA00  }
0x86: {  	[sflag:s17] =	ssyncset.done $0x0  }
0x87: {  	s29 =	simm.s32 $0x6220;
	s25 =	sadd.s32 $0x27B0, s24;
	[sflag:s17] =	ssyncadd.s32 $0xFFFFF600  }
0x88: {  	[spmem:s2] =	stream.indirect.scatter.add.f32 [tilespmem:s29], [sflag:$0xD], $0x20, s25, s22, $0xb8;
	[tilespmem:$0x14E60] =	vst v63  }
0x89: {  	_ =	swait.ge [sflag:s18], $0xA00  }
0x8a: {  	[sflag:s18] =	ssyncset.done $0x0  }
0x8b: {  	s30 =	simm.s32 $0x9420;
	[sflag:s18] =	ssyncadd.s32 $0xFFFFF600  }
0x8c: {  	[spmem:s3] =	stream.indirect.scatter.add.f32 [tilespmem:s30], [sflag:$0x12], $0x20, s25, s22, $0xb8;
	[tilespmem:$0x14E60] =	vst v63  }
0x8d: {  	_ =	swait.ge [sflag:s19], $0xA00  }
0x8e: {  	[sflag:s19] =	ssyncset.done $0x0  }
0x8f: {  	s29 =	sadd.s32 $0x2800, s24;
	[sflag:s19] =	ssyncadd.s32 $0xFFFFF600  }
0x90: {  	[spmem:s2] =	stream.indirect.scatter.add.f32 [tilespmem:s1], [sflag:$0xE], $0x20, s29, s22, $0xb8;
	[tilespmem:$0x14E60] =	vst v63  }
0x91: {  	_ =	swait.ge [sflag:s28], $0xA00  }
0x92: {  	[sflag:s28] =	ssyncset.done $0x0  }
0x93: {  	[sflag:s28] =	ssyncadd.s32 $0xFFFFF600  }
0x94: {  	[spmem:s3] =	stream.indirect.scatter.add.f32 [tilespmem:s0], [sflag:$0x13], $0x20, s29, s22, $0xb8;
	[tilespmem:$0x14E60] =	vst v63  }
0x95: {  	_ =	swait.ge [sflag:s31], $0xA00  }
0x96: {  	[sflag:s31] =	ssyncset.done $0x0  }
0x97: {  	s30 =	sadd.s32 $0x2850, s24;
	[sflag:s31] =	ssyncadd.s32 $0xFFFFF600  }
0x98: {  	[spmem:s2] =	stream.indirect.scatter.add.f32 [tilespmem:s7], [sflag:$0xF], $0x20, s30, s22, $0xb8;
	[tilespmem:$0x14E60] =	vst v63  }
0x99: {  	_ =	swait.ge [sflag:s21], $0xA00  }
0x9a: {  	[sflag:s21] =	ssyncset.done $0x0  }
0x9b: {  	[sflag:s21] =	ssyncadd.s32 $0xFFFFF600  }
0x9c: {  	[spmem:s3] =	stream.indirect.scatter.add.f32 [tilespmem:s8], [sflag:$0x14], $0x20, s30, s22, $0xb8;
	[tilespmem:$0x14E60] =	vst v63  }
0x9d: {  	_ =	swait.ge [sflag:s4], $0xA00  }
0x9e: {  	[sflag:s4] =	ssyncset.done $0x0  }
0x9f: {  	[sflag:s4] =	ssyncadd.s32 $0xFFFFF600  }
0xa0: {  	_ =	swait.ge [sflag:s12], $0xA00  }
0xa1: {  	p1 =	seq.s32 s23, $0x9600;
	[sflag:s12] =	ssyncset.done $0x0  }
0xa2: {  	s25 =	simm.s32 @p1 $0xC;
	[sflag:s12] =	ssyncadd.s32 $0xFFFFF600  }
0xa3: {  	_ =	swait.ge @p1 [sflag:s25], $0xA00  }
0xa4: {  	[sflag:s25] =	ssyncset.done @p1 $0x0  }
0xa5: {  	[sflag:s25] =	ssyncadd.s32 @p1 $0xFFFFF600;
	s25 =	simm.s32 @p1 $0x11  }
0xa6: {  	_ =	swait.ge @p1 [sflag:s25], $0xA00  }
0xa7: {  	[sflag:s25] =	ssyncset.done @p1 $0x0  }
0xa8: {  	[sflag:s25] =	ssyncadd.s32 @p1 $0xFFFFF600;
	s25 =	sshra.s32 @!p1 s23, $0x2  }
0xa9: {  	s29 =	simm.s32 @!p1 $0x50;
	s30 =	simm.s32 @!p1 $0x4E20;
	s26 =	sadd.s32 @!p1 $0x190, s25  }
0xaa: {  	[tilespmem:s30], [sflag:$0x1] =	stream.indirect.gather @!p1 [hbm4b:s5+s29], $0x20, s26, s29, $0xb8;
	[tilespmem:$0x14E60] =	vst v63  }
0xab: {  	s30 =	simm.s32 @!p1 $0x8020  }
0xac: {  	[tilespmem:s30], [sflag:$0x6] =	stream.indirect.gather @!p1 [hbm4b:s6+s29], $0x20, s26, s29, $0xb8;
	[tilespmem:$0x14E60] =	vst v63  }
0xad: {  	s26 =	simm.s32 @!p1 $0xC  }
0xae: {  	_ =	swait.ge @!p1 [sflag:s26], $0xA00  }
0xaf: {  	[sflag:s26] =	ssyncset.done @!p1 $0x0  }
0xb0: {  	[sflag:s26] =	ssyncadd.s32 @!p1 $0xFFFFF600;
	s26 =	simm.s32 @!p1 $0x11  }
0xb1: {  	_ =	swait.ge @!p1 [sflag:s26], $0xA00  }
0xb2: {  	[sflag:s26] =	ssyncset.done @!p1 $0x0  }
0xb3: {  	s30 =	simm.s32 @!p1 $0x5820;
	[sflag:s26] =	ssyncadd.s32 @!p1 $0xFFFFF600;
	s26 =	sadd.s32 @!p1 $0x1E0, s25  }
0xb4: {  	[tilespmem:s30], [sflag:$0x2] =	stream.indirect.gather @!p1 [hbm4b:s5+s29], $0x20, s26, s29, $0xb8;
	[tilespmem:$0x14E60] =	vst v63  }
0xb5: {  	s30 =	simm.s32 @!p1 $0x8A20  }
0xb6: {  	[tilespmem:s30], [sflag:$0x7] =	stream.indirect.gather @!p1 [hbm4b:s6+s29], $0x20, s26, s29, $0xb8;
	[tilespmem:$0x14E60] =	vst v63  }
0xb7: {  	_ =	swait.ge [sflag:s13], $0xA00  }
0xb8: {  	[sflag:s13] =	ssyncset.done $0x0  }
0xb9: {  	[sflag:s13] =	ssyncadd.s32 $0xFFFFF600  }
0xba: {  	_ =	swait.ge [sflag:s16], $0xA00  }
0xbb: {  	[sflag:s16] =	ssyncset.done $0x0  }
0xbc: {  	s26 =	simm.s32 @p1 $0xE;
	[sflag:s16] =	ssyncadd.s32 $0xFFFFF600  }
0xbd: {  	_ =	swait.ge @p1 [sflag:s26], $0xA00  }
0xbe: {  	[sflag:s26] =	ssyncset.done @p1 $0x0  }
0xbf: {  	[sflag:s26] =	ssyncadd.s32 @p1 $0xFFFFF600;
	s26 =	simm.s32 @p1 $0x13  }
0xc0: {  	_ =	swait.ge @p1 [sflag:s26], $0xA00  }
0xc1: {  	[sflag:s26] =	ssyncset.done @p1 $0x0  }
0xc2: {  	s30 =	simm.s32 @!p1 $0x6220;
	[sflag:s26] =	ssyncadd.s32 @p1 $0xFFFFF600;
	s26 =	sadd.s32 @!p1 $0x230, s25  }
0xc3: {  	[tilespmem:s30], [sflag:$0x3] =	stream.indirect.gather @!p1 [hbm4b:s5+s29], $0x20, s26, s29, $0xb8;
	[tilespmem:$0x14E60] =	vst v63  }
0xc4: {  	s30 =	simm.s32 @!p1 $0x9420  }
0xc5: {  	[tilespmem:s30], [sflag:$0x8] =	stream.indirect.gather @!p1 [hbm4b:s6+s29], $0x20, s26, s29, $0xb8;
	[tilespmem:$0x14E60] =	vst v63  }
0xc6: {  	s26 =	simm.s32 @!p1 $0xE  }
0xc7: {  	_ =	swait.ge @!p1 [sflag:s26], $0xA00  }
0xc8: {  	[sflag:s26] =	ssyncset.done @!p1 $0x0  }
0xc9: {  	[sflag:s26] =	ssyncadd.s32 @!p1 $0xFFFFF600;
	s26 =	simm.s32 @!p1 $0x13  }
0xca: {  	_ =	swait.ge @!p1 [sflag:s26], $0xA00  }
0xcb: {  	[sflag:s26] =	ssyncset.done @!p1 $0x0  }
0xcc: {  	s25 =	sadd.s32 @!p1 $0x280, s25;
	[sflag:s26] =	ssyncadd.s32 @!p1 $0xFFFFF600;
	s26 =	simm.s32 @!p1 $0x6C20  }
0xcd: {  	[tilespmem:s26], [sflag:$0x4] =	stream.indirect.gather @!p1 [hbm4b:s5+s29], $0x20, s25, s29, $0xb8;
	[tilespmem:$0x14E60] =	vst v63  }
0xce: {  	s26 =	simm.s32 @!p1 $0x9E20  }
0xcf: {  	[tilespmem:s26], [sflag:$0x9] =	stream.indirect.gather @!p1 [hbm4b:s6+s29], $0x20, s25, s29, $0xb8;
	[tilespmem:$0x14E60] =	vst v63  }
0xd0: {  	_ =	swait.ge [sflag:s10], $0xA00  }
.Ltmp2:
0xd1: {  	[sflag:s10] =	ssyncset.done $0x0;
	(pc) =	sbr.rel @p1 .LBB2_4-.Ltmp2, $4  }
0xd2: {  	[sflag:s10] =	ssyncadd.s32 $0xFFFFF600  }
0xd3: {  	_ =	swait.ge [sflag:s20], $0xA00  }
0xd4: {  	[sflag:s20] =	ssyncset.done $0x0  }
0xd5: {  	[sflag:s20] =	ssyncadd.s32 $0xFFFFF600  }
.Ltmp3:
0xd6: {  	(pc) =	sbr.rel .LBB2_2-.Ltmp3, $4  }
0xd7: {  	s24 =	sadd.s32 $0x2D0, s24  }
0xd8: {  	[tilespmem:s7], [sflag:$0x5] =	stream.indirect.gather [hbm4b:s5+s22], $0x20, s24, s22, $0xb8;
	[tilespmem:$0x14E60] =	vst v63  }
0xd9: {  	s23 =	sadd.s32 $0x640, s23  }
0xda: {  	[tilespmem:s8], [sflag:$0xA] =	stream.indirect.gather [hbm4b:s6+s22], $0x20, s24, s22, $0xb8;
	[tilespmem:$0x14E60] =	vst v63  }
.LBB2_5:
0xdb: {  	_ =	sfence.sel $0x180000  }
0xdc: {  	[bflag:$0x0] =	sbarrier.arrive $0xFFFF  }
0xdd: {  	_ =	strace $0x9000004D  }
0xde: {  	s0 =	stileid.u32;
	[bflag:$0x2] =	sbarrier.arrive $0xFFFF  }
0xdf: {  	p0 =	sne.s32 s0, $0x0;
	s0 =	rddreg [dreg:$0x4]  }
0xe0: {  	s0 =	sadd.s32 @!p0 $0x100000, s0  }
0xe1: {  	[sflag:s0] =	ssyncadd.tile.s32 @!p0 $0x1;
	_ =	shalt  }
.Lfunc_end2:
_tile_overlayer_lowered:
.L_overlay_start_2:
0xe2: {  	(tag) =	ssettag $0x2  }
0xe3: {  	s0 =	rddreg [dreg:$0x0];
	s2 =	stileid.u32  }
0xe4: {  	s1 =	rddreg [dreg:$0x1];
	p0 =	sne.s32 s2, $0x0  }
0xe5: {  	s3 =	rddreg [dreg:$0x2];
	[bflag:$0x3] =	sbarrier.arrive $0xFFFF;
	s2 =	simm.s32 @!p0 $0x1C15  }
0xe6: {  	[timem:s3], [sflag:s2] =	dma.local @!p0 [hbm:s0], s1  }
0xe7: {  	s0 =	simm.s32 @!p0 $0x15  }
0xe8: {  	_ =	swait.ge @!p0 [sflag:s0], s1  }
0xe9: {  	s1 =	ssub.s32 @!p0 $0x0, s1;
	[sflag:s0] =	ssyncset.done @!p0 $0x0  }
0xea: {  	[sflag:s0] =	ssyncadd.s32 @!p0 s1  }
0xeb: {  	[bflag:$0x3] =	sbarrier.arrive $0xFFFF  }
0xec: {  	_ =	shalt  }

</sc_bundles>
